<compile_context>
chip_gen: v7x
topology: tpu7x:2x2x1
jax: 0.10.2.dev20260603
libtpu: 0.0.44.dev20260713+nightly
codegen_flags: <defaults>
</compile_context>

<pallas_src>
import functools

import jax
import jax.numpy as jnp
from jax import lax
from jax.experimental import pallas as pl
from jax.experimental.pallas import tpu as pltpu
from jax.experimental.pallas import tpu_sc as plsc

N_NODES = 10000
N_PAD = 10240
N_EDGES = 320000
H = 128

NC = 2
NS = 16
NW = NC * NS
CHUNK = 128
NCHUNKS = N_EDGES // CHUNK
BASE_CH = NCHUNKS // NW
EXTRA = NCHUNKS - BASE_CH * NW
RPT = N_PAD // NS


def _tables_body(h_ref, wr_ref, wc_ref, pr_ref, pc_ref):
    hv = h_ref[...]
    pr_ref[...] = jnp.dot(hv, wr_ref[...], preferred_element_type=jnp.float32)
    pc_ref[...] = jnp.dot(hv, wc_ref[...], preferred_element_type=jnp.float32)


def _make_tables(h, w_rt, w_ct):
    return pl.pallas_call(
        _tables_body,
        out_shape=(
            jax.ShapeDtypeStruct((N_NODES, H), jnp.float32),
            jax.ShapeDtypeStruct((N_NODES, H), jnp.float32),
        ),
    )(h, w_rt, w_ct)


def _gather_kernel(pr_hbm, pc_hbm, row_hbm, col_hbm, u_out,
                   idxr0, idxc0, idxr1, idxc1, rbuf0, cbuf0, rbuf1, cbuf1,
                   sg0, sg1, sw0, sw1):
    wid = lax.axis_index("s") * NC + lax.axis_index("c")

    idxr = (idxr0, idxr1)
    idxc = (idxc0, idxc1)
    rbuf = (rbuf0, rbuf1)
    cbuf = (cbuf0, cbuf1)
    sg = (sg0, sg1)
    sw = (sw0, sw1)

    def stage_idx(ci, p):
        ds = pl.ds((wid + ci * NW) * CHUNK, CHUNK)
        pltpu.sync_copy(row_hbm.at[ds], idxr[p])
        pltpu.sync_copy(col_hbm.at[ds], idxc[p])

    def start_gather(p):
        g1 = pltpu.async_copy(pr_hbm.at[idxr[p]], rbuf[p], sg[p])
        g2 = pltpu.async_copy(pc_hbm.at[idxc[p]], cbuf[p], sg[p])
        return g1, g2

    def start_wb(ci, p):
        ds = pl.ds((wid + ci * NW) * CHUNK, CHUNK)
        w1 = pltpu.async_copy(rbuf[p], u_out.at[ds], sw[p])
        return (w1,)

    def add_pair(p):
        rb = rbuf[p]
        cb = cbuf[p]

        def rowadd(i, _):
            for j in range(H // 16):
                sl = pl.ds(j * 16, 16)
                rb[i, sl] = rb[i, sl] + cb[i, sl]
            return ()
        lax.fori_loop(0, CHUNK, rowadd, ())

    def pair(j, _):
        a = 2 * j
        b = 2 * j + 1
        stage_idx(a, 0)
        ga = start_gather(0)
        stage_idx(b, 1)
        ga[0].wait()
        ga[1].wait()
        gb = start_gather(1)
        add_pair(0)
        wa = start_wb(a, 0)
        gb[0].wait()
        gb[1].wait()
        add_pair(1)
        wb = start_wb(b, 1)
        wa[0].wait()
        wb[0].wait()
        return ()

    lax.fori_loop(0, BASE_CH // 2, pair, ())

    @pl.when(wid < EXTRA)
    def _tail():
        ci = BASE_CH
        stage_idx(ci, 0)
        g = start_gather(0)
        g[0].wait()
        g[1].wait()
        add_pair(0)
        w = start_wb(ci, 0)
        w[0].wait()


def _gather(pre_row, pre_col, row_idx, col_idx):
    k = functools.partial(
        pl.kernel,
        out_type=jax.ShapeDtypeStruct((N_EDGES, H), jnp.float32),
        mesh=plsc.VectorSubcoreMesh(core_axis_name="c", subcore_axis_name="s"),
        scratch_types=[
            pltpu.VMEM((CHUNK,), jnp.int32),
            pltpu.VMEM((CHUNK,), jnp.int32),
            pltpu.VMEM((CHUNK,), jnp.int32),
            pltpu.VMEM((CHUNK,), jnp.int32),
            pltpu.VMEM((CHUNK, H), jnp.float32),
            pltpu.VMEM((CHUNK, H), jnp.float32),
            pltpu.VMEM((CHUNK, H), jnp.float32),
            pltpu.VMEM((CHUNK, H), jnp.float32),
            pltpu.SemaphoreType.DMA,
            pltpu.SemaphoreType.DMA,
            pltpu.SemaphoreType.DMA,
            pltpu.SemaphoreType.DMA,
        ],
    )(_gather_kernel)
    return k(pre_row, pre_col, row_idx, col_idx)


def _mlp_body(u_ref, ea_ref, cd3_ref, em_ref, w1ct_ref, b1_ref,
              w2t_ref, b2_ref, w3m_ref, tx_ref, ty_ref, tz_ref):
    e1 = jnp.dot(ea_ref[...], w1ct_ref[...], preferred_element_type=jnp.float32)
    x1 = jax.nn.silu(u_ref[...] + e1 + b1_ref[...])
    x2 = jax.nn.silu(
        jnp.dot(x1.astype(jnp.bfloat16), w2t_ref[...],
                preferred_element_type=jnp.float32)
        + b2_ref[...])
    mf = jnp.dot(x2.astype(jnp.bfloat16), w3m_ref[...],
                 preferred_element_type=jnp.float32)
    m = mf[:, 0:1]
    mscale = m * em_ref[...] * (1.0 / 100.0)
    trans = cd3_ref[...] * mscale
    tx_ref[...] = trans[:, 0:1]
    ty_ref[...] = trans[:, 1:2]
    tz_ref[...] = trans[:, 2:3]


def _mlp(u, edge_attr, cd3, edge_mask, w1ct, b1, w2t, b2, w3m):
    EB = 4000
    grid = N_EDGES // EB
    return pl.pallas_call(
        _mlp_body,
        grid=(grid,),
        in_specs=[
            pl.BlockSpec((EB, H), lambda i: (i, 0)),
            pl.BlockSpec((EB, 4), lambda i: (i, 0)),
            pl.BlockSpec((EB, 3), lambda i: (i, 0)),
            pl.BlockSpec((EB, 1), lambda i: (i, 0)),
            pl.BlockSpec((4, H), lambda i: (0, 0)),
            pl.BlockSpec((1, H), lambda i: (0, 0)),
            pl.BlockSpec((H, H), lambda i: (0, 0)),
            pl.BlockSpec((1, H), lambda i: (0, 0)),
            pl.BlockSpec((H, H), lambda i: (0, 0)),
        ],
        out_specs=[pl.BlockSpec((EB, 1), lambda i: (i, 0))] * 3,
        out_shape=tuple(jax.ShapeDtypeStruct((N_EDGES, 1), jnp.float32)
                        for _ in range(3)),
    )(u, edge_attr, cd3, edge_mask, w1ct, b1, w2t, b2, w3m)


def _scatter_kernel(tx, ty, tz, row_hbm, zero_hbm, px, py, pz,
                    accx, accy, accz, bx0, by0, bz0, ib0,
                    bx1, by1, bz1, ib1, sp0, sp1):
    wid = lax.axis_index("s") * NC + lax.axis_index("c")

    pltpu.sync_copy(zero_hbm, accx)
    pltpu.sync_copy(zero_hbm, accy)
    pltpu.sync_copy(zero_hbm, accz)
    iota = lax.iota(jnp.int32, 16)

    bx = (bx0, bx1)
    by = (by0, by1)
    bz = (bz0, bz1)
    ib = (ib0, ib1)
    sp = (sp0, sp1)

    def stage(ci, p):
        ds = pl.ds((wid + ci * NW) * CHUNK, CHUNK)
        return (pltpu.async_copy(row_hbm.at[ds], ib[p], sp[p]),
                pltpu.async_copy(tx.at[ds], bx[p], sp[p]),
                pltpu.async_copy(ty.at[ds], by[p], sp[p]),
                pltpu.async_copy(tz.at[ds], bz[p], sp[p]))

    def do_scatter(p):
        def vreg(j, _):
            sl = pl.ds(j * 16, 16)
            ivec = ib[p][sl]
            xv = bx[p][sl]
            yv = by[p][sl]
            zv = bz[p][sl]
            for l in range(16):
                i = ivec[l]
                b = i & ~15
                m = iota == (i - b)
                w = pl.ds(b, 16)
                plsc.addupdate(accx.at[w], jnp.where(m, xv[l], 0.0))
                plsc.addupdate(accy.at[w], jnp.where(m, yv[l], 0.0))
                plsc.addupdate(accz.at[w], jnp.where(m, zv[l], 0.0))
            return ()
        lax.fori_loop(0, CHUNK // 16, vreg, ())

    def pair(j, _):
        a = 2 * j
        b = 2 * j + 1
        sa = stage(a, 0)
        sb = stage(b, 1)
        for cp in sa:
            cp.wait()
        do_scatter(0)
        for cp in sb:
            cp.wait()
        do_scatter(1)
        return ()

    lax.fori_loop(0, BASE_CH // 2, pair, ())

    @pl.when(wid < EXTRA)
    def _tail():
        st = stage(BASE_CH, 0)
        for cp in st:
            cp.wait()
        do_scatter(0)

    out_ds = pl.ds(wid * N_PAD, N_PAD)
    pltpu.sync_copy(accx, px.at[out_ds])
    pltpu.sync_copy(accy, py.at[out_ds])
    pltpu.sync_copy(accz, pz.at[out_ds])


def _scatter(tx, ty, tz, row_idx, zero_rows):
    k = functools.partial(
        pl.kernel,
        out_type=tuple(jax.ShapeDtypeStruct((NW * N_PAD,), jnp.float32)
                       for _ in range(3)),
        mesh=plsc.VectorSubcoreMesh(core_axis_name="c", subcore_axis_name="s"),
        scratch_types=[
            pltpu.VMEM((N_PAD,), jnp.float32),
            pltpu.VMEM((N_PAD,), jnp.float32),
            pltpu.VMEM((N_PAD,), jnp.float32),
            pltpu.VMEM((CHUNK,), jnp.float32),
            pltpu.VMEM((CHUNK,), jnp.float32),
            pltpu.VMEM((CHUNK,), jnp.float32),
            pltpu.VMEM((CHUNK,), jnp.int32),
            pltpu.VMEM((CHUNK,), jnp.float32),
            pltpu.VMEM((CHUNK,), jnp.float32),
            pltpu.VMEM((CHUNK,), jnp.float32),
            pltpu.VMEM((CHUNK,), jnp.int32),
            pltpu.SemaphoreType.DMA,
            pltpu.SemaphoreType.DMA,
        ],
    )(_scatter_kernel)
    return k(tx, ty, tz, row_idx, zero_rows)


def _final_body(coordt_ref, nmt_ref, px_ref, py_ref, pz_ref, out_ref):
    sx = jnp.sum(px_ref[...], axis=0)[:N_NODES]
    sy = jnp.sum(py_ref[...], axis=0)[:N_NODES]
    sz = jnp.sum(pz_ref[...], axis=0)[:N_NODES]
    agg = jnp.concatenate([sx[None, :], sy[None, :], sz[None, :]], axis=0)
    out_ref[...] = (coordt_ref[...] + agg) * nmt_ref[...]


def _finalize(coordt, nmt, px, py, pz):
    return pl.pallas_call(
        _final_body,
        out_shape=jax.ShapeDtypeStruct((3, N_NODES), jnp.float32),
    )(coordt, nmt, px, py, pz)


def kernel(h, coord, edge_index, coord_diff, edge_attr, node_mask, edge_mask,
           W1, b1, W2, b2, W3):
    row = edge_index[0].astype(jnp.int32)
    col = edge_index[1].astype(jnp.int32)
    w_rt = W1[:, :H].T
    w_ct = W1[:, H:2 * H].T
    w1ct = W1[:, 2 * H:].T
    zero_rows = jnp.zeros((N_PAD,), jnp.float32)

    pre_row, pre_col = _make_tables(h, w_rt, w_ct)
    u = _gather(pre_row, pre_col, row, col)
    w2t_bf = W2.T.astype(jnp.bfloat16)
    w3m_bf = jnp.pad(W3.T, ((0, 0), (0, H - 1))).astype(jnp.bfloat16)
    tx, ty, tz = _mlp(u, edge_attr, coord_diff, edge_mask, w1ct,
                      b1.reshape(1, H), w2t_bf, b2.reshape(1, H), w3m_bf)
    px, py, pz = _scatter(tx.reshape(N_EDGES), ty.reshape(N_EDGES),
                          tz.reshape(N_EDGES), row, zero_rows)
    outt = _finalize(coord.T, node_mask.T,
                     px.reshape(NW, N_PAD), py.reshape(NW, N_PAD),
                     pz.reshape(NW, N_PAD))
    return outt.T

# --- scband reference (transcript-rebuilt; emitter-appended) ---
"""Pipeline reference for scband-equivariant-update-30494267801865 (READ-ONLY COPY).

The authoritative reference and input builder live on the scoring server;
editing this copy changes nothing except your own understanding.
"""

import jax, jax.numpy as jnp
import numpy as np

N_NODES = 10000
N_EDGES = 320000
HIDDEN_NF = 128
EDGES_IN_D = 4
INPUT_EDGE = HIDDEN_NF * 2 + EDGES_IN_D
NORM_FACTOR = 100.0


def setup_inputs(seed: int = 0) -> dict:
    key = jax.random.key(seed)
    ks = jax.random.split(key, 12)
    h = jax.random.normal(ks[0], (N_NODES, HIDDEN_NF), dtype=jnp.float32)
    coord = jax.random.normal(ks[1], (N_NODES, 3), dtype=jnp.float32)
    edge_index = jax.random.randint(ks[2], (2, N_EDGES), 0, N_NODES, dtype=jnp.int64)
    coord_diff = jax.random.normal(ks[3], (N_EDGES, 3), dtype=jnp.float32)
    edge_attr = jax.random.normal(ks[4], (N_EDGES, EDGES_IN_D), dtype=jnp.float32)
    node_mask = jnp.ones((N_NODES, 1), dtype=jnp.float32)
    edge_mask = jnp.ones((N_EDGES, 1), dtype=jnp.float32)
    # coord_mlp params: Linear(260->128), SiLU, Linear(128->128), SiLU, Linear(128->1, no bias, xavier gain=0.001)
    W1 = jax.random.normal(ks[5], (HIDDEN_NF, INPUT_EDGE), dtype=jnp.float32) * (1.0 / np.sqrt(INPUT_EDGE))
    b1 = jnp.zeros((HIDDEN_NF,), dtype=jnp.float32)
    W2 = jax.random.normal(ks[6], (HIDDEN_NF, HIDDEN_NF), dtype=jnp.float32) * (1.0 / np.sqrt(HIDDEN_NF))
    b2 = jnp.zeros((HIDDEN_NF,), dtype=jnp.float32)
    # xavier_uniform with gain=0.001
    limit = 0.001 * np.sqrt(6.0 / (HIDDEN_NF + 1))
    W3 = jax.random.uniform(ks[7], (1, HIDDEN_NF), dtype=jnp.float32, minval=-limit, maxval=limit)
    return {"h": h, "coord": coord, "edge_index": edge_index, "coord_diff": coord_diff,
            "edge_attr": edge_attr, "node_mask": node_mask, "edge_mask": edge_mask,
            "W1": W1, "b1": b1, "W2": W2, "b2": b2, "W3": W3}


def reference(h, coord, edge_index, coord_diff, edge_attr, node_mask, edge_mask, W1, b1, W2, b2, W3):
    row = edge_index[0]
    col = edge_index[1]
    inp = jnp.concatenate([jnp.take(h, row, axis=0), jnp.take(h, col, axis=0), edge_attr], axis=1)
    x = jax.nn.silu(inp @ W1.T + b1)
    x = jax.nn.silu(x @ W2.T + b2)
    m = x @ W3.T  # [E, 1]
    # tanh=False branch
    trans = coord_diff * m
    trans = trans * edge_mask
    # unsorted_segment_sum with aggregation_method='sum': scatter-add then divide by normalization_factor
    agg = jax.ops.segment_sum(trans, row, num_segments=coord.shape[0]) / NORM_FACTOR
    coord = coord + agg
    coord = coord * node_mask
    return coord

if __name__ == "__main__":
    import jax
    _d = setup_inputs()
    print(jax.jit(kernel)(*tuple(_d.values())))

</pallas_src>

<mosaic_0001>
#map = affine_map<(d0, d1) -> (0, 0)>
#map1 = affine_map<(d0, d1) -> (0)>
module attributes {stable_mosaic.version = 14 : i64} {
  func.func @_gather_kernel(%arg0: i32, %arg1: i32, %arg2: memref<10000x128xf32, #tpu.memory_space<hbm>>, %arg3: memref<10000x128xf32, #tpu.memory_space<hbm>>, %arg4: memref<320000xi32, #tpu.memory_space<hbm>>, %arg5: memref<320000xi32, #tpu.memory_space<hbm>>, %arg6: memref<320000x128xf32, #tpu.memory_space<hbm>>, %arg7: memref<128xi32, #tpu.memory_space<vmem>>, %arg8: memref<128xi32, #tpu.memory_space<vmem>>, %arg9: memref<128xi32, #tpu.memory_space<vmem>>, %arg10: memref<128xi32, #tpu.memory_space<vmem>>, %arg11: memref<128x128xf32, #tpu.memory_space<vmem>>, %arg12: memref<128x128xf32, #tpu.memory_space<vmem>>, %arg13: memref<128x128xf32, #tpu.memory_space<vmem>>, %arg14: memref<128x128xf32, #tpu.memory_space<vmem>>, %arg15: memref<!tpu.dma_semaphore, #tpu.memory_space<semaphore_mem>>, %arg16: memref<!tpu.dma_semaphore, #tpu.memory_space<semaphore_mem>>, %arg17: memref<!tpu.dma_semaphore, #tpu.memory_space<semaphore_mem>>, %arg18: memref<!tpu.dma_semaphore, #tpu.memory_space<semaphore_mem>>) attributes {dimension_semantics = [#tpu.dimension_semantics<core_parallel>, #tpu.dimension_semantics<subcore_parallel>], iteration_bounds = array<i64: 2, 16>, scalar_prefetch = 0 : i64, scratch_operands = 12 : i64, tpu.core_type = #tpu.core_type<sc_vector_subcore>, window_params = [{transform_indices = #map}, {transform_indices = #map}, {transform_indices = #map1}, {transform_indices = #map1}, {transform_indices = #map}]} {
    %mul3A = arith.constant 2 : i32
    %mul3A_0 = arith.muli %arg1, %mul3A : i32
    %add3A = arith.addi %mul3A_0, %arg0 : i32
    %scan3A = arith.constant 0 : i32
    %scan3A_1 = arith.constant 39 : i32
    %scan3A_2 = arith.addi %scan3A, %scan3A_1 : i32
    %scan3A_3 = arith.constant 1 : i32
    scf.for %scan3A_7 = %scan3A to %scan3A_2 step %scan3A_3  : i32 {
      %mul3A_8 = arith.constant 2 : i32
      %mul3A_9 = arith.muli %mul3A_8, %scan3A_7 : i32
      %mul3A_10 = arith.constant 2 : i32
      %mul3A_11 = arith.muli %mul3A_10, %scan3A_7 : i32
      %add3A_12 = arith.constant 1 : i32
      %add3A_13 = arith.addi %mul3A_11, %add3A_12 : i32
      %mul3A_14 = arith.constant 32 : i32
      %mul3A_15 = arith.muli %mul3A_9, %mul3A_14 : i32
      %add3A_16 = arith.addi %add3A, %mul3A_15 : i32
      %mul3A_17 = arith.constant 128 : i32
      %mul3A_18 = arith.muli %add3A_16, %mul3A_17 : i32
      "tpu.region"() ({
        %run_scoped3A = tpu.sem_alloc : memref<!tpu.dma_semaphore, #tpu.memory_space<semaphore_mem>>
        %dma_start3A_82 = tpu.memref_slice %arg4[%mul3A_18] : memref<320000xi32, #tpu.memory_space<hbm>> -> memref<128xi32, #tpu.memory_space<hbm>>
        %dma_start3A_83 = tpu.memref_slice %arg4[%mul3A_18] : memref<320000xi32, #tpu.memory_space<hbm>> -> memref<128xi32, #tpu.memory_space<hbm>>
        tpu.enqueue_dma source(%dma_start3A_83 : memref<128xi32, #tpu.memory_space<hbm>>) target(%arg7 : memref<128xi32, #tpu.memory_space<vmem>>) target_semaphore(%run_scoped3A : memref<!tpu.dma_semaphore, #tpu.memory_space<semaphore_mem>>)
        %dma_wait3A_84 = tpu.memref_slice %arg4[%mul3A_18] : memref<320000xi32, #tpu.memory_space<hbm>> -> memref<128xi32, #tpu.memory_space<hbm>>
        %dma_wait3A_85 = tpu.memref_slice %arg4[%mul3A_18] : memref<320000xi32, #tpu.memory_space<hbm>> -> memref<128xi32, #tpu.memory_space<hbm>>
        tpu.wait_dma2 semaphore(%run_scoped3A : memref<!tpu.dma_semaphore, #tpu.memory_space<semaphore_mem>>) src(%dma_wait3A_85 : memref<128xi32, #tpu.memory_space<hbm>>) dst(%arg7 : memref<128xi32, #tpu.memory_space<vmem>>)
        tpu.yield
      }) : () -> ()
      "tpu.region"() ({
        %run_scoped3A = tpu.sem_alloc : memref<!tpu.dma_semaphore, #tpu.memory_space<semaphore_mem>>
        %dma_start3A_82 = tpu.memref_slice %arg5[%mul3A_18] : memref<320000xi32, #tpu.memory_space<hbm>> -> memref<128xi32, #tpu.memory_space<hbm>>
        %dma_start3A_83 = tpu.memref_slice %arg5[%mul3A_18] : memref<320000xi32, #tpu.memory_space<hbm>> -> memref<128xi32, #tpu.memory_space<hbm>>
        tpu.enqueue_dma source(%dma_start3A_83 : memref<128xi32, #tpu.memory_space<hbm>>) target(%arg8 : memref<128xi32, #tpu.memory_space<vmem>>) target_semaphore(%run_scoped3A : memref<!tpu.dma_semaphore, #tpu.memory_space<semaphore_mem>>)
        %dma_wait3A_84 = tpu.memref_slice %arg5[%mul3A_18] : memref<320000xi32, #tpu.memory_space<hbm>> -> memref<128xi32, #tpu.memory_space<hbm>>
        %dma_wait3A_85 = tpu.memref_slice %arg5[%mul3A_18] : memref<320000xi32, #tpu.memory_space<hbm>> -> memref<128xi32, #tpu.memory_space<hbm>>
        tpu.wait_dma2 semaphore(%run_scoped3A : memref<!tpu.dma_semaphore, #tpu.memory_space<semaphore_mem>>) src(%dma_wait3A_85 : memref<128xi32, #tpu.memory_space<hbm>>) dst(%arg8 : memref<128xi32, #tpu.memory_space<vmem>>)
        tpu.yield
      }) : () -> ()
      %dma_start3A = arith.constant 0 : i32
      %dma_start3A_19 = arith.constant 0 : i32
      %dma_start3A_20 = tpu.memref_slice %arg2[%dma_start3A, %dma_start3A_19] : memref<10000x128xf32, #tpu.memory_space<hbm>> -> memref<10000x128xf32, #tpu.memory_space<hbm>>
      tpu.enqueue_indirect_dma source(%dma_start3A_20 : memref<10000x128xf32, #tpu.memory_space<hbm>>) target(%arg11 : memref<128x128xf32, #tpu.memory_space<vmem>>) offsets(%arg7 : memref<128xi32, #tpu.memory_space<vmem>>) semaphore(%arg15 : memref<!tpu.dma_semaphore, #tpu.memory_space<semaphore_mem>>)
      %dma_start3A_21 = arith.constant 0 : i32
      %dma_start3A_22 = arith.constant 0 : i32
      %dma_start3A_23 = tpu.memref_slice %arg3[%dma_start3A_21, %dma_start3A_22] : memref<10000x128xf32, #tpu.memory_space<hbm>> -> memref<10000x128xf32, #tpu.memory_space<hbm>>
      tpu.enqueue_indirect_dma source(%dma_start3A_23 : memref<10000x128xf32, #tpu.memory_space<hbm>>) target(%arg12 : memref<128x128xf32, #tpu.memory_space<vmem>>) offsets(%arg8 : memref<128xi32, #tpu.memory_space<vmem>>) semaphore(%arg15 : memref<!tpu.dma_semaphore, #tpu.memory_space<semaphore_mem>>)
      %mul3A_24 = arith.constant 32 : i32
      %mul3A_25 = arith.muli %add3A_13, %mul3A_24 : i32
      %add3A_26 = arith.addi %add3A, %mul3A_25 : i32
      %mul3A_27 = arith.constant 128 : i32
      %mul3A_28 = arith.muli %add3A_26, %mul3A_27 : i32
      "tpu.region"() ({
        %run_scoped3A = tpu.sem_alloc : memref<!tpu.dma_semaphore, #tpu.memory_space<semaphore_mem>>
        %dma_start3A_82 = tpu.memref_slice %arg4[%mul3A_28] : memref<320000xi32, #tpu.memory_space<hbm>> -> memref<128xi32, #tpu.memory_space<hbm>>
        %dma_start3A_83 = tpu.memref_slice %arg4[%mul3A_28] : memref<320000xi32, #tpu.memory_space<hbm>> -> memref<128xi32, #tpu.memory_space<hbm>>
        tpu.enqueue_dma source(%dma_start3A_83 : memref<128xi32, #tpu.memory_space<hbm>>) target(%arg9 : memref<128xi32, #tpu.memory_space<vmem>>) target_semaphore(%run_scoped3A : memref<!tpu.dma_semaphore, #tpu.memory_space<semaphore_mem>>)
        %dma_wait3A_84 = tpu.memref_slice %arg4[%mul3A_28] : memref<320000xi32, #tpu.memory_space<hbm>> -> memref<128xi32, #tpu.memory_space<hbm>>
        %dma_wait3A_85 = tpu.memref_slice %arg4[%mul3A_28] : memref<320000xi32, #tpu.memory_space<hbm>> -> memref<128xi32, #tpu.memory_space<hbm>>
        tpu.wait_dma2 semaphore(%run_scoped3A : memref<!tpu.dma_semaphore, #tpu.memory_space<semaphore_mem>>) src(%dma_wait3A_85 : memref<128xi32, #tpu.memory_space<hbm>>) dst(%arg9 : memref<128xi32, #tpu.memory_space<vmem>>)
        tpu.yield
      }) : () -> ()
      "tpu.region"() ({
        %run_scoped3A = tpu.sem_alloc : memref<!tpu.dma_semaphore, #tpu.memory_space<semaphore_mem>>
        %dma_start3A_82 = tpu.memref_slice %arg5[%mul3A_28] : memref<320000xi32, #tpu.memory_space<hbm>> -> memref<128xi32, #tpu.memory_space<hbm>>
        %dma_start3A_83 = tpu.memref_slice %arg5[%mul3A_28] : memref<320000xi32, #tpu.memory_space<hbm>> -> memref<128xi32, #tpu.memory_space<hbm>>
        tpu.enqueue_dma source(%dma_start3A_83 : memref<128xi32, #tpu.memory_space<hbm>>) target(%arg10 : memref<128xi32, #tpu.memory_space<vmem>>) target_semaphore(%run_scoped3A : memref<!tpu.dma_semaphore, #tpu.memory_space<semaphore_mem>>)
        %dma_wait3A_84 = tpu.memref_slice %arg5[%mul3A_28] : memref<320000xi32, #tpu.memory_space<hbm>> -> memref<128xi32, #tpu.memory_space<hbm>>
        %dma_wait3A_85 = tpu.memref_slice %arg5[%mul3A_28] : memref<320000xi32, #tpu.memory_space<hbm>> -> memref<128xi32, #tpu.memory_space<hbm>>
        tpu.wait_dma2 semaphore(%run_scoped3A : memref<!tpu.dma_semaphore, #tpu.memory_space<semaphore_mem>>) src(%dma_wait3A_85 : memref<128xi32, #tpu.memory_space<hbm>>) dst(%arg10 : memref<128xi32, #tpu.memory_space<vmem>>)
        tpu.yield
      }) : () -> ()
      %dma_wait3A = arith.constant 0 : i32
      %dma_wait3A_29 = arith.constant 0 : i32
      %dma_wait3A_30 = tpu.memref_slice %arg2[%dma_wait3A, %dma_wait3A_29] : memref<10000x128xf32, #tpu.memory_space<hbm>> -> memref<10000x128xf32, #tpu.memory_space<hbm>>
      tpu.wait_indirect_dma semaphore(%arg15 : memref<!tpu.dma_semaphore, #tpu.memory_space<semaphore_mem>>) src(%dma_wait3A_30 : memref<10000x128xf32, #tpu.memory_space<hbm>>) dst(%arg11 : memref<128x128xf32, #tpu.memory_space<vmem>>)
      %dma_wait3A_31 = arith.constant 0 : i32
      %dma_wait3A_32 = arith.constant 0 : i32
      %dma_wait3A_33 = tpu.memref_slice %arg3[%dma_wait3A_31, %dma_wait3A_32] : memref<10000x128xf32, #tpu.memory_space<hbm>> -> memref<10000x128xf32, #tpu.memory_space<hbm>>
      tpu.wait_indirect_dma semaphore(%arg15 : memref<!tpu.dma_semaphore, #tpu.memory_space<semaphore_mem>>) src(%dma_wait3A_33 : memref<10000x128xf32, #tpu.memory_space<hbm>>) dst(%arg12 : memref<128x128xf32, #tpu.memory_space<vmem>>)
      %dma_start3A_34 = arith.constant 0 : i32
      %dma_start3A_35 = arith.constant 0 : i32
      %dma_start3A_36 = tpu.memref_slice %arg2[%dma_start3A_34, %dma_start3A_35] : memref<10000x128xf32, #tpu.memory_space<hbm>> -> memref<10000x128xf32, #tpu.memory_space<hbm>>
      tpu.enqueue_indirect_dma source(%dma_start3A_36 : memref<10000x128xf32, #tpu.memory_space<hbm>>) target(%arg13 : memref<128x128xf32, #tpu.memory_space<vmem>>) offsets(%arg9 : memref<128xi32, #tpu.memory_space<vmem>>) semaphore(%arg16 : memref<!tpu.dma_semaphore, #tpu.memory_space<semaphore_mem>>)
      %dma_start3A_37 = arith.constant 0 : i32
      %dma_start3A_38 = arith.constant 0 : i32
      %dma_start3A_39 = tpu.memref_slice %arg3[%dma_start3A_37, %dma_start3A_38] : memref<10000x128xf32, #tpu.memory_space<hbm>> -> memref<10000x128xf32, #tpu.memory_space<hbm>>
      tpu.enqueue_indirect_dma source(%dma_start3A_39 : memref<10000x128xf32, #tpu.memory_space<hbm>>) target(%arg14 : memref<128x128xf32, #tpu.memory_space<vmem>>) offsets(%arg10 : memref<128xi32, #tpu.memory_space<vmem>>) semaphore(%arg16 : memref<!tpu.dma_semaphore, #tpu.memory_space<semaphore_mem>>)
      %scan3A_40 = arith.constant 0 : i32
      %scan3A_41 = arith.constant 128 : i32
      %scan3A_42 = arith.addi %scan3A_40, %scan3A_41 : i32
      %scan3A_43 = arith.constant 1 : i32
      scf.for %scan3A_82 = %scan3A_40 to %scan3A_42 step %scan3A_43  : i32 {
        %get3A = arith.index_cast %scan3A_82 : i32 to index
        %get3A_83 = arith.constant 0 : index
        %get3A_84 = tpu.vector_load %arg11[%get3A, %get3A_83] {strides = array<i32>} : memref<128x128xf32, #tpu.memory_space<vmem>>, vector<1x16xf32>,
        %get3A_85 = vector.shape_cast %get3A_84 : vector<1x16xf32> to vector<16xf32>
        %get3A_86 = arith.index_cast %scan3A_82 : i32 to index
        %get3A_87 = arith.constant 0 : index
        %get3A_88 = tpu.vector_load %arg12[%get3A_86, %get3A_87] {strides = array<i32>} : memref<128x128xf32, #tpu.memory_space<vmem>>, vector<1x16xf32>,
        %get3A_89 = vector.shape_cast %get3A_88 : vector<1x16xf32> to vector<16xf32>
        %add3A_90 = arith.addf %get3A_85, %get3A_89 : vector<16xf32>
        %swap3A = arith.index_cast %scan3A_82 : i32 to index
        %swap3A_91 = arith.constant 0 : index
        %swap3A_92 = tpu.vector_load %arg11[%swap3A, %swap3A_91] {strides = array<i32>} : memref<128x128xf32, #tpu.memory_space<vmem>>, vector<1x16xf32>,
        %swap3A_93 = vector.shape_cast %swap3A_92 : vector<1x16xf32> to vector<16xf32>
        %swap3A_94 = vector.shape_cast %add3A_90 : vector<16xf32> to vector<1x16xf32>
        tpu.vector_store %arg11[%swap3A, %swap3A_91], %swap3A_94 {strides = array<i32>} : memref<128x128xf32, #tpu.memory_space<vmem>>, vector<1x16xf32>,
        %get3A_95 = arith.index_cast %scan3A_82 : i32 to index
        %get3A_96 = arith.constant 16 : index
        %get3A_97 = tpu.vector_load %arg11[%get3A_95, %get3A_96] {strides = array<i32>} : memref<128x128xf32, #tpu.memory_space<vmem>>, vector<1x16xf32>,
        %get3A_98 = vector.shape_cast %get3A_97 : vector<1x16xf32> to vector<16xf32>
        %get3A_99 = arith.index_cast %scan3A_82 : i32 to index
        %get3A_100 = arith.constant 16 : index
        %get3A_101 = tpu.vector_load %arg12[%get3A_99, %get3A_100] {strides = array<i32>} : memref<128x128xf32, #tpu.memory_space<vmem>>, vector<1x16xf32>,
        %get3A_102 = vector.shape_cast %get3A_101 : vector<1x16xf32> to vector<16xf32>
        %add3A_103 = arith.addf %get3A_98, %get3A_102 : vector<16xf32>
        %swap3A_104 = arith.index_cast %scan3A_82 : i32 to index
        %swap3A_105 = arith.constant 16 : index
        %swap3A_106 = tpu.vector_load %arg11[%swap3A_104, %swap3A_105] {strides = array<i32>} : memref<128x128xf32, #tpu.memory_space<vmem>>, vector<1x16xf32>,
        %swap3A_107 = vector.shape_cast %swap3A_106 : vector<1x16xf32> to vector<16xf32>
        %swap3A_108 = vector.shape_cast %add3A_103 : vector<16xf32> to vector<1x16xf32>
        tpu.vector_store %arg11[%swap3A_104, %swap3A_105], %swap3A_108 {strides = array<i32>} : memref<128x128xf32, #tpu.memory_space<vmem>>, vector<1x16xf32>,
        %get3A_109 = arith.index_cast %scan3A_82 : i32 to index
        %get3A_110 = arith.constant 32 : index
        %get3A_111 = tpu.vector_load %arg11[%get3A_109, %get3A_110] {strides = array<i32>} : memref<128x128xf32, #tpu.memory_space<vmem>>, vector<1x16xf32>,
        %get3A_112 = vector.shape_cast %get3A_111 : vector<1x16xf32> to vector<16xf32>
        %get3A_113 = arith.index_cast %scan3A_82 : i32 to index
        %get3A_114 = arith.constant 32 : index
        %get3A_115 = tpu.vector_load %arg12[%get3A_113, %get3A_114] {strides = array<i32>} : memref<128x128xf32, #tpu.memory_space<vmem>>, vector<1x16xf32>,
        %get3A_116 = vector.shape_cast %get3A_115 : vector<1x16xf32> to vector<16xf32>
        %add3A_117 = arith.addf %get3A_112, %get3A_116 : vector<16xf32>
        %swap3A_118 = arith.index_cast %scan3A_82 : i32 to index
        %swap3A_119 = arith.constant 32 : index
        %swap3A_120 = tpu.vector_load %arg11[%swap3A_118, %swap3A_119] {strides = array<i32>} : memref<128x128xf32, #tpu.memory_space<vmem>>, vector<1x16xf32>,
        %swap3A_121 = vector.shape_cast %swap3A_120 : vector<1x16xf32> to vector<16xf32>
        %swap3A_122 = vector.shape_cast %add3A_117 : vector<16xf32> to vector<1x16xf32>
        tpu.vector_store %arg11[%swap3A_118, %swap3A_119], %swap3A_122 {strides = array<i32>} : memref<128x128xf32, #tpu.memory_space<vmem>>, vector<1x16xf32>,
        %get3A_123 = arith.index_cast %scan3A_82 : i32 to index
        %get3A_124 = arith.constant 48 : index
        %get3A_125 = tpu.vector_load %arg11[%get3A_123, %get3A_124] {strides = array<i32>} : memref<128x128xf32, #tpu.memory_space<vmem>>, vector<1x16xf32>,
        %get3A_126 = vector.shape_cast %get3A_125 : vector<1x16xf32> to vector<16xf32>
        %get3A_127 = arith.index_cast %scan3A_82 : i32 to index
        %get3A_128 = arith.constant 48 : index
        %get3A_129 = tpu.vector_load %arg12[%get3A_127, %get3A_128] {strides = array<i32>} : memref<128x128xf32, #tpu.memory_space<vmem>>, vector<1x16xf32>,
        %get3A_130 = vector.shape_cast %get3A_129 : vector<1x16xf32> to vector<16xf32>
        %add3A_131 = arith.addf %get3A_126, %get3A_130 : vector<16xf32>
        %swap3A_132 = arith.index_cast %scan3A_82 : i32 to index
        %swap3A_133 = arith.constant 48 : index
        %swap3A_134 = tpu.vector_load %arg11[%swap3A_132, %swap3A_133] {strides = array<i32>} : memref<128x128xf32, #tpu.memory_space<vmem>>, vector<1x16xf32>,
        %swap3A_135 = vector.shape_cast %swap3A_134 : vector<1x16xf32> to vector<16xf32>
        %swap3A_136 = vector.shape_cast %add3A_131 : vector<16xf32> to vector<1x16xf32>
        tpu.vector_store %arg11[%swap3A_132, %swap3A_133], %swap3A_136 {strides = array<i32>} : memref<128x128xf32, #tpu.memory_space<vmem>>, vector<1x16xf32>,
        %get3A_137 = arith.index_cast %scan3A_82 : i32 to index
        %get3A_138 = arith.constant 64 : index
        %get3A_139 = tpu.vector_load %arg11[%get3A_137, %get3A_138] {strides = array<i32>} : memref<128x128xf32, #tpu.memory_space<vmem>>, vector<1x16xf32>,
        %get3A_140 = vector.shape_cast %get3A_139 : vector<1x16xf32> to vector<16xf32>
        %get3A_141 = arith.index_cast %scan3A_82 : i32 to index
        %get3A_142 = arith.constant 64 : index
        %get3A_143 = tpu.vector_load %arg12[%get3A_141, %get3A_142] {strides = array<i32>} : memref<128x128xf32, #tpu.memory_space<vmem>>, vector<1x16xf32>,
        %get3A_144 = vector.shape_cast %get3A_143 : vector<1x16xf32> to vector<16xf32>
        %add3A_145 = arith.addf %get3A_140, %get3A_144 : vector<16xf32>
        %swap3A_146 = arith.index_cast %scan3A_82 : i32 to index
        %swap3A_147 = arith.constant 64 : index
        %swap3A_148 = tpu.vector_load %arg11[%swap3A_146, %swap3A_147] {strides = array<i32>} : memref<128x128xf32, #tpu.memory_space<vmem>>, vector<1x16xf32>,
        %swap3A_149 = vector.shape_cast %swap3A_148 : vector<1x16xf32> to vector<16xf32>
        %swap3A_150 = vector.shape_cast %add3A_145 : vector<16xf32> to vector<1x16xf32>
        tpu.vector_store %arg11[%swap3A_146, %swap3A_147], %swap3A_150 {strides = array<i32>} : memref<128x128xf32, #tpu.memory_space<vmem>>, vector<1x16xf32>,
        %get3A_151 = arith.index_cast %scan3A_82 : i32 to index
        %get3A_152 = arith.constant 80 : index
        %get3A_153 = tpu.vector_load %arg11[%get3A_151, %get3A_152] {strides = array<i32>} : memref<128x128xf32, #tpu.memory_space<vmem>>, vector<1x16xf32>,
        %get3A_154 = vector.shape_cast %get3A_153 : vector<1x16xf32> to vector<16xf32>
        %get3A_155 = arith.index_cast %scan3A_82 : i32 to index
        %get3A_156 = arith.constant 80 : index
        %get3A_157 = tpu.vector_load %arg12[%get3A_155, %get3A_156] {strides = array<i32>} : memref<128x128xf32, #tpu.memory_space<vmem>>, vector<1x16xf32>,
        %get3A_158 = vector.shape_cast %get3A_157 : vector<1x16xf32> to vector<16xf32>
        %add3A_159 = arith.addf %get3A_154, %get3A_158 : vector<16xf32>
        %swap3A_160 = arith.index_cast %scan3A_82 : i32 to index
        %swap3A_161 = arith.constant 80 : index
        %swap3A_162 = tpu.vector_load %arg11[%swap3A_160, %swap3A_161] {strides = array<i32>} : memref<128x128xf32, #tpu.memory_space<vmem>>, vector<1x16xf32>,
        %swap3A_163 = vector.shape_cast %swap3A_162 : vector<1x16xf32> to vector<16xf32>
        %swap3A_164 = vector.shape_cast %add3A_159 : vector<16xf32> to vector<1x16xf32>
        tpu.vector_store %arg11[%swap3A_160, %swap3A_161], %swap3A_164 {strides = array<i32>} : memref<128x128xf32, #tpu.memory_space<vmem>>, vector<1x16xf32>,
        %get3A_165 = arith.index_cast %scan3A_82 : i32 to index
        %get3A_166 = arith.constant 96 : index
        %get3A_167 = tpu.vector_load %arg11[%get3A_165, %get3A_166] {strides = array<i32>} : memref<128x128xf32, #tpu.memory_space<vmem>>, vector<1x16xf32>,
        %get3A_168 = vector.shape_cast %get3A_167 : vector<1x16xf32> to vector<16xf32>
        %get3A_169 = arith.index_cast %scan3A_82 : i32 to index
        %get3A_170 = arith.constant 96 : index
        %get3A_171 = tpu.vector_load %arg12[%get3A_169, %get3A_170] {strides = array<i32>} : memref<128x128xf32, #tpu.memory_space<vmem>>, vector<1x16xf32>,
        %get3A_172 = vector.shape_cast %get3A_171 : vector<1x16xf32> to vector<16xf32>
        %add3A_173 = arith.addf %get3A_168, %get3A_172 : vector<16xf32>
        %swap3A_174 = arith.index_cast %scan3A_82 : i32 to index
        %swap3A_175 = arith.constant 96 : index
        %swap3A_176 = tpu.vector_load %arg11[%swap3A_174, %swap3A_175] {strides = array<i32>} : memref<128x128xf32, #tpu.memory_space<vmem>>, vector<1x16xf32>,
        %swap3A_177 = vector.shape_cast %swap3A_176 : vector<1x16xf32> to vector<16xf32>
        %swap3A_178 = vector.shape_cast %add3A_173 : vector<16xf32> to vector<1x16xf32>
        tpu.vector_store %arg11[%swap3A_174, %swap3A_175], %swap3A_178 {strides = array<i32>} : memref<128x128xf32, #tpu.memory_space<vmem>>, vector<1x16xf32>,
        %get3A_179 = arith.index_cast %scan3A_82 : i32 to index
        %get3A_180 = arith.constant 112 : index
        %get3A_181 = tpu.vector_load %arg11[%get3A_179, %get3A_180] {strides = array<i32>} : memref<128x128xf32, #tpu.memory_space<vmem>>, vector<1x16xf32>,
        %get3A_182 = vector.shape_cast %get3A_181 : vector<1x16xf32> to vector<16xf32>
        %get3A_183 = arith.index_cast %scan3A_82 : i32 to index
        %get3A_184 = arith.constant 112 : index
        %get3A_185 = tpu.vector_load %arg12[%get3A_183, %get3A_184] {strides = array<i32>} : memref<128x128xf32, #tpu.memory_space<vmem>>, vector<1x16xf32>,
        %get3A_186 = vector.shape_cast %get3A_185 : vector<1x16xf32> to vector<16xf32>
        %add3A_187 = arith.addf %get3A_182, %get3A_186 : vector<16xf32>
        %swap3A_188 = arith.index_cast %scan3A_82 : i32 to index
        %swap3A_189 = arith.constant 112 : index
        %swap3A_190 = tpu.vector_load %arg11[%swap3A_188, %swap3A_189] {strides = array<i32>} : memref<128x128xf32, #tpu.memory_space<vmem>>, vector<1x16xf32>,
        %swap3A_191 = vector.shape_cast %swap3A_190 : vector<1x16xf32> to vector<16xf32>
        %swap3A_192 = vector.shape_cast %add3A_187 : vector<16xf32> to vector<1x16xf32>
        tpu.vector_store %arg11[%swap3A_188, %swap3A_189], %swap3A_192 {strides = array<i32>} : memref<128x128xf32, #tpu.memory_space<vmem>>, vector<1x16xf32>,
      }
      %scan3A_44 = arith.constant 128 : i32
      %mul3A_45 = arith.constant 32 : i32
      %mul3A_46 = arith.muli %mul3A_9, %mul3A_45 : i32
      %add3A_47 = arith.addi %add3A, %mul3A_46 : i32
      %mul3A_48 = arith.constant 128 : i32
      %mul3A_49 = arith.muli %add3A_47, %mul3A_48 : i32
      %dma_start3A_50 = arith.constant 0 : i32
      %dma_start3A_51 = tpu.memref_slice %arg6[%mul3A_49, %dma_start3A_50] : memref<320000x128xf32, #tpu.memory_space<hbm>> -> memref<128x128xf32, #tpu.memory_space<hbm>>
      %dma_start3A_52 = arith.constant 0 : i32
      %dma_start3A_53 = tpu.memref_slice %arg6[%mul3A_49, %dma_start3A_52] : memref<320000x128xf32, #tpu.memory_space<hbm>> -> memref<128x128xf32, #tpu.memory_space<hbm>>
      tpu.enqueue_dma source(%arg11 : memref<128x128xf32, #tpu.memory_space<vmem>>) target(%dma_start3A_53 : memref<128x128xf32, #tpu.memory_space<hbm>>) target_semaphore(%arg17 : memref<!tpu.dma_semaphore, #tpu.memory_space<semaphore_mem>>)
      %dma_wait3A_54 = arith.constant 0 : i32
      %dma_wait3A_55 = arith.constant 0 : i32
      %dma_wait3A_56 = tpu.memref_slice %arg2[%dma_wait3A_54, %dma_wait3A_55] : memref<10000x128xf32, #tpu.memory_space<hbm>> -> memref<10000x128xf32, #tpu.memory_space<hbm>>
      tpu.wait_indirect_dma semaphore(%arg16 : memref<!tpu.dma_semaphore, #tpu.memory_space<semaphore_mem>>) src(%dma_wait3A_56 : memref<10000x128xf32, #tpu.memory_space<hbm>>) dst(%arg13 : memref<128x128xf32, #tpu.memory_space<vmem>>)
      %dma_wait3A_57 = arith.constant 0 : i32
      %dma_wait3A_58 = arith.constant 0 : i32
      %dma_wait3A_59 = tpu.memref_slice %arg3[%dma_wait3A_57, %dma_wait3A_58] : memref<10000x128xf32, #tpu.memory_space<hbm>> -> memref<10000x128xf32, #tpu.memory_space<hbm>>
      tpu.wait_indirect_dma semaphore(%arg16 : memref<!tpu.dma_semaphore, #tpu.memory_space<semaphore_mem>>) src(%dma_wait3A_59 : memref<10000x128xf32, #tpu.memory_space<hbm>>) dst(%arg14 : memref<128x128xf32, #tpu.memory_space<vmem>>)
      %scan3A_60 = arith.constant 0 : i32
      %scan3A_61 = arith.constant 128 : i32
      %scan3A_62 = arith.addi %scan3A_60, %scan3A_61 : i32
      %scan3A_63 = arith.constant 1 : i32
      scf.for %scan3A_82 = %scan3A_60 to %scan3A_62 step %scan3A_63  : i32 {
        %get3A = arith.index_cast %scan3A_82 : i32 to index
        %get3A_83 = arith.constant 0 : index
        %get3A_84 = tpu.vector_load %arg13[%get3A, %get3A_83] {strides = array<i32>} : memref<128x128xf32, #tpu.memory_space<vmem>>, vector<1x16xf32>,
        %get3A_85 = vector.shape_cast %get3A_84 : vector<1x16xf32> to vector<16xf32>
        %get3A_86 = arith.index_cast %scan3A_82 : i32 to index
        %get3A_87 = arith.constant 0 : index
        %get3A_88 = tpu.vector_load %arg14[%get3A_86, %get3A_87] {strides = array<i32>} : memref<128x128xf32, #tpu.memory_space<vmem>>, vector<1x16xf32>,
        %get3A_89 = vector.shape_cast %get3A_88 : vector<1x16xf32> to vector<16xf32>
        %add3A_90 = arith.addf %get3A_85, %get3A_89 : vector<16xf32>
        %swap3A = arith.index_cast %scan3A_82 : i32 to index
        %swap3A_91 = arith.constant 0 : index
        %swap3A_92 = tpu.vector_load %arg13[%swap3A, %swap3A_91] {strides = array<i32>} : memref<128x128xf32, #tpu.memory_space<vmem>>, vector<1x16xf32>,
        %swap3A_93 = vector.shape_cast %swap3A_92 : vector<1x16xf32> to vector<16xf32>
        %swap3A_94 = vector.shape_cast %add3A_90 : vector<16xf32> to vector<1x16xf32>
        tpu.vector_store %arg13[%swap3A, %swap3A_91], %swap3A_94 {strides = array<i32>} : memref<128x128xf32, #tpu.memory_space<vmem>>, vector<1x16xf32>,
        %get3A_95 = arith.index_cast %scan3A_82 : i32 to index
        %get3A_96 = arith.constant 16 : index
        %get3A_97 = tpu.vector_load %arg13[%get3A_95, %get3A_96] {strides = array<i32>} : memref<128x128xf32, #tpu.memory_space<vmem>>, vector<1x16xf32>,
        %get3A_98 = vector.shape_cast %get3A_97 : vector<1x16xf32> to vector<16xf32>
        %get3A_99 = arith.index_cast %scan3A_82 : i32 to index
        %get3A_100 = arith.constant 16 : index
        %get3A_101 = tpu.vector_load %arg14[%get3A_99, %get3A_100] {strides = array<i32>} : memref<128x128xf32, #tpu.memory_space<vmem>>, vector<1x16xf32>,
        %get3A_102 = vector.shape_cast %get3A_101 : vector<1x16xf32> to vector<16xf32>
        %add3A_103 = arith.addf %get3A_98, %get3A_102 : vector<16xf32>
        %swap3A_104 = arith.index_cast %scan3A_82 : i32 to index
        %swap3A_105 = arith.constant 16 : index
        %swap3A_106 = tpu.vector_load %arg13[%swap3A_104, %swap3A_105] {strides = array<i32>} : memref<128x128xf32, #tpu.memory_space<vmem>>, vector<1x16xf32>,
        %swap3A_107 = vector.shape_cast %swap3A_106 : vector<1x16xf32> to vector<16xf32>
        %swap3A_108 = vector.shape_cast %add3A_103 : vector<16xf32> to vector<1x16xf32>
        tpu.vector_store %arg13[%swap3A_104, %swap3A_105], %swap3A_108 {strides = array<i32>} : memref<128x128xf32, #tpu.memory_space<vmem>>, vector<1x16xf32>,
        %get3A_109 = arith.index_cast %scan3A_82 : i32 to index
        %get3A_110 = arith.constant 32 : index
        %get3A_111 = tpu.vector_load %arg13[%get3A_109, %get3A_110] {strides = array<i32>} : memref<128x128xf32, #tpu.memory_space<vmem>>, vector<1x16xf32>,
        %get3A_112 = vector.shape_cast %get3A_111 : vector<1x16xf32> to vector<16xf32>
        %get3A_113 = arith.index_cast %scan3A_82 : i32 to index
        %get3A_114 = arith.constant 32 : index
        %get3A_115 = tpu.vector_load %arg14[%get3A_113, %get3A_114] {strides = array<i32>} : memref<128x128xf32, #tpu.memory_space<vmem>>, vector<1x16xf32>,
        %get3A_116 = vector.shape_cast %get3A_115 : vector<1x16xf32> to vector<16xf32>
        %add3A_117 = arith.addf %get3A_112, %get3A_116 : vector<16xf32>
        %swap3A_118 = arith.index_cast %scan3A_82 : i32 to index
        %swap3A_119 = arith.constant 32 : index
        %swap3A_120 = tpu.vector_load %arg13[%swap3A_118, %swap3A_119] {strides = array<i32>} : memref<128x128xf32, #tpu.memory_space<vmem>>, vector<1x16xf32>,
        %swap3A_121 = vector.shape_cast %swap3A_120 : vector<1x16xf32> to vector<16xf32>
        %swap3A_122 = vector.shape_cast %add3A_117 : vector<16xf32> to vector<1x16xf32>
        tpu.vector_store %arg13[%swap3A_118, %swap3A_119], %swap3A_122 {strides = array<i32>} : memref<128x128xf32, #tpu.memory_space<vmem>>, vector<1x16xf32>,
        %get3A_123 = arith.index_cast %scan3A_82 : i32 to index
        %get3A_124 = arith.constant 48 : index
        %get3A_125 = tpu.vector_load %arg13[%get3A_123, %get3A_124] {strides = array<i32>} : memref<128x128xf32, #tpu.memory_space<vmem>>, vector<1x16xf32>,
        %get3A_126 = vector.shape_cast %get3A_125 : vector<1x16xf32> to vector<16xf32>
        %get3A_127 = arith.index_cast %scan3A_82 : i32 to index
        %get3A_128 = arith.constant 48 : index
        %get3A_129 = tpu.vector_load %arg14[%get3A_127, %get3A_128] {strides = array<i32>} : memref<128x128xf32, #tpu.memory_space<vmem>>, vector<1x16xf32>,
        %get3A_130 = vector.shape_cast %get3A_129 : vector<1x16xf32> to vector<16xf32>
        %add3A_131 = arith.addf %get3A_126, %get3A_130 : vector<16xf32>
        %swap3A_132 = arith.index_cast %scan3A_82 : i32 to index
        %swap3A_133 = arith.constant 48 : index
        %swap3A_134 = tpu.vector_load %arg13[%swap3A_132, %swap3A_133] {strides = array<i32>} : memref<128x128xf32, #tpu.memory_space<vmem>>, vector<1x16xf32>,
        %swap3A_135 = vector.shape_cast %swap3A_134 : vector<1x16xf32> to vector<16xf32>
        %swap3A_136 = vector.shape_cast %add3A_131 : vector<16xf32> to vector<1x16xf32>
        tpu.vector_store %arg13[%swap3A_132, %swap3A_133], %swap3A_136 {strides = array<i32>} : memref<128x128xf32, #tpu.memory_space<vmem>>, vector<1x16xf32>,
        %get3A_137 = arith.index_cast %scan3A_82 : i32 to index
        %get3A_138 = arith.constant 64 : index
        %get3A_139 = tpu.vector_load %arg13[%get3A_137, %get3A_138] {strides = array<i32>} : memref<128x128xf32, #tpu.memory_space<vmem>>, vector<1x16xf32>,
        %get3A_140 = vector.shape_cast %get3A_139 : vector<1x16xf32> to vector<16xf32>
        %get3A_141 = arith.index_cast %scan3A_82 : i32 to index
        %get3A_142 = arith.constant 64 : index
        %get3A_143 = tpu.vector_load %arg14[%get3A_141, %get3A_142] {strides = array<i32>} : memref<128x128xf32, #tpu.memory_space<vmem>>, vector<1x16xf32>,
        %get3A_144 = vector.shape_cast %get3A_143 : vector<1x16xf32> to vector<16xf32>
        %add3A_145 = arith.addf %get3A_140, %get3A_144 : vector<16xf32>
        %swap3A_146 = arith.index_cast %scan3A_82 : i32 to index
        %swap3A_147 = arith.constant 64 : index
        %swap3A_148 = tpu.vector_load %arg13[%swap3A_146, %swap3A_147] {strides = array<i32>} : memref<128x128xf32, #tpu.memory_space<vmem>>, vector<1x16xf32>,
        %swap3A_149 = vector.shape_cast %swap3A_148 : vector<1x16xf32> to vector<16xf32>
        %swap3A_150 = vector.shape_cast %add3A_145 : vector<16xf32> to vector<1x16xf32>
        tpu.vector_store %arg13[%swap3A_146, %swap3A_147], %swap3A_150 {strides = array<i32>} : memref<128x128xf32, #tpu.memory_space<vmem>>, vector<1x16xf32>,
        %get3A_151 = arith.index_cast %scan3A_82 : i32 to index
        %get3A_152 = arith.constant 80 : index
        %get3A_153 = tpu.vector_load %arg13[%get3A_151, %get3A_152] {strides = array<i32>} : memref<128x128xf32, #tpu.memory_space<vmem>>, vector<1x16xf32>,
        %get3A_154 = vector.shape_cast %get3A_153 : vector<1x16xf32> to vector<16xf32>
        %get3A_155 = arith.index_cast %scan3A_82 : i32 to index
        %get3A_156 = arith.constant 80 : index
        %get3A_157 = tpu.vector_load %arg14[%get3A_155, %get3A_156] {strides = array<i32>} : memref<128x128xf32, #tpu.memory_space<vmem>>, vector<1x16xf32>,
        %get3A_158 = vector.shape_cast %get3A_157 : vector<1x16xf32> to vector<16xf32>
        %add3A_159 = arith.addf %get3A_154, %get3A_158 : vector<16xf32>
        %swap3A_160 = arith.index_cast %scan3A_82 : i32 to index
        %swap3A_161 = arith.constant 80 : index
        %swap3A_162 = tpu.vector_load %arg13[%swap3A_160, %swap3A_161] {strides = array<i32>} : memref<128x128xf32, #tpu.memory_space<vmem>>, vector<1x16xf32>,
        %swap3A_163 = vector.shape_cast %swap3A_162 : vector<1x16xf32> to vector<16xf32>
        %swap3A_164 = vector.shape_cast %add3A_159 : vector<16xf32> to vector<1x16xf32>
        tpu.vector_store %arg13[%swap3A_160, %swap3A_161], %swap3A_164 {strides = array<i32>} : memref<128x128xf32, #tpu.memory_space<vmem>>, vector<1x16xf32>,
        %get3A_165 = arith.index_cast %scan3A_82 : i32 to index
        %get3A_166 = arith.constant 96 : index
        %get3A_167 = tpu.vector_load %arg13[%get3A_165, %get3A_166] {strides = array<i32>} : memref<128x128xf32, #tpu.memory_space<vmem>>, vector<1x16xf32>,
        %get3A_168 = vector.shape_cast %get3A_167 : vector<1x16xf32> to vector<16xf32>
        %get3A_169 = arith.index_cast %scan3A_82 : i32 to index
        %get3A_170 = arith.constant 96 : index
        %get3A_171 = tpu.vector_load %arg14[%get3A_169, %get3A_170] {strides = array<i32>} : memref<128x128xf32, #tpu.memory_space<vmem>>, vector<1x16xf32>,
        %get3A_172 = vector.shape_cast %get3A_171 : vector<1x16xf32> to vector<16xf32>
        %add3A_173 = arith.addf %get3A_168, %get3A_172 : vector<16xf32>
        %swap3A_174 = arith.index_cast %scan3A_82 : i32 to index
        %swap3A_175 = arith.constant 96 : index
        %swap3A_176 = tpu.vector_load %arg13[%swap3A_174, %swap3A_175] {strides = array<i32>} : memref<128x128xf32, #tpu.memory_space<vmem>>, vector<1x16xf32>,
        %swap3A_177 = vector.shape_cast %swap3A_176 : vector<1x16xf32> to vector<16xf32>
        %swap3A_178 = vector.shape_cast %add3A_173 : vector<16xf32> to vector<1x16xf32>
        tpu.vector_store %arg13[%swap3A_174, %swap3A_175], %swap3A_178 {strides = array<i32>} : memref<128x128xf32, #tpu.memory_space<vmem>>, vector<1x16xf32>,
        %get3A_179 = arith.index_cast %scan3A_82 : i32 to index
        %get3A_180 = arith.constant 112 : index
        %get3A_181 = tpu.vector_load %arg13[%get3A_179, %get3A_180] {strides = array<i32>} : memref<128x128xf32, #tpu.memory_space<vmem>>, vector<1x16xf32>,
        %get3A_182 = vector.shape_cast %get3A_181 : vector<1x16xf32> to vector<16xf32>
        %get3A_183 = arith.index_cast %scan3A_82 : i32 to index
        %get3A_184 = arith.constant 112 : index
        %get3A_185 = tpu.vector_load %arg14[%get3A_183, %get3A_184] {strides = array<i32>} : memref<128x128xf32, #tpu.memory_space<vmem>>, vector<1x16xf32>,
        %get3A_186 = vector.shape_cast %get3A_185 : vector<1x16xf32> to vector<16xf32>
        %add3A_187 = arith.addf %get3A_182, %get3A_186 : vector<16xf32>
        %swap3A_188 = arith.index_cast %scan3A_82 : i32 to index
        %swap3A_189 = arith.constant 112 : index
        %swap3A_190 = tpu.vector_load %arg13[%swap3A_188, %swap3A_189] {strides = array<i32>} : memref<128x128xf32, #tpu.memory_space<vmem>>, vector<1x16xf32>,
        %swap3A_191 = vector.shape_cast %swap3A_190 : vector<1x16xf32> to vector<16xf32>
        %swap3A_192 = vector.shape_cast %add3A_187 : vector<16xf32> to vector<1x16xf32>
        tpu.vector_store %arg13[%swap3A_188, %swap3A_189], %swap3A_192 {strides = array<i32>} : memref<128x128xf32, #tpu.memory_space<vmem>>, vector<1x16xf32>,
      }
      %scan3A_64 = arith.constant 128 : i32
      %mul3A_65 = arith.constant 32 : i32
      %mul3A_66 = arith.muli %add3A_13, %mul3A_65 : i32
      %add3A_67 = arith.addi %add3A, %mul3A_66 : i32
      %mul3A_68 = arith.constant 128 : i32
      %mul3A_69 = arith.muli %add3A_67, %mul3A_68 : i32
      %dma_start3A_70 = arith.constant 0 : i32
      %dma_start3A_71 = tpu.memref_slice %arg6[%mul3A_69, %dma_start3A_70] : memref<320000x128xf32, #tpu.memory_space<hbm>> -> memref<128x128xf32, #tpu.memory_space<hbm>>
      %dma_start3A_72 = arith.constant 0 : i32
      %dma_start3A_73 = tpu.memref_slice %arg6[%mul3A_69, %dma_start3A_72] : memref<320000x128xf32, #tpu.memory_space<hbm>> -> memref<128x128xf32, #tpu.memory_space<hbm>>
      tpu.enqueue_dma source(%arg13 : memref<128x128xf32, #tpu.memory_space<vmem>>) target(%dma_start3A_73 : memref<128x128xf32, #tpu.memory_space<hbm>>) target_semaphore(%arg18 : memref<!tpu.dma_semaphore, #tpu.memory_space<semaphore_mem>>)
      %dma_wait3A_74 = arith.constant 0 : i32
      %dma_wait3A_75 = tpu.memref_slice %arg6[%mul3A_49, %dma_wait3A_74] : memref<320000x128xf32, #tpu.memory_space<hbm>> -> memref<128x128xf32, #tpu.memory_space<hbm>>
      %dma_wait3A_76 = arith.constant 0 : i32
      %dma_wait3A_77 = tpu.memref_slice %arg6[%mul3A_49, %dma_wait3A_76] : memref<320000x128xf32, #tpu.memory_space<hbm>> -> memref<128x128xf32, #tpu.memory_space<hbm>>
      tpu.wait_dma2 semaphore(%arg17 : memref<!tpu.dma_semaphore, #tpu.memory_space<semaphore_mem>>) src(%arg11 : memref<128x128xf32, #tpu.memory_space<vmem>>) dst(%dma_wait3A_77 : memref<128x128xf32, #tpu.memory_space<hbm>>)
      %dma_wait3A_78 = arith.constant 0 : i32
      %dma_wait3A_79 = tpu.memref_slice %arg6[%mul3A_69, %dma_wait3A_78] : memref<320000x128xf32, #tpu.memory_space<hbm>> -> memref<128x128xf32, #tpu.memory_space<hbm>>
      %dma_wait3A_80 = arith.constant 0 : i32
      %dma_wait3A_81 = tpu.memref_slice %arg6[%mul3A_69, %dma_wait3A_80] : memref<320000x128xf32, #tpu.memory_space<hbm>> -> memref<128x128xf32, #tpu.memory_space<hbm>>
      tpu.wait_dma2 semaphore(%arg18 : memref<!tpu.dma_semaphore, #tpu.memory_space<semaphore_mem>>) src(%arg13 : memref<128x128xf32, #tpu.memory_space<vmem>>) dst(%dma_wait3A_81 : memref<128x128xf32, #tpu.memory_space<hbm>>)
    }
    %scan3A_4 = arith.constant 39 : i32
    %lt3A = arith.constant 4 : i32
    %lt3A_5 = arith.cmpi slt, %add3A, %lt3A : i32
    %convert_element_type3A = arith.extui %lt3A_5 : i1 to i32
    %cond3A = arith.constant 0 : i32
    %cond3A_6 = arith.cmpi ne, %convert_element_type3A, %cond3A : i32
    scf.if %cond3A_6 {
      %add3A_7 = arith.constant 2496 : i32
      %add3A_8 = arith.addi %add3A, %add3A_7 : i32
      %mul3A_9 = arith.constant 128 : i32
      %mul3A_10 = arith.muli %add3A_8, %mul3A_9 : i32
      "tpu.region"() ({
        %run_scoped3A = tpu.sem_alloc : memref<!tpu.dma_semaphore, #tpu.memory_space<semaphore_mem>>
        %dma_start3A_38 = tpu.memref_slice %arg4[%mul3A_10] : memref<320000xi32, #tpu.memory_space<hbm>> -> memref<128xi32, #tpu.memory_space<hbm>>
        %dma_start3A_39 = tpu.memref_slice %arg4[%mul3A_10] : memref<320000xi32, #tpu.memory_space<hbm>> -> memref<128xi32, #tpu.memory_space<hbm>>
        tpu.enqueue_dma source(%dma_start3A_39 : memref<128xi32, #tpu.memory_space<hbm>>) target(%arg7 : memref<128xi32, #tpu.memory_space<vmem>>) target_semaphore(%run_scoped3A : memref<!tpu.dma_semaphore, #tpu.memory_space<semaphore_mem>>)
        %dma_wait3A_40 = tpu.memref_slice %arg4[%mul3A_10] : memref<320000xi32, #tpu.memory_space<hbm>> -> memref<128xi32, #tpu.memory_space<hbm>>
        %dma_wait3A_41 = tpu.memref_slice %arg4[%mul3A_10] : memref<320000xi32, #tpu.memory_space<hbm>> -> memref<128xi32, #tpu.memory_space<hbm>>
        tpu.wait_dma2 semaphore(%run_scoped3A : memref<!tpu.dma_semaphore, #tpu.memory_space<semaphore_mem>>) src(%dma_wait3A_41 : memref<128xi32, #tpu.memory_space<hbm>>) dst(%arg7 : memref<128xi32, #tpu.memory_space<vmem>>)
        tpu.yield
      }) : () -> ()
      "tpu.region"() ({
        %run_scoped3A = tpu.sem_alloc : memref<!tpu.dma_semaphore, #tpu.memory_space<semaphore_mem>>
        %dma_start3A_38 = tpu.memref_slice %arg5[%mul3A_10] : memref<320000xi32, #tpu.memory_space<hbm>> -> memref<128xi32, #tpu.memory_space<hbm>>
        %dma_start3A_39 = tpu.memref_slice %arg5[%mul3A_10] : memref<320000xi32, #tpu.memory_space<hbm>> -> memref<128xi32, #tpu.memory_space<hbm>>
        tpu.enqueue_dma source(%dma_start3A_39 : memref<128xi32, #tpu.memory_space<hbm>>) target(%arg8 : memref<128xi32, #tpu.memory_space<vmem>>) target_semaphore(%run_scoped3A : memref<!tpu.dma_semaphore, #tpu.memory_space<semaphore_mem>>)
        %dma_wait3A_40 = tpu.memref_slice %arg5[%mul3A_10] : memref<320000xi32, #tpu.memory_space<hbm>> -> memref<128xi32, #tpu.memory_space<hbm>>
        %dma_wait3A_41 = tpu.memref_slice %arg5[%mul3A_10] : memref<320000xi32, #tpu.memory_space<hbm>> -> memref<128xi32, #tpu.memory_space<hbm>>
        tpu.wait_dma2 semaphore(%run_scoped3A : memref<!tpu.dma_semaphore, #tpu.memory_space<semaphore_mem>>) src(%dma_wait3A_41 : memref<128xi32, #tpu.memory_space<hbm>>) dst(%arg8 : memref<128xi32, #tpu.memory_space<vmem>>)
        tpu.yield
      }) : () -> ()
      %dma_start3A = arith.constant 0 : i32
      %dma_start3A_11 = arith.constant 0 : i32
      %dma_start3A_12 = tpu.memref_slice %arg2[%dma_start3A, %dma_start3A_11] : memref<10000x128xf32, #tpu.memory_space<hbm>> -> memref<10000x128xf32, #tpu.memory_space<hbm>>
      tpu.enqueue_indirect_dma source(%dma_start3A_12 : memref<10000x128xf32, #tpu.memory_space<hbm>>) target(%arg11 : memref<128x128xf32, #tpu.memory_space<vmem>>) offsets(%arg7 : memref<128xi32, #tpu.memory_space<vmem>>) semaphore(%arg15 : memref<!tpu.dma_semaphore, #tpu.memory_space<semaphore_mem>>)
      %dma_start3A_13 = arith.constant 0 : i32
      %dma_start3A_14 = arith.constant 0 : i32
      %dma_start3A_15 = tpu.memref_slice %arg3[%dma_start3A_13, %dma_start3A_14] : memref<10000x128xf32, #tpu.memory_space<hbm>> -> memref<10000x128xf32, #tpu.memory_space<hbm>>
      tpu.enqueue_indirect_dma source(%dma_start3A_15 : memref<10000x128xf32, #tpu.memory_space<hbm>>) target(%arg12 : memref<128x128xf32, #tpu.memory_space<vmem>>) offsets(%arg8 : memref<128xi32, #tpu.memory_space<vmem>>) semaphore(%arg15 : memref<!tpu.dma_semaphore, #tpu.memory_space<semaphore_mem>>)
      %dma_wait3A = arith.constant 0 : i32
      %dma_wait3A_16 = arith.constant 0 : i32
      %dma_wait3A_17 = tpu.memref_slice %arg2[%dma_wait3A, %dma_wait3A_16] : memref<10000x128xf32, #tpu.memory_space<hbm>> -> memref<10000x128xf32, #tpu.memory_space<hbm>>
      tpu.wait_indirect_dma semaphore(%arg15 : memref<!tpu.dma_semaphore, #tpu.memory_space<semaphore_mem>>) src(%dma_wait3A_17 : memref<10000x128xf32, #tpu.memory_space<hbm>>) dst(%arg11 : memref<128x128xf32, #tpu.memory_space<vmem>>)
      %dma_wait3A_18 = arith.constant 0 : i32
      %dma_wait3A_19 = arith.constant 0 : i32
      %dma_wait3A_20 = tpu.memref_slice %arg3[%dma_wait3A_18, %dma_wait3A_19] : memref<10000x128xf32, #tpu.memory_space<hbm>> -> memref<10000x128xf32, #tpu.memory_space<hbm>>
      tpu.wait_indirect_dma semaphore(%arg15 : memref<!tpu.dma_semaphore, #tpu.memory_space<semaphore_mem>>) src(%dma_wait3A_20 : memref<10000x128xf32, #tpu.memory_space<hbm>>) dst(%arg12 : memref<128x128xf32, #tpu.memory_space<vmem>>)
      %scan3A_21 = arith.constant 0 : i32
      %scan3A_22 = arith.constant 128 : i32
      %scan3A_23 = arith.addi %scan3A_21, %scan3A_22 : i32
      %scan3A_24 = arith.constant 1 : i32
      scf.for %scan3A_38 = %scan3A_21 to %scan3A_23 step %scan3A_24  : i32 {
        %get3A = arith.index_cast %scan3A_38 : i32 to index
        %get3A_39 = arith.constant 0 : index
        %get3A_40 = tpu.vector_load %arg11[%get3A, %get3A_39] {strides = array<i32>} : memref<128x128xf32, #tpu.memory_space<vmem>>, vector<1x16xf32>,
        %get3A_41 = vector.shape_cast %get3A_40 : vector<1x16xf32> to vector<16xf32>
        %get3A_42 = arith.index_cast %scan3A_38 : i32 to index
        %get3A_43 = arith.constant 0 : index
        %get3A_44 = tpu.vector_load %arg12[%get3A_42, %get3A_43] {strides = array<i32>} : memref<128x128xf32, #tpu.memory_space<vmem>>, vector<1x16xf32>,
        %get3A_45 = vector.shape_cast %get3A_44 : vector<1x16xf32> to vector<16xf32>
        %add3A_46 = arith.addf %get3A_41, %get3A_45 : vector<16xf32>
        %swap3A = arith.index_cast %scan3A_38 : i32 to index
        %swap3A_47 = arith.constant 0 : index
        %swap3A_48 = tpu.vector_load %arg11[%swap3A, %swap3A_47] {strides = array<i32>} : memref<128x128xf32, #tpu.memory_space<vmem>>, vector<1x16xf32>,
        %swap3A_49 = vector.shape_cast %swap3A_48 : vector<1x16xf32> to vector<16xf32>
        %swap3A_50 = vector.shape_cast %add3A_46 : vector<16xf32> to vector<1x16xf32>
        tpu.vector_store %arg11[%swap3A, %swap3A_47], %swap3A_50 {strides = array<i32>} : memref<128x128xf32, #tpu.memory_space<vmem>>, vector<1x16xf32>,
        %get3A_51 = arith.index_cast %scan3A_38 : i32 to index
        %get3A_52 = arith.constant 16 : index
        %get3A_53 = tpu.vector_load %arg11[%get3A_51, %get3A_52] {strides = array<i32>} : memref<128x128xf32, #tpu.memory_space<vmem>>, vector<1x16xf32>,
        %get3A_54 = vector.shape_cast %get3A_53 : vector<1x16xf32> to vector<16xf32>
        %get3A_55 = arith.index_cast %scan3A_38 : i32 to index
        %get3A_56 = arith.constant 16 : index
        %get3A_57 = tpu.vector_load %arg12[%get3A_55, %get3A_56] {strides = array<i32>} : memref<128x128xf32, #tpu.memory_space<vmem>>, vector<1x16xf32>,
        %get3A_58 = vector.shape_cast %get3A_57 : vector<1x16xf32> to vector<16xf32>
        %add3A_59 = arith.addf %get3A_54, %get3A_58 : vector<16xf32>
        %swap3A_60 = arith.index_cast %scan3A_38 : i32 to index
        %swap3A_61 = arith.constant 16 : index
        %swap3A_62 = tpu.vector_load %arg11[%swap3A_60, %swap3A_61] {strides = array<i32>} : memref<128x128xf32, #tpu.memory_space<vmem>>, vector<1x16xf32>,
        %swap3A_63 = vector.shape_cast %swap3A_62 : vector<1x16xf32> to vector<16xf32>
        %swap3A_64 = vector.shape_cast %add3A_59 : vector<16xf32> to vector<1x16xf32>
        tpu.vector_store %arg11[%swap3A_60, %swap3A_61], %swap3A_64 {strides = array<i32>} : memref<128x128xf32, #tpu.memory_space<vmem>>, vector<1x16xf32>,
        %get3A_65 = arith.index_cast %scan3A_38 : i32 to index
        %get3A_66 = arith.constant 32 : index
        %get3A_67 = tpu.vector_load %arg11[%get3A_65, %get3A_66] {strides = array<i32>} : memref<128x128xf32, #tpu.memory_space<vmem>>, vector<1x16xf32>,
        %get3A_68 = vector.shape_cast %get3A_67 : vector<1x16xf32> to vector<16xf32>
        %get3A_69 = arith.index_cast %scan3A_38 : i32 to index
        %get3A_70 = arith.constant 32 : index
        %get3A_71 = tpu.vector_load %arg12[%get3A_69, %get3A_70] {strides = array<i32>} : memref<128x128xf32, #tpu.memory_space<vmem>>, vector<1x16xf32>,
        %get3A_72 = vector.shape_cast %get3A_71 : vector<1x16xf32> to vector<16xf32>
        %add3A_73 = arith.addf %get3A_68, %get3A_72 : vector<16xf32>
        %swap3A_74 = arith.index_cast %scan3A_38 : i32 to index
        %swap3A_75 = arith.constant 32 : index
        %swap3A_76 = tpu.vector_load %arg11[%swap3A_74, %swap3A_75] {strides = array<i32>} : memref<128x128xf32, #tpu.memory_space<vmem>>, vector<1x16xf32>,
        %swap3A_77 = vector.shape_cast %swap3A_76 : vector<1x16xf32> to vector<16xf32>
        %swap3A_78 = vector.shape_cast %add3A_73 : vector<16xf32> to vector<1x16xf32>
        tpu.vector_store %arg11[%swap3A_74, %swap3A_75], %swap3A_78 {strides = array<i32>} : memref<128x128xf32, #tpu.memory_space<vmem>>, vector<1x16xf32>,
        %get3A_79 = arith.index_cast %scan3A_38 : i32 to index
        %get3A_80 = arith.constant 48 : index
        %get3A_81 = tpu.vector_load %arg11[%get3A_79, %get3A_80] {strides = array<i32>} : memref<128x128xf32, #tpu.memory_space<vmem>>, vector<1x16xf32>,
        %get3A_82 = vector.shape_cast %get3A_81 : vector<1x16xf32> to vector<16xf32>
        %get3A_83 = arith.index_cast %scan3A_38 : i32 to index
        %get3A_84 = arith.constant 48 : index
        %get3A_85 = tpu.vector_load %arg12[%get3A_83, %get3A_84] {strides = array<i32>} : memref<128x128xf32, #tpu.memory_space<vmem>>, vector<1x16xf32>,
        %get3A_86 = vector.shape_cast %get3A_85 : vector<1x16xf32> to vector<16xf32>
        %add3A_87 = arith.addf %get3A_82, %get3A_86 : vector<16xf32>
        %swap3A_88 = arith.index_cast %scan3A_38 : i32 to index
        %swap3A_89 = arith.constant 48 : index
        %swap3A_90 = tpu.vector_load %arg11[%swap3A_88, %swap3A_89] {strides = array<i32>} : memref<128x128xf32, #tpu.memory_space<vmem>>, vector<1x16xf32>,
        %swap3A_91 = vector.shape_cast %swap3A_90 : vector<1x16xf32> to vector<16xf32>
        %swap3A_92 = vector.shape_cast %add3A_87 : vector<16xf32> to vector<1x16xf32>
        tpu.vector_store %arg11[%swap3A_88, %swap3A_89], %swap3A_92 {strides = array<i32>} : memref<128x128xf32, #tpu.memory_space<vmem>>, vector<1x16xf32>,
        %get3A_93 = arith.index_cast %scan3A_38 : i32 to index
        %get3A_94 = arith.constant 64 : index
        %get3A_95 = tpu.vector_load %arg11[%get3A_93, %get3A_94] {strides = array<i32>} : memref<128x128xf32, #tpu.memory_space<vmem>>, vector<1x16xf32>,
        %get3A_96 = vector.shape_cast %get3A_95 : vector<1x16xf32> to vector<16xf32>
        %get3A_97 = arith.index_cast %scan3A_38 : i32 to index
        %get3A_98 = arith.constant 64 : index
        %get3A_99 = tpu.vector_load %arg12[%get3A_97, %get3A_98] {strides = array<i32>} : memref<128x128xf32, #tpu.memory_space<vmem>>, vector<1x16xf32>,
        %get3A_100 = vector.shape_cast %get3A_99 : vector<1x16xf32> to vector<16xf32>
        %add3A_101 = arith.addf %get3A_96, %get3A_100 : vector<16xf32>
        %swap3A_102 = arith.index_cast %scan3A_38 : i32 to index
        %swap3A_103 = arith.constant 64 : index
        %swap3A_104 = tpu.vector_load %arg11[%swap3A_102, %swap3A_103] {strides = array<i32>} : memref<128x128xf32, #tpu.memory_space<vmem>>, vector<1x16xf32>,
        %swap3A_105 = vector.shape_cast %swap3A_104 : vector<1x16xf32> to vector<16xf32>
        %swap3A_106 = vector.shape_cast %add3A_101 : vector<16xf32> to vector<1x16xf32>
        tpu.vector_store %arg11[%swap3A_102, %swap3A_103], %swap3A_106 {strides = array<i32>} : memref<128x128xf32, #tpu.memory_space<vmem>>, vector<1x16xf32>,
        %get3A_107 = arith.index_cast %scan3A_38 : i32 to index
        %get3A_108 = arith.constant 80 : index
        %get3A_109 = tpu.vector_load %arg11[%get3A_107, %get3A_108] {strides = array<i32>} : memref<128x128xf32, #tpu.memory_space<vmem>>, vector<1x16xf32>,
        %get3A_110 = vector.shape_cast %get3A_109 : vector<1x16xf32> to vector<16xf32>
        %get3A_111 = arith.index_cast %scan3A_38 : i32 to index
        %get3A_112 = arith.constant 80 : index
        %get3A_113 = tpu.vector_load %arg12[%get3A_111, %get3A_112] {strides = array<i32>} : memref<128x128xf32, #tpu.memory_space<vmem>>, vector<1x16xf32>,
        %get3A_114 = vector.shape_cast %get3A_113 : vector<1x16xf32> to vector<16xf32>
        %add3A_115 = arith.addf %get3A_110, %get3A_114 : vector<16xf32>
        %swap3A_116 = arith.index_cast %scan3A_38 : i32 to index
        %swap3A_117 = arith.constant 80 : index
        %swap3A_118 = tpu.vector_load %arg11[%swap3A_116, %swap3A_117] {strides = array<i32>} : memref<128x128xf32, #tpu.memory_space<vmem>>, vector<1x16xf32>,
        %swap3A_119 = vector.shape_cast %swap3A_118 : vector<1x16xf32> to vector<16xf32>
        %swap3A_120 = vector.shape_cast %add3A_115 : vector<16xf32> to vector<1x16xf32>
        tpu.vector_store %arg11[%swap3A_116, %swap3A_117], %swap3A_120 {strides = array<i32>} : memref<128x128xf32, #tpu.memory_space<vmem>>, vector<1x16xf32>,
        %get3A_121 = arith.index_cast %scan3A_38 : i32 to index
        %get3A_122 = arith.constant 96 : index
        %get3A_123 = tpu.vector_load %arg11[%get3A_121, %get3A_122] {strides = array<i32>} : memref<128x128xf32, #tpu.memory_space<vmem>>, vector<1x16xf32>,
        %get3A_124 = vector.shape_cast %get3A_123 : vector<1x16xf32> to vector<16xf32>
        %get3A_125 = arith.index_cast %scan3A_38 : i32 to index
        %get3A_126 = arith.constant 96 : index
        %get3A_127 = tpu.vector_load %arg12[%get3A_125, %get3A_126] {strides = array<i32>} : memref<128x128xf32, #tpu.memory_space<vmem>>, vector<1x16xf32>,
        %get3A_128 = vector.shape_cast %get3A_127 : vector<1x16xf32> to vector<16xf32>
        %add3A_129 = arith.addf %get3A_124, %get3A_128 : vector<16xf32>
        %swap3A_130 = arith.index_cast %scan3A_38 : i32 to index
        %swap3A_131 = arith.constant 96 : index
        %swap3A_132 = tpu.vector_load %arg11[%swap3A_130, %swap3A_131] {strides = array<i32>} : memref<128x128xf32, #tpu.memory_space<vmem>>, vector<1x16xf32>,
        %swap3A_133 = vector.shape_cast %swap3A_132 : vector<1x16xf32> to vector<16xf32>
        %swap3A_134 = vector.shape_cast %add3A_129 : vector<16xf32> to vector<1x16xf32>
        tpu.vector_store %arg11[%swap3A_130, %swap3A_131], %swap3A_134 {strides = array<i32>} : memref<128x128xf32, #tpu.memory_space<vmem>>, vector<1x16xf32>,
        %get3A_135 = arith.index_cast %scan3A_38 : i32 to index
        %get3A_136 = arith.constant 112 : index
        %get3A_137 = tpu.vector_load %arg11[%get3A_135, %get3A_136] {strides = array<i32>} : memref<128x128xf32, #tpu.memory_space<vmem>>, vector<1x16xf32>,
        %get3A_138 = vector.shape_cast %get3A_137 : vector<1x16xf32> to vector<16xf32>
        %get3A_139 = arith.index_cast %scan3A_38 : i32 to index
        %get3A_140 = arith.constant 112 : index
        %get3A_141 = tpu.vector_load %arg12[%get3A_139, %get3A_140] {strides = array<i32>} : memref<128x128xf32, #tpu.memory_space<vmem>>, vector<1x16xf32>,
        %get3A_142 = vector.shape_cast %get3A_141 : vector<1x16xf32> to vector<16xf32>
        %add3A_143 = arith.addf %get3A_138, %get3A_142 : vector<16xf32>
        %swap3A_144 = arith.index_cast %scan3A_38 : i32 to index
        %swap3A_145 = arith.constant 112 : index
        %swap3A_146 = tpu.vector_load %arg11[%swap3A_144, %swap3A_145] {strides = array<i32>} : memref<128x128xf32, #tpu.memory_space<vmem>>, vector<1x16xf32>,
        %swap3A_147 = vector.shape_cast %swap3A_146 : vector<1x16xf32> to vector<16xf32>
        %swap3A_148 = vector.shape_cast %add3A_143 : vector<16xf32> to vector<1x16xf32>
        tpu.vector_store %arg11[%swap3A_144, %swap3A_145], %swap3A_148 {strides = array<i32>} : memref<128x128xf32, #tpu.memory_space<vmem>>, vector<1x16xf32>,
      }
      %scan3A_25 = arith.constant 128 : i32
      %add3A_26 = arith.constant 2496 : i32
      %add3A_27 = arith.addi %add3A, %add3A_26 : i32
      %mul3A_28 = arith.constant 128 : i32
      %mul3A_29 = arith.muli %add3A_27, %mul3A_28 : i32
      %dma_start3A_30 = arith.constant 0 : i32
      %dma_start3A_31 = tpu.memref_slice %arg6[%mul3A_29, %dma_start3A_30] : memref<320000x128xf32, #tpu.memory_space<hbm>> -> memref<128x128xf32, #tpu.memory_space<hbm>>
      %dma_start3A_32 = arith.constant 0 : i32
      %dma_start3A_33 = tpu.memref_slice %arg6[%mul3A_29, %dma_start3A_32] : memref<320000x128xf32, #tpu.memory_space<hbm>> -> memref<128x128xf32, #tpu.memory_space<hbm>>
      tpu.enqueue_dma source(%arg11 : memref<128x128xf32, #tpu.memory_space<vmem>>) target(%dma_start3A_33 : memref<128x128xf32, #tpu.memory_space<hbm>>) target_semaphore(%arg17 : memref<!tpu.dma_semaphore, #tpu.memory_space<semaphore_mem>>)
      %dma_wait3A_34 = arith.constant 0 : i32
      %dma_wait3A_35 = tpu.memref_slice %arg6[%mul3A_29, %dma_wait3A_34] : memref<320000x128xf32, #tpu.memory_space<hbm>> -> memref<128x128xf32, #tpu.memory_space<hbm>>
      %dma_wait3A_36 = arith.constant 0 : i32
      %dma_wait3A_37 = tpu.memref_slice %arg6[%mul3A_29, %dma_wait3A_36] : memref<320000x128xf32, #tpu.memory_space<hbm>> -> memref<128x128xf32, #tpu.memory_space<hbm>>
      tpu.wait_dma2 semaphore(%arg17 : memref<!tpu.dma_semaphore, #tpu.memory_space<semaphore_mem>>) src(%arg11 : memref<128x128xf32, #tpu.memory_space<vmem>>) dst(%dma_wait3A_37 : memref<128x128xf32, #tpu.memory_space<hbm>>)
    } else {
    }
    return
  }
}

#map = affine_map<(d0, d1) -> (0)>
module attributes {stable_mosaic.version = 14 : i64} {
  func.func @_scatter_kernel(%arg0: i32, %arg1: i32, %arg2: memref<320000xf32, #tpu.memory_space<hbm>>, %arg3: memref<320000xf32, #tpu.memory_space<hbm>>, %arg4: memref<320000xf32, #tpu.memory_space<hbm>>, %arg5: memref<320000xi32, #tpu.memory_space<hbm>>, %arg6: memref<10240xf32, #tpu.memory_space<hbm>>, %arg7: memref<327680xf32, #tpu.memory_space<hbm>>, %arg8: memref<327680xf32, #tpu.memory_space<hbm>>, %arg9: memref<327680xf32, #tpu.memory_space<hbm>>, %arg10: memref<10240xf32, #tpu.memory_space<vmem>>, %arg11: memref<10240xf32, #tpu.memory_space<vmem>>, %arg12: memref<10240xf32, #tpu.memory_space<vmem>>, %arg13: memref<128xf32, #tpu.memory_space<vmem>>, %arg14: memref<128xf32, #tpu.memory_space<vmem>>, %arg15: memref<128xf32, #tpu.memory_space<vmem>>, %arg16: memref<128xi32, #tpu.memory_space<vmem>>, %arg17: memref<128xf32, #tpu.memory_space<vmem>>, %arg18: memref<128xf32, #tpu.memory_space<vmem>>, %arg19: memref<128xf32, #tpu.memory_space<vmem>>, %arg20: memref<128xi32, #tpu.memory_space<vmem>>, %arg21: memref<!tpu.dma_semaphore, #tpu.memory_space<semaphore_mem>>, %arg22: memref<!tpu.dma_semaphore, #tpu.memory_space<semaphore_mem>>) attributes {dimension_semantics = [#tpu.dimension_semantics<core_parallel>, #tpu.dimension_semantics<subcore_parallel>], iteration_bounds = array<i64: 2, 16>, scalar_prefetch = 0 : i64, scratch_operands = 13 : i64, tpu.core_type = #tpu.core_type<sc_vector_subcore>, window_params = [{transform_indices = #map}, {transform_indices = #map}, {transform_indices = #map}, {transform_indices = #map}, {transform_indices = #map}, {transform_indices = #map}, {transform_indices = #map}, {transform_indices = #map}]} {
    %mul3A = arith.constant 2 : i32
    %mul3A_0 = arith.muli %arg1, %mul3A : i32
    %add3A = arith.addi %mul3A_0, %arg0 : i32
    "tpu.region"() ({
      %run_scoped3A = tpu.sem_alloc : memref<!tpu.dma_semaphore, #tpu.memory_space<semaphore_mem>>
      tpu.enqueue_dma source(%arg6 : memref<10240xf32, #tpu.memory_space<hbm>>) target(%arg10 : memref<10240xf32, #tpu.memory_space<vmem>>) target_semaphore(%run_scoped3A : memref<!tpu.dma_semaphore, #tpu.memory_space<semaphore_mem>>)
      tpu.wait_dma2 semaphore(%run_scoped3A : memref<!tpu.dma_semaphore, #tpu.memory_space<semaphore_mem>>) src(%arg6 : memref<10240xf32, #tpu.memory_space<hbm>>) dst(%arg10 : memref<10240xf32, #tpu.memory_space<vmem>>)
      tpu.yield
    }) : () -> ()
    "tpu.region"() ({
      %run_scoped3A = tpu.sem_alloc : memref<!tpu.dma_semaphore, #tpu.memory_space<semaphore_mem>>
      tpu.enqueue_dma source(%arg6 : memref<10240xf32, #tpu.memory_space<hbm>>) target(%arg11 : memref<10240xf32, #tpu.memory_space<vmem>>) target_semaphore(%run_scoped3A : memref<!tpu.dma_semaphore, #tpu.memory_space<semaphore_mem>>)
      tpu.wait_dma2 semaphore(%run_scoped3A : memref<!tpu.dma_semaphore, #tpu.memory_space<semaphore_mem>>) src(%arg6 : memref<10240xf32, #tpu.memory_space<hbm>>) dst(%arg11 : memref<10240xf32, #tpu.memory_space<vmem>>)
      tpu.yield
    }) : () -> ()
    "tpu.region"() ({
      %run_scoped3A = tpu.sem_alloc : memref<!tpu.dma_semaphore, #tpu.memory_space<semaphore_mem>>
      tpu.enqueue_dma source(%arg6 : memref<10240xf32, #tpu.memory_space<hbm>>) target(%arg12 : memref<10240xf32, #tpu.memory_space<vmem>>) target_semaphore(%run_scoped3A : memref<!tpu.dma_semaphore, #tpu.memory_space<semaphore_mem>>)
      tpu.wait_dma2 semaphore(%run_scoped3A : memref<!tpu.dma_semaphore, #tpu.memory_space<semaphore_mem>>) src(%arg6 : memref<10240xf32, #tpu.memory_space<hbm>>) dst(%arg12 : memref<10240xf32, #tpu.memory_space<vmem>>)
      tpu.yield
    }) : () -> ()
    %iota3A = tpu.iota {dimensions = array<i32: 0>} : vector<16xi32>
    %scan3A = arith.constant 0 : i32
    %scan3A_1 = arith.constant 39 : i32
    %scan3A_2 = arith.addi %scan3A, %scan3A_1 : i32
    %scan3A_3 = arith.constant 1 : i32
    scf.for %scan3A_9 = %scan3A to %scan3A_2 step %scan3A_3  : i32 {
      %mul3A_10 = arith.constant 2 : i32
      %mul3A_11 = arith.muli %mul3A_10, %scan3A_9 : i32
      %mul3A_12 = arith.constant 2 : i32
      %mul3A_13 = arith.muli %mul3A_12, %scan3A_9 : i32
      %add3A_14 = arith.constant 1 : i32
      %add3A_15 = arith.addi %mul3A_13, %add3A_14 : i32
      %mul3A_16 = arith.constant 32 : i32
      %mul3A_17 = arith.muli %mul3A_11, %mul3A_16 : i32
      %add3A_18 = arith.addi %add3A, %mul3A_17 : i32
      %mul3A_19 = arith.constant 128 : i32
      %mul3A_20 = arith.muli %add3A_18, %mul3A_19 : i32
      %dma_start3A = tpu.memref_slice %arg5[%mul3A_20] : memref<320000xi32, #tpu.memory_space<hbm>> -> memref<128xi32, #tpu.memory_space<hbm>>
      %dma_start3A_21 = tpu.memref_slice %arg5[%mul3A_20] : memref<320000xi32, #tpu.memory_space<hbm>> -> memref<128xi32, #tpu.memory_space<hbm>>
      tpu.enqueue_dma source(%dma_start3A_21 : memref<128xi32, #tpu.memory_space<hbm>>) target(%arg16 : memref<128xi32, #tpu.memory_space<vmem>>) target_semaphore(%arg21 : memref<!tpu.dma_semaphore, #tpu.memory_space<semaphore_mem>>)
      %dma_start3A_22 = tpu.memref_slice %arg2[%mul3A_20] : memref<320000xf32, #tpu.memory_space<hbm>> -> memref<128xf32, #tpu.memory_space<hbm>>
      %dma_start3A_23 = tpu.memref_slice %arg2[%mul3A_20] : memref<320000xf32, #tpu.memory_space<hbm>> -> memref<128xf32, #tpu.memory_space<hbm>>
      tpu.enqueue_dma source(%dma_start3A_23 : memref<128xf32, #tpu.memory_space<hbm>>) target(%arg13 : memref<128xf32, #tpu.memory_space<vmem>>) target_semaphore(%arg21 : memref<!tpu.dma_semaphore, #tpu.memory_space<semaphore_mem>>)
      %dma_start3A_24 = tpu.memref_slice %arg3[%mul3A_20] : memref<320000xf32, #tpu.memory_space<hbm>> -> memref<128xf32, #tpu.memory_space<hbm>>
      %dma_start3A_25 = tpu.memref_slice %arg3[%mul3A_20] : memref<320000xf32, #tpu.memory_space<hbm>> -> memref<128xf32, #tpu.memory_space<hbm>>
      tpu.enqueue_dma source(%dma_start3A_25 : memref<128xf32, #tpu.memory_space<hbm>>) target(%arg14 : memref<128xf32, #tpu.memory_space<vmem>>) target_semaphore(%arg21 : memref<!tpu.dma_semaphore, #tpu.memory_space<semaphore_mem>>)
      %dma_start3A_26 = tpu.memref_slice %arg4[%mul3A_20] : memref<320000xf32, #tpu.memory_space<hbm>> -> memref<128xf32, #tpu.memory_space<hbm>>
      %dma_start3A_27 = tpu.memref_slice %arg4[%mul3A_20] : memref<320000xf32, #tpu.memory_space<hbm>> -> memref<128xf32, #tpu.memory_space<hbm>>
      tpu.enqueue_dma source(%dma_start3A_27 : memref<128xf32, #tpu.memory_space<hbm>>) target(%arg15 : memref<128xf32, #tpu.memory_space<vmem>>) target_semaphore(%arg21 : memref<!tpu.dma_semaphore, #tpu.memory_space<semaphore_mem>>)
      %mul3A_28 = arith.constant 32 : i32
      %mul3A_29 = arith.muli %add3A_15, %mul3A_28 : i32
      %add3A_30 = arith.addi %add3A, %mul3A_29 : i32
      %mul3A_31 = arith.constant 128 : i32
      %mul3A_32 = arith.muli %add3A_30, %mul3A_31 : i32
      %dma_start3A_33 = tpu.memref_slice %arg5[%mul3A_32] : memref<320000xi32, #tpu.memory_space<hbm>> -> memref<128xi32, #tpu.memory_space<hbm>>
      %dma_start3A_34 = tpu.memref_slice %arg5[%mul3A_32] : memref<320000xi32, #tpu.memory_space<hbm>> -> memref<128xi32, #tpu.memory_space<hbm>>
      tpu.enqueue_dma source(%dma_start3A_34 : memref<128xi32, #tpu.memory_space<hbm>>) target(%arg20 : memref<128xi32, #tpu.memory_space<vmem>>) target_semaphore(%arg22 : memref<!tpu.dma_semaphore, #tpu.memory_space<semaphore_mem>>)
      %dma_start3A_35 = tpu.memref_slice %arg2[%mul3A_32] : memref<320000xf32, #tpu.memory_space<hbm>> -> memref<128xf32, #tpu.memory_space<hbm>>
      %dma_start3A_36 = tpu.memref_slice %arg2[%mul3A_32] : memref<320000xf32, #tpu.memory_space<hbm>> -> memref<128xf32, #tpu.memory_space<hbm>>
      tpu.enqueue_dma source(%dma_start3A_36 : memref<128xf32, #tpu.memory_space<hbm>>) target(%arg17 : memref<128xf32, #tpu.memory_space<vmem>>) target_semaphore(%arg22 : memref<!tpu.dma_semaphore, #tpu.memory_space<semaphore_mem>>)
      %dma_start3A_37 = tpu.memref_slice %arg3[%mul3A_32] : memref<320000xf32, #tpu.memory_space<hbm>> -> memref<128xf32, #tpu.memory_space<hbm>>
      %dma_start3A_38 = tpu.memref_slice %arg3[%mul3A_32] : memref<320000xf32, #tpu.memory_space<hbm>> -> memref<128xf32, #tpu.memory_space<hbm>>
      tpu.enqueue_dma source(%dma_start3A_38 : memref<128xf32, #tpu.memory_space<hbm>>) target(%arg18 : memref<128xf32, #tpu.memory_space<vmem>>) target_semaphore(%arg22 : memref<!tpu.dma_semaphore, #tpu.memory_space<semaphore_mem>>)
      %dma_start3A_39 = tpu.memref_slice %arg4[%mul3A_32] : memref<320000xf32, #tpu.memory_space<hbm>> -> memref<128xf32, #tpu.memory_space<hbm>>
      %dma_start3A_40 = tpu.memref_slice %arg4[%mul3A_32] : memref<320000xf32, #tpu.memory_space<hbm>> -> memref<128xf32, #tpu.memory_space<hbm>>
      tpu.enqueue_dma source(%dma_start3A_40 : memref<128xf32, #tpu.memory_space<hbm>>) target(%arg19 : memref<128xf32, #tpu.memory_space<vmem>>) target_semaphore(%arg22 : memref<!tpu.dma_semaphore, #tpu.memory_space<semaphore_mem>>)
      %dma_wait3A = tpu.memref_slice %arg5[%mul3A_20] : memref<320000xi32, #tpu.memory_space<hbm>> -> memref<128xi32, #tpu.memory_space<hbm>>
      %dma_wait3A_41 = tpu.memref_slice %arg5[%mul3A_20] : memref<320000xi32, #tpu.memory_space<hbm>> -> memref<128xi32, #tpu.memory_space<hbm>>
      tpu.wait_dma2 semaphore(%arg21 : memref<!tpu.dma_semaphore, #tpu.memory_space<semaphore_mem>>) src(%dma_wait3A_41 : memref<128xi32, #tpu.memory_space<hbm>>) dst(%arg16 : memref<128xi32, #tpu.memory_space<vmem>>)
      %dma_wait3A_42 = tpu.memref_slice %arg2[%mul3A_20] : memref<320000xf32, #tpu.memory_space<hbm>> -> memref<128xf32, #tpu.memory_space<hbm>>
      %dma_wait3A_43 = tpu.memref_slice %arg2[%mul3A_20] : memref<320000xf32, #tpu.memory_space<hbm>> -> memref<128xf32, #tpu.memory_space<hbm>>
      tpu.wait_dma2 semaphore(%arg21 : memref<!tpu.dma_semaphore, #tpu.memory_space<semaphore_mem>>) src(%dma_wait3A_43 : memref<128xf32, #tpu.memory_space<hbm>>) dst(%arg13 : memref<128xf32, #tpu.memory_space<vmem>>)
      %dma_wait3A_44 = tpu.memref_slice %arg3[%mul3A_20] : memref<320000xf32, #tpu.memory_space<hbm>> -> memref<128xf32, #tpu.memory_space<hbm>>
      %dma_wait3A_45 = tpu.memref_slice %arg3[%mul3A_20] : memref<320000xf32, #tpu.memory_space<hbm>> -> memref<128xf32, #tpu.memory_space<hbm>>
      tpu.wait_dma2 semaphore(%arg21 : memref<!tpu.dma_semaphore, #tpu.memory_space<semaphore_mem>>) src(%dma_wait3A_45 : memref<128xf32, #tpu.memory_space<hbm>>) dst(%arg14 : memref<128xf32, #tpu.memory_space<vmem>>)
      %dma_wait3A_46 = tpu.memref_slice %arg4[%mul3A_20] : memref<320000xf32, #tpu.memory_space<hbm>> -> memref<128xf32, #tpu.memory_space<hbm>>
      %dma_wait3A_47 = tpu.memref_slice %arg4[%mul3A_20] : memref<320000xf32, #tpu.memory_space<hbm>> -> memref<128xf32, #tpu.memory_space<hbm>>
      tpu.wait_dma2 semaphore(%arg21 : memref<!tpu.dma_semaphore, #tpu.memory_space<semaphore_mem>>) src(%dma_wait3A_47 : memref<128xf32, #tpu.memory_space<hbm>>) dst(%arg15 : memref<128xf32, #tpu.memory_space<vmem>>)
      %scan3A_48 = arith.constant 0 : i32
      %scan3A_49 = arith.constant 8 : i32
      %scan3A_50 = arith.addi %scan3A_48, %scan3A_49 : i32
      %scan3A_51 = arith.constant 1 : i32
      scf.for %scan3A_66 = %scan3A_48 to %scan3A_50 step %scan3A_51  : i32 {
        %mul3A_67 = arith.constant 16 : i32
        %mul3A_68 = arith.muli %scan3A_66, %mul3A_67 : i32
        %get3A = arith.index_cast %mul3A_68 : i32 to index
        %get3A_69 = tpu.vector_load %arg16[%get3A] {strides = array<i32>} : memref<128xi32, #tpu.memory_space<vmem>>, vector<16xi32>,
        %get3A_70 = vector.shape_cast %get3A_69 : vector<16xi32> to vector<16xi32>
        %get3A_71 = arith.index_cast %mul3A_68 : i32 to index
        %get3A_72 = tpu.vector_load %arg13[%get3A_71] {strides = array<i32>} : memref<128xf32, #tpu.memory_space<vmem>>, vector<16xf32>,
        %get3A_73 = vector.shape_cast %get3A_72 : vector<16xf32> to vector<16xf32>
        %get3A_74 = arith.index_cast %mul3A_68 : i32 to index
        %get3A_75 = tpu.vector_load %arg14[%get3A_74] {strides = array<i32>} : memref<128xf32, #tpu.memory_space<vmem>>, vector<16xf32>,
        %get3A_76 = vector.shape_cast %get3A_75 : vector<16xf32> to vector<16xf32>
        %get3A_77 = arith.index_cast %mul3A_68 : i32 to index
        %get3A_78 = tpu.vector_load %arg15[%get3A_77] {strides = array<i32>} : memref<128xf32, #tpu.memory_space<vmem>>, vector<16xf32>,
        %get3A_79 = vector.shape_cast %get3A_78 : vector<16xf32> to vector<16xf32>
        %slice3A = vector.extract_strided_slice %get3A_70 {offsets = [0], sizes = [1], strides = [1]} : vector<16xi32> to vector<1xi32>
        %squeeze3A = vector.extract %slice3A[0] : i32 from vector<1xi32>
        %and3A = arith.constant -16 : i32
        %and3A_80 = arith.andi %squeeze3A, %and3A : i32
        %sub3A = arith.subi %squeeze3A, %and3A_80 : i32
        %eq3A = vector.broadcast %sub3A : i32 to vector<16xi32>
        %eq3A_81 = arith.cmpi eq, %iota3A, %eq3A : vector<16xi32>
        %slice3A_82 = vector.extract_strided_slice %get3A_73 {offsets = [0], sizes = [1], strides = [1]} : vector<16xf32> to vector<1xf32>
        %squeeze3A_83 = vector.extract %slice3A_82[0] : f32 from vector<1xf32>
        %jit3A = arith.constant 0.000000e+00 : f32
        %broadcast_in_dim3A = vector.broadcast %squeeze3A_83 : f32 to vector<16xf32>
        %broadcast_in_dim3A_84 = vector.broadcast %jit3A : f32 to vector<16xf32>
        %select_n3A = arith.select %eq3A_81, %broadcast_in_dim3A, %broadcast_in_dim3A_84 : vector<16xi1>, vector<16xf32>
        %swap3A = arith.index_cast %and3A_80 : i32 to index
        %swap3A_85 = tpu.vector_load %arg10[%swap3A] {strides = array<i32>} : memref<10240xf32, #tpu.memory_space<vmem>>, vector<16xf32>,
        %swap3A_86 = vector.shape_cast %swap3A_85 : vector<16xf32> to vector<16xf32>
        %swap3A_87 = vector.shape_cast %select_n3A : vector<16xf32> to vector<16xf32>
        tpu.vector_store %arg10[%swap3A], %swap3A_87 {add = true, strides = array<i32>} : memref<10240xf32, #tpu.memory_space<vmem>>, vector<16xf32>,
        %slice3A_88 = vector.extract_strided_slice %get3A_76 {offsets = [0], sizes = [1], strides = [1]} : vector<16xf32> to vector<1xf32>
        %squeeze3A_89 = vector.extract %slice3A_88[0] : f32 from vector<1xf32>
        %jit3A_90 = arith.constant 0.000000e+00 : f32
        %broadcast_in_dim3A_91 = vector.broadcast %squeeze3A_89 : f32 to vector<16xf32>
        %broadcast_in_dim3A_92 = vector.broadcast %jit3A_90 : f32 to vector<16xf32>
        %select_n3A_93 = arith.select %eq3A_81, %broadcast_in_dim3A_91, %broadcast_in_dim3A_92 : vector<16xi1>, vector<16xf32>
        %swap3A_94 = arith.index_cast %and3A_80 : i32 to index
        %swap3A_95 = tpu.vector_load %arg11[%swap3A_94] {strides = array<i32>} : memref<10240xf32, #tpu.memory_space<vmem>>, vector<16xf32>,
        %swap3A_96 = vector.shape_cast %swap3A_95 : vector<16xf32> to vector<16xf32>
        %swap3A_97 = vector.shape_cast %select_n3A_93 : vector<16xf32> to vector<16xf32>
        tpu.vector_store %arg11[%swap3A_94], %swap3A_97 {add = true, strides = array<i32>} : memref<10240xf32, #tpu.memory_space<vmem>>, vector<16xf32>,
        %slice3A_98 = vector.extract_strided_slice %get3A_79 {offsets = [0], sizes = [1], strides = [1]} : vector<16xf32> to vector<1xf32>
        %squeeze3A_99 = vector.extract %slice3A_98[0] : f32 from vector<1xf32>
        %jit3A_100 = arith.constant 0.000000e+00 : f32
        %broadcast_in_dim3A_101 = vector.broadcast %squeeze3A_99 : f32 to vector<16xf32>
        %broadcast_in_dim3A_102 = vector.broadcast %jit3A_100 : f32 to vector<16xf32>
        %select_n3A_103 = arith.select %eq3A_81, %broadcast_in_dim3A_101, %broadcast_in_dim3A_102 : vector<16xi1>, vector<16xf32>
        %swap3A_104 = arith.index_cast %and3A_80 : i32 to index
        %swap3A_105 = tpu.vector_load %arg12[%swap3A_104] {strides = array<i32>} : memref<10240xf32, #tpu.memory_space<vmem>>, vector<16xf32>,
        %swap3A_106 = vector.shape_cast %swap3A_105 : vector<16xf32> to vector<16xf32>
        %swap3A_107 = vector.shape_cast %select_n3A_103 : vector<16xf32> to vector<16xf32>
        tpu.vector_store %arg12[%swap3A_104], %swap3A_107 {add = true, strides = array<i32>} : memref<10240xf32, #tpu.memory_space<vmem>>, vector<16xf32>,
        %slice3A_108 = vector.extract_strided_slice %get3A_70 {offsets = [1], sizes = [1], strides = [1]} : vector<16xi32> to vector<1xi32>
        %squeeze3A_109 = vector.extract %slice3A_108[0] : i32 from vector<1xi32>
        %and3A_110 = arith.constant -16 : i32
        %and3A_111 = arith.andi %squeeze3A_109, %and3A_110 : i32
        %sub3A_112 = arith.subi %squeeze3A_109, %and3A_111 : i32
        %eq3A_113 = vector.broadcast %sub3A_112 : i32 to vector<16xi32>
        %eq3A_114 = arith.cmpi eq, %iota3A, %eq3A_113 : vector<16xi32>
        %slice3A_115 = vector.extract_strided_slice %get3A_73 {offsets = [1], sizes = [1], strides = [1]} : vector<16xf32> to vector<1xf32>
        %squeeze3A_116 = vector.extract %slice3A_115[0] : f32 from vector<1xf32>
        %jit3A_117 = arith.constant 0.000000e+00 : f32
        %broadcast_in_dim3A_118 = vector.broadcast %squeeze3A_116 : f32 to vector<16xf32>
        %broadcast_in_dim3A_119 = vector.broadcast %jit3A_117 : f32 to vector<16xf32>
        %select_n3A_120 = arith.select %eq3A_114, %broadcast_in_dim3A_118, %broadcast_in_dim3A_119 : vector<16xi1>, vector<16xf32>
        %swap3A_121 = arith.index_cast %and3A_111 : i32 to index
        %swap3A_122 = tpu.vector_load %arg10[%swap3A_121] {strides = array<i32>} : memref<10240xf32, #tpu.memory_space<vmem>>, vector<16xf32>,
        %swap3A_123 = vector.shape_cast %swap3A_122 : vector<16xf32> to vector<16xf32>
        %swap3A_124 = vector.shape_cast %select_n3A_120 : vector<16xf32> to vector<16xf32>
        tpu.vector_store %arg10[%swap3A_121], %swap3A_124 {add = true, strides = array<i32>} : memref<10240xf32, #tpu.memory_space<vmem>>, vector<16xf32>,
        %slice3A_125 = vector.extract_strided_slice %get3A_76 {offsets = [1], sizes = [1], strides = [1]} : vector<16xf32> to vector<1xf32>
        %squeeze3A_126 = vector.extract %slice3A_125[0] : f32 from vector<1xf32>
        %jit3A_127 = arith.constant 0.000000e+00 : f32
        %broadcast_in_dim3A_128 = vector.broadcast %squeeze3A_126 : f32 to vector<16xf32>
        %broadcast_in_dim3A_129 = vector.broadcast %jit3A_127 : f32 to vector<16xf32>
        %select_n3A_130 = arith.select %eq3A_114, %broadcast_in_dim3A_128, %broadcast_in_dim3A_129 : vector<16xi1>, vector<16xf32>
        %swap3A_131 = arith.index_cast %and3A_111 : i32 to index
        %swap3A_132 = tpu.vector_load %arg11[%swap3A_131] {strides = array<i32>} : memref<10240xf32, #tpu.memory_space<vmem>>, vector<16xf32>,
        %swap3A_133 = vector.shape_cast %swap3A_132 : vector<16xf32> to vector<16xf32>
        %swap3A_134 = vector.shape_cast %select_n3A_130 : vector<16xf32> to vector<16xf32>
        tpu.vector_store %arg11[%swap3A_131], %swap3A_134 {add = true, strides = array<i32>} : memref<10240xf32, #tpu.memory_space<vmem>>, vector<16xf32>,
        %slice3A_135 = vector.extract_strided_slice %get3A_79 {offsets = [1], sizes = [1], strides = [1]} : vector<16xf32> to vector<1xf32>
        %squeeze3A_136 = vector.extract %slice3A_135[0] : f32 from vector<1xf32>
        %jit3A_137 = arith.constant 0.000000e+00 : f32
        %broadcast_in_dim3A_138 = vector.broadcast %squeeze3A_136 : f32 to vector<16xf32>
        %broadcast_in_dim3A_139 = vector.broadcast %jit3A_137 : f32 to vector<16xf32>
        %select_n3A_140 = arith.select %eq3A_114, %broadcast_in_dim3A_138, %broadcast_in_dim3A_139 : vector<16xi1>, vector<16xf32>
        %swap3A_141 = arith.index_cast %and3A_111 : i32 to index
        %swap3A_142 = tpu.vector_load %arg12[%swap3A_141] {strides = array<i32>} : memref<10240xf32, #tpu.memory_space<vmem>>, vector<16xf32>,
        %swap3A_143 = vector.shape_cast %swap3A_142 : vector<16xf32> to vector<16xf32>
        %swap3A_144 = vector.shape_cast %select_n3A_140 : vector<16xf32> to vector<16xf32>
        tpu.vector_store %arg12[%swap3A_141], %swap3A_144 {add = true, strides = array<i32>} : memref<10240xf32, #tpu.memory_space<vmem>>, vector<16xf32>,
        %slice3A_145 = vector.extract_strided_slice %get3A_70 {offsets = [2], sizes = [1], strides = [1]} : vector<16xi32> to vector<1xi32>
        %squeeze3A_146 = vector.extract %slice3A_145[0] : i32 from vector<1xi32>
        %and3A_147 = arith.constant -16 : i32
        %and3A_148 = arith.andi %squeeze3A_146, %and3A_147 : i32
        %sub3A_149 = arith.subi %squeeze3A_146, %and3A_148 : i32
        %eq3A_150 = vector.broadcast %sub3A_149 : i32 to vector<16xi32>
        %eq3A_151 = arith.cmpi eq, %iota3A, %eq3A_150 : vector<16xi32>
        %slice3A_152 = vector.extract_strided_slice %get3A_73 {offsets = [2], sizes = [1], strides = [1]} : vector<16xf32> to vector<1xf32>
        %squeeze3A_153 = vector.extract %slice3A_152[0] : f32 from vector<1xf32>
        %jit3A_154 = arith.constant 0.000000e+00 : f32
        %broadcast_in_dim3A_155 = vector.broadcast %squeeze3A_153 : f32 to vector<16xf32>
        %broadcast_in_dim3A_156 = vector.broadcast %jit3A_154 : f32 to vector<16xf32>
        %select_n3A_157 = arith.select %eq3A_151, %broadcast_in_dim3A_155, %broadcast_in_dim3A_156 : vector<16xi1>, vector<16xf32>
        %swap3A_158 = arith.index_cast %and3A_148 : i32 to index
        %swap3A_159 = tpu.vector_load %arg10[%swap3A_158] {strides = array<i32>} : memref<10240xf32, #tpu.memory_space<vmem>>, vector<16xf32>,
        %swap3A_160 = vector.shape_cast %swap3A_159 : vector<16xf32> to vector<16xf32>
        %swap3A_161 = vector.shape_cast %select_n3A_157 : vector<16xf32> to vector<16xf32>
        tpu.vector_store %arg10[%swap3A_158], %swap3A_161 {add = true, strides = array<i32>} : memref<10240xf32, #tpu.memory_space<vmem>>, vector<16xf32>,
        %slice3A_162 = vector.extract_strided_slice %get3A_76 {offsets = [2], sizes = [1], strides = [1]} : vector<16xf32> to vector<1xf32>
        %squeeze3A_163 = vector.extract %slice3A_162[0] : f32 from vector<1xf32>
        %jit3A_164 = arith.constant 0.000000e+00 : f32
        %broadcast_in_dim3A_165 = vector.broadcast %squeeze3A_163 : f32 to vector<16xf32>
        %broadcast_in_dim3A_166 = vector.broadcast %jit3A_164 : f32 to vector<16xf32>
        %select_n3A_167 = arith.select %eq3A_151, %broadcast_in_dim3A_165, %broadcast_in_dim3A_166 : vector<16xi1>, vector<16xf32>
        %swap3A_168 = arith.index_cast %and3A_148 : i32 to index
        %swap3A_169 = tpu.vector_load %arg11[%swap3A_168] {strides = array<i32>} : memref<10240xf32, #tpu.memory_space<vmem>>, vector<16xf32>,
        %swap3A_170 = vector.shape_cast %swap3A_169 : vector<16xf32> to vector<16xf32>
        %swap3A_171 = vector.shape_cast %select_n3A_167 : vector<16xf32> to vector<16xf32>
        tpu.vector_store %arg11[%swap3A_168], %swap3A_171 {add = true, strides = array<i32>} : memref<10240xf32, #tpu.memory_space<vmem>>, vector<16xf32>,
        %slice3A_172 = vector.extract_strided_slice %get3A_79 {offsets = [2], sizes = [1], strides = [1]} : vector<16xf32> to vector<1xf32>
        %squeeze3A_173 = vector.extract %slice3A_172[0] : f32 from vector<1xf32>
        %jit3A_174 = arith.constant 0.000000e+00 : f32
        %broadcast_in_dim3A_175 = vector.broadcast %squeeze3A_173 : f32 to vector<16xf32>
        %broadcast_in_dim3A_176 = vector.broadcast %jit3A_174 : f32 to vector<16xf32>
        %select_n3A_177 = arith.select %eq3A_151, %broadcast_in_dim3A_175, %broadcast_in_dim3A_176 : vector<16xi1>, vector<16xf32>
        %swap3A_178 = arith.index_cast %and3A_148 : i32 to index
        %swap3A_179 = tpu.vector_load %arg12[%swap3A_178] {strides = array<i32>} : memref<10240xf32, #tpu.memory_space<vmem>>, vector<16xf32>,
        %swap3A_180 = vector.shape_cast %swap3A_179 : vector<16xf32> to vector<16xf32>
        %swap3A_181 = vector.shape_cast %select_n3A_177 : vector<16xf32> to vector<16xf32>
        tpu.vector_store %arg12[%swap3A_178], %swap3A_181 {add = true, strides = array<i32>} : memref<10240xf32, #tpu.memory_space<vmem>>, vector<16xf32>,
        %slice3A_182 = vector.extract_strided_slice %get3A_70 {offsets = [3], sizes = [1], strides = [1]} : vector<16xi32> to vector<1xi32>
        %squeeze3A_183 = vector.extract %slice3A_182[0] : i32 from vector<1xi32>
        %and3A_184 = arith.constant -16 : i32
        %and3A_185 = arith.andi %squeeze3A_183, %and3A_184 : i32
        %sub3A_186 = arith.subi %squeeze3A_183, %and3A_185 : i32
        %eq3A_187 = vector.broadcast %sub3A_186 : i32 to vector<16xi32>
        %eq3A_188 = arith.cmpi eq, %iota3A, %eq3A_187 : vector<16xi32>
        %slice3A_189 = vector.extract_strided_slice %get3A_73 {offsets = [3], sizes = [1], strides = [1]} : vector<16xf32> to vector<1xf32>
        %squeeze3A_190 = vector.extract %slice3A_189[0] : f32 from vector<1xf32>
        %jit3A_191 = arith.constant 0.000000e+00 : f32
        %broadcast_in_dim3A_192 = vector.broadcast %squeeze3A_190 : f32 to vector<16xf32>
        %broadcast_in_dim3A_193 = vector.broadcast %jit3A_191 : f32 to vector<16xf32>
        %select_n3A_194 = arith.select %eq3A_188, %broadcast_in_dim3A_192, %broadcast_in_dim3A_193 : vector<16xi1>, vector<16xf32>
        %swap3A_195 = arith.index_cast %and3A_185 : i32 to index
        %swap3A_196 = tpu.vector_load %arg10[%swap3A_195] {strides = array<i32>} : memref<10240xf32, #tpu.memory_space<vmem>>, vector<16xf32>,
        %swap3A_197 = vector.shape_cast %swap3A_196 : vector<16xf32> to vector<16xf32>
        %swap3A_198 = vector.shape_cast %select_n3A_194 : vector<16xf32> to vector<16xf32>
        tpu.vector_store %arg10[%swap3A_195], %swap3A_198 {add = true, strides = array<i32>} : memref<10240xf32, #tpu.memory_space<vmem>>, vector<16xf32>,
        %slice3A_199 = vector.extract_strided_slice %get3A_76 {offsets = [3], sizes = [1], strides = [1]} : vector<16xf32> to vector<1xf32>
        %squeeze3A_200 = vector.extract %slice3A_199[0] : f32 from vector<1xf32>
        %jit3A_201 = arith.constant 0.000000e+00 : f32
        %broadcast_in_dim3A_202 = vector.broadcast %squeeze3A_200 : f32 to vector<16xf32>
        %broadcast_in_dim3A_203 = vector.broadcast %jit3A_201 : f32 to vector<16xf32>
        %select_n3A_204 = arith.select %eq3A_188, %broadcast_in_dim3A_202, %broadcast_in_dim3A_203 : vector<16xi1>, vector<16xf32>
        %swap3A_205 = arith.index_cast %and3A_185 : i32 to index
        %swap3A_206 = tpu.vector_load %arg11[%swap3A_205] {strides = array<i32>} : memref<10240xf32, #tpu.memory_space<vmem>>, vector<16xf32>,
        %swap3A_207 = vector.shape_cast %swap3A_206 : vector<16xf32> to vector<16xf32>
        %swap3A_208 = vector.shape_cast %select_n3A_204 : vector<16xf32> to vector<16xf32>
        tpu.vector_store %arg11[%swap3A_205], %swap3A_208 {add = true, strides = array<i32>} : memref<10240xf32, #tpu.memory_space<vmem>>, vector<16xf32>,
        %slice3A_209 = vector.extract_strided_slice %get3A_79 {offsets = [3], sizes = [1], strides = [1]} : vector<16xf32> to vector<1xf32>
        %squeeze3A_210 = vector.extract %slice3A_209[0] : f32 from vector<1xf32>
        %jit3A_211 = arith.constant 0.000000e+00 : f32
        %broadcast_in_dim3A_212 = vector.broadcast %squeeze3A_210 : f32 to vector<16xf32>
        %broadcast_in_dim3A_213 = vector.broadcast %jit3A_211 : f32 to vector<16xf32>
        %select_n3A_214 = arith.select %eq3A_188, %broadcast_in_dim3A_212, %broadcast_in_dim3A_213 : vector<16xi1>, vector<16xf32>
        %swap3A_215 = arith.index_cast %and3A_185 : i32 to index
        %swap3A_216 = tpu.vector_load %arg12[%swap3A_215] {strides = array<i32>} : memref<10240xf32, #tpu.memory_space<vmem>>, vector<16xf32>,
        %swap3A_217 = vector.shape_cast %swap3A_216 : vector<16xf32> to vector<16xf32>
        %swap3A_218 = vector.shape_cast %select_n3A_214 : vector<16xf32> to vector<16xf32>
        tpu.vector_store %arg12[%swap3A_215], %swap3A_218 {add = true, strides = array<i32>} : memref<10240xf32, #tpu.memory_space<vmem>>, vector<16xf32>,
        %slice3A_219 = vector.extract_strided_slice %get3A_70 {offsets = [4], sizes = [1], strides = [1]} : vector<16xi32> to vector<1xi32>
        %squeeze3A_220 = vector.extract %slice3A_219[0] : i32 from vector<1xi32>
        %and3A_221 = arith.constant -16 : i32
        %and3A_222 = arith.andi %squeeze3A_220, %and3A_221 : i32
        %sub3A_223 = arith.subi %squeeze3A_220, %and3A_222 : i32
        %eq3A_224 = vector.broadcast %sub3A_223 : i32 to vector<16xi32>
        %eq3A_225 = arith.cmpi eq, %iota3A, %eq3A_224 : vector<16xi32>
        %slice3A_226 = vector.extract_strided_slice %get3A_73 {offsets = [4], sizes = [1], strides = [1]} : vector<16xf32> to vector<1xf32>
        %squeeze3A_227 = vector.extract %slice3A_226[0] : f32 from vector<1xf32>
        %jit3A_228 = arith.constant 0.000000e+00 : f32
        %broadcast_in_dim3A_229 = vector.broadcast %squeeze3A_227 : f32 to vector<16xf32>
        %broadcast_in_dim3A_230 = vector.broadcast %jit3A_228 : f32 to vector<16xf32>
        %select_n3A_231 = arith.select %eq3A_225, %broadcast_in_dim3A_229, %broadcast_in_dim3A_230 : vector<16xi1>, vector<16xf32>
        %swap3A_232 = arith.index_cast %and3A_222 : i32 to index
        %swap3A_233 = tpu.vector_load %arg10[%swap3A_232] {strides = array<i32>} : memref<10240xf32, #tpu.memory_space<vmem>>, vector<16xf32>,
        %swap3A_234 = vector.shape_cast %swap3A_233 : vector<16xf32> to vector<16xf32>
        %swap3A_235 = vector.shape_cast %select_n3A_231 : vector<16xf32> to vector<16xf32>
        tpu.vector_store %arg10[%swap3A_232], %swap3A_235 {add = true, strides = array<i32>} : memref<10240xf32, #tpu.memory_space<vmem>>, vector<16xf32>,
        %slice3A_236 = vector.extract_strided_slice %get3A_76 {offsets = [4], sizes = [1], strides = [1]} : vector<16xf32> to vector<1xf32>
        %squeeze3A_237 = vector.extract %slice3A_236[0] : f32 from vector<1xf32>
        %jit3A_238 = arith.constant 0.000000e+00 : f32
        %broadcast_in_dim3A_239 = vector.broadcast %squeeze3A_237 : f32 to vector<16xf32>
        %broadcast_in_dim3A_240 = vector.broadcast %jit3A_238 : f32 to vector<16xf32>
        %select_n3A_241 = arith.select %eq3A_225, %broadcast_in_dim3A_239, %broadcast_in_dim3A_240 : vector<16xi1>, vector<16xf32>
        %swap3A_242 = arith.index_cast %and3A_222 : i32 to index
        %swap3A_243 = tpu.vector_load %arg11[%swap3A_242] {strides = array<i32>} : memref<10240xf32, #tpu.memory_space<vmem>>, vector<16xf32>,
        %swap3A_244 = vector.shape_cast %swap3A_243 : vector<16xf32> to vector<16xf32>
        %swap3A_245 = vector.shape_cast %select_n3A_241 : vector<16xf32> to vector<16xf32>
        tpu.vector_store %arg11[%swap3A_242], %swap3A_245 {add = true, strides = array<i32>} : memref<10240xf32, #tpu.memory_space<vmem>>, vector<16xf32>,
        %slice3A_246 = vector.extract_strided_slice %get3A_79 {offsets = [4], sizes = [1], strides = [1]} : vector<16xf32> to vector<1xf32>
        %squeeze3A_247 = vector.extract %slice3A_246[0] : f32 from vector<1xf32>
        %jit3A_248 = arith.constant 0.000000e+00 : f32
        %broadcast_in_dim3A_249 = vector.broadcast %squeeze3A_247 : f32 to vector<16xf32>
        %broadcast_in_dim3A_250 = vector.broadcast %jit3A_248 : f32 to vector<16xf32>
        %select_n3A_251 = arith.select %eq3A_225, %broadcast_in_dim3A_249, %broadcast_in_dim3A_250 : vector<16xi1>, vector<16xf32>
        %swap3A_252 = arith.index_cast %and3A_222 : i32 to index
        %swap3A_253 = tpu.vector_load %arg12[%swap3A_252] {strides = array<i32>} : memref<10240xf32, #tpu.memory_space<vmem>>, vector<16xf32>,
        %swap3A_254 = vector.shape_cast %swap3A_253 : vector<16xf32> to vector<16xf32>
        %swap3A_255 = vector.shape_cast %select_n3A_251 : vector<16xf32> to vector<16xf32>
        tpu.vector_store %arg12[%swap3A_252], %swap3A_255 {add = true, strides = array<i32>} : memref<10240xf32, #tpu.memory_space<vmem>>, vector<16xf32>,
        %slice3A_256 = vector.extract_strided_slice %get3A_70 {offsets = [5], sizes = [1], strides = [1]} : vector<16xi32> to vector<1xi32>
        %squeeze3A_257 = vector.extract %slice3A_256[0] : i32 from vector<1xi32>
        %and3A_258 = arith.constant -16 : i32
        %and3A_259 = arith.andi %squeeze3A_257, %and3A_258 : i32
        %sub3A_260 = arith.subi %squeeze3A_257, %and3A_259 : i32
        %eq3A_261 = vector.broadcast %sub3A_260 : i32 to vector<16xi32>
        %eq3A_262 = arith.cmpi eq, %iota3A, %eq3A_261 : vector<16xi32>
        %slice3A_263 = vector.extract_strided_slice %get3A_73 {offsets = [5], sizes = [1], strides = [1]} : vector<16xf32> to vector<1xf32>
        %squeeze3A_264 = vector.extract %slice3A_263[0] : f32 from vector<1xf32>
        %jit3A_265 = arith.constant 0.000000e+00 : f32
        %broadcast_in_dim3A_266 = vector.broadcast %squeeze3A_264 : f32 to vector<16xf32>
        %broadcast_in_dim3A_267 = vector.broadcast %jit3A_265 : f32 to vector<16xf32>
        %select_n3A_268 = arith.select %eq3A_262, %broadcast_in_dim3A_266, %broadcast_in_dim3A_267 : vector<16xi1>, vector<16xf32>
        %swap3A_269 = arith.index_cast %and3A_259 : i32 to index
        %swap3A_270 = tpu.vector_load %arg10[%swap3A_269] {strides = array<i32>} : memref<10240xf32, #tpu.memory_space<vmem>>, vector<16xf32>,
        %swap3A_271 = vector.shape_cast %swap3A_270 : vector<16xf32> to vector<16xf32>
        %swap3A_272 = vector.shape_cast %select_n3A_268 : vector<16xf32> to vector<16xf32>
        tpu.vector_store %arg10[%swap3A_269], %swap3A_272 {add = true, strides = array<i32>} : memref<10240xf32, #tpu.memory_space<vmem>>, vector<16xf32>,
        %slice3A_273 = vector.extract_strided_slice %get3A_76 {offsets = [5], sizes = [1], strides = [1]} : vector<16xf32> to vector<1xf32>
        %squeeze3A_274 = vector.extract %slice3A_273[0] : f32 from vector<1xf32>
        %jit3A_275 = arith.constant 0.000000e+00 : f32
        %broadcast_in_dim3A_276 = vector.broadcast %squeeze3A_274 : f32 to vector<16xf32>
        %broadcast_in_dim3A_277 = vector.broadcast %jit3A_275 : f32 to vector<16xf32>
        %select_n3A_278 = arith.select %eq3A_262, %broadcast_in_dim3A_276, %broadcast_in_dim3A_277 : vector<16xi1>, vector<16xf32>
        %swap3A_279 = arith.index_cast %and3A_259 : i32 to index
        %swap3A_280 = tpu.vector_load %arg11[%swap3A_279] {strides = array<i32>} : memref<10240xf32, #tpu.memory_space<vmem>>, vector<16xf32>,
        %swap3A_281 = vector.shape_cast %swap3A_280 : vector<16xf32> to vector<16xf32>
        %swap3A_282 = vector.shape_cast %select_n3A_278 : vector<16xf32> to vector<16xf32>
        tpu.vector_store %arg11[%swap3A_279], %swap3A_282 {add = true, strides = array<i32>} : memref<10240xf32, #tpu.memory_space<vmem>>, vector<16xf32>,
        %slice3A_283 = vector.extract_strided_slice %get3A_79 {offsets = [5], sizes = [1], strides = [1]} : vector<16xf32> to vector<1xf32>
        %squeeze3A_284 = vector.extract %slice3A_283[0] : f32 from vector<1xf32>
        %jit3A_285 = arith.constant 0.000000e+00 : f32
        %broadcast_in_dim3A_286 = vector.broadcast %squeeze3A_284 : f32 to vector<16xf32>
        %broadcast_in_dim3A_287 = vector.broadcast %jit3A_285 : f32 to vector<16xf32>
        %select_n3A_288 = arith.select %eq3A_262, %broadcast_in_dim3A_286, %broadcast_in_dim3A_287 : vector<16xi1>, vector<16xf32>
        %swap3A_289 = arith.index_cast %and3A_259 : i32 to index
        %swap3A_290 = tpu.vector_load %arg12[%swap3A_289] {strides = array<i32>} : memref<10240xf32, #tpu.memory_space<vmem>>, vector<16xf32>,
        %swap3A_291 = vector.shape_cast %swap3A_290 : vector<16xf32> to vector<16xf32>
        %swap3A_292 = vector.shape_cast %select_n3A_288 : vector<16xf32> to vector<16xf32>
        tpu.vector_store %arg12[%swap3A_289], %swap3A_292 {add = true, strides = array<i32>} : memref<10240xf32, #tpu.memory_space<vmem>>, vector<16xf32>,
        %slice3A_293 = vector.extract_strided_slice %get3A_70 {offsets = [6], sizes = [1], strides = [1]} : vector<16xi32> to vector<1xi32>
        %squeeze3A_294 = vector.extract %slice3A_293[0] : i32 from vector<1xi32>
        %and3A_295 = arith.constant -16 : i32
        %and3A_296 = arith.andi %squeeze3A_294, %and3A_295 : i32
        %sub3A_297 = arith.subi %squeeze3A_294, %and3A_296 : i32
        %eq3A_298 = vector.broadcast %sub3A_297 : i32 to vector<16xi32>
        %eq3A_299 = arith.cmpi eq, %iota3A, %eq3A_298 : vector<16xi32>
        %slice3A_300 = vector.extract_strided_slice %get3A_73 {offsets = [6], sizes = [1], strides = [1]} : vector<16xf32> to vector<1xf32>
        %squeeze3A_301 = vector.extract %slice3A_300[0] : f32 from vector<1xf32>
        %jit3A_302 = arith.constant 0.000000e+00 : f32
        %broadcast_in_dim3A_303 = vector.broadcast %squeeze3A_301 : f32 to vector<16xf32>
        %broadcast_in_dim3A_304 = vector.broadcast %jit3A_302 : f32 to vector<16xf32>
        %select_n3A_305 = arith.select %eq3A_299, %broadcast_in_dim3A_303, %broadcast_in_dim3A_304 : vector<16xi1>, vector<16xf32>
        %swap3A_306 = arith.index_cast %and3A_296 : i32 to index
        %swap3A_307 = tpu.vector_load %arg10[%swap3A_306] {strides = array<i32>} : memref<10240xf32, #tpu.memory_space<vmem>>, vector<16xf32>,
        %swap3A_308 = vector.shape_cast %swap3A_307 : vector<16xf32> to vector<16xf32>
        %swap3A_309 = vector.shape_cast %select_n3A_305 : vector<16xf32> to vector<16xf32>
        tpu.vector_store %arg10[%swap3A_306], %swap3A_309 {add = true, strides = array<i32>} : memref<10240xf32, #tpu.memory_space<vmem>>, vector<16xf32>,
        %slice3A_310 = vector.extract_strided_slice %get3A_76 {offsets = [6], sizes = [1], strides = [1]} : vector<16xf32> to vector<1xf32>
        %squeeze3A_311 = vector.extract %slice3A_310[0] : f32 from vector<1xf32>
        %jit3A_312 = arith.constant 0.000000e+00 : f32
        %broadcast_in_dim3A_313 = vector.broadcast %squeeze3A_311 : f32 to vector<16xf32>
        %broadcast_in_dim3A_314 = vector.broadcast %jit3A_312 : f32 to vector<16xf32>
        %select_n3A_315 = arith.select %eq3A_299, %broadcast_in_dim3A_313, %broadcast_in_dim3A_314 : vector<16xi1>, vector<16xf32>
        %swap3A_316 = arith.index_cast %and3A_296 : i32 to index
        %swap3A_317 = tpu.vector_load %arg11[%swap3A_316] {strides = array<i32>} : memref<10240xf32, #tpu.memory_space<vmem>>, vector<16xf32>,
        %swap3A_318 = vector.shape_cast %swap3A_317 : vector<16xf32> to vector<16xf32>
        %swap3A_319 = vector.shape_cast %select_n3A_315 : vector<16xf32> to vector<16xf32>
        tpu.vector_store %arg11[%swap3A_316], %swap3A_319 {add = true, strides = array<i32>} : memref<10240xf32, #tpu.memory_space<vmem>>, vector<16xf32>,
        %slice3A_320 = vector.extract_strided_slice %get3A_79 {offsets = [6], sizes = [1], strides = [1]} : vector<16xf32> to vector<1xf32>
        %squeeze3A_321 = vector.extract %slice3A_320[0] : f32 from vector<1xf32>
        %jit3A_322 = arith.constant 0.000000e+00 : f32
        %broadcast_in_dim3A_323 = vector.broadcast %squeeze3A_321 : f32 to vector<16xf32>
        %broadcast_in_dim3A_324 = vector.broadcast %jit3A_322 : f32 to vector<16xf32>
        %select_n3A_325 = arith.select %eq3A_299, %broadcast_in_dim3A_323, %broadcast_in_dim3A_324 : vector<16xi1>, vector<16xf32>
        %swap3A_326 = arith.index_cast %and3A_296 : i32 to index
        %swap3A_327 = tpu.vector_load %arg12[%swap3A_326] {strides = array<i32>} : memref<10240xf32, #tpu.memory_space<vmem>>, vector<16xf32>,
        %swap3A_328 = vector.shape_cast %swap3A_327 : vector<16xf32> to vector<16xf32>
        %swap3A_329 = vector.shape_cast %select_n3A_325 : vector<16xf32> to vector<16xf32>
        tpu.vector_store %arg12[%swap3A_326], %swap3A_329 {add = true, strides = array<i32>} : memref<10240xf32, #tpu.memory_space<vmem>>, vector<16xf32>,
        %slice3A_330 = vector.extract_strided_slice %get3A_70 {offsets = [7], sizes = [1], strides = [1]} : vector<16xi32> to vector<1xi32>
        %squeeze3A_331 = vector.extract %slice3A_330[0] : i32 from vector<1xi32>
        %and3A_332 = arith.constant -16 : i32
        %and3A_333 = arith.andi %squeeze3A_331, %and3A_332 : i32
        %sub3A_334 = arith.subi %squeeze3A_331, %and3A_333 : i32
        %eq3A_335 = vector.broadcast %sub3A_334 : i32 to vector<16xi32>
        %eq3A_336 = arith.cmpi eq, %iota3A, %eq3A_335 : vector<16xi32>
        %slice3A_337 = vector.extract_strided_slice %get3A_73 {offsets = [7], sizes = [1], strides = [1]} : vector<16xf32> to vector<1xf32>
        %squeeze3A_338 = vector.extract %slice3A_337[0] : f32 from vector<1xf32>
        %jit3A_339 = arith.constant 0.000000e+00 : f32
        %broadcast_in_dim3A_340 = vector.broadcast %squeeze3A_338 : f32 to vector<16xf32>
        %broadcast_in_dim3A_341 = vector.broadcast %jit3A_339 : f32 to vector<16xf32>
        %select_n3A_342 = arith.select %eq3A_336, %broadcast_in_dim3A_340, %broadcast_in_dim3A_341 : vector<16xi1>, vector<16xf32>
        %swap3A_343 = arith.index_cast %and3A_333 : i32 to index
        %swap3A_344 = tpu.vector_load %arg10[%swap3A_343] {strides = array<i32>} : memref<10240xf32, #tpu.memory_space<vmem>>, vector<16xf32>,
        %swap3A_345 = vector.shape_cast %swap3A_344 : vector<16xf32> to vector<16xf32>
        %swap3A_346 = vector.shape_cast %select_n3A_342 : vector<16xf32> to vector<16xf32>
        tpu.vector_store %arg10[%swap3A_343], %swap3A_346 {add = true, strides = array<i32>} : memref<10240xf32, #tpu.memory_space<vmem>>, vector<16xf32>,
        %slice3A_347 = vector.extract_strided_slice %get3A_76 {offsets = [7], sizes = [1], strides = [1]} : vector<16xf32> to vector<1xf32>
        %squeeze3A_348 = vector.extract %slice3A_347[0] : f32 from vector<1xf32>
        %jit3A_349 = arith.constant 0.000000e+00 : f32
        %broadcast_in_dim3A_350 = vector.broadcast %squeeze3A_348 : f32 to vector<16xf32>
        %broadcast_in_dim3A_351 = vector.broadcast %jit3A_349 : f32 to vector<16xf32>
        %select_n3A_352 = arith.select %eq3A_336, %broadcast_in_dim3A_350, %broadcast_in_dim3A_351 : vector<16xi1>, vector<16xf32>
        %swap3A_353 = arith.index_cast %and3A_333 : i32 to index
        %swap3A_354 = tpu.vector_load %arg11[%swap3A_353] {strides = array<i32>} : memref<10240xf32, #tpu.memory_space<vmem>>, vector<16xf32>,
        %swap3A_355 = vector.shape_cast %swap3A_354 : vector<16xf32> to vector<16xf32>
        %swap3A_356 = vector.shape_cast %select_n3A_352 : vector<16xf32> to vector<16xf32>
        tpu.vector_store %arg11[%swap3A_353], %swap3A_356 {add = true, strides = array<i32>} : memref<10240xf32, #tpu.memory_space<vmem>>, vector<16xf32>,
        %slice3A_357 = vector.extract_strided_slice %get3A_79 {offsets = [7], sizes = [1], strides = [1]} : vector<16xf32> to vector<1xf32>
        %squeeze3A_358 = vector.extract %slice3A_357[0] : f32 from vector<1xf32>
        %jit3A_359 = arith.constant 0.000000e+00 : f32
        %broadcast_in_dim3A_360 = vector.broadcast %squeeze3A_358 : f32 to vector<16xf32>
        %broadcast_in_dim3A_361 = vector.broadcast %jit3A_359 : f32 to vector<16xf32>
        %select_n3A_362 = arith.select %eq3A_336, %broadcast_in_dim3A_360, %broadcast_in_dim3A_361 : vector<16xi1>, vector<16xf32>
        %swap3A_363 = arith.index_cast %and3A_333 : i32 to index
        %swap3A_364 = tpu.vector_load %arg12[%swap3A_363] {strides = array<i32>} : memref<10240xf32, #tpu.memory_space<vmem>>, vector<16xf32>,
        %swap3A_365 = vector.shape_cast %swap3A_364 : vector<16xf32> to vector<16xf32>
        %swap3A_366 = vector.shape_cast %select_n3A_362 : vector<16xf32> to vector<16xf32>
        tpu.vector_store %arg12[%swap3A_363], %swap3A_366 {add = true, strides = array<i32>} : memref<10240xf32, #tpu.memory_space<vmem>>, vector<16xf32>,
        %slice3A_367 = vector.extract_strided_slice %get3A_70 {offsets = [8], sizes = [1], strides = [1]} : vector<16xi32> to vector<1xi32>
        %squeeze3A_368 = vector.extract %slice3A_367[0] : i32 from vector<1xi32>
        %and3A_369 = arith.constant -16 : i32
        %and3A_370 = arith.andi %squeeze3A_368, %and3A_369 : i32
        %sub3A_371 = arith.subi %squeeze3A_368, %and3A_370 : i32
        %eq3A_372 = vector.broadcast %sub3A_371 : i32 to vector<16xi32>
        %eq3A_373 = arith.cmpi eq, %iota3A, %eq3A_372 : vector<16xi32>
        %slice3A_374 = vector.extract_strided_slice %get3A_73 {offsets = [8], sizes = [1], strides = [1]} : vector<16xf32> to vector<1xf32>
        %squeeze3A_375 = vector.extract %slice3A_374[0] : f32 from vector<1xf32>
        %jit3A_376 = arith.constant 0.000000e+00 : f32
        %broadcast_in_dim3A_377 = vector.broadcast %squeeze3A_375 : f32 to vector<16xf32>
        %broadcast_in_dim3A_378 = vector.broadcast %jit3A_376 : f32 to vector<16xf32>
        %select_n3A_379 = arith.select %eq3A_373, %broadcast_in_dim3A_377, %broadcast_in_dim3A_378 : vector<16xi1>, vector<16xf32>
        %swap3A_380 = arith.index_cast %and3A_370 : i32 to index
        %swap3A_381 = tpu.vector_load %arg10[%swap3A_380] {strides = array<i32>} : memref<10240xf32, #tpu.memory_space<vmem>>, vector<16xf32>,
        %swap3A_382 = vector.shape_cast %swap3A_381 : vector<16xf32> to vector<16xf32>
        %swap3A_383 = vector.shape_cast %select_n3A_379 : vector<16xf32> to vector<16xf32>
        tpu.vector_store %arg10[%swap3A_380], %swap3A_383 {add = true, strides = array<i32>} : memref<10240xf32, #tpu.memory_space<vmem>>, vector<16xf32>,
        %slice3A_384 = vector.extract_strided_slice %get3A_76 {offsets = [8], sizes = [1], strides = [1]} : vector<16xf32> to vector<1xf32>
        %squeeze3A_385 = vector.extract %slice3A_384[0] : f32 from vector<1xf32>
        %jit3A_386 = arith.constant 0.000000e+00 : f32
        %broadcast_in_dim3A_387 = vector.broadcast %squeeze3A_385 : f32 to vector<16xf32>
        %broadcast_in_dim3A_388 = vector.broadcast %jit3A_386 : f32 to vector<16xf32>
        %select_n3A_389 = arith.select %eq3A_373, %broadcast_in_dim3A_387, %broadcast_in_dim3A_388 : vector<16xi1>, vector<16xf32>
        %swap3A_390 = arith.index_cast %and3A_370 : i32 to index
        %swap3A_391 = tpu.vector_load %arg11[%swap3A_390] {strides = array<i32>} : memref<10240xf32, #tpu.memory_space<vmem>>, vector<16xf32>,
        %swap3A_392 = vector.shape_cast %swap3A_391 : vector<16xf32> to vector<16xf32>
        %swap3A_393 = vector.shape_cast %select_n3A_389 : vector<16xf32> to vector<16xf32>
        tpu.vector_store %arg11[%swap3A_390], %swap3A_393 {add = true, strides = array<i32>} : memref<10240xf32, #tpu.memory_space<vmem>>, vector<16xf32>,
        %slice3A_394 = vector.extract_strided_slice %get3A_79 {offsets = [8], sizes = [1], strides = [1]} : vector<16xf32> to vector<1xf32>
        %squeeze3A_395 = vector.extract %slice3A_394[0] : f32 from vector<1xf32>
        %jit3A_396 = arith.constant 0.000000e+00 : f32
        %broadcast_in_dim3A_397 = vector.broadcast %squeeze3A_395 : f32 to vector<16xf32>
        %broadcast_in_dim3A_398 = vector.broadcast %jit3A_396 : f32 to vector<16xf32>
        %select_n3A_399 = arith.select %eq3A_373, %broadcast_in_dim3A_397, %broadcast_in_dim3A_398 : vector<16xi1>, vector<16xf32>
        %swap3A_400 = arith.index_cast %and3A_370 : i32 to index
        %swap3A_401 = tpu.vector_load %arg12[%swap3A_400] {strides = array<i32>} : memref<10240xf32, #tpu.memory_space<vmem>>, vector<16xf32>,
        %swap3A_402 = vector.shape_cast %swap3A_401 : vector<16xf32> to vector<16xf32>
        %swap3A_403 = vector.shape_cast %select_n3A_399 : vector<16xf32> to vector<16xf32>
        tpu.vector_store %arg12[%swap3A_400], %swap3A_403 {add = true, strides = array<i32>} : memref<10240xf32, #tpu.memory_space<vmem>>, vector<16xf32>,
        %slice3A_404 = vector.extract_strided_slice %get3A_70 {offsets = [9], sizes = [1], strides = [1]} : vector<16xi32> to vector<1xi32>
        %squeeze3A_405 = vector.extract %slice3A_404[0] : i32 from vector<1xi32>
        %and3A_406 = arith.constant -16 : i32
        %and3A_407 = arith.andi %squeeze3A_405, %and3A_406 : i32
        %sub3A_408 = arith.subi %squeeze3A_405, %and3A_407 : i32
        %eq3A_409 = vector.broadcast %sub3A_408 : i32 to vector<16xi32>
        %eq3A_410 = arith.cmpi eq, %iota3A, %eq3A_409 : vector<16xi32>
        %slice3A_411 = vector.extract_strided_slice %get3A_73 {offsets = [9], sizes = [1], strides = [1]} : vector<16xf32> to vector<1xf32>
        %squeeze3A_412 = vector.extract %slice3A_411[0] : f32 from vector<1xf32>
        %jit3A_413 = arith.constant 0.000000e+00 : f32
        %broadcast_in_dim3A_414 = vector.broadcast %squeeze3A_412 : f32 to vector<16xf32>
        %broadcast_in_dim3A_415 = vector.broadcast %jit3A_413 : f32 to vector<16xf32>
        %select_n3A_416 = arith.select %eq3A_410, %broadcast_in_dim3A_414, %broadcast_in_dim3A_415 : vector<16xi1>, vector<16xf32>
        %swap3A_417 = arith.index_cast %and3A_407 : i32 to index
        %swap3A_418 = tpu.vector_load %arg10[%swap3A_417] {strides = array<i32>} : memref<10240xf32, #tpu.memory_space<vmem>>, vector<16xf32>,
        %swap3A_419 = vector.shape_cast %swap3A_418 : vector<16xf32> to vector<16xf32>
        %swap3A_420 = vector.shape_cast %select_n3A_416 : vector<16xf32> to vector<16xf32>
        tpu.vector_store %arg10[%swap3A_417], %swap3A_420 {add = true, strides = array<i32>} : memref<10240xf32, #tpu.memory_space<vmem>>, vector<16xf32>,
        %slice3A_421 = vector.extract_strided_slice %get3A_76 {offsets = [9], sizes = [1], strides = [1]} : vector<16xf32> to vector<1xf32>
        %squeeze3A_422 = vector.extract %slice3A_421[0] : f32 from vector<1xf32>
        %jit3A_423 = arith.constant 0.000000e+00 : f32
        %broadcast_in_dim3A_424 = vector.broadcast %squeeze3A_422 : f32 to vector<16xf32>
        %broadcast_in_dim3A_425 = vector.broadcast %jit3A_423 : f32 to vector<16xf32>
        %select_n3A_426 = arith.select %eq3A_410, %broadcast_in_dim3A_424, %broadcast_in_dim3A_425 : vector<16xi1>, vector<16xf32>
        %swap3A_427 = arith.index_cast %and3A_407 : i32 to index
        %swap3A_428 = tpu.vector_load %arg11[%swap3A_427] {strides = array<i32>} : memref<10240xf32, #tpu.memory_space<vmem>>, vector<16xf32>,
        %swap3A_429 = vector.shape_cast %swap3A_428 : vector<16xf32> to vector<16xf32>
        %swap3A_430 = vector.shape_cast %select_n3A_426 : vector<16xf32> to vector<16xf32>
        tpu.vector_store %arg11[%swap3A_427], %swap3A_430 {add = true, strides = array<i32>} : memref<10240xf32, #tpu.memory_space<vmem>>, vector<16xf32>,
        %slice3A_431 = vector.extract_strided_slice %get3A_79 {offsets = [9], sizes = [1], strides = [1]} : vector<16xf32> to vector<1xf32>
        %squeeze3A_432 = vector.extract %slice3A_431[0] : f32 from vector<1xf32>
        %jit3A_433 = arith.constant 0.000000e+00 : f32
        %broadcast_in_dim3A_434 = vector.broadcast %squeeze3A_432 : f32 to vector<16xf32>
        %broadcast_in_dim3A_435 = vector.broadcast %jit3A_433 : f32 to vector<16xf32>
        %select_n3A_436 = arith.select %eq3A_410, %broadcast_in_dim3A_434, %broadcast_in_dim3A_435 : vector<16xi1>, vector<16xf32>
        %swap3A_437 = arith.index_cast %and3A_407 : i32 to index
        %swap3A_438 = tpu.vector_load %arg12[%swap3A_437] {strides = array<i32>} : memref<10240xf32, #tpu.memory_space<vmem>>, vector<16xf32>,
        %swap3A_439 = vector.shape_cast %swap3A_438 : vector<16xf32> to vector<16xf32>
        %swap3A_440 = vector.shape_cast %select_n3A_436 : vector<16xf32> to vector<16xf32>
        tpu.vector_store %arg12[%swap3A_437], %swap3A_440 {add = true, strides = array<i32>} : memref<10240xf32, #tpu.memory_space<vmem>>, vector<16xf32>,
        %slice3A_441 = vector.extract_strided_slice %get3A_70 {offsets = [10], sizes = [1], strides = [1]} : vector<16xi32> to vector<1xi32>
        %squeeze3A_442 = vector.extract %slice3A_441[0] : i32 from vector<1xi32>
        %and3A_443 = arith.constant -16 : i32
        %and3A_444 = arith.andi %squeeze3A_442, %and3A_443 : i32
        %sub3A_445 = arith.subi %squeeze3A_442, %and3A_444 : i32
        %eq3A_446 = vector.broadcast %sub3A_445 : i32 to vector<16xi32>
        %eq3A_447 = arith.cmpi eq, %iota3A, %eq3A_446 : vector<16xi32>
        %slice3A_448 = vector.extract_strided_slice %get3A_73 {offsets = [10], sizes = [1], strides = [1]} : vector<16xf32> to vector<1xf32>
        %squeeze3A_449 = vector.extract %slice3A_448[0] : f32 from vector<1xf32>
        %jit3A_450 = arith.constant 0.000000e+00 : f32
        %broadcast_in_dim3A_451 = vector.broadcast %squeeze3A_449 : f32 to vector<16xf32>
        %broadcast_in_dim3A_452 = vector.broadcast %jit3A_450 : f32 to vector<16xf32>
        %select_n3A_453 = arith.select %eq3A_447, %broadcast_in_dim3A_451, %broadcast_in_dim3A_452 : vector<16xi1>, vector<16xf32>
        %swap3A_454 = arith.index_cast %and3A_444 : i32 to index
        %swap3A_455 = tpu.vector_load %arg10[%swap3A_454] {strides = array<i32>} : memref<10240xf32, #tpu.memory_space<vmem>>, vector<16xf32>,
        %swap3A_456 = vector.shape_cast %swap3A_455 : vector<16xf32> to vector<16xf32>
        %swap3A_457 = vector.shape_cast %select_n3A_453 : vector<16xf32> to vector<16xf32>
        tpu.vector_store %arg10[%swap3A_454], %swap3A_457 {add = true, strides = array<i32>} : memref<10240xf32, #tpu.memory_space<vmem>>, vector<16xf32>,
        %slice3A_458 = vector.extract_strided_slice %get3A_76 {offsets = [10], sizes = [1], strides = [1]} : vector<16xf32> to vector<1xf32>
        %squeeze3A_459 = vector.extract %slice3A_458[0] : f32 from vector<1xf32>
        %jit3A_460 = arith.constant 0.000000e+00 : f32
        %broadcast_in_dim3A_461 = vector.broadcast %squeeze3A_459 : f32 to vector<16xf32>
        %broadcast_in_dim3A_462 = vector.broadcast %jit3A_460 : f32 to vector<16xf32>
        %select_n3A_463 = arith.select %eq3A_447, %broadcast_in_dim3A_461, %broadcast_in_dim3A_462 : vector<16xi1>, vector<16xf32>
        %swap3A_464 = arith.index_cast %and3A_444 : i32 to index
        %swap3A_465 = tpu.vector_load %arg11[%swap3A_464] {strides = array<i32>} : memref<10240xf32, #tpu.memory_space<vmem>>, vector<16xf32>,
        %swap3A_466 = vector.shape_cast %swap3A_465 : vector<16xf32> to vector<16xf32>
        %swap3A_467 = vector.shape_cast %select_n3A_463 : vector<16xf32> to vector<16xf32>
        tpu.vector_store %arg11[%swap3A_464], %swap3A_467 {add = true, strides = array<i32>} : memref<10240xf32, #tpu.memory_space<vmem>>, vector<16xf32>,
        %slice3A_468 = vector.extract_strided_slice %get3A_79 {offsets = [10], sizes = [1], strides = [1]} : vector<16xf32> to vector<1xf32>
        %squeeze3A_469 = vector.extract %slice3A_468[0] : f32 from vector<1xf32>
        %jit3A_470 = arith.constant 0.000000e+00 : f32
        %broadcast_in_dim3A_471 = vector.broadcast %squeeze3A_469 : f32 to vector<16xf32>
        %broadcast_in_dim3A_472 = vector.broadcast %jit3A_470 : f32 to vector<16xf32>
        %select_n3A_473 = arith.select %eq3A_447, %broadcast_in_dim3A_471, %broadcast_in_dim3A_472 : vector<16xi1>, vector<16xf32>
        %swap3A_474 = arith.index_cast %and3A_444 : i32 to index
        %swap3A_475 = tpu.vector_load %arg12[%swap3A_474] {strides = array<i32>} : memref<10240xf32, #tpu.memory_space<vmem>>, vector<16xf32>,
        %swap3A_476 = vector.shape_cast %swap3A_475 : vector<16xf32> to vector<16xf32>
        %swap3A_477 = vector.shape_cast %select_n3A_473 : vector<16xf32> to vector<16xf32>
        tpu.vector_store %arg12[%swap3A_474], %swap3A_477 {add = true, strides = array<i32>} : memref<10240xf32, #tpu.memory_space<vmem>>, vector<16xf32>,
        %slice3A_478 = vector.extract_strided_slice %get3A_70 {offsets = [11], sizes = [1], strides = [1]} : vector<16xi32> to vector<1xi32>
        %squeeze3A_479 = vector.extract %slice3A_478[0] : i32 from vector<1xi32>
        %and3A_480 = arith.constant -16 : i32
        %and3A_481 = arith.andi %squeeze3A_479, %and3A_480 : i32
        %sub3A_482 = arith.subi %squeeze3A_479, %and3A_481 : i32
        %eq3A_483 = vector.broadcast %sub3A_482 : i32 to vector<16xi32>
        %eq3A_484 = arith.cmpi eq, %iota3A, %eq3A_483 : vector<16xi32>
        %slice3A_485 = vector.extract_strided_slice %get3A_73 {offsets = [11], sizes = [1], strides = [1]} : vector<16xf32> to vector<1xf32>
        %squeeze3A_486 = vector.extract %slice3A_485[0] : f32 from vector<1xf32>
        %jit3A_487 = arith.constant 0.000000e+00 : f32
        %broadcast_in_dim3A_488 = vector.broadcast %squeeze3A_486 : f32 to vector<16xf32>
        %broadcast_in_dim3A_489 = vector.broadcast %jit3A_487 : f32 to vector<16xf32>
        %select_n3A_490 = arith.select %eq3A_484, %broadcast_in_dim3A_488, %broadcast_in_dim3A_489 : vector<16xi1>, vector<16xf32>
        %swap3A_491 = arith.index_cast %and3A_481 : i32 to index
        %swap3A_492 = tpu.vector_load %arg10[%swap3A_491] {strides = array<i32>} : memref<10240xf32, #tpu.memory_space<vmem>>, vector<16xf32>,
        %swap3A_493 = vector.shape_cast %swap3A_492 : vector<16xf32> to vector<16xf32>
        %swap3A_494 = vector.shape_cast %select_n3A_490 : vector<16xf32> to vector<16xf32>
        tpu.vector_store %arg10[%swap3A_491], %swap3A_494 {add = true, strides = array<i32>} : memref<10240xf32, #tpu.memory_space<vmem>>, vector<16xf32>,
        %slice3A_495 = vector.extract_strided_slice %get3A_76 {offsets = [11], sizes = [1], strides = [1]} : vector<16xf32> to vector<1xf32>
        %squeeze3A_496 = vector.extract %slice3A_495[0] : f32 from vector<1xf32>
        %jit3A_497 = arith.constant 0.000000e+00 : f32
        %broadcast_in_dim3A_498 = vector.broadcast %squeeze3A_496 : f32 to vector<16xf32>
        %broadcast_in_dim3A_499 = vector.broadcast %jit3A_497 : f32 to vector<16xf32>
        %select_n3A_500 = arith.select %eq3A_484, %broadcast_in_dim3A_498, %broadcast_in_dim3A_499 : vector<16xi1>, vector<16xf32>
        %swap3A_501 = arith.index_cast %and3A_481 : i32 to index
        %swap3A_502 = tpu.vector_load %arg11[%swap3A_501] {strides = array<i32>} : memref<10240xf32, #tpu.memory_space<vmem>>, vector<16xf32>,
        %swap3A_503 = vector.shape_cast %swap3A_502 : vector<16xf32> to vector<16xf32>
        %swap3A_504 = vector.shape_cast %select_n3A_500 : vector<16xf32> to vector<16xf32>
        tpu.vector_store %arg11[%swap3A_501], %swap3A_504 {add = true, strides = array<i32>} : memref<10240xf32, #tpu.memory_space<vmem>>, vector<16xf32>,
        %slice3A_505 = vector.extract_strided_slice %get3A_79 {offsets = [11], sizes = [1], strides = [1]} : vector<16xf32> to vector<1xf32>
        %squeeze3A_506 = vector.extract %slice3A_505[0] : f32 from vector<1xf32>
        %jit3A_507 = arith.constant 0.000000e+00 : f32
        %broadcast_in_dim3A_508 = vector.broadcast %squeeze3A_506 : f32 to vector<16xf32>
        %broadcast_in_dim3A_509 = vector.broadcast %jit3A_507 : f32 to vector<16xf32>
        %select_n3A_510 = arith.select %eq3A_484, %broadcast_in_dim3A_508, %broadcast_in_dim3A_509 : vector<16xi1>, vector<16xf32>
        %swap3A_511 = arith.index_cast %and3A_481 : i32 to index
        %swap3A_512 = tpu.vector_load %arg12[%swap3A_511] {strides = array<i32>} : memref<10240xf32, #tpu.memory_space<vmem>>, vector<16xf32>,
        %swap3A_513 = vector.shape_cast %swap3A_512 : vector<16xf32> to vector<16xf32>
        %swap3A_514 = vector.shape_cast %select_n3A_510 : vector<16xf32> to vector<16xf32>
        tpu.vector_store %arg12[%swap3A_511], %swap3A_514 {add = true, strides = array<i32>} : memref<10240xf32, #tpu.memory_space<vmem>>, vector<16xf32>,
        %slice3A_515 = vector.extract_strided_slice %get3A_70 {offsets = [12], sizes = [1], strides = [1]} : vector<16xi32> to vector<1xi32>
        %squeeze3A_516 = vector.extract %slice3A_515[0] : i32 from vector<1xi32>
        %and3A_517 = arith.constant -16 : i32
        %and3A_518 = arith.andi %squeeze3A_516, %and3A_517 : i32
        %sub3A_519 = arith.subi %squeeze3A_516, %and3A_518 : i32
        %eq3A_520 = vector.broadcast %sub3A_519 : i32 to vector<16xi32>
        %eq3A_521 = arith.cmpi eq, %iota3A, %eq3A_520 : vector<16xi32>
        %slice3A_522 = vector.extract_strided_slice %get3A_73 {offsets = [12], sizes = [1], strides = [1]} : vector<16xf32> to vector<1xf32>
        %squeeze3A_523 = vector.extract %slice3A_522[0] : f32 from vector<1xf32>
        %jit3A_524 = arith.constant 0.000000e+00 : f32
        %broadcast_in_dim3A_525 = vector.broadcast %squeeze3A_523 : f32 to vector<16xf32>
        %broadcast_in_dim3A_526 = vector.broadcast %jit3A_524 : f32 to vector<16xf32>
        %select_n3A_527 = arith.select %eq3A_521, %broadcast_in_dim3A_525, %broadcast_in_dim3A_526 : vector<16xi1>, vector<16xf32>
        %swap3A_528 = arith.index_cast %and3A_518 : i32 to index
        %swap3A_529 = tpu.vector_load %arg10[%swap3A_528] {strides = array<i32>} : memref<10240xf32, #tpu.memory_space<vmem>>, vector<16xf32>,
        %swap3A_530 = vector.shape_cast %swap3A_529 : vector<16xf32> to vector<16xf32>
        %swap3A_531 = vector.shape_cast %select_n3A_527 : vector<16xf32> to vector<16xf32>
        tpu.vector_store %arg10[%swap3A_528], %swap3A_531 {add = true, strides = array<i32>} : memref<10240xf32, #tpu.memory_space<vmem>>, vector<16xf32>,
        %slice3A_532 = vector.extract_strided_slice %get3A_76 {offsets = [12], sizes = [1], strides = [1]} : vector<16xf32> to vector<1xf32>
        %squeeze3A_533 = vector.extract %slice3A_532[0] : f32 from vector<1xf32>
        %jit3A_534 = arith.constant 0.000000e+00 : f32
        %broadcast_in_dim3A_535 = vector.broadcast %squeeze3A_533 : f32 to vector<16xf32>
        %broadcast_in_dim3A_536 = vector.broadcast %jit3A_534 : f32 to vector<16xf32>
        %select_n3A_537 = arith.select %eq3A_521, %broadcast_in_dim3A_535, %broadcast_in_dim3A_536 : vector<16xi1>, vector<16xf32>
        %swap3A_538 = arith.index_cast %and3A_518 : i32 to index
        %swap3A_539 = tpu.vector_load %arg11[%swap3A_538] {strides = array<i32>} : memref<10240xf32, #tpu.memory_space<vmem>>, vector<16xf32>,
        %swap3A_540 = vector.shape_cast %swap3A_539 : vector<16xf32> to vector<16xf32>
        %swap3A_541 = vector.shape_cast %select_n3A_537 : vector<16xf32> to vector<16xf32>
        tpu.vector_store %arg11[%swap3A_538], %swap3A_541 {add = true, strides = array<i32>} : memref<10240xf32, #tpu.memory_space<vmem>>, vector<16xf32>,
        %slice3A_542 = vector.extract_strided_slice %get3A_79 {offsets = [12], sizes = [1], strides = [1]} : vector<16xf32> to vector<1xf32>
        %squeeze3A_543 = vector.extract %slice3A_542[0] : f32 from vector<1xf32>
        %jit3A_544 = arith.constant 0.000000e+00 : f32
        %broadcast_in_dim3A_545 = vector.broadcast %squeeze3A_543 : f32 to vector<16xf32>
        %broadcast_in_dim3A_546 = vector.broadcast %jit3A_544 : f32 to vector<16xf32>
        %select_n3A_547 = arith.select %eq3A_521, %broadcast_in_dim3A_545, %broadcast_in_dim3A_546 : vector<16xi1>, vector<16xf32>
        %swap3A_548 = arith.index_cast %and3A_518 : i32 to index
        %swap3A_549 = tpu.vector_load %arg12[%swap3A_548] {strides = array<i32>} : memref<10240xf32, #tpu.memory_space<vmem>>, vector<16xf32>,
        %swap3A_550 = vector.shape_cast %swap3A_549 : vector<16xf32> to vector<16xf32>
        %swap3A_551 = vector.shape_cast %select_n3A_547 : vector<16xf32> to vector<16xf32>
        tpu.vector_store %arg12[%swap3A_548], %swap3A_551 {add = true, strides = array<i32>} : memref<10240xf32, #tpu.memory_space<vmem>>, vector<16xf32>,
        %slice3A_552 = vector.extract_strided_slice %get3A_70 {offsets = [13], sizes = [1], strides = [1]} : vector<16xi32> to vector<1xi32>
        %squeeze3A_553 = vector.extract %slice3A_552[0] : i32 from vector<1xi32>
        %and3A_554 = arith.constant -16 : i32
        %and3A_555 = arith.andi %squeeze3A_553, %and3A_554 : i32
        %sub3A_556 = arith.subi %squeeze3A_553, %and3A_555 : i32
        %eq3A_557 = vector.broadcast %sub3A_556 : i32 to vector<16xi32>
        %eq3A_558 = arith.cmpi eq, %iota3A, %eq3A_557 : vector<16xi32>
        %slice3A_559 = vector.extract_strided_slice %get3A_73 {offsets = [13], sizes = [1], strides = [1]} : vector<16xf32> to vector<1xf32>
        %squeeze3A_560 = vector.extract %slice3A_559[0] : f32 from vector<1xf32>
        %jit3A_561 = arith.constant 0.000000e+00 : f32
        %broadcast_in_dim3A_562 = vector.broadcast %squeeze3A_560 : f32 to vector<16xf32>
        %broadcast_in_dim3A_563 = vector.broadcast %jit3A_561 : f32 to vector<16xf32>
        %select_n3A_564 = arith.select %eq3A_558, %broadcast_in_dim3A_562, %broadcast_in_dim3A_563 : vector<16xi1>, vector<16xf32>
        %swap3A_565 = arith.index_cast %and3A_555 : i32 to index
        %swap3A_566 = tpu.vector_load %arg10[%swap3A_565] {strides = array<i32>} : memref<10240xf32, #tpu.memory_space<vmem>>, vector<16xf32>,
        %swap3A_567 = vector.shape_cast %swap3A_566 : vector<16xf32> to vector<16xf32>
        %swap3A_568 = vector.shape_cast %select_n3A_564 : vector<16xf32> to vector<16xf32>
        tpu.vector_store %arg10[%swap3A_565], %swap3A_568 {add = true, strides = array<i32>} : memref<10240xf32, #tpu.memory_space<vmem>>, vector<16xf32>,
        %slice3A_569 = vector.extract_strided_slice %get3A_76 {offsets = [13], sizes = [1], strides = [1]} : vector<16xf32> to vector<1xf32>
        %squeeze3A_570 = vector.extract %slice3A_569[0] : f32 from vector<1xf32>
        %jit3A_571 = arith.constant 0.000000e+00 : f32
        %broadcast_in_dim3A_572 = vector.broadcast %squeeze3A_570 : f32 to vector<16xf32>
        %broadcast_in_dim3A_573 = vector.broadcast %jit3A_571 : f32 to vector<16xf32>
        %select_n3A_574 = arith.select %eq3A_558, %broadcast_in_dim3A_572, %broadcast_in_dim3A_573 : vector<16xi1>, vector<16xf32>
        %swap3A_575 = arith.index_cast %and3A_555 : i32 to index
        %swap3A_576 = tpu.vector_load %arg11[%swap3A_575] {strides = array<i32>} : memref<10240xf32, #tpu.memory_space<vmem>>, vector<16xf32>,
        %swap3A_577 = vector.shape_cast %swap3A_576 : vector<16xf32> to vector<16xf32>
        %swap3A_578 = vector.shape_cast %select_n3A_574 : vector<16xf32> to vector<16xf32>
        tpu.vector_store %arg11[%swap3A_575], %swap3A_578 {add = true, strides = array<i32>} : memref<10240xf32, #tpu.memory_space<vmem>>, vector<16xf32>,
        %slice3A_579 = vector.extract_strided_slice %get3A_79 {offsets = [13], sizes = [1], strides = [1]} : vector<16xf32> to vector<1xf32>
        %squeeze3A_580 = vector.extract %slice3A_579[0] : f32 from vector<1xf32>
        %jit3A_581 = arith.constant 0.000000e+00 : f32
        %broadcast_in_dim3A_582 = vector.broadcast %squeeze3A_580 : f32 to vector<16xf32>
        %broadcast_in_dim3A_583 = vector.broadcast %jit3A_581 : f32 to vector<16xf32>
        %select_n3A_584 = arith.select %eq3A_558, %broadcast_in_dim3A_582, %broadcast_in_dim3A_583 : vector<16xi1>, vector<16xf32>
        %swap3A_585 = arith.index_cast %and3A_555 : i32 to index
        %swap3A_586 = tpu.vector_load %arg12[%swap3A_585] {strides = array<i32>} : memref<10240xf32, #tpu.memory_space<vmem>>, vector<16xf32>,
        %swap3A_587 = vector.shape_cast %swap3A_586 : vector<16xf32> to vector<16xf32>
        %swap3A_588 = vector.shape_cast %select_n3A_584 : vector<16xf32> to vector<16xf32>
        tpu.vector_store %arg12[%swap3A_585], %swap3A_588 {add = true, strides = array<i32>} : memref<10240xf32, #tpu.memory_space<vmem>>, vector<16xf32>,
        %slice3A_589 = vector.extract_strided_slice %get3A_70 {offsets = [14], sizes = [1], strides = [1]} : vector<16xi32> to vector<1xi32>
        %squeeze3A_590 = vector.extract %slice3A_589[0] : i32 from vector<1xi32>
        %and3A_591 = arith.constant -16 : i32
        %and3A_592 = arith.andi %squeeze3A_590, %and3A_591 : i32
        %sub3A_593 = arith.subi %squeeze3A_590, %and3A_592 : i32
        %eq3A_594 = vector.broadcast %sub3A_593 : i32 to vector<16xi32>
        %eq3A_595 = arith.cmpi eq, %iota3A, %eq3A_594 : vector<16xi32>
        %slice3A_596 = vector.extract_strided_slice %get3A_73 {offsets = [14], sizes = [1], strides = [1]} : vector<16xf32> to vector<1xf32>
        %squeeze3A_597 = vector.extract %slice3A_596[0] : f32 from vector<1xf32>
        %jit3A_598 = arith.constant 0.000000e+00 : f32
        %broadcast_in_dim3A_599 = vector.broadcast %squeeze3A_597 : f32 to vector<16xf32>
        %broadcast_in_dim3A_600 = vector.broadcast %jit3A_598 : f32 to vector<16xf32>
        %select_n3A_601 = arith.select %eq3A_595, %broadcast_in_dim3A_599, %broadcast_in_dim3A_600 : vector<16xi1>, vector<16xf32>
        %swap3A_602 = arith.index_cast %and3A_592 : i32 to index
        %swap3A_603 = tpu.vector_load %arg10[%swap3A_602] {strides = array<i32>} : memref<10240xf32, #tpu.memory_space<vmem>>, vector<16xf32>,
        %swap3A_604 = vector.shape_cast %swap3A_603 : vector<16xf32> to vector<16xf32>
        %swap3A_605 = vector.shape_cast %select_n3A_601 : vector<16xf32> to vector<16xf32>
        tpu.vector_store %arg10[%swap3A_602], %swap3A_605 {add = true, strides = array<i32>} : memref<10240xf32, #tpu.memory_space<vmem>>, vector<16xf32>,
        %slice3A_606 = vector.extract_strided_slice %get3A_76 {offsets = [14], sizes = [1], strides = [1]} : vector<16xf32> to vector<1xf32>
        %squeeze3A_607 = vector.extract %slice3A_606[0] : f32 from vector<1xf32>
        %jit3A_608 = arith.constant 0.000000e+00 : f32
        %broadcast_in_dim3A_609 = vector.broadcast %squeeze3A_607 : f32 to vector<16xf32>
        %broadcast_in_dim3A_610 = vector.broadcast %jit3A_608 : f32 to vector<16xf32>
        %select_n3A_611 = arith.select %eq3A_595, %broadcast_in_dim3A_609, %broadcast_in_dim3A_610 : vector<16xi1>, vector<16xf32>
        %swap3A_612 = arith.index_cast %and3A_592 : i32 to index
        %swap3A_613 = tpu.vector_load %arg11[%swap3A_612] {strides = array<i32>} : memref<10240xf32, #tpu.memory_space<vmem>>, vector<16xf32>,
        %swap3A_614 = vector.shape_cast %swap3A_613 : vector<16xf32> to vector<16xf32>
        %swap3A_615 = vector.shape_cast %select_n3A_611 : vector<16xf32> to vector<16xf32>
        tpu.vector_store %arg11[%swap3A_612], %swap3A_615 {add = true, strides = array<i32>} : memref<10240xf32, #tpu.memory_space<vmem>>, vector<16xf32>,
        %slice3A_616 = vector.extract_strided_slice %get3A_79 {offsets = [14], sizes = [1], strides = [1]} : vector<16xf32> to vector<1xf32>
        %squeeze3A_617 = vector.extract %slice3A_616[0] : f32 from vector<1xf32>
        %jit3A_618 = arith.constant 0.000000e+00 : f32
        %broadcast_in_dim3A_619 = vector.broadcast %squeeze3A_617 : f32 to vector<16xf32>
        %broadcast_in_dim3A_620 = vector.broadcast %jit3A_618 : f32 to vector<16xf32>
        %select_n3A_621 = arith.select %eq3A_595, %broadcast_in_dim3A_619, %broadcast_in_dim3A_620 : vector<16xi1>, vector<16xf32>
        %swap3A_622 = arith.index_cast %and3A_592 : i32 to index
        %swap3A_623 = tpu.vector_load %arg12[%swap3A_622] {strides = array<i32>} : memref<10240xf32, #tpu.memory_space<vmem>>, vector<16xf32>,
        %swap3A_624 = vector.shape_cast %swap3A_623 : vector<16xf32> to vector<16xf32>
        %swap3A_625 = vector.shape_cast %select_n3A_621 : vector<16xf32> to vector<16xf32>
        tpu.vector_store %arg12[%swap3A_622], %swap3A_625 {add = true, strides = array<i32>} : memref<10240xf32, #tpu.memory_space<vmem>>, vector<16xf32>,
        %slice3A_626 = vector.extract_strided_slice %get3A_70 {offsets = [15], sizes = [1], strides = [1]} : vector<16xi32> to vector<1xi32>
        %squeeze3A_627 = vector.extract %slice3A_626[0] : i32 from vector<1xi32>
        %and3A_628 = arith.constant -16 : i32
        %and3A_629 = arith.andi %squeeze3A_627, %and3A_628 : i32
        %sub3A_630 = arith.subi %squeeze3A_627, %and3A_629 : i32
        %eq3A_631 = vector.broadcast %sub3A_630 : i32 to vector<16xi32>
        %eq3A_632 = arith.cmpi eq, %iota3A, %eq3A_631 : vector<16xi32>
        %slice3A_633 = vector.extract_strided_slice %get3A_73 {offsets = [15], sizes = [1], strides = [1]} : vector<16xf32> to vector<1xf32>
        %squeeze3A_634 = vector.extract %slice3A_633[0] : f32 from vector<1xf32>
        %jit3A_635 = arith.constant 0.000000e+00 : f32
        %broadcast_in_dim3A_636 = vector.broadcast %squeeze3A_634 : f32 to vector<16xf32>
        %broadcast_in_dim3A_637 = vector.broadcast %jit3A_635 : f32 to vector<16xf32>
        %select_n3A_638 = arith.select %eq3A_632, %broadcast_in_dim3A_636, %broadcast_in_dim3A_637 : vector<16xi1>, vector<16xf32>
        %swap3A_639 = arith.index_cast %and3A_629 : i32 to index
        %swap3A_640 = tpu.vector_load %arg10[%swap3A_639] {strides = array<i32>} : memref<10240xf32, #tpu.memory_space<vmem>>, vector<16xf32>,
        %swap3A_641 = vector.shape_cast %swap3A_640 : vector<16xf32> to vector<16xf32>
        %swap3A_642 = vector.shape_cast %select_n3A_638 : vector<16xf32> to vector<16xf32>
        tpu.vector_store %arg10[%swap3A_639], %swap3A_642 {add = true, strides = array<i32>} : memref<10240xf32, #tpu.memory_space<vmem>>, vector<16xf32>,
        %slice3A_643 = vector.extract_strided_slice %get3A_76 {offsets = [15], sizes = [1], strides = [1]} : vector<16xf32> to vector<1xf32>
        %squeeze3A_644 = vector.extract %slice3A_643[0] : f32 from vector<1xf32>
        %jit3A_645 = arith.constant 0.000000e+00 : f32
        %broadcast_in_dim3A_646 = vector.broadcast %squeeze3A_644 : f32 to vector<16xf32>
        %broadcast_in_dim3A_647 = vector.broadcast %jit3A_645 : f32 to vector<16xf32>
        %select_n3A_648 = arith.select %eq3A_632, %broadcast_in_dim3A_646, %broadcast_in_dim3A_647 : vector<16xi1>, vector<16xf32>
        %swap3A_649 = arith.index_cast %and3A_629 : i32 to index
        %swap3A_650 = tpu.vector_load %arg11[%swap3A_649] {strides = array<i32>} : memref<10240xf32, #tpu.memory_space<vmem>>, vector<16xf32>,
        %swap3A_651 = vector.shape_cast %swap3A_650 : vector<16xf32> to vector<16xf32>
        %swap3A_652 = vector.shape_cast %select_n3A_648 : vector<16xf32> to vector<16xf32>
        tpu.vector_store %arg11[%swap3A_649], %swap3A_652 {add = true, strides = array<i32>} : memref<10240xf32, #tpu.memory_space<vmem>>, vector<16xf32>,
        %slice3A_653 = vector.extract_strided_slice %get3A_79 {offsets = [15], sizes = [1], strides = [1]} : vector<16xf32> to vector<1xf32>
        %squeeze3A_654 = vector.extract %slice3A_653[0] : f32 from vector<1xf32>
        %jit3A_655 = arith.constant 0.000000e+00 : f32
        %broadcast_in_dim3A_656 = vector.broadcast %squeeze3A_654 : f32 to vector<16xf32>
        %broadcast_in_dim3A_657 = vector.broadcast %jit3A_655 : f32 to vector<16xf32>
        %select_n3A_658 = arith.select %eq3A_632, %broadcast_in_dim3A_656, %broadcast_in_dim3A_657 : vector<16xi1>, vector<16xf32>
        %swap3A_659 = arith.index_cast %and3A_629 : i32 to index
        %swap3A_660 = tpu.vector_load %arg12[%swap3A_659] {strides = array<i32>} : memref<10240xf32, #tpu.memory_space<vmem>>, vector<16xf32>,
        %swap3A_661 = vector.shape_cast %swap3A_660 : vector<16xf32> to vector<16xf32>
        %swap3A_662 = vector.shape_cast %select_n3A_658 : vector<16xf32> to vector<16xf32>
        tpu.vector_store %arg12[%swap3A_659], %swap3A_662 {add = true, strides = array<i32>} : memref<10240xf32, #tpu.memory_space<vmem>>, vector<16xf32>,
      }
      %scan3A_52 = arith.constant 8 : i32
      %dma_wait3A_53 = tpu.memref_slice %arg5[%mul3A_32] : memref<320000xi32, #tpu.memory_space<hbm>> -> memref<128xi32, #tpu.memory_space<hbm>>
      %dma_wait3A_54 = tpu.memref_slice %arg5[%mul3A_32] : memref<320000xi32, #tpu.memory_space<hbm>> -> memref<128xi32, #tpu.memory_space<hbm>>
      tpu.wait_dma2 semaphore(%arg22 : memref<!tpu.dma_semaphore, #tpu.memory_space<semaphore_mem>>) src(%dma_wait3A_54 : memref<128xi32, #tpu.memory_space<hbm>>) dst(%arg20 : memref<128xi32, #tpu.memory_space<vmem>>)
      %dma_wait3A_55 = tpu.memref_slice %arg2[%mul3A_32] : memref<320000xf32, #tpu.memory_space<hbm>> -> memref<128xf32, #tpu.memory_space<hbm>>
      %dma_wait3A_56 = tpu.memref_slice %arg2[%mul3A_32] : memref<320000xf32, #tpu.memory_space<hbm>> -> memref<128xf32, #tpu.memory_space<hbm>>
      tpu.wait_dma2 semaphore(%arg22 : memref<!tpu.dma_semaphore, #tpu.memory_space<semaphore_mem>>) src(%dma_wait3A_56 : memref<128xf32, #tpu.memory_space<hbm>>) dst(%arg17 : memref<128xf32, #tpu.memory_space<vmem>>)
      %dma_wait3A_57 = tpu.memref_slice %arg3[%mul3A_32] : memref<320000xf32, #tpu.memory_space<hbm>> -> memref<128xf32, #tpu.memory_space<hbm>>
      %dma_wait3A_58 = tpu.memref_slice %arg3[%mul3A_32] : memref<320000xf32, #tpu.memory_space<hbm>> -> memref<128xf32, #tpu.memory_space<hbm>>
      tpu.wait_dma2 semaphore(%arg22 : memref<!tpu.dma_semaphore, #tpu.memory_space<semaphore_mem>>) src(%dma_wait3A_58 : memref<128xf32, #tpu.memory_space<hbm>>) dst(%arg18 : memref<128xf32, #tpu.memory_space<vmem>>)
      %dma_wait3A_59 = tpu.memref_slice %arg4[%mul3A_32] : memref<320000xf32, #tpu.memory_space<hbm>> -> memref<128xf32, #tpu.memory_space<hbm>>
      %dma_wait3A_60 = tpu.memref_slice %arg4[%mul3A_32] : memref<320000xf32, #tpu.memory_space<hbm>> -> memref<128xf32, #tpu.memory_space<hbm>>
      tpu.wait_dma2 semaphore(%arg22 : memref<!tpu.dma_semaphore, #tpu.memory_space<semaphore_mem>>) src(%dma_wait3A_60 : memref<128xf32, #tpu.memory_space<hbm>>) dst(%arg19 : memref<128xf32, #tpu.memory_space<vmem>>)
      %scan3A_61 = arith.constant 0 : i32
      %scan3A_62 = arith.constant 8 : i32
      %scan3A_63 = arith.addi %scan3A_61, %scan3A_62 : i32
      %scan3A_64 = arith.constant 1 : i32
      scf.for %scan3A_66 = %scan3A_61 to %scan3A_63 step %scan3A_64  : i32 {
        %mul3A_67 = arith.constant 16 : i32
        %mul3A_68 = arith.muli %scan3A_66, %mul3A_67 : i32
        %get3A = arith.index_cast %mul3A_68 : i32 to index
        %get3A_69 = tpu.vector_load %arg20[%get3A] {strides = array<i32>} : memref<128xi32, #tpu.memory_space<vmem>>, vector<16xi32>,
        %get3A_70 = vector.shape_cast %get3A_69 : vector<16xi32> to vector<16xi32>
        %get3A_71 = arith.index_cast %mul3A_68 : i32 to index
        %get3A_72 = tpu.vector_load %arg17[%get3A_71] {strides = array<i32>} : memref<128xf32, #tpu.memory_space<vmem>>, vector<16xf32>,
        %get3A_73 = vector.shape_cast %get3A_72 : vector<16xf32> to vector<16xf32>
        %get3A_74 = arith.index_cast %mul3A_68 : i32 to index
        %get3A_75 = tpu.vector_load %arg18[%get3A_74] {strides = array<i32>} : memref<128xf32, #tpu.memory_space<vmem>>, vector<16xf32>,
        %get3A_76 = vector.shape_cast %get3A_75 : vector<16xf32> to vector<16xf32>
        %get3A_77 = arith.index_cast %mul3A_68 : i32 to index
        %get3A_78 = tpu.vector_load %arg19[%get3A_77] {strides = array<i32>} : memref<128xf32, #tpu.memory_space<vmem>>, vector<16xf32>,
        %get3A_79 = vector.shape_cast %get3A_78 : vector<16xf32> to vector<16xf32>
        %slice3A = vector.extract_strided_slice %get3A_70 {offsets = [0], sizes = [1], strides = [1]} : vector<16xi32> to vector<1xi32>
        %squeeze3A = vector.extract %slice3A[0] : i32 from vector<1xi32>
        %and3A = arith.constant -16 : i32
        %and3A_80 = arith.andi %squeeze3A, %and3A : i32
        %sub3A = arith.subi %squeeze3A, %and3A_80 : i32
        %eq3A = vector.broadcast %sub3A : i32 to vector<16xi32>
        %eq3A_81 = arith.cmpi eq, %iota3A, %eq3A : vector<16xi32>
        %slice3A_82 = vector.extract_strided_slice %get3A_73 {offsets = [0], sizes = [1], strides = [1]} : vector<16xf32> to vector<1xf32>
        %squeeze3A_83 = vector.extract %slice3A_82[0] : f32 from vector<1xf32>
        %jit3A = arith.constant 0.000000e+00 : f32
        %broadcast_in_dim3A = vector.broadcast %squeeze3A_83 : f32 to vector<16xf32>
        %broadcast_in_dim3A_84 = vector.broadcast %jit3A : f32 to vector<16xf32>
        %select_n3A = arith.select %eq3A_81, %broadcast_in_dim3A, %broadcast_in_dim3A_84 : vector<16xi1>, vector<16xf32>
        %swap3A = arith.index_cast %and3A_80 : i32 to index
        %swap3A_85 = tpu.vector_load %arg10[%swap3A] {strides = array<i32>} : memref<10240xf32, #tpu.memory_space<vmem>>, vector<16xf32>,
        %swap3A_86 = vector.shape_cast %swap3A_85 : vector<16xf32> to vector<16xf32>
        %swap3A_87 = vector.shape_cast %select_n3A : vector<16xf32> to vector<16xf32>
        tpu.vector_store %arg10[%swap3A], %swap3A_87 {add = true, strides = array<i32>} : memref<10240xf32, #tpu.memory_space<vmem>>, vector<16xf32>,
        %slice3A_88 = vector.extract_strided_slice %get3A_76 {offsets = [0], sizes = [1], strides = [1]} : vector<16xf32> to vector<1xf32>
        %squeeze3A_89 = vector.extract %slice3A_88[0] : f32 from vector<1xf32>
        %jit3A_90 = arith.constant 0.000000e+00 : f32
        %broadcast_in_dim3A_91 = vector.broadcast %squeeze3A_89 : f32 to vector<16xf32>
        %broadcast_in_dim3A_92 = vector.broadcast %jit3A_90 : f32 to vector<16xf32>
        %select_n3A_93 = arith.select %eq3A_81, %broadcast_in_dim3A_91, %broadcast_in_dim3A_92 : vector<16xi1>, vector<16xf32>
        %swap3A_94 = arith.index_cast %and3A_80 : i32 to index
        %swap3A_95 = tpu.vector_load %arg11[%swap3A_94] {strides = array<i32>} : memref<10240xf32, #tpu.memory_space<vmem>>, vector<16xf32>,
        %swap3A_96 = vector.shape_cast %swap3A_95 : vector<16xf32> to vector<16xf32>
        %swap3A_97 = vector.shape_cast %select_n3A_93 : vector<16xf32> to vector<16xf32>
        tpu.vector_store %arg11[%swap3A_94], %swap3A_97 {add = true, strides = array<i32>} : memref<10240xf32, #tpu.memory_space<vmem>>, vector<16xf32>,
        %slice3A_98 = vector.extract_strided_slice %get3A_79 {offsets = [0], sizes = [1], strides = [1]} : vector<16xf32> to vector<1xf32>
        %squeeze3A_99 = vector.extract %slice3A_98[0] : f32 from vector<1xf32>
        %jit3A_100 = arith.constant 0.000000e+00 : f32
        %broadcast_in_dim3A_101 = vector.broadcast %squeeze3A_99 : f32 to vector<16xf32>
        %broadcast_in_dim3A_102 = vector.broadcast %jit3A_100 : f32 to vector<16xf32>
        %select_n3A_103 = arith.select %eq3A_81, %broadcast_in_dim3A_101, %broadcast_in_dim3A_102 : vector<16xi1>, vector<16xf32>
        %swap3A_104 = arith.index_cast %and3A_80 : i32 to index
        %swap3A_105 = tpu.vector_load %arg12[%swap3A_104] {strides = array<i32>} : memref<10240xf32, #tpu.memory_space<vmem>>, vector<16xf32>,
        %swap3A_106 = vector.shape_cast %swap3A_105 : vector<16xf32> to vector<16xf32>
        %swap3A_107 = vector.shape_cast %select_n3A_103 : vector<16xf32> to vector<16xf32>
        tpu.vector_store %arg12[%swap3A_104], %swap3A_107 {add = true, strides = array<i32>} : memref<10240xf32, #tpu.memory_space<vmem>>, vector<16xf32>,
        %slice3A_108 = vector.extract_strided_slice %get3A_70 {offsets = [1], sizes = [1], strides = [1]} : vector<16xi32> to vector<1xi32>
        %squeeze3A_109 = vector.extract %slice3A_108[0] : i32 from vector<1xi32>
        %and3A_110 = arith.constant -16 : i32
        %and3A_111 = arith.andi %squeeze3A_109, %and3A_110 : i32
        %sub3A_112 = arith.subi %squeeze3A_109, %and3A_111 : i32
        %eq3A_113 = vector.broadcast %sub3A_112 : i32 to vector<16xi32>
        %eq3A_114 = arith.cmpi eq, %iota3A, %eq3A_113 : vector<16xi32>
        %slice3A_115 = vector.extract_strided_slice %get3A_73 {offsets = [1], sizes = [1], strides = [1]} : vector<16xf32> to vector<1xf32>
        %squeeze3A_116 = vector.extract %slice3A_115[0] : f32 from vector<1xf32>
        %jit3A_117 = arith.constant 0.000000e+00 : f32
        %broadcast_in_dim3A_118 = vector.broadcast %squeeze3A_116 : f32 to vector<16xf32>
        %broadcast_in_dim3A_119 = vector.broadcast %jit3A_117 : f32 to vector<16xf32>
        %select_n3A_120 = arith.select %eq3A_114, %broadcast_in_dim3A_118, %broadcast_in_dim3A_119 : vector<16xi1>, vector<16xf32>
        %swap3A_121 = arith.index_cast %and3A_111 : i32 to index
        %swap3A_122 = tpu.vector_load %arg10[%swap3A_121] {strides = array<i32>} : memref<10240xf32, #tpu.memory_space<vmem>>, vector<16xf32>,
        %swap3A_123 = vector.shape_cast %swap3A_122 : vector<16xf32> to vector<16xf32>
        %swap3A_124 = vector.shape_cast %select_n3A_120 : vector<16xf32> to vector<16xf32>
        tpu.vector_store %arg10[%swap3A_121], %swap3A_124 {add = true, strides = array<i32>} : memref<10240xf32, #tpu.memory_space<vmem>>, vector<16xf32>,
        %slice3A_125 = vector.extract_strided_slice %get3A_76 {offsets = [1], sizes = [1], strides = [1]} : vector<16xf32> to vector<1xf32>
        %squeeze3A_126 = vector.extract %slice3A_125[0] : f32 from vector<1xf32>
        %jit3A_127 = arith.constant 0.000000e+00 : f32
        %broadcast_in_dim3A_128 = vector.broadcast %squeeze3A_126 : f32 to vector<16xf32>
        %broadcast_in_dim3A_129 = vector.broadcast %jit3A_127 : f32 to vector<16xf32>
        %select_n3A_130 = arith.select %eq3A_114, %broadcast_in_dim3A_128, %broadcast_in_dim3A_129 : vector<16xi1>, vector<16xf32>
        %swap3A_131 = arith.index_cast %and3A_111 : i32 to index
        %swap3A_132 = tpu.vector_load %arg11[%swap3A_131] {strides = array<i32>} : memref<10240xf32, #tpu.memory_space<vmem>>, vector<16xf32>,
        %swap3A_133 = vector.shape_cast %swap3A_132 : vector<16xf32> to vector<16xf32>
        %swap3A_134 = vector.shape_cast %select_n3A_130 : vector<16xf32> to vector<16xf32>
        tpu.vector_store %arg11[%swap3A_131], %swap3A_134 {add = true, strides = array<i32>} : memref<10240xf32, #tpu.memory_space<vmem>>, vector<16xf32>,
        %slice3A_135 = vector.extract_strided_slice %get3A_79 {offsets = [1], sizes = [1], strides = [1]} : vector<16xf32> to vector<1xf32>
        %squeeze3A_136 = vector.extract %slice3A_135[0] : f32 from vector<1xf32>
        %jit3A_137 = arith.constant 0.000000e+00 : f32
        %broadcast_in_dim3A_138 = vector.broadcast %squeeze3A_136 : f32 to vector<16xf32>
        %broadcast_in_dim3A_139 = vector.broadcast %jit3A_137 : f32 to vector<16xf32>
        %select_n3A_140 = arith.select %eq3A_114, %broadcast_in_dim3A_138, %broadcast_in_dim3A_139 : vector<16xi1>, vector<16xf32>
        %swap3A_141 = arith.index_cast %and3A_111 : i32 to index
        %swap3A_142 = tpu.vector_load %arg12[%swap3A_141] {strides = array<i32>} : memref<10240xf32, #tpu.memory_space<vmem>>, vector<16xf32>,
        %swap3A_143 = vector.shape_cast %swap3A_142 : vector<16xf32> to vector<16xf32>
        %swap3A_144 = vector.shape_cast %select_n3A_140 : vector<16xf32> to vector<16xf32>
        tpu.vector_store %arg12[%swap3A_141], %swap3A_144 {add = true, strides = array<i32>} : memref<10240xf32, #tpu.memory_space<vmem>>, vector<16xf32>,
        %slice3A_145 = vector.extract_strided_slice %get3A_70 {offsets = [2], sizes = [1], strides = [1]} : vector<16xi32> to vector<1xi32>
        %squeeze3A_146 = vector.extract %slice3A_145[0] : i32 from vector<1xi32>
        %and3A_147 = arith.constant -16 : i32
        %and3A_148 = arith.andi %squeeze3A_146, %and3A_147 : i32
        %sub3A_149 = arith.subi %squeeze3A_146, %and3A_148 : i32
        %eq3A_150 = vector.broadcast %sub3A_149 : i32 to vector<16xi32>
        %eq3A_151 = arith.cmpi eq, %iota3A, %eq3A_150 : vector<16xi32>
        %slice3A_152 = vector.extract_strided_slice %get3A_73 {offsets = [2], sizes = [1], strides = [1]} : vector<16xf32> to vector<1xf32>
        %squeeze3A_153 = vector.extract %slice3A_152[0] : f32 from vector<1xf32>
        %jit3A_154 = arith.constant 0.000000e+00 : f32
        %broadcast_in_dim3A_155 = vector.broadcast %squeeze3A_153 : f32 to vector<16xf32>
        %broadcast_in_dim3A_156 = vector.broadcast %jit3A_154 : f32 to vector<16xf32>
        %select_n3A_157 = arith.select %eq3A_151, %broadcast_in_dim3A_155, %broadcast_in_dim3A_156 : vector<16xi1>, vector<16xf32>
        %swap3A_158 = arith.index_cast %and3A_148 : i32 to index
        %swap3A_159 = tpu.vector_load %arg10[%swap3A_158] {strides = array<i32>} : memref<10240xf32, #tpu.memory_space<vmem>>, vector<16xf32>,
        %swap3A_160 = vector.shape_cast %swap3A_159 : vector<16xf32> to vector<16xf32>
        %swap3A_161 = vector.shape_cast %select_n3A_157 : vector<16xf32> to vector<16xf32>
        tpu.vector_store %arg10[%swap3A_158], %swap3A_161 {add = true, strides = array<i32>} : memref<10240xf32, #tpu.memory_space<vmem>>, vector<16xf32>,
        %slice3A_162 = vector.extract_strided_slice %get3A_76 {offsets = [2], sizes = [1], strides = [1]} : vector<16xf32> to vector<1xf32>
        %squeeze3A_163 = vector.extract %slice3A_162[0] : f32 from vector<1xf32>
        %jit3A_164 = arith.constant 0.000000e+00 : f32
        %broadcast_in_dim3A_165 = vector.broadcast %squeeze3A_163 : f32 to vector<16xf32>
        %broadcast_in_dim3A_166 = vector.broadcast %jit3A_164 : f32 to vector<16xf32>
        %select_n3A_167 = arith.select %eq3A_151, %broadcast_in_dim3A_165, %broadcast_in_dim3A_166 : vector<16xi1>, vector<16xf32>
        %swap3A_168 = arith.index_cast %and3A_148 : i32 to index
        %swap3A_169 = tpu.vector_load %arg11[%swap3A_168] {strides = array<i32>} : memref<10240xf32, #tpu.memory_space<vmem>>, vector<16xf32>,
        %swap3A_170 = vector.shape_cast %swap3A_169 : vector<16xf32> to vector<16xf32>
        %swap3A_171 = vector.shape_cast %select_n3A_167 : vector<16xf32> to vector<16xf32>
        tpu.vector_store %arg11[%swap3A_168], %swap3A_171 {add = true, strides = array<i32>} : memref<10240xf32, #tpu.memory_space<vmem>>, vector<16xf32>,
        %slice3A_172 = vector.extract_strided_slice %get3A_79 {offsets = [2], sizes = [1], strides = [1]} : vector<16xf32> to vector<1xf32>
        %squeeze3A_173 = vector.extract %slice3A_172[0] : f32 from vector<1xf32>
        %jit3A_174 = arith.constant 0.000000e+00 : f32
        %broadcast_in_dim3A_175 = vector.broadcast %squeeze3A_173 : f32 to vector<16xf32>
        %broadcast_in_dim3A_176 = vector.broadcast %jit3A_174 : f32 to vector<16xf32>
        %select_n3A_177 = arith.select %eq3A_151, %broadcast_in_dim3A_175, %broadcast_in_dim3A_176 : vector<16xi1>, vector<16xf32>
        %swap3A_178 = arith.index_cast %and3A_148 : i32 to index
        %swap3A_179 = tpu.vector_load %arg12[%swap3A_178] {strides = array<i32>} : memref<10240xf32, #tpu.memory_space<vmem>>, vector<16xf32>,
        %swap3A_180 = vector.shape_cast %swap3A_179 : vector<16xf32> to vector<16xf32>
        %swap3A_181 = vector.shape_cast %select_n3A_177 : vector<16xf32> to vector<16xf32>
        tpu.vector_store %arg12[%swap3A_178], %swap3A_181 {add = true, strides = array<i32>} : memref<10240xf32, #tpu.memory_space<vmem>>, vector<16xf32>,
        %slice3A_182 = vector.extract_strided_slice %get3A_70 {offsets = [3], sizes = [1], strides = [1]} : vector<16xi32> to vector<1xi32>
        %squeeze3A_183 = vector.extract %slice3A_182[0] : i32 from vector<1xi32>
        %and3A_184 = arith.constant -16 : i32
        %and3A_185 = arith.andi %squeeze3A_183, %and3A_184 : i32
        %sub3A_186 = arith.subi %squeeze3A_183, %and3A_185 : i32
        %eq3A_187 = vector.broadcast %sub3A_186 : i32 to vector<16xi32>
        %eq3A_188 = arith.cmpi eq, %iota3A, %eq3A_187 : vector<16xi32>
        %slice3A_189 = vector.extract_strided_slice %get3A_73 {offsets = [3], sizes = [1], strides = [1]} : vector<16xf32> to vector<1xf32>
        %squeeze3A_190 = vector.extract %slice3A_189[0] : f32 from vector<1xf32>
        %jit3A_191 = arith.constant 0.000000e+00 : f32
        %broadcast_in_dim3A_192 = vector.broadcast %squeeze3A_190 : f32 to vector<16xf32>
        %broadcast_in_dim3A_193 = vector.broadcast %jit3A_191 : f32 to vector<16xf32>
        %select_n3A_194 = arith.select %eq3A_188, %broadcast_in_dim3A_192, %broadcast_in_dim3A_193 : vector<16xi1>, vector<16xf32>
        %swap3A_195 = arith.index_cast %and3A_185 : i32 to index
        %swap3A_196 = tpu.vector_load %arg10[%swap3A_195] {strides = array<i32>} : memref<10240xf32, #tpu.memory_space<vmem>>, vector<16xf32>,
        %swap3A_197 = vector.shape_cast %swap3A_196 : vector<16xf32> to vector<16xf32>
        %swap3A_198 = vector.shape_cast %select_n3A_194 : vector<16xf32> to vector<16xf32>
        tpu.vector_store %arg10[%swap3A_195], %swap3A_198 {add = true, strides = array<i32>} : memref<10240xf32, #tpu.memory_space<vmem>>, vector<16xf32>,
        %slice3A_199 = vector.extract_strided_slice %get3A_76 {offsets = [3], sizes = [1], strides = [1]} : vector<16xf32> to vector<1xf32>
        %squeeze3A_200 = vector.extract %slice3A_199[0] : f32 from vector<1xf32>
        %jit3A_201 = arith.constant 0.000000e+00 : f32
        %broadcast_in_dim3A_202 = vector.broadcast %squeeze3A_200 : f32 to vector<16xf32>
        %broadcast_in_dim3A_203 = vector.broadcast %jit3A_201 : f32 to vector<16xf32>
        %select_n3A_204 = arith.select %eq3A_188, %broadcast_in_dim3A_202, %broadcast_in_dim3A_203 : vector<16xi1>, vector<16xf32>
        %swap3A_205 = arith.index_cast %and3A_185 : i32 to index
        %swap3A_206 = tpu.vector_load %arg11[%swap3A_205] {strides = array<i32>} : memref<10240xf32, #tpu.memory_space<vmem>>, vector<16xf32>,
        %swap3A_207 = vector.shape_cast %swap3A_206 : vector<16xf32> to vector<16xf32>
        %swap3A_208 = vector.shape_cast %select_n3A_204 : vector<16xf32> to vector<16xf32>
        tpu.vector_store %arg11[%swap3A_205], %swap3A_208 {add = true, strides = array<i32>} : memref<10240xf32, #tpu.memory_space<vmem>>, vector<16xf32>,
        %slice3A_209 = vector.extract_strided_slice %get3A_79 {offsets = [3], sizes = [1], strides = [1]} : vector<16xf32> to vector<1xf32>
        %squeeze3A_210 = vector.extract %slice3A_209[0] : f32 from vector<1xf32>
        %jit3A_211 = arith.constant 0.000000e+00 : f32
        %broadcast_in_dim3A_212 = vector.broadcast %squeeze3A_210 : f32 to vector<16xf32>
        %broadcast_in_dim3A_213 = vector.broadcast %jit3A_211 : f32 to vector<16xf32>
        %select_n3A_214 = arith.select %eq3A_188, %broadcast_in_dim3A_212, %broadcast_in_dim3A_213 : vector<16xi1>, vector<16xf32>
        %swap3A_215 = arith.index_cast %and3A_185 : i32 to index
        %swap3A_216 = tpu.vector_load %arg12[%swap3A_215] {strides = array<i32>} : memref<10240xf32, #tpu.memory_space<vmem>>, vector<16xf32>,
        %swap3A_217 = vector.shape_cast %swap3A_216 : vector<16xf32> to vector<16xf32>
        %swap3A_218 = vector.shape_cast %select_n3A_214 : vector<16xf32> to vector<16xf32>
        tpu.vector_store %arg12[%swap3A_215], %swap3A_218 {add = true, strides = array<i32>} : memref<10240xf32, #tpu.memory_space<vmem>>, vector<16xf32>,
        %slice3A_219 = vector.extract_strided_slice %get3A_70 {offsets = [4], sizes = [1], strides = [1]} : vector<16xi32> to vector<1xi32>
        %squeeze3A_220 = vector.extract %slice3A_219[0] : i32 from vector<1xi32>
        %and3A_221 = arith.constant -16 : i32
        %and3A_222 = arith.andi %squeeze3A_220, %and3A_221 : i32
        %sub3A_223 = arith.subi %squeeze3A_220, %and3A_222 : i32
        %eq3A_224 = vector.broadcast %sub3A_223 : i32 to vector<16xi32>
        %eq3A_225 = arith.cmpi eq, %iota3A, %eq3A_224 : vector<16xi32>
        %slice3A_226 = vector.extract_strided_slice %get3A_73 {offsets = [4], sizes = [1], strides = [1]} : vector<16xf32> to vector<1xf32>
        %squeeze3A_227 = vector.extract %slice3A_226[0] : f32 from vector<1xf32>
        %jit3A_228 = arith.constant 0.000000e+00 : f32
        %broadcast_in_dim3A_229 = vector.broadcast %squeeze3A_227 : f32 to vector<16xf32>
        %broadcast_in_dim3A_230 = vector.broadcast %jit3A_228 : f32 to vector<16xf32>
        %select_n3A_231 = arith.select %eq3A_225, %broadcast_in_dim3A_229, %broadcast_in_dim3A_230 : vector<16xi1>, vector<16xf32>
        %swap3A_232 = arith.index_cast %and3A_222 : i32 to index
        %swap3A_233 = tpu.vector_load %arg10[%swap3A_232] {strides = array<i32>} : memref<10240xf32, #tpu.memory_space<vmem>>, vector<16xf32>,
        %swap3A_234 = vector.shape_cast %swap3A_233 : vector<16xf32> to vector<16xf32>
        %swap3A_235 = vector.shape_cast %select_n3A_231 : vector<16xf32> to vector<16xf32>
        tpu.vector_store %arg10[%swap3A_232], %swap3A_235 {add = true, strides = array<i32>} : memref<10240xf32, #tpu.memory_space<vmem>>, vector<16xf32>,
        %slice3A_236 = vector.extract_strided_slice %get3A_76 {offsets = [4], sizes = [1], strides = [1]} : vector<16xf32> to vector<1xf32>
        %squeeze3A_237 = vector.extract %slice3A_236[0] : f32 from vector<1xf32>
        %jit3A_238 = arith.constant 0.000000e+00 : f32
        %broadcast_in_dim3A_239 = vector.broadcast %squeeze3A_237 : f32 to vector<16xf32>
        %broadcast_in_dim3A_240 = vector.broadcast %jit3A_238 : f32 to vector<16xf32>
        %select_n3A_241 = arith.select %eq3A_225, %broadcast_in_dim3A_239, %broadcast_in_dim3A_240 : vector<16xi1>, vector<16xf32>
        %swap3A_242 = arith.index_cast %and3A_222 : i32 to index
        %swap3A_243 = tpu.vector_load %arg11[%swap3A_242] {strides = array<i32>} : memref<10240xf32, #tpu.memory_space<vmem>>, vector<16xf32>,
        %swap3A_244 = vector.shape_cast %swap3A_243 : vector<16xf32> to vector<16xf32>
        %swap3A_245 = vector.shape_cast %select_n3A_241 : vector<16xf32> to vector<16xf32>
        tpu.vector_store %arg11[%swap3A_242], %swap3A_245 {add = true, strides = array<i32>} : memref<10240xf32, #tpu.memory_space<vmem>>, vector<16xf32>,
        %slice3A_246 = vector.extract_strided_slice %get3A_79 {offsets = [4], sizes = [1], strides = [1]} : vector<16xf32> to vector<1xf32>
        %squeeze3A_247 = vector.extract %slice3A_246[0] : f32 from vector<1xf32>
        %jit3A_248 = arith.constant 0.000000e+00 : f32
        %broadcast_in_dim3A_249 = vector.broadcast %squeeze3A_247 : f32 to vector<16xf32>
        %broadcast_in_dim3A_250 = vector.broadcast %jit3A_248 : f32 to vector<16xf32>
        %select_n3A_251 = arith.select %eq3A_225, %broadcast_in_dim3A_249, %broadcast_in_dim3A_250 : vector<16xi1>, vector<16xf32>
        %swap3A_252 = arith.index_cast %and3A_222 : i32 to index
        %swap3A_253 = tpu.vector_load %arg12[%swap3A_252] {strides = array<i32>} : memref<10240xf32, #tpu.memory_space<vmem>>, vector<16xf32>,
        %swap3A_254 = vector.shape_cast %swap3A_253 : vector<16xf32> to vector<16xf32>
        %swap3A_255 = vector.shape_cast %select_n3A_251 : vector<16xf32> to vector<16xf32>
        tpu.vector_store %arg12[%swap3A_252], %swap3A_255 {add = true, strides = array<i32>} : memref<10240xf32, #tpu.memory_space<vmem>>, vector<16xf32>,
        %slice3A_256 = vector.extract_strided_slice %get3A_70 {offsets = [5], sizes = [1], strides = [1]} : vector<16xi32> to vector<1xi32>
        %squeeze3A_257 = vector.extract %slice3A_256[0] : i32 from vector<1xi32>
        %and3A_258 = arith.constant -16 : i32
        %and3A_259 = arith.andi %squeeze3A_257, %and3A_258 : i32
        %sub3A_260 = arith.subi %squeeze3A_257, %and3A_259 : i32
        %eq3A_261 = vector.broadcast %sub3A_260 : i32 to vector<16xi32>
        %eq3A_262 = arith.cmpi eq, %iota3A, %eq3A_261 : vector<16xi32>
        %slice3A_263 = vector.extract_strided_slice %get3A_73 {offsets = [5], sizes = [1], strides = [1]} : vector<16xf32> to vector<1xf32>
        %squeeze3A_264 = vector.extract %slice3A_263[0] : f32 from vector<1xf32>
        %jit3A_265 = arith.constant 0.000000e+00 : f32
        %broadcast_in_dim3A_266 = vector.broadcast %squeeze3A_264 : f32 to vector<16xf32>
        %broadcast_in_dim3A_267 = vector.broadcast %jit3A_265 : f32 to vector<16xf32>
        %select_n3A_268 = arith.select %eq3A_262, %broadcast_in_dim3A_266, %broadcast_in_dim3A_267 : vector<16xi1>, vector<16xf32>
        %swap3A_269 = arith.index_cast %and3A_259 : i32 to index
        %swap3A_270 = tpu.vector_load %arg10[%swap3A_269] {strides = array<i32>} : memref<10240xf32, #tpu.memory_space<vmem>>, vector<16xf32>,
        %swap3A_271 = vector.shape_cast %swap3A_270 : vector<16xf32> to vector<16xf32>
        %swap3A_272 = vector.shape_cast %select_n3A_268 : vector<16xf32> to vector<16xf32>
        tpu.vector_store %arg10[%swap3A_269], %swap3A_272 {add = true, strides = array<i32>} : memref<10240xf32, #tpu.memory_space<vmem>>, vector<16xf32>,
        %slice3A_273 = vector.extract_strided_slice %get3A_76 {offsets = [5], sizes = [1], strides = [1]} : vector<16xf32> to vector<1xf32>
        %squeeze3A_274 = vector.extract %slice3A_273[0] : f32 from vector<1xf32>
        %jit3A_275 = arith.constant 0.000000e+00 : f32
        %broadcast_in_dim3A_276 = vector.broadcast %squeeze3A_274 : f32 to vector<16xf32>
        %broadcast_in_dim3A_277 = vector.broadcast %jit3A_275 : f32 to vector<16xf32>
        %select_n3A_278 = arith.select %eq3A_262, %broadcast_in_dim3A_276, %broadcast_in_dim3A_277 : vector<16xi1>, vector<16xf32>
        %swap3A_279 = arith.index_cast %and3A_259 : i32 to index
        %swap3A_280 = tpu.vector_load %arg11[%swap3A_279] {strides = array<i32>} : memref<10240xf32, #tpu.memory_space<vmem>>, vector<16xf32>,
        %swap3A_281 = vector.shape_cast %swap3A_280 : vector<16xf32> to vector<16xf32>
        %swap3A_282 = vector.shape_cast %select_n3A_278 : vector<16xf32> to vector<16xf32>
        tpu.vector_store %arg11[%swap3A_279], %swap3A_282 {add = true, strides = array<i32>} : memref<10240xf32, #tpu.memory_space<vmem>>, vector<16xf32>,
        %slice3A_283 = vector.extract_strided_slice %get3A_79 {offsets = [5], sizes = [1], strides = [1]} : vector<16xf32> to vector<1xf32>
        %squeeze3A_284 = vector.extract %slice3A_283[0] : f32 from vector<1xf32>
        %jit3A_285 = arith.constant 0.000000e+00 : f32
        %broadcast_in_dim3A_286 = vector.broadcast %squeeze3A_284 : f32 to vector<16xf32>
        %broadcast_in_dim3A_287 = vector.broadcast %jit3A_285 : f32 to vector<16xf32>
        %select_n3A_288 = arith.select %eq3A_262, %broadcast_in_dim3A_286, %broadcast_in_dim3A_287 : vector<16xi1>, vector<16xf32>
        %swap3A_289 = arith.index_cast %and3A_259 : i32 to index
        %swap3A_290 = tpu.vector_load %arg12[%swap3A_289] {strides = array<i32>} : memref<10240xf32, #tpu.memory_space<vmem>>, vector<16xf32>,
        %swap3A_291 = vector.shape_cast %swap3A_290 : vector<16xf32> to vector<16xf32>
        %swap3A_292 = vector.shape_cast %select_n3A_288 : vector<16xf32> to vector<16xf32>
        tpu.vector_store %arg12[%swap3A_289], %swap3A_292 {add = true, strides = array<i32>} : memref<10240xf32, #tpu.memory_space<vmem>>, vector<16xf32>,
        %slice3A_293 = vector.extract_strided_slice %get3A_70 {offsets = [6], sizes = [1], strides = [1]} : vector<16xi32> to vector<1xi32>
        %squeeze3A_294 = vector.extract %slice3A_293[0] : i32 from vector<1xi32>
        %and3A_295 = arith.constant -16 : i32
        %and3A_296 = arith.andi %squeeze3A_294, %and3A_295 : i32
        %sub3A_297 = arith.subi %squeeze3A_294, %and3A_296 : i32
        %eq3A_298 = vector.broadcast %sub3A_297 : i32 to vector<16xi32>
        %eq3A_299 = arith.cmpi eq, %iota3A, %eq3A_298 : vector<16xi32>
        %slice3A_300 = vector.extract_strided_slice %get3A_73 {offsets = [6], sizes = [1], strides = [1]} : vector<16xf32> to vector<1xf32>
        %squeeze3A_301 = vector.extract %slice3A_300[0] : f32 from vector<1xf32>
        %jit3A_302 = arith.constant 0.000000e+00 : f32
        %broadcast_in_dim3A_303 = vector.broadcast %squeeze3A_301 : f32 to vector<16xf32>
        %broadcast_in_dim3A_304 = vector.broadcast %jit3A_302 : f32 to vector<16xf32>
        %select_n3A_305 = arith.select %eq3A_299, %broadcast_in_dim3A_303, %broadcast_in_dim3A_304 : vector<16xi1>, vector<16xf32>
        %swap3A_306 = arith.index_cast %and3A_296 : i32 to index
        %swap3A_307 = tpu.vector_load %arg10[%swap3A_306] {strides = array<i32>} : memref<10240xf32, #tpu.memory_space<vmem>>, vector<16xf32>,
        %swap3A_308 = vector.shape_cast %swap3A_307 : vector<16xf32> to vector<16xf32>
        %swap3A_309 = vector.shape_cast %select_n3A_305 : vector<16xf32> to vector<16xf32>
        tpu.vector_store %arg10[%swap3A_306], %swap3A_309 {add = true, strides = array<i32>} : memref<10240xf32, #tpu.memory_space<vmem>>, vector<16xf32>,
        %slice3A_310 = vector.extract_strided_slice %get3A_76 {offsets = [6], sizes = [1], strides = [1]} : vector<16xf32> to vector<1xf32>
        %squeeze3A_311 = vector.extract %slice3A_310[0] : f32 from vector<1xf32>
        %jit3A_312 = arith.constant 0.000000e+00 : f32
        %broadcast_in_dim3A_313 = vector.broadcast %squeeze3A_311 : f32 to vector<16xf32>
        %broadcast_in_dim3A_314 = vector.broadcast %jit3A_312 : f32 to vector<16xf32>
        %select_n3A_315 = arith.select %eq3A_299, %broadcast_in_dim3A_313, %broadcast_in_dim3A_314 : vector<16xi1>, vector<16xf32>
        %swap3A_316 = arith.index_cast %and3A_296 : i32 to index
        %swap3A_317 = tpu.vector_load %arg11[%swap3A_316] {strides = array<i32>} : memref<10240xf32, #tpu.memory_space<vmem>>, vector<16xf32>,
        %swap3A_318 = vector.shape_cast %swap3A_317 : vector<16xf32> to vector<16xf32>
        %swap3A_319 = vector.shape_cast %select_n3A_315 : vector<16xf32> to vector<16xf32>
        tpu.vector_store %arg11[%swap3A_316], %swap3A_319 {add = true, strides = array<i32>} : memref<10240xf32, #tpu.memory_space<vmem>>, vector<16xf32>,
        %slice3A_320 = vector.extract_strided_slice %get3A_79 {offsets = [6], sizes = [1], strides = [1]} : vector<16xf32> to vector<1xf32>
        %squeeze3A_321 = vector.extract %slice3A_320[0] : f32 from vector<1xf32>
        %jit3A_322 = arith.constant 0.000000e+00 : f32
        %broadcast_in_dim3A_323 = vector.broadcast %squeeze3A_321 : f32 to vector<16xf32>
        %broadcast_in_dim3A_324 = vector.broadcast %jit3A_322 : f32 to vector<16xf32>
        %select_n3A_325 = arith.select %eq3A_299, %broadcast_in_dim3A_323, %broadcast_in_dim3A_324 : vector<16xi1>, vector<16xf32>
        %swap3A_326 = arith.index_cast %and3A_296 : i32 to index
        %swap3A_327 = tpu.vector_load %arg12[%swap3A_326] {strides = array<i32>} : memref<10240xf32, #tpu.memory_space<vmem>>, vector<16xf32>,
        %swap3A_328 = vector.shape_cast %swap3A_327 : vector<16xf32> to vector<16xf32>
        %swap3A_329 = vector.shape_cast %select_n3A_325 : vector<16xf32> to vector<16xf32>
        tpu.vector_store %arg12[%swap3A_326], %swap3A_329 {add = true, strides = array<i32>} : memref<10240xf32, #tpu.memory_space<vmem>>, vector<16xf32>,
        %slice3A_330 = vector.extract_strided_slice %get3A_70 {offsets = [7], sizes = [1], strides = [1]} : vector<16xi32> to vector<1xi32>
        %squeeze3A_331 = vector.extract %slice3A_330[0] : i32 from vector<1xi32>
        %and3A_332 = arith.constant -16 : i32
        %and3A_333 = arith.andi %squeeze3A_331, %and3A_332 : i32
        %sub3A_334 = arith.subi %squeeze3A_331, %and3A_333 : i32
        %eq3A_335 = vector.broadcast %sub3A_334 : i32 to vector<16xi32>
        %eq3A_336 = arith.cmpi eq, %iota3A, %eq3A_335 : vector<16xi32>
        %slice3A_337 = vector.extract_strided_slice %get3A_73 {offsets = [7], sizes = [1], strides = [1]} : vector<16xf32> to vector<1xf32>
        %squeeze3A_338 = vector.extract %slice3A_337[0] : f32 from vector<1xf32>
        %jit3A_339 = arith.constant 0.000000e+00 : f32
        %broadcast_in_dim3A_340 = vector.broadcast %squeeze3A_338 : f32 to vector<16xf32>
        %broadcast_in_dim3A_341 = vector.broadcast %jit3A_339 : f32 to vector<16xf32>
        %select_n3A_342 = arith.select %eq3A_336, %broadcast_in_dim3A_340, %broadcast_in_dim3A_341 : vector<16xi1>, vector<16xf32>
        %swap3A_343 = arith.index_cast %and3A_333 : i32 to index
        %swap3A_344 = tpu.vector_load %arg10[%swap3A_343] {strides = array<i32>} : memref<10240xf32, #tpu.memory_space<vmem>>, vector<16xf32>,
        %swap3A_345 = vector.shape_cast %swap3A_344 : vector<16xf32> to vector<16xf32>
        %swap3A_346 = vector.shape_cast %select_n3A_342 : vector<16xf32> to vector<16xf32>
        tpu.vector_store %arg10[%swap3A_343], %swap3A_346 {add = true, strides = array<i32>} : memref<10240xf32, #tpu.memory_space<vmem>>, vector<16xf32>,
        %slice3A_347 = vector.extract_strided_slice %get3A_76 {offsets = [7], sizes = [1], strides = [1]} : vector<16xf32> to vector<1xf32>
        %squeeze3A_348 = vector.extract %slice3A_347[0] : f32 from vector<1xf32>
        %jit3A_349 = arith.constant 0.000000e+00 : f32
        %broadcast_in_dim3A_350 = vector.broadcast %squeeze3A_348 : f32 to vector<16xf32>
        %broadcast_in_dim3A_351 = vector.broadcast %jit3A_349 : f32 to vector<16xf32>
        %select_n3A_352 = arith.select %eq3A_336, %broadcast_in_dim3A_350, %broadcast_in_dim3A_351 : vector<16xi1>, vector<16xf32>
        %swap3A_353 = arith.index_cast %and3A_333 : i32 to index
        %swap3A_354 = tpu.vector_load %arg11[%swap3A_353] {strides = array<i32>} : memref<10240xf32, #tpu.memory_space<vmem>>, vector<16xf32>,
        %swap3A_355 = vector.shape_cast %swap3A_354 : vector<16xf32> to vector<16xf32>
        %swap3A_356 = vector.shape_cast %select_n3A_352 : vector<16xf32> to vector<16xf32>
        tpu.vector_store %arg11[%swap3A_353], %swap3A_356 {add = true, strides = array<i32>} : memref<10240xf32, #tpu.memory_space<vmem>>, vector<16xf32>,
        %slice3A_357 = vector.extract_strided_slice %get3A_79 {offsets = [7], sizes = [1], strides = [1]} : vector<16xf32> to vector<1xf32>
        %squeeze3A_358 = vector.extract %slice3A_357[0] : f32 from vector<1xf32>
        %jit3A_359 = arith.constant 0.000000e+00 : f32
        %broadcast_in_dim3A_360 = vector.broadcast %squeeze3A_358 : f32 to vector<16xf32>
        %broadcast_in_dim3A_361 = vector.broadcast %jit3A_359 : f32 to vector<16xf32>
        %select_n3A_362 = arith.select %eq3A_336, %broadcast_in_dim3A_360, %broadcast_in_dim3A_361 : vector<16xi1>, vector<16xf32>
        %swap3A_363 = arith.index_cast %and3A_333 : i32 to index
        %swap3A_364 = tpu.vector_load %arg12[%swap3A_363] {strides = array<i32>} : memref<10240xf32, #tpu.memory_space<vmem>>, vector<16xf32>,
        %swap3A_365 = vector.shape_cast %swap3A_364 : vector<16xf32> to vector<16xf32>
        %swap3A_366 = vector.shape_cast %select_n3A_362 : vector<16xf32> to vector<16xf32>
        tpu.vector_store %arg12[%swap3A_363], %swap3A_366 {add = true, strides = array<i32>} : memref<10240xf32, #tpu.memory_space<vmem>>, vector<16xf32>,
        %slice3A_367 = vector.extract_strided_slice %get3A_70 {offsets = [8], sizes = [1], strides = [1]} : vector<16xi32> to vector<1xi32>
        %squeeze3A_368 = vector.extract %slice3A_367[0] : i32 from vector<1xi32>
        %and3A_369 = arith.constant -16 : i32
        %and3A_370 = arith.andi %squeeze3A_368, %and3A_369 : i32
        %sub3A_371 = arith.subi %squeeze3A_368, %and3A_370 : i32
        %eq3A_372 = vector.broadcast %sub3A_371 : i32 to vector<16xi32>
        %eq3A_373 = arith.cmpi eq, %iota3A, %eq3A_372 : vector<16xi32>
        %slice3A_374 = vector.extract_strided_slice %get3A_73 {offsets = [8], sizes = [1], strides = [1]} : vector<16xf32> to vector<1xf32>
        %squeeze3A_375 = vector.extract %slice3A_374[0] : f32 from vector<1xf32>
        %jit3A_376 = arith.constant 0.000000e+00 : f32
        %broadcast_in_dim3A_377 = vector.broadcast %squeeze3A_375 : f32 to vector<16xf32>
        %broadcast_in_dim3A_378 = vector.broadcast %jit3A_376 : f32 to vector<16xf32>
        %select_n3A_379 = arith.select %eq3A_373, %broadcast_in_dim3A_377, %broadcast_in_dim3A_378 : vector<16xi1>, vector<16xf32>
        %swap3A_380 = arith.index_cast %and3A_370 : i32 to index
        %swap3A_381 = tpu.vector_load %arg10[%swap3A_380] {strides = array<i32>} : memref<10240xf32, #tpu.memory_space<vmem>>, vector<16xf32>,
        %swap3A_382 = vector.shape_cast %swap3A_381 : vector<16xf32> to vector<16xf32>
        %swap3A_383 = vector.shape_cast %select_n3A_379 : vector<16xf32> to vector<16xf32>
        tpu.vector_store %arg10[%swap3A_380], %swap3A_383 {add = true, strides = array<i32>} : memref<10240xf32, #tpu.memory_space<vmem>>, vector<16xf32>,
        %slice3A_384 = vector.extract_strided_slice %get3A_76 {offsets = [8], sizes = [1], strides = [1]} : vector<16xf32> to vector<1xf32>
        %squeeze3A_385 = vector.extract %slice3A_384[0] : f32 from vector<1xf32>
        %jit3A_386 = arith.constant 0.000000e+00 : f32
        %broadcast_in_dim3A_387 = vector.broadcast %squeeze3A_385 : f32 to vector<16xf32>
        %broadcast_in_dim3A_388 = vector.broadcast %jit3A_386 : f32 to vector<16xf32>
        %select_n3A_389 = arith.select %eq3A_373, %broadcast_in_dim3A_387, %broadcast_in_dim3A_388 : vector<16xi1>, vector<16xf32>
        %swap3A_390 = arith.index_cast %and3A_370 : i32 to index
        %swap3A_391 = tpu.vector_load %arg11[%swap3A_390] {strides = array<i32>} : memref<10240xf32, #tpu.memory_space<vmem>>, vector<16xf32>,
        %swap3A_392 = vector.shape_cast %swap3A_391 : vector<16xf32> to vector<16xf32>
        %swap3A_393 = vector.shape_cast %select_n3A_389 : vector<16xf32> to vector<16xf32>
        tpu.vector_store %arg11[%swap3A_390], %swap3A_393 {add = true, strides = array<i32>} : memref<10240xf32, #tpu.memory_space<vmem>>, vector<16xf32>,
        %slice3A_394 = vector.extract_strided_slice %get3A_79 {offsets = [8], sizes = [1], strides = [1]} : vector<16xf32> to vector<1xf32>
        %squeeze3A_395 = vector.extract %slice3A_394[0] : f32 from vector<1xf32>
        %jit3A_396 = arith.constant 0.000000e+00 : f32
        %broadcast_in_dim3A_397 = vector.broadcast %squeeze3A_395 : f32 to vector<16xf32>
        %broadcast_in_dim3A_398 = vector.broadcast %jit3A_396 : f32 to vector<16xf32>
        %select_n3A_399 = arith.select %eq3A_373, %broadcast_in_dim3A_397, %broadcast_in_dim3A_398 : vector<16xi1>, vector<16xf32>
        %swap3A_400 = arith.index_cast %and3A_370 : i32 to index
        %swap3A_401 = tpu.vector_load %arg12[%swap3A_400] {strides = array<i32>} : memref<10240xf32, #tpu.memory_space<vmem>>, vector<16xf32>,
        %swap3A_402 = vector.shape_cast %swap3A_401 : vector<16xf32> to vector<16xf32>
        %swap3A_403 = vector.shape_cast %select_n3A_399 : vector<16xf32> to vector<16xf32>
        tpu.vector_store %arg12[%swap3A_400], %swap3A_403 {add = true, strides = array<i32>} : memref<10240xf32, #tpu.memory_space<vmem>>, vector<16xf32>,
        %slice3A_404 = vector.extract_strided_slice %get3A_70 {offsets = [9], sizes = [1], strides = [1]} : vector<16xi32> to vector<1xi32>
        %squeeze3A_405 = vector.extract %slice3A_404[0] : i32 from vector<1xi32>
        %and3A_406 = arith.constant -16 : i32
        %and3A_407 = arith.andi %squeeze3A_405, %and3A_406 : i32
        %sub3A_408 = arith.subi %squeeze3A_405, %and3A_407 : i32
        %eq3A_409 = vector.broadcast %sub3A_408 : i32 to vector<16xi32>
        %eq3A_410 = arith.cmpi eq, %iota3A, %eq3A_409 : vector<16xi32>
        %slice3A_411 = vector.extract_strided_slice %get3A_73 {offsets = [9], sizes = [1], strides = [1]} : vector<16xf32> to vector<1xf32>
        %squeeze3A_412 = vector.extract %slice3A_411[0] : f32 from vector<1xf32>
        %jit3A_413 = arith.constant 0.000000e+00 : f32
        %broadcast_in_dim3A_414 = vector.broadcast %squeeze3A_412 : f32 to vector<16xf32>
        %broadcast_in_dim3A_415 = vector.broadcast %jit3A_413 : f32 to vector<16xf32>
        %select_n3A_416 = arith.select %eq3A_410, %broadcast_in_dim3A_414, %broadcast_in_dim3A_415 : vector<16xi1>, vector<16xf32>
        %swap3A_417 = arith.index_cast %and3A_407 : i32 to index
        %swap3A_418 = tpu.vector_load %arg10[%swap3A_417] {strides = array<i32>} : memref<10240xf32, #tpu.memory_space<vmem>>, vector<16xf32>,
        %swap3A_419 = vector.shape_cast %swap3A_418 : vector<16xf32> to vector<16xf32>
        %swap3A_420 = vector.shape_cast %select_n3A_416 : vector<16xf32> to vector<16xf32>
        tpu.vector_store %arg10[%swap3A_417], %swap3A_420 {add = true, strides = array<i32>} : memref<10240xf32, #tpu.memory_space<vmem>>, vector<16xf32>,
        %slice3A_421 = vector.extract_strided_slice %get3A_76 {offsets = [9], sizes = [1], strides = [1]} : vector<16xf32> to vector<1xf32>
        %squeeze3A_422 = vector.extract %slice3A_421[0] : f32 from vector<1xf32>
        %jit3A_423 = arith.constant 0.000000e+00 : f32
        %broadcast_in_dim3A_424 = vector.broadcast %squeeze3A_422 : f32 to vector<16xf32>
        %broadcast_in_dim3A_425 = vector.broadcast %jit3A_423 : f32 to vector<16xf32>
        %select_n3A_426 = arith.select %eq3A_410, %broadcast_in_dim3A_424, %broadcast_in_dim3A_425 : vector<16xi1>, vector<16xf32>
        %swap3A_427 = arith.index_cast %and3A_407 : i32 to index
        %swap3A_428 = tpu.vector_load %arg11[%swap3A_427] {strides = array<i32>} : memref<10240xf32, #tpu.memory_space<vmem>>, vector<16xf32>,
        %swap3A_429 = vector.shape_cast %swap3A_428 : vector<16xf32> to vector<16xf32>
        %swap3A_430 = vector.shape_cast %select_n3A_426 : vector<16xf32> to vector<16xf32>
        tpu.vector_store %arg11[%swap3A_427], %swap3A_430 {add = true, strides = array<i32>} : memref<10240xf32, #tpu.memory_space<vmem>>, vector<16xf32>,
        %slice3A_431 = vector.extract_strided_slice %get3A_79 {offsets = [9], sizes = [1], strides = [1]} : vector<16xf32> to vector<1xf32>
        %squeeze3A_432 = vector.extract %slice3A_431[0] : f32 from vector<1xf32>
        %jit3A_433 = arith.constant 0.000000e+00 : f32
        %broadcast_in_dim3A_434 = vector.broadcast %squeeze3A_432 : f32 to vector<16xf32>
        %broadcast_in_dim3A_435 = vector.broadcast %jit3A_433 : f32 to vector<16xf32>
        %select_n3A_436 = arith.select %eq3A_410, %broadcast_in_dim3A_434, %broadcast_in_dim3A_435 : vector<16xi1>, vector<16xf32>
        %swap3A_437 = arith.index_cast %and3A_407 : i32 to index
        %swap3A_438 = tpu.vector_load %arg12[%swap3A_437] {strides = array<i32>} : memref<10240xf32, #tpu.memory_space<vmem>>, vector<16xf32>,
        %swap3A_439 = vector.shape_cast %swap3A_438 : vector<16xf32> to vector<16xf32>
        %swap3A_440 = vector.shape_cast %select_n3A_436 : vector<16xf32> to vector<16xf32>
        tpu.vector_store %arg12[%swap3A_437], %swap3A_440 {add = true, strides = array<i32>} : memref<10240xf32, #tpu.memory_space<vmem>>, vector<16xf32>,
        %slice3A_441 = vector.extract_strided_slice %get3A_70 {offsets = [10], sizes = [1], strides = [1]} : vector<16xi32> to vector<1xi32>
        %squeeze3A_442 = vector.extract %slice3A_441[0] : i32 from vector<1xi32>
        %and3A_443 = arith.constant -16 : i32
        %and3A_444 = arith.andi %squeeze3A_442, %and3A_443 : i32
        %sub3A_445 = arith.subi %squeeze3A_442, %and3A_444 : i32
        %eq3A_446 = vector.broadcast %sub3A_445 : i32 to vector<16xi32>
        %eq3A_447 = arith.cmpi eq, %iota3A, %eq3A_446 : vector<16xi32>
        %slice3A_448 = vector.extract_strided_slice %get3A_73 {offsets = [10], sizes = [1], strides = [1]} : vector<16xf32> to vector<1xf32>
        %squeeze3A_449 = vector.extract %slice3A_448[0] : f32 from vector<1xf32>
        %jit3A_450 = arith.constant 0.000000e+00 : f32
        %broadcast_in_dim3A_451 = vector.broadcast %squeeze3A_449 : f32 to vector<16xf32>
        %broadcast_in_dim3A_452 = vector.broadcast %jit3A_450 : f32 to vector<16xf32>
        %select_n3A_453 = arith.select %eq3A_447, %broadcast_in_dim3A_451, %broadcast_in_dim3A_452 : vector<16xi1>, vector<16xf32>
        %swap3A_454 = arith.index_cast %and3A_444 : i32 to index
        %swap3A_455 = tpu.vector_load %arg10[%swap3A_454] {strides = array<i32>} : memref<10240xf32, #tpu.memory_space<vmem>>, vector<16xf32>,
        %swap3A_456 = vector.shape_cast %swap3A_455 : vector<16xf32> to vector<16xf32>
        %swap3A_457 = vector.shape_cast %select_n3A_453 : vector<16xf32> to vector<16xf32>
        tpu.vector_store %arg10[%swap3A_454], %swap3A_457 {add = true, strides = array<i32>} : memref<10240xf32, #tpu.memory_space<vmem>>, vector<16xf32>,
        %slice3A_458 = vector.extract_strided_slice %get3A_76 {offsets = [10], sizes = [1], strides = [1]} : vector<16xf32> to vector<1xf32>
        %squeeze3A_459 = vector.extract %slice3A_458[0] : f32 from vector<1xf32>
        %jit3A_460 = arith.constant 0.000000e+00 : f32
        %broadcast_in_dim3A_461 = vector.broadcast %squeeze3A_459 : f32 to vector<16xf32>
        %broadcast_in_dim3A_462 = vector.broadcast %jit3A_460 : f32 to vector<16xf32>
        %select_n3A_463 = arith.select %eq3A_447, %broadcast_in_dim3A_461, %broadcast_in_dim3A_462 : vector<16xi1>, vector<16xf32>
        %swap3A_464 = arith.index_cast %and3A_444 : i32 to index
        %swap3A_465 = tpu.vector_load %arg11[%swap3A_464] {strides = array<i32>} : memref<10240xf32, #tpu.memory_space<vmem>>, vector<16xf32>,
        %swap3A_466 = vector.shape_cast %swap3A_465 : vector<16xf32> to vector<16xf32>
        %swap3A_467 = vector.shape_cast %select_n3A_463 : vector<16xf32> to vector<16xf32>
        tpu.vector_store %arg11[%swap3A_464], %swap3A_467 {add = true, strides = array<i32>} : memref<10240xf32, #tpu.memory_space<vmem>>, vector<16xf32>,
        %slice3A_468 = vector.extract_strided_slice %get3A_79 {offsets = [10], sizes = [1], strides = [1]} : vector<16xf32> to vector<1xf32>
        %squeeze3A_469 = vector.extract %slice3A_468[0] : f32 from vector<1xf32>
        %jit3A_470 = arith.constant 0.000000e+00 : f32
        %broadcast_in_dim3A_471 = vector.broadcast %squeeze3A_469 : f32 to vector<16xf32>
        %broadcast_in_dim3A_472 = vector.broadcast %jit3A_470 : f32 to vector<16xf32>
        %select_n3A_473 = arith.select %eq3A_447, %broadcast_in_dim3A_471, %broadcast_in_dim3A_472 : vector<16xi1>, vector<16xf32>
        %swap3A_474 = arith.index_cast %and3A_444 : i32 to index
        %swap3A_475 = tpu.vector_load %arg12[%swap3A_474] {strides = array<i32>} : memref<10240xf32, #tpu.memory_space<vmem>>, vector<16xf32>,
        %swap3A_476 = vector.shape_cast %swap3A_475 : vector<16xf32> to vector<16xf32>
        %swap3A_477 = vector.shape_cast %select_n3A_473 : vector<16xf32> to vector<16xf32>
        tpu.vector_store %arg12[%swap3A_474], %swap3A_477 {add = true, strides = array<i32>} : memref<10240xf32, #tpu.memory_space<vmem>>, vector<16xf32>,
        %slice3A_478 = vector.extract_strided_slice %get3A_70 {offsets = [11], sizes = [1], strides = [1]} : vector<16xi32> to vector<1xi32>
        %squeeze3A_479 = vector.extract %slice3A_478[0] : i32 from vector<1xi32>
        %and3A_480 = arith.constant -16 : i32
        %and3A_481 = arith.andi %squeeze3A_479, %and3A_480 : i32
        %sub3A_482 = arith.subi %squeeze3A_479, %and3A_481 : i32
        %eq3A_483 = vector.broadcast %sub3A_482 : i32 to vector<16xi32>
        %eq3A_484 = arith.cmpi eq, %iota3A, %eq3A_483 : vector<16xi32>
        %slice3A_485 = vector.extract_strided_slice %get3A_73 {offsets = [11], sizes = [1], strides = [1]} : vector<16xf32> to vector<1xf32>
        %squeeze3A_486 = vector.extract %slice3A_485[0] : f32 from vector<1xf32>
        %jit3A_487 = arith.constant 0.000000e+00 : f32
        %broadcast_in_dim3A_488 = vector.broadcast %squeeze3A_486 : f32 to vector<16xf32>
        %broadcast_in_dim3A_489 = vector.broadcast %jit3A_487 : f32 to vector<16xf32>
        %select_n3A_490 = arith.select %eq3A_484, %broadcast_in_dim3A_488, %broadcast_in_dim3A_489 : vector<16xi1>, vector<16xf32>
        %swap3A_491 = arith.index_cast %and3A_481 : i32 to index
        %swap3A_492 = tpu.vector_load %arg10[%swap3A_491] {strides = array<i32>} : memref<10240xf32, #tpu.memory_space<vmem>>, vector<16xf32>,
        %swap3A_493 = vector.shape_cast %swap3A_492 : vector<16xf32> to vector<16xf32>
        %swap3A_494 = vector.shape_cast %select_n3A_490 : vector<16xf32> to vector<16xf32>
        tpu.vector_store %arg10[%swap3A_491], %swap3A_494 {add = true, strides = array<i32>} : memref<10240xf32, #tpu.memory_space<vmem>>, vector<16xf32>,
        %slice3A_495 = vector.extract_strided_slice %get3A_76 {offsets = [11], sizes = [1], strides = [1]} : vector<16xf32> to vector<1xf32>
        %squeeze3A_496 = vector.extract %slice3A_495[0] : f32 from vector<1xf32>
        %jit3A_497 = arith.constant 0.000000e+00 : f32
        %broadcast_in_dim3A_498 = vector.broadcast %squeeze3A_496 : f32 to vector<16xf32>
        %broadcast_in_dim3A_499 = vector.broadcast %jit3A_497 : f32 to vector<16xf32>
        %select_n3A_500 = arith.select %eq3A_484, %broadcast_in_dim3A_498, %broadcast_in_dim3A_499 : vector<16xi1>, vector<16xf32>
        %swap3A_501 = arith.index_cast %and3A_481 : i32 to index
        %swap3A_502 = tpu.vector_load %arg11[%swap3A_501] {strides = array<i32>} : memref<10240xf32, #tpu.memory_space<vmem>>, vector<16xf32>,
        %swap3A_503 = vector.shape_cast %swap3A_502 : vector<16xf32> to vector<16xf32>
        %swap3A_504 = vector.shape_cast %select_n3A_500 : vector<16xf32> to vector<16xf32>
        tpu.vector_store %arg11[%swap3A_501], %swap3A_504 {add = true, strides = array<i32>} : memref<10240xf32, #tpu.memory_space<vmem>>, vector<16xf32>,
        %slice3A_505 = vector.extract_strided_slice %get3A_79 {offsets = [11], sizes = [1], strides = [1]} : vector<16xf32> to vector<1xf32>
        %squeeze3A_506 = vector.extract %slice3A_505[0] : f32 from vector<1xf32>
        %jit3A_507 = arith.constant 0.000000e+00 : f32
        %broadcast_in_dim3A_508 = vector.broadcast %squeeze3A_506 : f32 to vector<16xf32>
        %broadcast_in_dim3A_509 = vector.broadcast %jit3A_507 : f32 to vector<16xf32>
        %select_n3A_510 = arith.select %eq3A_484, %broadcast_in_dim3A_508, %broadcast_in_dim3A_509 : vector<16xi1>, vector<16xf32>
        %swap3A_511 = arith.index_cast %and3A_481 : i32 to index
        %swap3A_512 = tpu.vector_load %arg12[%swap3A_511] {strides = array<i32>} : memref<10240xf32, #tpu.memory_space<vmem>>, vector<16xf32>,
        %swap3A_513 = vector.shape_cast %swap3A_512 : vector<16xf32> to vector<16xf32>
        %swap3A_514 = vector.shape_cast %select_n3A_510 : vector<16xf32> to vector<16xf32>
        tpu.vector_store %arg12[%swap3A_511], %swap3A_514 {add = true, strides = array<i32>} : memref<10240xf32, #tpu.memory_space<vmem>>, vector<16xf32>,
        %slice3A_515 = vector.extract_strided_slice %get3A_70 {offsets = [12], sizes = [1], strides = [1]} : vector<16xi32> to vector<1xi32>
        %squeeze3A_516 = vector.extract %slice3A_515[0] : i32 from vector<1xi32>
        %and3A_517 = arith.constant -16 : i32
        %and3A_518 = arith.andi %squeeze3A_516, %and3A_517 : i32
        %sub3A_519 = arith.subi %squeeze3A_516, %and3A_518 : i32
        %eq3A_520 = vector.broadcast %sub3A_519 : i32 to vector<16xi32>
        %eq3A_521 = arith.cmpi eq, %iota3A, %eq3A_520 : vector<16xi32>
        %slice3A_522 = vector.extract_strided_slice %get3A_73 {offsets = [12], sizes = [1], strides = [1]} : vector<16xf32> to vector<1xf32>
        %squeeze3A_523 = vector.extract %slice3A_522[0] : f32 from vector<1xf32>
        %jit3A_524 = arith.constant 0.000000e+00 : f32
        %broadcast_in_dim3A_525 = vector.broadcast %squeeze3A_523 : f32 to vector<16xf32>
        %broadcast_in_dim3A_526 = vector.broadcast %jit3A_524 : f32 to vector<16xf32>
        %select_n3A_527 = arith.select %eq3A_521, %broadcast_in_dim3A_525, %broadcast_in_dim3A_526 : vector<16xi1>, vector<16xf32>
        %swap3A_528 = arith.index_cast %and3A_518 : i32 to index
        %swap3A_529 = tpu.vector_load %arg10[%swap3A_528] {strides = array<i32>} : memref<10240xf32, #tpu.memory_space<vmem>>, vector<16xf32>,
        %swap3A_530 = vector.shape_cast %swap3A_529 : vector<16xf32> to vector<16xf32>
        %swap3A_531 = vector.shape_cast %select_n3A_527 : vector<16xf32> to vector<16xf32>
        tpu.vector_store %arg10[%swap3A_528], %swap3A_531 {add = true, strides = array<i32>} : memref<10240xf32, #tpu.memory_space<vmem>>, vector<16xf32>,
        %slice3A_532 = vector.extract_strided_slice %get3A_76 {offsets = [12], sizes = [1], strides = [1]} : vector<16xf32> to vector<1xf32>
        %squeeze3A_533 = vector.extract %slice3A_532[0] : f32 from vector<1xf32>
        %jit3A_534 = arith.constant 0.000000e+00 : f32
        %broadcast_in_dim3A_535 = vector.broadcast %squeeze3A_533 : f32 to vector<16xf32>
        %broadcast_in_dim3A_536 = vector.broadcast %jit3A_534 : f32 to vector<16xf32>
        %select_n3A_537 = arith.select %eq3A_521, %broadcast_in_dim3A_535, %broadcast_in_dim3A_536 : vector<16xi1>, vector<16xf32>
        %swap3A_538 = arith.index_cast %and3A_518 : i32 to index
        %swap3A_539 = tpu.vector_load %arg11[%swap3A_538] {strides = array<i32>} : memref<10240xf32, #tpu.memory_space<vmem>>, vector<16xf32>,
        %swap3A_540 = vector.shape_cast %swap3A_539 : vector<16xf32> to vector<16xf32>
        %swap3A_541 = vector.shape_cast %select_n3A_537 : vector<16xf32> to vector<16xf32>
        tpu.vector_store %arg11[%swap3A_538], %swap3A_541 {add = true, strides = array<i32>} : memref<10240xf32, #tpu.memory_space<vmem>>, vector<16xf32>,
        %slice3A_542 = vector.extract_strided_slice %get3A_79 {offsets = [12], sizes = [1], strides = [1]} : vector<16xf32> to vector<1xf32>
        %squeeze3A_543 = vector.extract %slice3A_542[0] : f32 from vector<1xf32>
        %jit3A_544 = arith.constant 0.000000e+00 : f32
        %broadcast_in_dim3A_545 = vector.broadcast %squeeze3A_543 : f32 to vector<16xf32>
        %broadcast_in_dim3A_546 = vector.broadcast %jit3A_544 : f32 to vector<16xf32>
        %select_n3A_547 = arith.select %eq3A_521, %broadcast_in_dim3A_545, %broadcast_in_dim3A_546 : vector<16xi1>, vector<16xf32>
        %swap3A_548 = arith.index_cast %and3A_518 : i32 to index
        %swap3A_549 = tpu.vector_load %arg12[%swap3A_548] {strides = array<i32>} : memref<10240xf32, #tpu.memory_space<vmem>>, vector<16xf32>,
        %swap3A_550 = vector.shape_cast %swap3A_549 : vector<16xf32> to vector<16xf32>
        %swap3A_551 = vector.shape_cast %select_n3A_547 : vector<16xf32> to vector<16xf32>
        tpu.vector_store %arg12[%swap3A_548], %swap3A_551 {add = true, strides = array<i32>} : memref<10240xf32, #tpu.memory_space<vmem>>, vector<16xf32>,
        %slice3A_552 = vector.extract_strided_slice %get3A_70 {offsets = [13], sizes = [1], strides = [1]} : vector<16xi32> to vector<1xi32>
        %squeeze3A_553 = vector.extract %slice3A_552[0] : i32 from vector<1xi32>
        %and3A_554 = arith.constant -16 : i32
        %and3A_555 = arith.andi %squeeze3A_553, %and3A_554 : i32
        %sub3A_556 = arith.subi %squeeze3A_553, %and3A_555 : i32
        %eq3A_557 = vector.broadcast %sub3A_556 : i32 to vector<16xi32>
        %eq3A_558 = arith.cmpi eq, %iota3A, %eq3A_557 : vector<16xi32>
        %slice3A_559 = vector.extract_strided_slice %get3A_73 {offsets = [13], sizes = [1], strides = [1]} : vector<16xf32> to vector<1xf32>
        %squeeze3A_560 = vector.extract %slice3A_559[0] : f32 from vector<1xf32>
        %jit3A_561 = arith.constant 0.000000e+00 : f32
        %broadcast_in_dim3A_562 = vector.broadcast %squeeze3A_560 : f32 to vector<16xf32>
        %broadcast_in_dim3A_563 = vector.broadcast %jit3A_561 : f32 to vector<16xf32>
        %select_n3A_564 = arith.select %eq3A_558, %broadcast_in_dim3A_562, %broadcast_in_dim3A_563 : vector<16xi1>, vector<16xf32>
        %swap3A_565 = arith.index_cast %and3A_555 : i32 to index
        %swap3A_566 = tpu.vector_load %arg10[%swap3A_565] {strides = array<i32>} : memref<10240xf32, #tpu.memory_space<vmem>>, vector<16xf32>,
        %swap3A_567 = vector.shape_cast %swap3A_566 : vector<16xf32> to vector<16xf32>
        %swap3A_568 = vector.shape_cast %select_n3A_564 : vector<16xf32> to vector<16xf32>
        tpu.vector_store %arg10[%swap3A_565], %swap3A_568 {add = true, strides = array<i32>} : memref<10240xf32, #tpu.memory_space<vmem>>, vector<16xf32>,
        %slice3A_569 = vector.extract_strided_slice %get3A_76 {offsets = [13], sizes = [1], strides = [1]} : vector<16xf32> to vector<1xf32>
        %squeeze3A_570 = vector.extract %slice3A_569[0] : f32 from vector<1xf32>
        %jit3A_571 = arith.constant 0.000000e+00 : f32
        %broadcast_in_dim3A_572 = vector.broadcast %squeeze3A_570 : f32 to vector<16xf32>
        %broadcast_in_dim3A_573 = vector.broadcast %jit3A_571 : f32 to vector<16xf32>
        %select_n3A_574 = arith.select %eq3A_558, %broadcast_in_dim3A_572, %broadcast_in_dim3A_573 : vector<16xi1>, vector<16xf32>
        %swap3A_575 = arith.index_cast %and3A_555 : i32 to index
        %swap3A_576 = tpu.vector_load %arg11[%swap3A_575] {strides = array<i32>} : memref<10240xf32, #tpu.memory_space<vmem>>, vector<16xf32>,
        %swap3A_577 = vector.shape_cast %swap3A_576 : vector<16xf32> to vector<16xf32>
        %swap3A_578 = vector.shape_cast %select_n3A_574 : vector<16xf32> to vector<16xf32>
        tpu.vector_store %arg11[%swap3A_575], %swap3A_578 {add = true, strides = array<i32>} : memref<10240xf32, #tpu.memory_space<vmem>>, vector<16xf32>,
        %slice3A_579 = vector.extract_strided_slice %get3A_79 {offsets = [13], sizes = [1], strides = [1]} : vector<16xf32> to vector<1xf32>
        %squeeze3A_580 = vector.extract %slice3A_579[0] : f32 from vector<1xf32>
        %jit3A_581 = arith.constant 0.000000e+00 : f32
        %broadcast_in_dim3A_582 = vector.broadcast %squeeze3A_580 : f32 to vector<16xf32>
        %broadcast_in_dim3A_583 = vector.broadcast %jit3A_581 : f32 to vector<16xf32>
        %select_n3A_584 = arith.select %eq3A_558, %broadcast_in_dim3A_582, %broadcast_in_dim3A_583 : vector<16xi1>, vector<16xf32>
        %swap3A_585 = arith.index_cast %and3A_555 : i32 to index
        %swap3A_586 = tpu.vector_load %arg12[%swap3A_585] {strides = array<i32>} : memref<10240xf32, #tpu.memory_space<vmem>>, vector<16xf32>,
        %swap3A_587 = vector.shape_cast %swap3A_586 : vector<16xf32> to vector<16xf32>
        %swap3A_588 = vector.shape_cast %select_n3A_584 : vector<16xf32> to vector<16xf32>
        tpu.vector_store %arg12[%swap3A_585], %swap3A_588 {add = true, strides = array<i32>} : memref<10240xf32, #tpu.memory_space<vmem>>, vector<16xf32>,
        %slice3A_589 = vector.extract_strided_slice %get3A_70 {offsets = [14], sizes = [1], strides = [1]} : vector<16xi32> to vector<1xi32>
        %squeeze3A_590 = vector.extract %slice3A_589[0] : i32 from vector<1xi32>
        %and3A_591 = arith.constant -16 : i32
        %and3A_592 = arith.andi %squeeze3A_590, %and3A_591 : i32
        %sub3A_593 = arith.subi %squeeze3A_590, %and3A_592 : i32
        %eq3A_594 = vector.broadcast %sub3A_593 : i32 to vector<16xi32>
        %eq3A_595 = arith.cmpi eq, %iota3A, %eq3A_594 : vector<16xi32>
        %slice3A_596 = vector.extract_strided_slice %get3A_73 {offsets = [14], sizes = [1], strides = [1]} : vector<16xf32> to vector<1xf32>
        %squeeze3A_597 = vector.extract %slice3A_596[0] : f32 from vector<1xf32>
        %jit3A_598 = arith.constant 0.000000e+00 : f32
        %broadcast_in_dim3A_599 = vector.broadcast %squeeze3A_597 : f32 to vector<16xf32>
        %broadcast_in_dim3A_600 = vector.broadcast %jit3A_598 : f32 to vector<16xf32>
        %select_n3A_601 = arith.select %eq3A_595, %broadcast_in_dim3A_599, %broadcast_in_dim3A_600 : vector<16xi1>, vector<16xf32>
        %swap3A_602 = arith.index_cast %and3A_592 : i32 to index
        %swap3A_603 = tpu.vector_load %arg10[%swap3A_602] {strides = array<i32>} : memref<10240xf32, #tpu.memory_space<vmem>>, vector<16xf32>,
        %swap3A_604 = vector.shape_cast %swap3A_603 : vector<16xf32> to vector<16xf32>
        %swap3A_605 = vector.shape_cast %select_n3A_601 : vector<16xf32> to vector<16xf32>
        tpu.vector_store %arg10[%swap3A_602], %swap3A_605 {add = true, strides = array<i32>} : memref<10240xf32, #tpu.memory_space<vmem>>, vector<16xf32>,
        %slice3A_606 = vector.extract_strided_slice %get3A_76 {offsets = [14], sizes = [1], strides = [1]} : vector<16xf32> to vector<1xf32>
        %squeeze3A_607 = vector.extract %slice3A_606[0] : f32 from vector<1xf32>
        %jit3A_608 = arith.constant 0.000000e+00 : f32
        %broadcast_in_dim3A_609 = vector.broadcast %squeeze3A_607 : f32 to vector<16xf32>
        %broadcast_in_dim3A_610 = vector.broadcast %jit3A_608 : f32 to vector<16xf32>
        %select_n3A_611 = arith.select %eq3A_595, %broadcast_in_dim3A_609, %broadcast_in_dim3A_610 : vector<16xi1>, vector<16xf32>
        %swap3A_612 = arith.index_cast %and3A_592 : i32 to index
        %swap3A_613 = tpu.vector_load %arg11[%swap3A_612] {strides = array<i32>} : memref<10240xf32, #tpu.memory_space<vmem>>, vector<16xf32>,
        %swap3A_614 = vector.shape_cast %swap3A_613 : vector<16xf32> to vector<16xf32>
        %swap3A_615 = vector.shape_cast %select_n3A_611 : vector<16xf32> to vector<16xf32>
        tpu.vector_store %arg11[%swap3A_612], %swap3A_615 {add = true, strides = array<i32>} : memref<10240xf32, #tpu.memory_space<vmem>>, vector<16xf32>,
        %slice3A_616 = vector.extract_strided_slice %get3A_79 {offsets = [14], sizes = [1], strides = [1]} : vector<16xf32> to vector<1xf32>
        %squeeze3A_617 = vector.extract %slice3A_616[0] : f32 from vector<1xf32>
        %jit3A_618 = arith.constant 0.000000e+00 : f32
        %broadcast_in_dim3A_619 = vector.broadcast %squeeze3A_617 : f32 to vector<16xf32>
        %broadcast_in_dim3A_620 = vector.broadcast %jit3A_618 : f32 to vector<16xf32>
        %select_n3A_621 = arith.select %eq3A_595, %broadcast_in_dim3A_619, %broadcast_in_dim3A_620 : vector<16xi1>, vector<16xf32>
        %swap3A_622 = arith.index_cast %and3A_592 : i32 to index
        %swap3A_623 = tpu.vector_load %arg12[%swap3A_622] {strides = array<i32>} : memref<10240xf32, #tpu.memory_space<vmem>>, vector<16xf32>,
        %swap3A_624 = vector.shape_cast %swap3A_623 : vector<16xf32> to vector<16xf32>
        %swap3A_625 = vector.shape_cast %select_n3A_621 : vector<16xf32> to vector<16xf32>
        tpu.vector_store %arg12[%swap3A_622], %swap3A_625 {add = true, strides = array<i32>} : memref<10240xf32, #tpu.memory_space<vmem>>, vector<16xf32>,
        %slice3A_626 = vector.extract_strided_slice %get3A_70 {offsets = [15], sizes = [1], strides = [1]} : vector<16xi32> to vector<1xi32>
        %squeeze3A_627 = vector.extract %slice3A_626[0] : i32 from vector<1xi32>
        %and3A_628 = arith.constant -16 : i32
        %and3A_629 = arith.andi %squeeze3A_627, %and3A_628 : i32
        %sub3A_630 = arith.subi %squeeze3A_627, %and3A_629 : i32
        %eq3A_631 = vector.broadcast %sub3A_630 : i32 to vector<16xi32>
        %eq3A_632 = arith.cmpi eq, %iota3A, %eq3A_631 : vector<16xi32>
        %slice3A_633 = vector.extract_strided_slice %get3A_73 {offsets = [15], sizes = [1], strides = [1]} : vector<16xf32> to vector<1xf32>
        %squeeze3A_634 = vector.extract %slice3A_633[0] : f32 from vector<1xf32>
        %jit3A_635 = arith.constant 0.000000e+00 : f32
        %broadcast_in_dim3A_636 = vector.broadcast %squeeze3A_634 : f32 to vector<16xf32>
        %broadcast_in_dim3A_637 = vector.broadcast %jit3A_635 : f32 to vector<16xf32>
        %select_n3A_638 = arith.select %eq3A_632, %broadcast_in_dim3A_636, %broadcast_in_dim3A_637 : vector<16xi1>, vector<16xf32>
        %swap3A_639 = arith.index_cast %and3A_629 : i32 to index
        %swap3A_640 = tpu.vector_load %arg10[%swap3A_639] {strides = array<i32>} : memref<10240xf32, #tpu.memory_space<vmem>>, vector<16xf32>,
        %swap3A_641 = vector.shape_cast %swap3A_640 : vector<16xf32> to vector<16xf32>
        %swap3A_642 = vector.shape_cast %select_n3A_638 : vector<16xf32> to vector<16xf32>
        tpu.vector_store %arg10[%swap3A_639], %swap3A_642 {add = true, strides = array<i32>} : memref<10240xf32, #tpu.memory_space<vmem>>, vector<16xf32>,
        %slice3A_643 = vector.extract_strided_slice %get3A_76 {offsets = [15], sizes = [1], strides = [1]} : vector<16xf32> to vector<1xf32>
        %squeeze3A_644 = vector.extract %slice3A_643[0] : f32 from vector<1xf32>
        %jit3A_645 = arith.constant 0.000000e+00 : f32
        %broadcast_in_dim3A_646 = vector.broadcast %squeeze3A_644 : f32 to vector<16xf32>
        %broadcast_in_dim3A_647 = vector.broadcast %jit3A_645 : f32 to vector<16xf32>
        %select_n3A_648 = arith.select %eq3A_632, %broadcast_in_dim3A_646, %broadcast_in_dim3A_647 : vector<16xi1>, vector<16xf32>
        %swap3A_649 = arith.index_cast %and3A_629 : i32 to index
        %swap3A_650 = tpu.vector_load %arg11[%swap3A_649] {strides = array<i32>} : memref<10240xf32, #tpu.memory_space<vmem>>, vector<16xf32>,
        %swap3A_651 = vector.shape_cast %swap3A_650 : vector<16xf32> to vector<16xf32>
        %swap3A_652 = vector.shape_cast %select_n3A_648 : vector<16xf32> to vector<16xf32>
        tpu.vector_store %arg11[%swap3A_649], %swap3A_652 {add = true, strides = array<i32>} : memref<10240xf32, #tpu.memory_space<vmem>>, vector<16xf32>,
        %slice3A_653 = vector.extract_strided_slice %get3A_79 {offsets = [15], sizes = [1], strides = [1]} : vector<16xf32> to vector<1xf32>
        %squeeze3A_654 = vector.extract %slice3A_653[0] : f32 from vector<1xf32>
        %jit3A_655 = arith.constant 0.000000e+00 : f32
        %broadcast_in_dim3A_656 = vector.broadcast %squeeze3A_654 : f32 to vector<16xf32>
        %broadcast_in_dim3A_657 = vector.broadcast %jit3A_655 : f32 to vector<16xf32>
        %select_n3A_658 = arith.select %eq3A_632, %broadcast_in_dim3A_656, %broadcast_in_dim3A_657 : vector<16xi1>, vector<16xf32>
        %swap3A_659 = arith.index_cast %and3A_629 : i32 to index
        %swap3A_660 = tpu.vector_load %arg12[%swap3A_659] {strides = array<i32>} : memref<10240xf32, #tpu.memory_space<vmem>>, vector<16xf32>,
        %swap3A_661 = vector.shape_cast %swap3A_660 : vector<16xf32> to vector<16xf32>
        %swap3A_662 = vector.shape_cast %select_n3A_658 : vector<16xf32> to vector<16xf32>
        tpu.vector_store %arg12[%swap3A_659], %swap3A_662 {add = true, strides = array<i32>} : memref<10240xf32, #tpu.memory_space<vmem>>, vector<16xf32>,
      }
      %scan3A_65 = arith.constant 8 : i32
    }
    %scan3A_4 = arith.constant 39 : i32
    %lt3A = arith.constant 4 : i32
    %lt3A_5 = arith.cmpi slt, %add3A, %lt3A : i32
    %convert_element_type3A = arith.extui %lt3A_5 : i1 to i32
    %cond3A = arith.constant 0 : i32
    %cond3A_6 = arith.cmpi ne, %convert_element_type3A, %cond3A : i32
    scf.if %cond3A_6 {
      %add3A_9 = arith.constant 2496 : i32
      %add3A_10 = arith.addi %add3A, %add3A_9 : i32
      %mul3A_11 = arith.constant 128 : i32
      %mul3A_12 = arith.muli %add3A_10, %mul3A_11 : i32
      %dma_start3A = tpu.memref_slice %arg5[%mul3A_12] : memref<320000xi32, #tpu.memory_space<hbm>> -> memref<128xi32, #tpu.memory_space<hbm>>
      %dma_start3A_13 = tpu.memref_slice %arg5[%mul3A_12] : memref<320000xi32, #tpu.memory_space<hbm>> -> memref<128xi32, #tpu.memory_space<hbm>>
      tpu.enqueue_dma source(%dma_start3A_13 : memref<128xi32, #tpu.memory_space<hbm>>) target(%arg16 : memref<128xi32, #tpu.memory_space<vmem>>) target_semaphore(%arg21 : memref<!tpu.dma_semaphore, #tpu.memory_space<semaphore_mem>>)
      %dma_start3A_14 = tpu.memref_slice %arg2[%mul3A_12] : memref<320000xf32, #tpu.memory_space<hbm>> -> memref<128xf32, #tpu.memory_space<hbm>>
      %dma_start3A_15 = tpu.memref_slice %arg2[%mul3A_12] : memref<320000xf32, #tpu.memory_space<hbm>> -> memref<128xf32, #tpu.memory_space<hbm>>
      tpu.enqueue_dma source(%dma_start3A_15 : memref<128xf32, #tpu.memory_space<hbm>>) target(%arg13 : memref<128xf32, #tpu.memory_space<vmem>>) target_semaphore(%arg21 : memref<!tpu.dma_semaphore, #tpu.memory_space<semaphore_mem>>)
      %dma_start3A_16 = tpu.memref_slice %arg3[%mul3A_12] : memref<320000xf32, #tpu.memory_space<hbm>> -> memref<128xf32, #tpu.memory_space<hbm>>
      %dma_start3A_17 = tpu.memref_slice %arg3[%mul3A_12] : memref<320000xf32, #tpu.memory_space<hbm>> -> memref<128xf32, #tpu.memory_space<hbm>>
      tpu.enqueue_dma source(%dma_start3A_17 : memref<128xf32, #tpu.memory_space<hbm>>) target(%arg14 : memref<128xf32, #tpu.memory_space<vmem>>) target_semaphore(%arg21 : memref<!tpu.dma_semaphore, #tpu.memory_space<semaphore_mem>>)
      %dma_start3A_18 = tpu.memref_slice %arg4[%mul3A_12] : memref<320000xf32, #tpu.memory_space<hbm>> -> memref<128xf32, #tpu.memory_space<hbm>>
      %dma_start3A_19 = tpu.memref_slice %arg4[%mul3A_12] : memref<320000xf32, #tpu.memory_space<hbm>> -> memref<128xf32, #tpu.memory_space<hbm>>
      tpu.enqueue_dma source(%dma_start3A_19 : memref<128xf32, #tpu.memory_space<hbm>>) target(%arg15 : memref<128xf32, #tpu.memory_space<vmem>>) target_semaphore(%arg21 : memref<!tpu.dma_semaphore, #tpu.memory_space<semaphore_mem>>)
      %dma_wait3A = tpu.memref_slice %arg5[%mul3A_12] : memref<320000xi32, #tpu.memory_space<hbm>> -> memref<128xi32, #tpu.memory_space<hbm>>
      %dma_wait3A_20 = tpu.memref_slice %arg5[%mul3A_12] : memref<320000xi32, #tpu.memory_space<hbm>> -> memref<128xi32, #tpu.memory_space<hbm>>
      tpu.wait_dma2 semaphore(%arg21 : memref<!tpu.dma_semaphore, #tpu.memory_space<semaphore_mem>>) src(%dma_wait3A_20 : memref<128xi32, #tpu.memory_space<hbm>>) dst(%arg16 : memref<128xi32, #tpu.memory_space<vmem>>)
      %dma_wait3A_21 = tpu.memref_slice %arg2[%mul3A_12] : memref<320000xf32, #tpu.memory_space<hbm>> -> memref<128xf32, #tpu.memory_space<hbm>>
      %dma_wait3A_22 = tpu.memref_slice %arg2[%mul3A_12] : memref<320000xf32, #tpu.memory_space<hbm>> -> memref<128xf32, #tpu.memory_space<hbm>>
      tpu.wait_dma2 semaphore(%arg21 : memref<!tpu.dma_semaphore, #tpu.memory_space<semaphore_mem>>) src(%dma_wait3A_22 : memref<128xf32, #tpu.memory_space<hbm>>) dst(%arg13 : memref<128xf32, #tpu.memory_space<vmem>>)
      %dma_wait3A_23 = tpu.memref_slice %arg3[%mul3A_12] : memref<320000xf32, #tpu.memory_space<hbm>> -> memref<128xf32, #tpu.memory_space<hbm>>
      %dma_wait3A_24 = tpu.memref_slice %arg3[%mul3A_12] : memref<320000xf32, #tpu.memory_space<hbm>> -> memref<128xf32, #tpu.memory_space<hbm>>
      tpu.wait_dma2 semaphore(%arg21 : memref<!tpu.dma_semaphore, #tpu.memory_space<semaphore_mem>>) src(%dma_wait3A_24 : memref<128xf32, #tpu.memory_space<hbm>>) dst(%arg14 : memref<128xf32, #tpu.memory_space<vmem>>)
      %dma_wait3A_25 = tpu.memref_slice %arg4[%mul3A_12] : memref<320000xf32, #tpu.memory_space<hbm>> -> memref<128xf32, #tpu.memory_space<hbm>>
      %dma_wait3A_26 = tpu.memref_slice %arg4[%mul3A_12] : memref<320000xf32, #tpu.memory_space<hbm>> -> memref<128xf32, #tpu.memory_space<hbm>>
      tpu.wait_dma2 semaphore(%arg21 : memref<!tpu.dma_semaphore, #tpu.memory_space<semaphore_mem>>) src(%dma_wait3A_26 : memref<128xf32, #tpu.memory_space<hbm>>) dst(%arg15 : memref<128xf32, #tpu.memory_space<vmem>>)
      %scan3A_27 = arith.constant 0 : i32
      %scan3A_28 = arith.constant 8 : i32
      %scan3A_29 = arith.addi %scan3A_27, %scan3A_28 : i32
      %scan3A_30 = arith.constant 1 : i32
      scf.for %scan3A_32 = %scan3A_27 to %scan3A_29 step %scan3A_30  : i32 {
        %mul3A_33 = arith.constant 16 : i32
        %mul3A_34 = arith.muli %scan3A_32, %mul3A_33 : i32
        %get3A = arith.index_cast %mul3A_34 : i32 to index
        %get3A_35 = tpu.vector_load %arg16[%get3A] {strides = array<i32>} : memref<128xi32, #tpu.memory_space<vmem>>, vector<16xi32>,
        %get3A_36 = vector.shape_cast %get3A_35 : vector<16xi32> to vector<16xi32>
        %get3A_37 = arith.index_cast %mul3A_34 : i32 to index
        %get3A_38 = tpu.vector_load %arg13[%get3A_37] {strides = array<i32>} : memref<128xf32, #tpu.memory_space<vmem>>, vector<16xf32>,
        %get3A_39 = vector.shape_cast %get3A_38 : vector<16xf32> to vector<16xf32>
        %get3A_40 = arith.index_cast %mul3A_34 : i32 to index
        %get3A_41 = tpu.vector_load %arg14[%get3A_40] {strides = array<i32>} : memref<128xf32, #tpu.memory_space<vmem>>, vector<16xf32>,
        %get3A_42 = vector.shape_cast %get3A_41 : vector<16xf32> to vector<16xf32>
        %get3A_43 = arith.index_cast %mul3A_34 : i32 to index
        %get3A_44 = tpu.vector_load %arg15[%get3A_43] {strides = array<i32>} : memref<128xf32, #tpu.memory_space<vmem>>, vector<16xf32>,
        %get3A_45 = vector.shape_cast %get3A_44 : vector<16xf32> to vector<16xf32>
        %slice3A = vector.extract_strided_slice %get3A_36 {offsets = [0], sizes = [1], strides = [1]} : vector<16xi32> to vector<1xi32>
        %squeeze3A = vector.extract %slice3A[0] : i32 from vector<1xi32>
        %and3A = arith.constant -16 : i32
        %and3A_46 = arith.andi %squeeze3A, %and3A : i32
        %sub3A = arith.subi %squeeze3A, %and3A_46 : i32
        %eq3A = vector.broadcast %sub3A : i32 to vector<16xi32>
        %eq3A_47 = arith.cmpi eq, %iota3A, %eq3A : vector<16xi32>
        %slice3A_48 = vector.extract_strided_slice %get3A_39 {offsets = [0], sizes = [1], strides = [1]} : vector<16xf32> to vector<1xf32>
        %squeeze3A_49 = vector.extract %slice3A_48[0] : f32 from vector<1xf32>
        %jit3A = arith.constant 0.000000e+00 : f32
        %broadcast_in_dim3A = vector.broadcast %squeeze3A_49 : f32 to vector<16xf32>
        %broadcast_in_dim3A_50 = vector.broadcast %jit3A : f32 to vector<16xf32>
        %select_n3A = arith.select %eq3A_47, %broadcast_in_dim3A, %broadcast_in_dim3A_50 : vector<16xi1>, vector<16xf32>
        %swap3A = arith.index_cast %and3A_46 : i32 to index
        %swap3A_51 = tpu.vector_load %arg10[%swap3A] {strides = array<i32>} : memref<10240xf32, #tpu.memory_space<vmem>>, vector<16xf32>,
        %swap3A_52 = vector.shape_cast %swap3A_51 : vector<16xf32> to vector<16xf32>
        %swap3A_53 = vector.shape_cast %select_n3A : vector<16xf32> to vector<16xf32>
        tpu.vector_store %arg10[%swap3A], %swap3A_53 {add = true, strides = array<i32>} : memref<10240xf32, #tpu.memory_space<vmem>>, vector<16xf32>,
        %slice3A_54 = vector.extract_strided_slice %get3A_42 {offsets = [0], sizes = [1], strides = [1]} : vector<16xf32> to vector<1xf32>
        %squeeze3A_55 = vector.extract %slice3A_54[0] : f32 from vector<1xf32>
        %jit3A_56 = arith.constant 0.000000e+00 : f32
        %broadcast_in_dim3A_57 = vector.broadcast %squeeze3A_55 : f32 to vector<16xf32>
        %broadcast_in_dim3A_58 = vector.broadcast %jit3A_56 : f32 to vector<16xf32>
        %select_n3A_59 = arith.select %eq3A_47, %broadcast_in_dim3A_57, %broadcast_in_dim3A_58 : vector<16xi1>, vector<16xf32>
        %swap3A_60 = arith.index_cast %and3A_46 : i32 to index
        %swap3A_61 = tpu.vector_load %arg11[%swap3A_60] {strides = array<i32>} : memref<10240xf32, #tpu.memory_space<vmem>>, vector<16xf32>,
        %swap3A_62 = vector.shape_cast %swap3A_61 : vector<16xf32> to vector<16xf32>
        %swap3A_63 = vector.shape_cast %select_n3A_59 : vector<16xf32> to vector<16xf32>
        tpu.vector_store %arg11[%swap3A_60], %swap3A_63 {add = true, strides = array<i32>} : memref<10240xf32, #tpu.memory_space<vmem>>, vector<16xf32>,
        %slice3A_64 = vector.extract_strided_slice %get3A_45 {offsets = [0], sizes = [1], strides = [1]} : vector<16xf32> to vector<1xf32>
        %squeeze3A_65 = vector.extract %slice3A_64[0] : f32 from vector<1xf32>
        %jit3A_66 = arith.constant 0.000000e+00 : f32
        %broadcast_in_dim3A_67 = vector.broadcast %squeeze3A_65 : f32 to vector<16xf32>
        %broadcast_in_dim3A_68 = vector.broadcast %jit3A_66 : f32 to vector<16xf32>
        %select_n3A_69 = arith.select %eq3A_47, %broadcast_in_dim3A_67, %broadcast_in_dim3A_68 : vector<16xi1>, vector<16xf32>
        %swap3A_70 = arith.index_cast %and3A_46 : i32 to index
        %swap3A_71 = tpu.vector_load %arg12[%swap3A_70] {strides = array<i32>} : memref<10240xf32, #tpu.memory_space<vmem>>, vector<16xf32>,
        %swap3A_72 = vector.shape_cast %swap3A_71 : vector<16xf32> to vector<16xf32>
        %swap3A_73 = vector.shape_cast %select_n3A_69 : vector<16xf32> to vector<16xf32>
        tpu.vector_store %arg12[%swap3A_70], %swap3A_73 {add = true, strides = array<i32>} : memref<10240xf32, #tpu.memory_space<vmem>>, vector<16xf32>,
        %slice3A_74 = vector.extract_strided_slice %get3A_36 {offsets = [1], sizes = [1], strides = [1]} : vector<16xi32> to vector<1xi32>
        %squeeze3A_75 = vector.extract %slice3A_74[0] : i32 from vector<1xi32>
        %and3A_76 = arith.constant -16 : i32
        %and3A_77 = arith.andi %squeeze3A_75, %and3A_76 : i32
        %sub3A_78 = arith.subi %squeeze3A_75, %and3A_77 : i32
        %eq3A_79 = vector.broadcast %sub3A_78 : i32 to vector<16xi32>
        %eq3A_80 = arith.cmpi eq, %iota3A, %eq3A_79 : vector<16xi32>
        %slice3A_81 = vector.extract_strided_slice %get3A_39 {offsets = [1], sizes = [1], strides = [1]} : vector<16xf32> to vector<1xf32>
        %squeeze3A_82 = vector.extract %slice3A_81[0] : f32 from vector<1xf32>
        %jit3A_83 = arith.constant 0.000000e+00 : f32
        %broadcast_in_dim3A_84 = vector.broadcast %squeeze3A_82 : f32 to vector<16xf32>
        %broadcast_in_dim3A_85 = vector.broadcast %jit3A_83 : f32 to vector<16xf32>
        %select_n3A_86 = arith.select %eq3A_80, %broadcast_in_dim3A_84, %broadcast_in_dim3A_85 : vector<16xi1>, vector<16xf32>
        %swap3A_87 = arith.index_cast %and3A_77 : i32 to index
        %swap3A_88 = tpu.vector_load %arg10[%swap3A_87] {strides = array<i32>} : memref<10240xf32, #tpu.memory_space<vmem>>, vector<16xf32>,
        %swap3A_89 = vector.shape_cast %swap3A_88 : vector<16xf32> to vector<16xf32>
        %swap3A_90 = vector.shape_cast %select_n3A_86 : vector<16xf32> to vector<16xf32>
        tpu.vector_store %arg10[%swap3A_87], %swap3A_90 {add = true, strides = array<i32>} : memref<10240xf32, #tpu.memory_space<vmem>>, vector<16xf32>,
        %slice3A_91 = vector.extract_strided_slice %get3A_42 {offsets = [1], sizes = [1], strides = [1]} : vector<16xf32> to vector<1xf32>
        %squeeze3A_92 = vector.extract %slice3A_91[0] : f32 from vector<1xf32>
        %jit3A_93 = arith.constant 0.000000e+00 : f32
        %broadcast_in_dim3A_94 = vector.broadcast %squeeze3A_92 : f32 to vector<16xf32>
        %broadcast_in_dim3A_95 = vector.broadcast %jit3A_93 : f32 to vector<16xf32>
        %select_n3A_96 = arith.select %eq3A_80, %broadcast_in_dim3A_94, %broadcast_in_dim3A_95 : vector<16xi1>, vector<16xf32>
        %swap3A_97 = arith.index_cast %and3A_77 : i32 to index
        %swap3A_98 = tpu.vector_load %arg11[%swap3A_97] {strides = array<i32>} : memref<10240xf32, #tpu.memory_space<vmem>>, vector<16xf32>,
        %swap3A_99 = vector.shape_cast %swap3A_98 : vector<16xf32> to vector<16xf32>
        %swap3A_100 = vector.shape_cast %select_n3A_96 : vector<16xf32> to vector<16xf32>
        tpu.vector_store %arg11[%swap3A_97], %swap3A_100 {add = true, strides = array<i32>} : memref<10240xf32, #tpu.memory_space<vmem>>, vector<16xf32>,
        %slice3A_101 = vector.extract_strided_slice %get3A_45 {offsets = [1], sizes = [1], strides = [1]} : vector<16xf32> to vector<1xf32>
        %squeeze3A_102 = vector.extract %slice3A_101[0] : f32 from vector<1xf32>
        %jit3A_103 = arith.constant 0.000000e+00 : f32
        %broadcast_in_dim3A_104 = vector.broadcast %squeeze3A_102 : f32 to vector<16xf32>
        %broadcast_in_dim3A_105 = vector.broadcast %jit3A_103 : f32 to vector<16xf32>
        %select_n3A_106 = arith.select %eq3A_80, %broadcast_in_dim3A_104, %broadcast_in_dim3A_105 : vector<16xi1>, vector<16xf32>
        %swap3A_107 = arith.index_cast %and3A_77 : i32 to index
        %swap3A_108 = tpu.vector_load %arg12[%swap3A_107] {strides = array<i32>} : memref<10240xf32, #tpu.memory_space<vmem>>, vector<16xf32>,
        %swap3A_109 = vector.shape_cast %swap3A_108 : vector<16xf32> to vector<16xf32>
        %swap3A_110 = vector.shape_cast %select_n3A_106 : vector<16xf32> to vector<16xf32>
        tpu.vector_store %arg12[%swap3A_107], %swap3A_110 {add = true, strides = array<i32>} : memref<10240xf32, #tpu.memory_space<vmem>>, vector<16xf32>,
        %slice3A_111 = vector.extract_strided_slice %get3A_36 {offsets = [2], sizes = [1], strides = [1]} : vector<16xi32> to vector<1xi32>
        %squeeze3A_112 = vector.extract %slice3A_111[0] : i32 from vector<1xi32>
        %and3A_113 = arith.constant -16 : i32
        %and3A_114 = arith.andi %squeeze3A_112, %and3A_113 : i32
        %sub3A_115 = arith.subi %squeeze3A_112, %and3A_114 : i32
        %eq3A_116 = vector.broadcast %sub3A_115 : i32 to vector<16xi32>
        %eq3A_117 = arith.cmpi eq, %iota3A, %eq3A_116 : vector<16xi32>
        %slice3A_118 = vector.extract_strided_slice %get3A_39 {offsets = [2], sizes = [1], strides = [1]} : vector<16xf32> to vector<1xf32>
        %squeeze3A_119 = vector.extract %slice3A_118[0] : f32 from vector<1xf32>
        %jit3A_120 = arith.constant 0.000000e+00 : f32
        %broadcast_in_dim3A_121 = vector.broadcast %squeeze3A_119 : f32 to vector<16xf32>
        %broadcast_in_dim3A_122 = vector.broadcast %jit3A_120 : f32 to vector<16xf32>
        %select_n3A_123 = arith.select %eq3A_117, %broadcast_in_dim3A_121, %broadcast_in_dim3A_122 : vector<16xi1>, vector<16xf32>
        %swap3A_124 = arith.index_cast %and3A_114 : i32 to index
        %swap3A_125 = tpu.vector_load %arg10[%swap3A_124] {strides = array<i32>} : memref<10240xf32, #tpu.memory_space<vmem>>, vector<16xf32>,
        %swap3A_126 = vector.shape_cast %swap3A_125 : vector<16xf32> to vector<16xf32>
        %swap3A_127 = vector.shape_cast %select_n3A_123 : vector<16xf32> to vector<16xf32>
        tpu.vector_store %arg10[%swap3A_124], %swap3A_127 {add = true, strides = array<i32>} : memref<10240xf32, #tpu.memory_space<vmem>>, vector<16xf32>,
        %slice3A_128 = vector.extract_strided_slice %get3A_42 {offsets = [2], sizes = [1], strides = [1]} : vector<16xf32> to vector<1xf32>
        %squeeze3A_129 = vector.extract %slice3A_128[0] : f32 from vector<1xf32>
        %jit3A_130 = arith.constant 0.000000e+00 : f32
        %broadcast_in_dim3A_131 = vector.broadcast %squeeze3A_129 : f32 to vector<16xf32>
        %broadcast_in_dim3A_132 = vector.broadcast %jit3A_130 : f32 to vector<16xf32>
        %select_n3A_133 = arith.select %eq3A_117, %broadcast_in_dim3A_131, %broadcast_in_dim3A_132 : vector<16xi1>, vector<16xf32>
        %swap3A_134 = arith.index_cast %and3A_114 : i32 to index
        %swap3A_135 = tpu.vector_load %arg11[%swap3A_134] {strides = array<i32>} : memref<10240xf32, #tpu.memory_space<vmem>>, vector<16xf32>,
        %swap3A_136 = vector.shape_cast %swap3A_135 : vector<16xf32> to vector<16xf32>
        %swap3A_137 = vector.shape_cast %select_n3A_133 : vector<16xf32> to vector<16xf32>
        tpu.vector_store %arg11[%swap3A_134], %swap3A_137 {add = true, strides = array<i32>} : memref<10240xf32, #tpu.memory_space<vmem>>, vector<16xf32>,
        %slice3A_138 = vector.extract_strided_slice %get3A_45 {offsets = [2], sizes = [1], strides = [1]} : vector<16xf32> to vector<1xf32>
        %squeeze3A_139 = vector.extract %slice3A_138[0] : f32 from vector<1xf32>
        %jit3A_140 = arith.constant 0.000000e+00 : f32
        %broadcast_in_dim3A_141 = vector.broadcast %squeeze3A_139 : f32 to vector<16xf32>
        %broadcast_in_dim3A_142 = vector.broadcast %jit3A_140 : f32 to vector<16xf32>
        %select_n3A_143 = arith.select %eq3A_117, %broadcast_in_dim3A_141, %broadcast_in_dim3A_142 : vector<16xi1>, vector<16xf32>
        %swap3A_144 = arith.index_cast %and3A_114 : i32 to index
        %swap3A_145 = tpu.vector_load %arg12[%swap3A_144] {strides = array<i32>} : memref<10240xf32, #tpu.memory_space<vmem>>, vector<16xf32>,
        %swap3A_146 = vector.shape_cast %swap3A_145 : vector<16xf32> to vector<16xf32>
        %swap3A_147 = vector.shape_cast %select_n3A_143 : vector<16xf32> to vector<16xf32>
        tpu.vector_store %arg12[%swap3A_144], %swap3A_147 {add = true, strides = array<i32>} : memref<10240xf32, #tpu.memory_space<vmem>>, vector<16xf32>,
        %slice3A_148 = vector.extract_strided_slice %get3A_36 {offsets = [3], sizes = [1], strides = [1]} : vector<16xi32> to vector<1xi32>
        %squeeze3A_149 = vector.extract %slice3A_148[0] : i32 from vector<1xi32>
        %and3A_150 = arith.constant -16 : i32
        %and3A_151 = arith.andi %squeeze3A_149, %and3A_150 : i32
        %sub3A_152 = arith.subi %squeeze3A_149, %and3A_151 : i32
        %eq3A_153 = vector.broadcast %sub3A_152 : i32 to vector<16xi32>
        %eq3A_154 = arith.cmpi eq, %iota3A, %eq3A_153 : vector<16xi32>
        %slice3A_155 = vector.extract_strided_slice %get3A_39 {offsets = [3], sizes = [1], strides = [1]} : vector<16xf32> to vector<1xf32>
        %squeeze3A_156 = vector.extract %slice3A_155[0] : f32 from vector<1xf32>
        %jit3A_157 = arith.constant 0.000000e+00 : f32
        %broadcast_in_dim3A_158 = vector.broadcast %squeeze3A_156 : f32 to vector<16xf32>
        %broadcast_in_dim3A_159 = vector.broadcast %jit3A_157 : f32 to vector<16xf32>
        %select_n3A_160 = arith.select %eq3A_154, %broadcast_in_dim3A_158, %broadcast_in_dim3A_159 : vector<16xi1>, vector<16xf32>
        %swap3A_161 = arith.index_cast %and3A_151 : i32 to index
        %swap3A_162 = tpu.vector_load %arg10[%swap3A_161] {strides = array<i32>} : memref<10240xf32, #tpu.memory_space<vmem>>, vector<16xf32>,
        %swap3A_163 = vector.shape_cast %swap3A_162 : vector<16xf32> to vector<16xf32>
        %swap3A_164 = vector.shape_cast %select_n3A_160 : vector<16xf32> to vector<16xf32>
        tpu.vector_store %arg10[%swap3A_161], %swap3A_164 {add = true, strides = array<i32>} : memref<10240xf32, #tpu.memory_space<vmem>>, vector<16xf32>,
        %slice3A_165 = vector.extract_strided_slice %get3A_42 {offsets = [3], sizes = [1], strides = [1]} : vector<16xf32> to vector<1xf32>
        %squeeze3A_166 = vector.extract %slice3A_165[0] : f32 from vector<1xf32>
        %jit3A_167 = arith.constant 0.000000e+00 : f32
        %broadcast_in_dim3A_168 = vector.broadcast %squeeze3A_166 : f32 to vector<16xf32>
        %broadcast_in_dim3A_169 = vector.broadcast %jit3A_167 : f32 to vector<16xf32>
        %select_n3A_170 = arith.select %eq3A_154, %broadcast_in_dim3A_168, %broadcast_in_dim3A_169 : vector<16xi1>, vector<16xf32>
        %swap3A_171 = arith.index_cast %and3A_151 : i32 to index
        %swap3A_172 = tpu.vector_load %arg11[%swap3A_171] {strides = array<i32>} : memref<10240xf32, #tpu.memory_space<vmem>>, vector<16xf32>,
        %swap3A_173 = vector.shape_cast %swap3A_172 : vector<16xf32> to vector<16xf32>
        %swap3A_174 = vector.shape_cast %select_n3A_170 : vector<16xf32> to vector<16xf32>
        tpu.vector_store %arg11[%swap3A_171], %swap3A_174 {add = true, strides = array<i32>} : memref<10240xf32, #tpu.memory_space<vmem>>, vector<16xf32>,
        %slice3A_175 = vector.extract_strided_slice %get3A_45 {offsets = [3], sizes = [1], strides = [1]} : vector<16xf32> to vector<1xf32>
        %squeeze3A_176 = vector.extract %slice3A_175[0] : f32 from vector<1xf32>
        %jit3A_177 = arith.constant 0.000000e+00 : f32
        %broadcast_in_dim3A_178 = vector.broadcast %squeeze3A_176 : f32 to vector<16xf32>
        %broadcast_in_dim3A_179 = vector.broadcast %jit3A_177 : f32 to vector<16xf32>
        %select_n3A_180 = arith.select %eq3A_154, %broadcast_in_dim3A_178, %broadcast_in_dim3A_179 : vector<16xi1>, vector<16xf32>
        %swap3A_181 = arith.index_cast %and3A_151 : i32 to index
        %swap3A_182 = tpu.vector_load %arg12[%swap3A_181] {strides = array<i32>} : memref<10240xf32, #tpu.memory_space<vmem>>, vector<16xf32>,
        %swap3A_183 = vector.shape_cast %swap3A_182 : vector<16xf32> to vector<16xf32>
        %swap3A_184 = vector.shape_cast %select_n3A_180 : vector<16xf32> to vector<16xf32>
        tpu.vector_store %arg12[%swap3A_181], %swap3A_184 {add = true, strides = array<i32>} : memref<10240xf32, #tpu.memory_space<vmem>>, vector<16xf32>,
        %slice3A_185 = vector.extract_strided_slice %get3A_36 {offsets = [4], sizes = [1], strides = [1]} : vector<16xi32> to vector<1xi32>
        %squeeze3A_186 = vector.extract %slice3A_185[0] : i32 from vector<1xi32>
        %and3A_187 = arith.constant -16 : i32
        %and3A_188 = arith.andi %squeeze3A_186, %and3A_187 : i32
        %sub3A_189 = arith.subi %squeeze3A_186, %and3A_188 : i32
        %eq3A_190 = vector.broadcast %sub3A_189 : i32 to vector<16xi32>
        %eq3A_191 = arith.cmpi eq, %iota3A, %eq3A_190 : vector<16xi32>
        %slice3A_192 = vector.extract_strided_slice %get3A_39 {offsets = [4], sizes = [1], strides = [1]} : vector<16xf32> to vector<1xf32>
        %squeeze3A_193 = vector.extract %slice3A_192[0] : f32 from vector<1xf32>
        %jit3A_194 = arith.constant 0.000000e+00 : f32
        %broadcast_in_dim3A_195 = vector.broadcast %squeeze3A_193 : f32 to vector<16xf32>
        %broadcast_in_dim3A_196 = vector.broadcast %jit3A_194 : f32 to vector<16xf32>
        %select_n3A_197 = arith.select %eq3A_191, %broadcast_in_dim3A_195, %broadcast_in_dim3A_196 : vector<16xi1>, vector<16xf32>
        %swap3A_198 = arith.index_cast %and3A_188 : i32 to index
        %swap3A_199 = tpu.vector_load %arg10[%swap3A_198] {strides = array<i32>} : memref<10240xf32, #tpu.memory_space<vmem>>, vector<16xf32>,
        %swap3A_200 = vector.shape_cast %swap3A_199 : vector<16xf32> to vector<16xf32>
        %swap3A_201 = vector.shape_cast %select_n3A_197 : vector<16xf32> to vector<16xf32>
        tpu.vector_store %arg10[%swap3A_198], %swap3A_201 {add = true, strides = array<i32>} : memref<10240xf32, #tpu.memory_space<vmem>>, vector<16xf32>,
        %slice3A_202 = vector.extract_strided_slice %get3A_42 {offsets = [4], sizes = [1], strides = [1]} : vector<16xf32> to vector<1xf32>
        %squeeze3A_203 = vector.extract %slice3A_202[0] : f32 from vector<1xf32>
        %jit3A_204 = arith.constant 0.000000e+00 : f32
        %broadcast_in_dim3A_205 = vector.broadcast %squeeze3A_203 : f32 to vector<16xf32>
        %broadcast_in_dim3A_206 = vector.broadcast %jit3A_204 : f32 to vector<16xf32>
        %select_n3A_207 = arith.select %eq3A_191, %broadcast_in_dim3A_205, %broadcast_in_dim3A_206 : vector<16xi1>, vector<16xf32>
        %swap3A_208 = arith.index_cast %and3A_188 : i32 to index
        %swap3A_209 = tpu.vector_load %arg11[%swap3A_208] {strides = array<i32>} : memref<10240xf32, #tpu.memory_space<vmem>>, vector<16xf32>,
        %swap3A_210 = vector.shape_cast %swap3A_209 : vector<16xf32> to vector<16xf32>
        %swap3A_211 = vector.shape_cast %select_n3A_207 : vector<16xf32> to vector<16xf32>
        tpu.vector_store %arg11[%swap3A_208], %swap3A_211 {add = true, strides = array<i32>} : memref<10240xf32, #tpu.memory_space<vmem>>, vector<16xf32>,
        %slice3A_212 = vector.extract_strided_slice %get3A_45 {offsets = [4], sizes = [1], strides = [1]} : vector<16xf32> to vector<1xf32>
        %squeeze3A_213 = vector.extract %slice3A_212[0] : f32 from vector<1xf32>
        %jit3A_214 = arith.constant 0.000000e+00 : f32
        %broadcast_in_dim3A_215 = vector.broadcast %squeeze3A_213 : f32 to vector<16xf32>
        %broadcast_in_dim3A_216 = vector.broadcast %jit3A_214 : f32 to vector<16xf32>
        %select_n3A_217 = arith.select %eq3A_191, %broadcast_in_dim3A_215, %broadcast_in_dim3A_216 : vector<16xi1>, vector<16xf32>
        %swap3A_218 = arith.index_cast %and3A_188 : i32 to index
        %swap3A_219 = tpu.vector_load %arg12[%swap3A_218] {strides = array<i32>} : memref<10240xf32, #tpu.memory_space<vmem>>, vector<16xf32>,
        %swap3A_220 = vector.shape_cast %swap3A_219 : vector<16xf32> to vector<16xf32>
        %swap3A_221 = vector.shape_cast %select_n3A_217 : vector<16xf32> to vector<16xf32>
        tpu.vector_store %arg12[%swap3A_218], %swap3A_221 {add = true, strides = array<i32>} : memref<10240xf32, #tpu.memory_space<vmem>>, vector<16xf32>,
        %slice3A_222 = vector.extract_strided_slice %get3A_36 {offsets = [5], sizes = [1], strides = [1]} : vector<16xi32> to vector<1xi32>
        %squeeze3A_223 = vector.extract %slice3A_222[0] : i32 from vector<1xi32>
        %and3A_224 = arith.constant -16 : i32
        %and3A_225 = arith.andi %squeeze3A_223, %and3A_224 : i32
        %sub3A_226 = arith.subi %squeeze3A_223, %and3A_225 : i32
        %eq3A_227 = vector.broadcast %sub3A_226 : i32 to vector<16xi32>
        %eq3A_228 = arith.cmpi eq, %iota3A, %eq3A_227 : vector<16xi32>
        %slice3A_229 = vector.extract_strided_slice %get3A_39 {offsets = [5], sizes = [1], strides = [1]} : vector<16xf32> to vector<1xf32>
        %squeeze3A_230 = vector.extract %slice3A_229[0] : f32 from vector<1xf32>
        %jit3A_231 = arith.constant 0.000000e+00 : f32
        %broadcast_in_dim3A_232 = vector.broadcast %squeeze3A_230 : f32 to vector<16xf32>
        %broadcast_in_dim3A_233 = vector.broadcast %jit3A_231 : f32 to vector<16xf32>
        %select_n3A_234 = arith.select %eq3A_228, %broadcast_in_dim3A_232, %broadcast_in_dim3A_233 : vector<16xi1>, vector<16xf32>
        %swap3A_235 = arith.index_cast %and3A_225 : i32 to index
        %swap3A_236 = tpu.vector_load %arg10[%swap3A_235] {strides = array<i32>} : memref<10240xf32, #tpu.memory_space<vmem>>, vector<16xf32>,
        %swap3A_237 = vector.shape_cast %swap3A_236 : vector<16xf32> to vector<16xf32>
        %swap3A_238 = vector.shape_cast %select_n3A_234 : vector<16xf32> to vector<16xf32>
        tpu.vector_store %arg10[%swap3A_235], %swap3A_238 {add = true, strides = array<i32>} : memref<10240xf32, #tpu.memory_space<vmem>>, vector<16xf32>,
        %slice3A_239 = vector.extract_strided_slice %get3A_42 {offsets = [5], sizes = [1], strides = [1]} : vector<16xf32> to vector<1xf32>
        %squeeze3A_240 = vector.extract %slice3A_239[0] : f32 from vector<1xf32>
        %jit3A_241 = arith.constant 0.000000e+00 : f32
        %broadcast_in_dim3A_242 = vector.broadcast %squeeze3A_240 : f32 to vector<16xf32>
        %broadcast_in_dim3A_243 = vector.broadcast %jit3A_241 : f32 to vector<16xf32>
        %select_n3A_244 = arith.select %eq3A_228, %broadcast_in_dim3A_242, %broadcast_in_dim3A_243 : vector<16xi1>, vector<16xf32>
        %swap3A_245 = arith.index_cast %and3A_225 : i32 to index
        %swap3A_246 = tpu.vector_load %arg11[%swap3A_245] {strides = array<i32>} : memref<10240xf32, #tpu.memory_space<vmem>>, vector<16xf32>,
        %swap3A_247 = vector.shape_cast %swap3A_246 : vector<16xf32> to vector<16xf32>
        %swap3A_248 = vector.shape_cast %select_n3A_244 : vector<16xf32> to vector<16xf32>
        tpu.vector_store %arg11[%swap3A_245], %swap3A_248 {add = true, strides = array<i32>} : memref<10240xf32, #tpu.memory_space<vmem>>, vector<16xf32>,
        %slice3A_249 = vector.extract_strided_slice %get3A_45 {offsets = [5], sizes = [1], strides = [1]} : vector<16xf32> to vector<1xf32>
        %squeeze3A_250 = vector.extract %slice3A_249[0] : f32 from vector<1xf32>
        %jit3A_251 = arith.constant 0.000000e+00 : f32
        %broadcast_in_dim3A_252 = vector.broadcast %squeeze3A_250 : f32 to vector<16xf32>
        %broadcast_in_dim3A_253 = vector.broadcast %jit3A_251 : f32 to vector<16xf32>
        %select_n3A_254 = arith.select %eq3A_228, %broadcast_in_dim3A_252, %broadcast_in_dim3A_253 : vector<16xi1>, vector<16xf32>
        %swap3A_255 = arith.index_cast %and3A_225 : i32 to index
        %swap3A_256 = tpu.vector_load %arg12[%swap3A_255] {strides = array<i32>} : memref<10240xf32, #tpu.memory_space<vmem>>, vector<16xf32>,
        %swap3A_257 = vector.shape_cast %swap3A_256 : vector<16xf32> to vector<16xf32>
        %swap3A_258 = vector.shape_cast %select_n3A_254 : vector<16xf32> to vector<16xf32>
        tpu.vector_store %arg12[%swap3A_255], %swap3A_258 {add = true, strides = array<i32>} : memref<10240xf32, #tpu.memory_space<vmem>>, vector<16xf32>,
        %slice3A_259 = vector.extract_strided_slice %get3A_36 {offsets = [6], sizes = [1], strides = [1]} : vector<16xi32> to vector<1xi32>
        %squeeze3A_260 = vector.extract %slice3A_259[0] : i32 from vector<1xi32>
        %and3A_261 = arith.constant -16 : i32
        %and3A_262 = arith.andi %squeeze3A_260, %and3A_261 : i32
        %sub3A_263 = arith.subi %squeeze3A_260, %and3A_262 : i32
        %eq3A_264 = vector.broadcast %sub3A_263 : i32 to vector<16xi32>
        %eq3A_265 = arith.cmpi eq, %iota3A, %eq3A_264 : vector<16xi32>
        %slice3A_266 = vector.extract_strided_slice %get3A_39 {offsets = [6], sizes = [1], strides = [1]} : vector<16xf32> to vector<1xf32>
        %squeeze3A_267 = vector.extract %slice3A_266[0] : f32 from vector<1xf32>
        %jit3A_268 = arith.constant 0.000000e+00 : f32
        %broadcast_in_dim3A_269 = vector.broadcast %squeeze3A_267 : f32 to vector<16xf32>
        %broadcast_in_dim3A_270 = vector.broadcast %jit3A_268 : f32 to vector<16xf32>
        %select_n3A_271 = arith.select %eq3A_265, %broadcast_in_dim3A_269, %broadcast_in_dim3A_270 : vector<16xi1>, vector<16xf32>
        %swap3A_272 = arith.index_cast %and3A_262 : i32 to index
        %swap3A_273 = tpu.vector_load %arg10[%swap3A_272] {strides = array<i32>} : memref<10240xf32, #tpu.memory_space<vmem>>, vector<16xf32>,
        %swap3A_274 = vector.shape_cast %swap3A_273 : vector<16xf32> to vector<16xf32>
        %swap3A_275 = vector.shape_cast %select_n3A_271 : vector<16xf32> to vector<16xf32>
        tpu.vector_store %arg10[%swap3A_272], %swap3A_275 {add = true, strides = array<i32>} : memref<10240xf32, #tpu.memory_space<vmem>>, vector<16xf32>,
        %slice3A_276 = vector.extract_strided_slice %get3A_42 {offsets = [6], sizes = [1], strides = [1]} : vector<16xf32> to vector<1xf32>
        %squeeze3A_277 = vector.extract %slice3A_276[0] : f32 from vector<1xf32>
        %jit3A_278 = arith.constant 0.000000e+00 : f32
        %broadcast_in_dim3A_279 = vector.broadcast %squeeze3A_277 : f32 to vector<16xf32>
        %broadcast_in_dim3A_280 = vector.broadcast %jit3A_278 : f32 to vector<16xf32>
        %select_n3A_281 = arith.select %eq3A_265, %broadcast_in_dim3A_279, %broadcast_in_dim3A_280 : vector<16xi1>, vector<16xf32>
        %swap3A_282 = arith.index_cast %and3A_262 : i32 to index
        %swap3A_283 = tpu.vector_load %arg11[%swap3A_282] {strides = array<i32>} : memref<10240xf32, #tpu.memory_space<vmem>>, vector<16xf32>,
        %swap3A_284 = vector.shape_cast %swap3A_283 : vector<16xf32> to vector<16xf32>
        %swap3A_285 = vector.shape_cast %select_n3A_281 : vector<16xf32> to vector<16xf32>
        tpu.vector_store %arg11[%swap3A_282], %swap3A_285 {add = true, strides = array<i32>} : memref<10240xf32, #tpu.memory_space<vmem>>, vector<16xf32>,
        %slice3A_286 = vector.extract_strided_slice %get3A_45 {offsets = [6], sizes = [1], strides = [1]} : vector<16xf32> to vector<1xf32>
        %squeeze3A_287 = vector.extract %slice3A_286[0] : f32 from vector<1xf32>
        %jit3A_288 = arith.constant 0.000000e+00 : f32
        %broadcast_in_dim3A_289 = vector.broadcast %squeeze3A_287 : f32 to vector<16xf32>
        %broadcast_in_dim3A_290 = vector.broadcast %jit3A_288 : f32 to vector<16xf32>
        %select_n3A_291 = arith.select %eq3A_265, %broadcast_in_dim3A_289, %broadcast_in_dim3A_290 : vector<16xi1>, vector<16xf32>
        %swap3A_292 = arith.index_cast %and3A_262 : i32 to index
        %swap3A_293 = tpu.vector_load %arg12[%swap3A_292] {strides = array<i32>} : memref<10240xf32, #tpu.memory_space<vmem>>, vector<16xf32>,
        %swap3A_294 = vector.shape_cast %swap3A_293 : vector<16xf32> to vector<16xf32>
        %swap3A_295 = vector.shape_cast %select_n3A_291 : vector<16xf32> to vector<16xf32>
        tpu.vector_store %arg12[%swap3A_292], %swap3A_295 {add = true, strides = array<i32>} : memref<10240xf32, #tpu.memory_space<vmem>>, vector<16xf32>,
        %slice3A_296 = vector.extract_strided_slice %get3A_36 {offsets = [7], sizes = [1], strides = [1]} : vector<16xi32> to vector<1xi32>
        %squeeze3A_297 = vector.extract %slice3A_296[0] : i32 from vector<1xi32>
        %and3A_298 = arith.constant -16 : i32
        %and3A_299 = arith.andi %squeeze3A_297, %and3A_298 : i32
        %sub3A_300 = arith.subi %squeeze3A_297, %and3A_299 : i32
        %eq3A_301 = vector.broadcast %sub3A_300 : i32 to vector<16xi32>
        %eq3A_302 = arith.cmpi eq, %iota3A, %eq3A_301 : vector<16xi32>
        %slice3A_303 = vector.extract_strided_slice %get3A_39 {offsets = [7], sizes = [1], strides = [1]} : vector<16xf32> to vector<1xf32>
        %squeeze3A_304 = vector.extract %slice3A_303[0] : f32 from vector<1xf32>
        %jit3A_305 = arith.constant 0.000000e+00 : f32
        %broadcast_in_dim3A_306 = vector.broadcast %squeeze3A_304 : f32 to vector<16xf32>
        %broadcast_in_dim3A_307 = vector.broadcast %jit3A_305 : f32 to vector<16xf32>
        %select_n3A_308 = arith.select %eq3A_302, %broadcast_in_dim3A_306, %broadcast_in_dim3A_307 : vector<16xi1>, vector<16xf32>
        %swap3A_309 = arith.index_cast %and3A_299 : i32 to index
        %swap3A_310 = tpu.vector_load %arg10[%swap3A_309] {strides = array<i32>} : memref<10240xf32, #tpu.memory_space<vmem>>, vector<16xf32>,
        %swap3A_311 = vector.shape_cast %swap3A_310 : vector<16xf32> to vector<16xf32>
        %swap3A_312 = vector.shape_cast %select_n3A_308 : vector<16xf32> to vector<16xf32>
        tpu.vector_store %arg10[%swap3A_309], %swap3A_312 {add = true, strides = array<i32>} : memref<10240xf32, #tpu.memory_space<vmem>>, vector<16xf32>,
        %slice3A_313 = vector.extract_strided_slice %get3A_42 {offsets = [7], sizes = [1], strides = [1]} : vector<16xf32> to vector<1xf32>
        %squeeze3A_314 = vector.extract %slice3A_313[0] : f32 from vector<1xf32>
        %jit3A_315 = arith.constant 0.000000e+00 : f32
        %broadcast_in_dim3A_316 = vector.broadcast %squeeze3A_314 : f32 to vector<16xf32>
        %broadcast_in_dim3A_317 = vector.broadcast %jit3A_315 : f32 to vector<16xf32>
        %select_n3A_318 = arith.select %eq3A_302, %broadcast_in_dim3A_316, %broadcast_in_dim3A_317 : vector<16xi1>, vector<16xf32>
        %swap3A_319 = arith.index_cast %and3A_299 : i32 to index
        %swap3A_320 = tpu.vector_load %arg11[%swap3A_319] {strides = array<i32>} : memref<10240xf32, #tpu.memory_space<vmem>>, vector<16xf32>,
        %swap3A_321 = vector.shape_cast %swap3A_320 : vector<16xf32> to vector<16xf32>
        %swap3A_322 = vector.shape_cast %select_n3A_318 : vector<16xf32> to vector<16xf32>
        tpu.vector_store %arg11[%swap3A_319], %swap3A_322 {add = true, strides = array<i32>} : memref<10240xf32, #tpu.memory_space<vmem>>, vector<16xf32>,
        %slice3A_323 = vector.extract_strided_slice %get3A_45 {offsets = [7], sizes = [1], strides = [1]} : vector<16xf32> to vector<1xf32>
        %squeeze3A_324 = vector.extract %slice3A_323[0] : f32 from vector<1xf32>
        %jit3A_325 = arith.constant 0.000000e+00 : f32
        %broadcast_in_dim3A_326 = vector.broadcast %squeeze3A_324 : f32 to vector<16xf32>
        %broadcast_in_dim3A_327 = vector.broadcast %jit3A_325 : f32 to vector<16xf32>
        %select_n3A_328 = arith.select %eq3A_302, %broadcast_in_dim3A_326, %broadcast_in_dim3A_327 : vector<16xi1>, vector<16xf32>
        %swap3A_329 = arith.index_cast %and3A_299 : i32 to index
        %swap3A_330 = tpu.vector_load %arg12[%swap3A_329] {strides = array<i32>} : memref<10240xf32, #tpu.memory_space<vmem>>, vector<16xf32>,
        %swap3A_331 = vector.shape_cast %swap3A_330 : vector<16xf32> to vector<16xf32>
        %swap3A_332 = vector.shape_cast %select_n3A_328 : vector<16xf32> to vector<16xf32>
        tpu.vector_store %arg12[%swap3A_329], %swap3A_332 {add = true, strides = array<i32>} : memref<10240xf32, #tpu.memory_space<vmem>>, vector<16xf32>,
        %slice3A_333 = vector.extract_strided_slice %get3A_36 {offsets = [8], sizes = [1], strides = [1]} : vector<16xi32> to vector<1xi32>
        %squeeze3A_334 = vector.extract %slice3A_333[0] : i32 from vector<1xi32>
        %and3A_335 = arith.constant -16 : i32
        %and3A_336 = arith.andi %squeeze3A_334, %and3A_335 : i32
        %sub3A_337 = arith.subi %squeeze3A_334, %and3A_336 : i32
        %eq3A_338 = vector.broadcast %sub3A_337 : i32 to vector<16xi32>
        %eq3A_339 = arith.cmpi eq, %iota3A, %eq3A_338 : vector<16xi32>
        %slice3A_340 = vector.extract_strided_slice %get3A_39 {offsets = [8], sizes = [1], strides = [1]} : vector<16xf32> to vector<1xf32>
        %squeeze3A_341 = vector.extract %slice3A_340[0] : f32 from vector<1xf32>
        %jit3A_342 = arith.constant 0.000000e+00 : f32
        %broadcast_in_dim3A_343 = vector.broadcast %squeeze3A_341 : f32 to vector<16xf32>
        %broadcast_in_dim3A_344 = vector.broadcast %jit3A_342 : f32 to vector<16xf32>
        %select_n3A_345 = arith.select %eq3A_339, %broadcast_in_dim3A_343, %broadcast_in_dim3A_344 : vector<16xi1>, vector<16xf32>
        %swap3A_346 = arith.index_cast %and3A_336 : i32 to index
        %swap3A_347 = tpu.vector_load %arg10[%swap3A_346] {strides = array<i32>} : memref<10240xf32, #tpu.memory_space<vmem>>, vector<16xf32>,
        %swap3A_348 = vector.shape_cast %swap3A_347 : vector<16xf32> to vector<16xf32>
        %swap3A_349 = vector.shape_cast %select_n3A_345 : vector<16xf32> to vector<16xf32>
        tpu.vector_store %arg10[%swap3A_346], %swap3A_349 {add = true, strides = array<i32>} : memref<10240xf32, #tpu.memory_space<vmem>>, vector<16xf32>,
        %slice3A_350 = vector.extract_strided_slice %get3A_42 {offsets = [8], sizes = [1], strides = [1]} : vector<16xf32> to vector<1xf32>
        %squeeze3A_351 = vector.extract %slice3A_350[0] : f32 from vector<1xf32>
        %jit3A_352 = arith.constant 0.000000e+00 : f32
        %broadcast_in_dim3A_353 = vector.broadcast %squeeze3A_351 : f32 to vector<16xf32>
        %broadcast_in_dim3A_354 = vector.broadcast %jit3A_352 : f32 to vector<16xf32>
        %select_n3A_355 = arith.select %eq3A_339, %broadcast_in_dim3A_353, %broadcast_in_dim3A_354 : vector<16xi1>, vector<16xf32>
        %swap3A_356 = arith.index_cast %and3A_336 : i32 to index
        %swap3A_357 = tpu.vector_load %arg11[%swap3A_356] {strides = array<i32>} : memref<10240xf32, #tpu.memory_space<vmem>>, vector<16xf32>,
        %swap3A_358 = vector.shape_cast %swap3A_357 : vector<16xf32> to vector<16xf32>
        %swap3A_359 = vector.shape_cast %select_n3A_355 : vector<16xf32> to vector<16xf32>
        tpu.vector_store %arg11[%swap3A_356], %swap3A_359 {add = true, strides = array<i32>} : memref<10240xf32, #tpu.memory_space<vmem>>, vector<16xf32>,
        %slice3A_360 = vector.extract_strided_slice %get3A_45 {offsets = [8], sizes = [1], strides = [1]} : vector<16xf32> to vector<1xf32>
        %squeeze3A_361 = vector.extract %slice3A_360[0] : f32 from vector<1xf32>
        %jit3A_362 = arith.constant 0.000000e+00 : f32
        %broadcast_in_dim3A_363 = vector.broadcast %squeeze3A_361 : f32 to vector<16xf32>
        %broadcast_in_dim3A_364 = vector.broadcast %jit3A_362 : f32 to vector<16xf32>
        %select_n3A_365 = arith.select %eq3A_339, %broadcast_in_dim3A_363, %broadcast_in_dim3A_364 : vector<16xi1>, vector<16xf32>
        %swap3A_366 = arith.index_cast %and3A_336 : i32 to index
        %swap3A_367 = tpu.vector_load %arg12[%swap3A_366] {strides = array<i32>} : memref<10240xf32, #tpu.memory_space<vmem>>, vector<16xf32>,
        %swap3A_368 = vector.shape_cast %swap3A_367 : vector<16xf32> to vector<16xf32>
        %swap3A_369 = vector.shape_cast %select_n3A_365 : vector<16xf32> to vector<16xf32>
        tpu.vector_store %arg12[%swap3A_366], %swap3A_369 {add = true, strides = array<i32>} : memref<10240xf32, #tpu.memory_space<vmem>>, vector<16xf32>,
        %slice3A_370 = vector.extract_strided_slice %get3A_36 {offsets = [9], sizes = [1], strides = [1]} : vector<16xi32> to vector<1xi32>
        %squeeze3A_371 = vector.extract %slice3A_370[0] : i32 from vector<1xi32>
        %and3A_372 = arith.constant -16 : i32
        %and3A_373 = arith.andi %squeeze3A_371, %and3A_372 : i32
        %sub3A_374 = arith.subi %squeeze3A_371, %and3A_373 : i32
        %eq3A_375 = vector.broadcast %sub3A_374 : i32 to vector<16xi32>
        %eq3A_376 = arith.cmpi eq, %iota3A, %eq3A_375 : vector<16xi32>
        %slice3A_377 = vector.extract_strided_slice %get3A_39 {offsets = [9], sizes = [1], strides = [1]} : vector<16xf32> to vector<1xf32>
        %squeeze3A_378 = vector.extract %slice3A_377[0] : f32 from vector<1xf32>
        %jit3A_379 = arith.constant 0.000000e+00 : f32
        %broadcast_in_dim3A_380 = vector.broadcast %squeeze3A_378 : f32 to vector<16xf32>
        %broadcast_in_dim3A_381 = vector.broadcast %jit3A_379 : f32 to vector<16xf32>
        %select_n3A_382 = arith.select %eq3A_376, %broadcast_in_dim3A_380, %broadcast_in_dim3A_381 : vector<16xi1>, vector<16xf32>
        %swap3A_383 = arith.index_cast %and3A_373 : i32 to index
        %swap3A_384 = tpu.vector_load %arg10[%swap3A_383] {strides = array<i32>} : memref<10240xf32, #tpu.memory_space<vmem>>, vector<16xf32>,
        %swap3A_385 = vector.shape_cast %swap3A_384 : vector<16xf32> to vector<16xf32>
        %swap3A_386 = vector.shape_cast %select_n3A_382 : vector<16xf32> to vector<16xf32>
        tpu.vector_store %arg10[%swap3A_383], %swap3A_386 {add = true, strides = array<i32>} : memref<10240xf32, #tpu.memory_space<vmem>>, vector<16xf32>,
        %slice3A_387 = vector.extract_strided_slice %get3A_42 {offsets = [9], sizes = [1], strides = [1]} : vector<16xf32> to vector<1xf32>
        %squeeze3A_388 = vector.extract %slice3A_387[0] : f32 from vector<1xf32>
        %jit3A_389 = arith.constant 0.000000e+00 : f32
        %broadcast_in_dim3A_390 = vector.broadcast %squeeze3A_388 : f32 to vector<16xf32>
        %broadcast_in_dim3A_391 = vector.broadcast %jit3A_389 : f32 to vector<16xf32>
        %select_n3A_392 = arith.select %eq3A_376, %broadcast_in_dim3A_390, %broadcast_in_dim3A_391 : vector<16xi1>, vector<16xf32>
        %swap3A_393 = arith.index_cast %and3A_373 : i32 to index
        %swap3A_394 = tpu.vector_load %arg11[%swap3A_393] {strides = array<i32>} : memref<10240xf32, #tpu.memory_space<vmem>>, vector<16xf32>,
        %swap3A_395 = vector.shape_cast %swap3A_394 : vector<16xf32> to vector<16xf32>
        %swap3A_396 = vector.shape_cast %select_n3A_392 : vector<16xf32> to vector<16xf32>
        tpu.vector_store %arg11[%swap3A_393], %swap3A_396 {add = true, strides = array<i32>} : memref<10240xf32, #tpu.memory_space<vmem>>, vector<16xf32>,
        %slice3A_397 = vector.extract_strided_slice %get3A_45 {offsets = [9], sizes = [1], strides = [1]} : vector<16xf32> to vector<1xf32>
        %squeeze3A_398 = vector.extract %slice3A_397[0] : f32 from vector<1xf32>
        %jit3A_399 = arith.constant 0.000000e+00 : f32
        %broadcast_in_dim3A_400 = vector.broadcast %squeeze3A_398 : f32 to vector<16xf32>
        %broadcast_in_dim3A_401 = vector.broadcast %jit3A_399 : f32 to vector<16xf32>
        %select_n3A_402 = arith.select %eq3A_376, %broadcast_in_dim3A_400, %broadcast_in_dim3A_401 : vector<16xi1>, vector<16xf32>
        %swap3A_403 = arith.index_cast %and3A_373 : i32 to index
        %swap3A_404 = tpu.vector_load %arg12[%swap3A_403] {strides = array<i32>} : memref<10240xf32, #tpu.memory_space<vmem>>, vector<16xf32>,
        %swap3A_405 = vector.shape_cast %swap3A_404 : vector<16xf32> to vector<16xf32>
        %swap3A_406 = vector.shape_cast %select_n3A_402 : vector<16xf32> to vector<16xf32>
        tpu.vector_store %arg12[%swap3A_403], %swap3A_406 {add = true, strides = array<i32>} : memref<10240xf32, #tpu.memory_space<vmem>>, vector<16xf32>,
        %slice3A_407 = vector.extract_strided_slice %get3A_36 {offsets = [10], sizes = [1], strides = [1]} : vector<16xi32> to vector<1xi32>
        %squeeze3A_408 = vector.extract %slice3A_407[0] : i32 from vector<1xi32>
        %and3A_409 = arith.constant -16 : i32
        %and3A_410 = arith.andi %squeeze3A_408, %and3A_409 : i32
        %sub3A_411 = arith.subi %squeeze3A_408, %and3A_410 : i32
        %eq3A_412 = vector.broadcast %sub3A_411 : i32 to vector<16xi32>
        %eq3A_413 = arith.cmpi eq, %iota3A, %eq3A_412 : vector<16xi32>
        %slice3A_414 = vector.extract_strided_slice %get3A_39 {offsets = [10], sizes = [1], strides = [1]} : vector<16xf32> to vector<1xf32>
        %squeeze3A_415 = vector.extract %slice3A_414[0] : f32 from vector<1xf32>
        %jit3A_416 = arith.constant 0.000000e+00 : f32
        %broadcast_in_dim3A_417 = vector.broadcast %squeeze3A_415 : f32 to vector<16xf32>
        %broadcast_in_dim3A_418 = vector.broadcast %jit3A_416 : f32 to vector<16xf32>
        %select_n3A_419 = arith.select %eq3A_413, %broadcast_in_dim3A_417, %broadcast_in_dim3A_418 : vector<16xi1>, vector<16xf32>
        %swap3A_420 = arith.index_cast %and3A_410 : i32 to index
        %swap3A_421 = tpu.vector_load %arg10[%swap3A_420] {strides = array<i32>} : memref<10240xf32, #tpu.memory_space<vmem>>, vector<16xf32>,
        %swap3A_422 = vector.shape_cast %swap3A_421 : vector<16xf32> to vector<16xf32>
        %swap3A_423 = vector.shape_cast %select_n3A_419 : vector<16xf32> to vector<16xf32>
        tpu.vector_store %arg10[%swap3A_420], %swap3A_423 {add = true, strides = array<i32>} : memref<10240xf32, #tpu.memory_space<vmem>>, vector<16xf32>,
        %slice3A_424 = vector.extract_strided_slice %get3A_42 {offsets = [10], sizes = [1], strides = [1]} : vector<16xf32> to vector<1xf32>
        %squeeze3A_425 = vector.extract %slice3A_424[0] : f32 from vector<1xf32>
        %jit3A_426 = arith.constant 0.000000e+00 : f32
        %broadcast_in_dim3A_427 = vector.broadcast %squeeze3A_425 : f32 to vector<16xf32>
        %broadcast_in_dim3A_428 = vector.broadcast %jit3A_426 : f32 to vector<16xf32>
        %select_n3A_429 = arith.select %eq3A_413, %broadcast_in_dim3A_427, %broadcast_in_dim3A_428 : vector<16xi1>, vector<16xf32>
        %swap3A_430 = arith.index_cast %and3A_410 : i32 to index
        %swap3A_431 = tpu.vector_load %arg11[%swap3A_430] {strides = array<i32>} : memref<10240xf32, #tpu.memory_space<vmem>>, vector<16xf32>,
        %swap3A_432 = vector.shape_cast %swap3A_431 : vector<16xf32> to vector<16xf32>
        %swap3A_433 = vector.shape_cast %select_n3A_429 : vector<16xf32> to vector<16xf32>
        tpu.vector_store %arg11[%swap3A_430], %swap3A_433 {add = true, strides = array<i32>} : memref<10240xf32, #tpu.memory_space<vmem>>, vector<16xf32>,
        %slice3A_434 = vector.extract_strided_slice %get3A_45 {offsets = [10], sizes = [1], strides = [1]} : vector<16xf32> to vector<1xf32>
        %squeeze3A_435 = vector.extract %slice3A_434[0] : f32 from vector<1xf32>
        %jit3A_436 = arith.constant 0.000000e+00 : f32
        %broadcast_in_dim3A_437 = vector.broadcast %squeeze3A_435 : f32 to vector<16xf32>
        %broadcast_in_dim3A_438 = vector.broadcast %jit3A_436 : f32 to vector<16xf32>
        %select_n3A_439 = arith.select %eq3A_413, %broadcast_in_dim3A_437, %broadcast_in_dim3A_438 : vector<16xi1>, vector<16xf32>
        %swap3A_440 = arith.index_cast %and3A_410 : i32 to index
        %swap3A_441 = tpu.vector_load %arg12[%swap3A_440] {strides = array<i32>} : memref<10240xf32, #tpu.memory_space<vmem>>, vector<16xf32>,
        %swap3A_442 = vector.shape_cast %swap3A_441 : vector<16xf32> to vector<16xf32>
        %swap3A_443 = vector.shape_cast %select_n3A_439 : vector<16xf32> to vector<16xf32>
        tpu.vector_store %arg12[%swap3A_440], %swap3A_443 {add = true, strides = array<i32>} : memref<10240xf32, #tpu.memory_space<vmem>>, vector<16xf32>,
        %slice3A_444 = vector.extract_strided_slice %get3A_36 {offsets = [11], sizes = [1], strides = [1]} : vector<16xi32> to vector<1xi32>
        %squeeze3A_445 = vector.extract %slice3A_444[0] : i32 from vector<1xi32>
        %and3A_446 = arith.constant -16 : i32
        %and3A_447 = arith.andi %squeeze3A_445, %and3A_446 : i32
        %sub3A_448 = arith.subi %squeeze3A_445, %and3A_447 : i32
        %eq3A_449 = vector.broadcast %sub3A_448 : i32 to vector<16xi32>
        %eq3A_450 = arith.cmpi eq, %iota3A, %eq3A_449 : vector<16xi32>
        %slice3A_451 = vector.extract_strided_slice %get3A_39 {offsets = [11], sizes = [1], strides = [1]} : vector<16xf32> to vector<1xf32>
        %squeeze3A_452 = vector.extract %slice3A_451[0] : f32 from vector<1xf32>
        %jit3A_453 = arith.constant 0.000000e+00 : f32
        %broadcast_in_dim3A_454 = vector.broadcast %squeeze3A_452 : f32 to vector<16xf32>
        %broadcast_in_dim3A_455 = vector.broadcast %jit3A_453 : f32 to vector<16xf32>
        %select_n3A_456 = arith.select %eq3A_450, %broadcast_in_dim3A_454, %broadcast_in_dim3A_455 : vector<16xi1>, vector<16xf32>
        %swap3A_457 = arith.index_cast %and3A_447 : i32 to index
        %swap3A_458 = tpu.vector_load %arg10[%swap3A_457] {strides = array<i32>} : memref<10240xf32, #tpu.memory_space<vmem>>, vector<16xf32>,
        %swap3A_459 = vector.shape_cast %swap3A_458 : vector<16xf32> to vector<16xf32>
        %swap3A_460 = vector.shape_cast %select_n3A_456 : vector<16xf32> to vector<16xf32>
        tpu.vector_store %arg10[%swap3A_457], %swap3A_460 {add = true, strides = array<i32>} : memref<10240xf32, #tpu.memory_space<vmem>>, vector<16xf32>,
        %slice3A_461 = vector.extract_strided_slice %get3A_42 {offsets = [11], sizes = [1], strides = [1]} : vector<16xf32> to vector<1xf32>
        %squeeze3A_462 = vector.extract %slice3A_461[0] : f32 from vector<1xf32>
        %jit3A_463 = arith.constant 0.000000e+00 : f32
        %broadcast_in_dim3A_464 = vector.broadcast %squeeze3A_462 : f32 to vector<16xf32>
        %broadcast_in_dim3A_465 = vector.broadcast %jit3A_463 : f32 to vector<16xf32>
        %select_n3A_466 = arith.select %eq3A_450, %broadcast_in_dim3A_464, %broadcast_in_dim3A_465 : vector<16xi1>, vector<16xf32>
        %swap3A_467 = arith.index_cast %and3A_447 : i32 to index
        %swap3A_468 = tpu.vector_load %arg11[%swap3A_467] {strides = array<i32>} : memref<10240xf32, #tpu.memory_space<vmem>>, vector<16xf32>,
        %swap3A_469 = vector.shape_cast %swap3A_468 : vector<16xf32> to vector<16xf32>
        %swap3A_470 = vector.shape_cast %select_n3A_466 : vector<16xf32> to vector<16xf32>
        tpu.vector_store %arg11[%swap3A_467], %swap3A_470 {add = true, strides = array<i32>} : memref<10240xf32, #tpu.memory_space<vmem>>, vector<16xf32>,
        %slice3A_471 = vector.extract_strided_slice %get3A_45 {offsets = [11], sizes = [1], strides = [1]} : vector<16xf32> to vector<1xf32>
        %squeeze3A_472 = vector.extract %slice3A_471[0] : f32 from vector<1xf32>
        %jit3A_473 = arith.constant 0.000000e+00 : f32
        %broadcast_in_dim3A_474 = vector.broadcast %squeeze3A_472 : f32 to vector<16xf32>
        %broadcast_in_dim3A_475 = vector.broadcast %jit3A_473 : f32 to vector<16xf32>
        %select_n3A_476 = arith.select %eq3A_450, %broadcast_in_dim3A_474, %broadcast_in_dim3A_475 : vector<16xi1>, vector<16xf32>
        %swap3A_477 = arith.index_cast %and3A_447 : i32 to index
        %swap3A_478 = tpu.vector_load %arg12[%swap3A_477] {strides = array<i32>} : memref<10240xf32, #tpu.memory_space<vmem>>, vector<16xf32>,
        %swap3A_479 = vector.shape_cast %swap3A_478 : vector<16xf32> to vector<16xf32>
        %swap3A_480 = vector.shape_cast %select_n3A_476 : vector<16xf32> to vector<16xf32>
        tpu.vector_store %arg12[%swap3A_477], %swap3A_480 {add = true, strides = array<i32>} : memref<10240xf32, #tpu.memory_space<vmem>>, vector<16xf32>,
        %slice3A_481 = vector.extract_strided_slice %get3A_36 {offsets = [12], sizes = [1], strides = [1]} : vector<16xi32> to vector<1xi32>
        %squeeze3A_482 = vector.extract %slice3A_481[0] : i32 from vector<1xi32>
        %and3A_483 = arith.constant -16 : i32
        %and3A_484 = arith.andi %squeeze3A_482, %and3A_483 : i32
        %sub3A_485 = arith.subi %squeeze3A_482, %and3A_484 : i32
        %eq3A_486 = vector.broadcast %sub3A_485 : i32 to vector<16xi32>
        %eq3A_487 = arith.cmpi eq, %iota3A, %eq3A_486 : vector<16xi32>
        %slice3A_488 = vector.extract_strided_slice %get3A_39 {offsets = [12], sizes = [1], strides = [1]} : vector<16xf32> to vector<1xf32>
        %squeeze3A_489 = vector.extract %slice3A_488[0] : f32 from vector<1xf32>
        %jit3A_490 = arith.constant 0.000000e+00 : f32
        %broadcast_in_dim3A_491 = vector.broadcast %squeeze3A_489 : f32 to vector<16xf32>
        %broadcast_in_dim3A_492 = vector.broadcast %jit3A_490 : f32 to vector<16xf32>
        %select_n3A_493 = arith.select %eq3A_487, %broadcast_in_dim3A_491, %broadcast_in_dim3A_492 : vector<16xi1>, vector<16xf32>
        %swap3A_494 = arith.index_cast %and3A_484 : i32 to index
        %swap3A_495 = tpu.vector_load %arg10[%swap3A_494] {strides = array<i32>} : memref<10240xf32, #tpu.memory_space<vmem>>, vector<16xf32>,
        %swap3A_496 = vector.shape_cast %swap3A_495 : vector<16xf32> to vector<16xf32>
        %swap3A_497 = vector.shape_cast %select_n3A_493 : vector<16xf32> to vector<16xf32>
        tpu.vector_store %arg10[%swap3A_494], %swap3A_497 {add = true, strides = array<i32>} : memref<10240xf32, #tpu.memory_space<vmem>>, vector<16xf32>,
        %slice3A_498 = vector.extract_strided_slice %get3A_42 {offsets = [12], sizes = [1], strides = [1]} : vector<16xf32> to vector<1xf32>
        %squeeze3A_499 = vector.extract %slice3A_498[0] : f32 from vector<1xf32>
        %jit3A_500 = arith.constant 0.000000e+00 : f32
        %broadcast_in_dim3A_501 = vector.broadcast %squeeze3A_499 : f32 to vector<16xf32>
        %broadcast_in_dim3A_502 = vector.broadcast %jit3A_500 : f32 to vector<16xf32>
        %select_n3A_503 = arith.select %eq3A_487, %broadcast_in_dim3A_501, %broadcast_in_dim3A_502 : vector<16xi1>, vector<16xf32>
        %swap3A_504 = arith.index_cast %and3A_484 : i32 to index
        %swap3A_505 = tpu.vector_load %arg11[%swap3A_504] {strides = array<i32>} : memref<10240xf32, #tpu.memory_space<vmem>>, vector<16xf32>,
        %swap3A_506 = vector.shape_cast %swap3A_505 : vector<16xf32> to vector<16xf32>
        %swap3A_507 = vector.shape_cast %select_n3A_503 : vector<16xf32> to vector<16xf32>
        tpu.vector_store %arg11[%swap3A_504], %swap3A_507 {add = true, strides = array<i32>} : memref<10240xf32, #tpu.memory_space<vmem>>, vector<16xf32>,
        %slice3A_508 = vector.extract_strided_slice %get3A_45 {offsets = [12], sizes = [1], strides = [1]} : vector<16xf32> to vector<1xf32>
        %squeeze3A_509 = vector.extract %slice3A_508[0] : f32 from vector<1xf32>
        %jit3A_510 = arith.constant 0.000000e+00 : f32
        %broadcast_in_dim3A_511 = vector.broadcast %squeeze3A_509 : f32 to vector<16xf32>
        %broadcast_in_dim3A_512 = vector.broadcast %jit3A_510 : f32 to vector<16xf32>
        %select_n3A_513 = arith.select %eq3A_487, %broadcast_in_dim3A_511, %broadcast_in_dim3A_512 : vector<16xi1>, vector<16xf32>
        %swap3A_514 = arith.index_cast %and3A_484 : i32 to index
        %swap3A_515 = tpu.vector_load %arg12[%swap3A_514] {strides = array<i32>} : memref<10240xf32, #tpu.memory_space<vmem>>, vector<16xf32>,
        %swap3A_516 = vector.shape_cast %swap3A_515 : vector<16xf32> to vector<16xf32>
        %swap3A_517 = vector.shape_cast %select_n3A_513 : vector<16xf32> to vector<16xf32>
        tpu.vector_store %arg12[%swap3A_514], %swap3A_517 {add = true, strides = array<i32>} : memref<10240xf32, #tpu.memory_space<vmem>>, vector<16xf32>,
        %slice3A_518 = vector.extract_strided_slice %get3A_36 {offsets = [13], sizes = [1], strides = [1]} : vector<16xi32> to vector<1xi32>
        %squeeze3A_519 = vector.extract %slice3A_518[0] : i32 from vector<1xi32>
        %and3A_520 = arith.constant -16 : i32
        %and3A_521 = arith.andi %squeeze3A_519, %and3A_520 : i32
        %sub3A_522 = arith.subi %squeeze3A_519, %and3A_521 : i32
        %eq3A_523 = vector.broadcast %sub3A_522 : i32 to vector<16xi32>
        %eq3A_524 = arith.cmpi eq, %iota3A, %eq3A_523 : vector<16xi32>
        %slice3A_525 = vector.extract_strided_slice %get3A_39 {offsets = [13], sizes = [1], strides = [1]} : vector<16xf32> to vector<1xf32>
        %squeeze3A_526 = vector.extract %slice3A_525[0] : f32 from vector<1xf32>
        %jit3A_527 = arith.constant 0.000000e+00 : f32
        %broadcast_in_dim3A_528 = vector.broadcast %squeeze3A_526 : f32 to vector<16xf32>
        %broadcast_in_dim3A_529 = vector.broadcast %jit3A_527 : f32 to vector<16xf32>
        %select_n3A_530 = arith.select %eq3A_524, %broadcast_in_dim3A_528, %broadcast_in_dim3A_529 : vector<16xi1>, vector<16xf32>
        %swap3A_531 = arith.index_cast %and3A_521 : i32 to index
        %swap3A_532 = tpu.vector_load %arg10[%swap3A_531] {strides = array<i32>} : memref<10240xf32, #tpu.memory_space<vmem>>, vector<16xf32>,
        %swap3A_533 = vector.shape_cast %swap3A_532 : vector<16xf32> to vector<16xf32>
        %swap3A_534 = vector.shape_cast %select_n3A_530 : vector<16xf32> to vector<16xf32>
        tpu.vector_store %arg10[%swap3A_531], %swap3A_534 {add = true, strides = array<i32>} : memref<10240xf32, #tpu.memory_space<vmem>>, vector<16xf32>,
        %slice3A_535 = vector.extract_strided_slice %get3A_42 {offsets = [13], sizes = [1], strides = [1]} : vector<16xf32> to vector<1xf32>
        %squeeze3A_536 = vector.extract %slice3A_535[0] : f32 from vector<1xf32>
        %jit3A_537 = arith.constant 0.000000e+00 : f32
        %broadcast_in_dim3A_538 = vector.broadcast %squeeze3A_536 : f32 to vector<16xf32>
        %broadcast_in_dim3A_539 = vector.broadcast %jit3A_537 : f32 to vector<16xf32>
        %select_n3A_540 = arith.select %eq3A_524, %broadcast_in_dim3A_538, %broadcast_in_dim3A_539 : vector<16xi1>, vector<16xf32>
        %swap3A_541 = arith.index_cast %and3A_521 : i32 to index
        %swap3A_542 = tpu.vector_load %arg11[%swap3A_541] {strides = array<i32>} : memref<10240xf32, #tpu.memory_space<vmem>>, vector<16xf32>,
        %swap3A_543 = vector.shape_cast %swap3A_542 : vector<16xf32> to vector<16xf32>
        %swap3A_544 = vector.shape_cast %select_n3A_540 : vector<16xf32> to vector<16xf32>
        tpu.vector_store %arg11[%swap3A_541], %swap3A_544 {add = true, strides = array<i32>} : memref<10240xf32, #tpu.memory_space<vmem>>, vector<16xf32>,
        %slice3A_545 = vector.extract_strided_slice %get3A_45 {offsets = [13], sizes = [1], strides = [1]} : vector<16xf32> to vector<1xf32>
        %squeeze3A_546 = vector.extract %slice3A_545[0] : f32 from vector<1xf32>
        %jit3A_547 = arith.constant 0.000000e+00 : f32
        %broadcast_in_dim3A_548 = vector.broadcast %squeeze3A_546 : f32 to vector<16xf32>
        %broadcast_in_dim3A_549 = vector.broadcast %jit3A_547 : f32 to vector<16xf32>
        %select_n3A_550 = arith.select %eq3A_524, %broadcast_in_dim3A_548, %broadcast_in_dim3A_549 : vector<16xi1>, vector<16xf32>
        %swap3A_551 = arith.index_cast %and3A_521 : i32 to index
        %swap3A_552 = tpu.vector_load %arg12[%swap3A_551] {strides = array<i32>} : memref<10240xf32, #tpu.memory_space<vmem>>, vector<16xf32>,
        %swap3A_553 = vector.shape_cast %swap3A_552 : vector<16xf32> to vector<16xf32>
        %swap3A_554 = vector.shape_cast %select_n3A_550 : vector<16xf32> to vector<16xf32>
        tpu.vector_store %arg12[%swap3A_551], %swap3A_554 {add = true, strides = array<i32>} : memref<10240xf32, #tpu.memory_space<vmem>>, vector<16xf32>,
        %slice3A_555 = vector.extract_strided_slice %get3A_36 {offsets = [14], sizes = [1], strides = [1]} : vector<16xi32> to vector<1xi32>
        %squeeze3A_556 = vector.extract %slice3A_555[0] : i32 from vector<1xi32>
        %and3A_557 = arith.constant -16 : i32
        %and3A_558 = arith.andi %squeeze3A_556, %and3A_557 : i32
        %sub3A_559 = arith.subi %squeeze3A_556, %and3A_558 : i32
        %eq3A_560 = vector.broadcast %sub3A_559 : i32 to vector<16xi32>
        %eq3A_561 = arith.cmpi eq, %iota3A, %eq3A_560 : vector<16xi32>
        %slice3A_562 = vector.extract_strided_slice %get3A_39 {offsets = [14], sizes = [1], strides = [1]} : vector<16xf32> to vector<1xf32>
        %squeeze3A_563 = vector.extract %slice3A_562[0] : f32 from vector<1xf32>
        %jit3A_564 = arith.constant 0.000000e+00 : f32
        %broadcast_in_dim3A_565 = vector.broadcast %squeeze3A_563 : f32 to vector<16xf32>
        %broadcast_in_dim3A_566 = vector.broadcast %jit3A_564 : f32 to vector<16xf32>
        %select_n3A_567 = arith.select %eq3A_561, %broadcast_in_dim3A_565, %broadcast_in_dim3A_566 : vector<16xi1>, vector<16xf32>
        %swap3A_568 = arith.index_cast %and3A_558 : i32 to index
        %swap3A_569 = tpu.vector_load %arg10[%swap3A_568] {strides = array<i32>} : memref<10240xf32, #tpu.memory_space<vmem>>, vector<16xf32>,
        %swap3A_570 = vector.shape_cast %swap3A_569 : vector<16xf32> to vector<16xf32>
        %swap3A_571 = vector.shape_cast %select_n3A_567 : vector<16xf32> to vector<16xf32>
        tpu.vector_store %arg10[%swap3A_568], %swap3A_571 {add = true, strides = array<i32>} : memref<10240xf32, #tpu.memory_space<vmem>>, vector<16xf32>,
        %slice3A_572 = vector.extract_strided_slice %get3A_42 {offsets = [14], sizes = [1], strides = [1]} : vector<16xf32> to vector<1xf32>
        %squeeze3A_573 = vector.extract %slice3A_572[0] : f32 from vector<1xf32>
        %jit3A_574 = arith.constant 0.000000e+00 : f32
        %broadcast_in_dim3A_575 = vector.broadcast %squeeze3A_573 : f32 to vector<16xf32>
        %broadcast_in_dim3A_576 = vector.broadcast %jit3A_574 : f32 to vector<16xf32>
        %select_n3A_577 = arith.select %eq3A_561, %broadcast_in_dim3A_575, %broadcast_in_dim3A_576 : vector<16xi1>, vector<16xf32>
        %swap3A_578 = arith.index_cast %and3A_558 : i32 to index
        %swap3A_579 = tpu.vector_load %arg11[%swap3A_578] {strides = array<i32>} : memref<10240xf32, #tpu.memory_space<vmem>>, vector<16xf32>,
        %swap3A_580 = vector.shape_cast %swap3A_579 : vector<16xf32> to vector<16xf32>
        %swap3A_581 = vector.shape_cast %select_n3A_577 : vector<16xf32> to vector<16xf32>
        tpu.vector_store %arg11[%swap3A_578], %swap3A_581 {add = true, strides = array<i32>} : memref<10240xf32, #tpu.memory_space<vmem>>, vector<16xf32>,
        %slice3A_582 = vector.extract_strided_slice %get3A_45 {offsets = [14], sizes = [1], strides = [1]} : vector<16xf32> to vector<1xf32>
        %squeeze3A_583 = vector.extract %slice3A_582[0] : f32 from vector<1xf32>
        %jit3A_584 = arith.constant 0.000000e+00 : f32
        %broadcast_in_dim3A_585 = vector.broadcast %squeeze3A_583 : f32 to vector<16xf32>
        %broadcast_in_dim3A_586 = vector.broadcast %jit3A_584 : f32 to vector<16xf32>
        %select_n3A_587 = arith.select %eq3A_561, %broadcast_in_dim3A_585, %broadcast_in_dim3A_586 : vector<16xi1>, vector<16xf32>
        %swap3A_588 = arith.index_cast %and3A_558 : i32 to index
        %swap3A_589 = tpu.vector_load %arg12[%swap3A_588] {strides = array<i32>} : memref<10240xf32, #tpu.memory_space<vmem>>, vector<16xf32>,
        %swap3A_590 = vector.shape_cast %swap3A_589 : vector<16xf32> to vector<16xf32>
        %swap3A_591 = vector.shape_cast %select_n3A_587 : vector<16xf32> to vector<16xf32>
        tpu.vector_store %arg12[%swap3A_588], %swap3A_591 {add = true, strides = array<i32>} : memref<10240xf32, #tpu.memory_space<vmem>>, vector<16xf32>,
        %slice3A_592 = vector.extract_strided_slice %get3A_36 {offsets = [15], sizes = [1], strides = [1]} : vector<16xi32> to vector<1xi32>
        %squeeze3A_593 = vector.extract %slice3A_592[0] : i32 from vector<1xi32>
        %and3A_594 = arith.constant -16 : i32
        %and3A_595 = arith.andi %squeeze3A_593, %and3A_594 : i32
        %sub3A_596 = arith.subi %squeeze3A_593, %and3A_595 : i32
        %eq3A_597 = vector.broadcast %sub3A_596 : i32 to vector<16xi32>
        %eq3A_598 = arith.cmpi eq, %iota3A, %eq3A_597 : vector<16xi32>
        %slice3A_599 = vector.extract_strided_slice %get3A_39 {offsets = [15], sizes = [1], strides = [1]} : vector<16xf32> to vector<1xf32>
        %squeeze3A_600 = vector.extract %slice3A_599[0] : f32 from vector<1xf32>
        %jit3A_601 = arith.constant 0.000000e+00 : f32
        %broadcast_in_dim3A_602 = vector.broadcast %squeeze3A_600 : f32 to vector<16xf32>
        %broadcast_in_dim3A_603 = vector.broadcast %jit3A_601 : f32 to vector<16xf32>
        %select_n3A_604 = arith.select %eq3A_598, %broadcast_in_dim3A_602, %broadcast_in_dim3A_603 : vector<16xi1>, vector<16xf32>
        %swap3A_605 = arith.index_cast %and3A_595 : i32 to index
        %swap3A_606 = tpu.vector_load %arg10[%swap3A_605] {strides = array<i32>} : memref<10240xf32, #tpu.memory_space<vmem>>, vector<16xf32>,
        %swap3A_607 = vector.shape_cast %swap3A_606 : vector<16xf32> to vector<16xf32>
        %swap3A_608 = vector.shape_cast %select_n3A_604 : vector<16xf32> to vector<16xf32>
        tpu.vector_store %arg10[%swap3A_605], %swap3A_608 {add = true, strides = array<i32>} : memref<10240xf32, #tpu.memory_space<vmem>>, vector<16xf32>,
        %slice3A_609 = vector.extract_strided_slice %get3A_42 {offsets = [15], sizes = [1], strides = [1]} : vector<16xf32> to vector<1xf32>
        %squeeze3A_610 = vector.extract %slice3A_609[0] : f32 from vector<1xf32>
        %jit3A_611 = arith.constant 0.000000e+00 : f32
        %broadcast_in_dim3A_612 = vector.broadcast %squeeze3A_610 : f32 to vector<16xf32>
        %broadcast_in_dim3A_613 = vector.broadcast %jit3A_611 : f32 to vector<16xf32>
        %select_n3A_614 = arith.select %eq3A_598, %broadcast_in_dim3A_612, %broadcast_in_dim3A_613 : vector<16xi1>, vector<16xf32>
        %swap3A_615 = arith.index_cast %and3A_595 : i32 to index
        %swap3A_616 = tpu.vector_load %arg11[%swap3A_615] {strides = array<i32>} : memref<10240xf32, #tpu.memory_space<vmem>>, vector<16xf32>,
        %swap3A_617 = vector.shape_cast %swap3A_616 : vector<16xf32> to vector<16xf32>
        %swap3A_618 = vector.shape_cast %select_n3A_614 : vector<16xf32> to vector<16xf32>
        tpu.vector_store %arg11[%swap3A_615], %swap3A_618 {add = true, strides = array<i32>} : memref<10240xf32, #tpu.memory_space<vmem>>, vector<16xf32>,
        %slice3A_619 = vector.extract_strided_slice %get3A_45 {offsets = [15], sizes = [1], strides = [1]} : vector<16xf32> to vector<1xf32>
        %squeeze3A_620 = vector.extract %slice3A_619[0] : f32 from vector<1xf32>
        %jit3A_621 = arith.constant 0.000000e+00 : f32
        %broadcast_in_dim3A_622 = vector.broadcast %squeeze3A_620 : f32 to vector<16xf32>
        %broadcast_in_dim3A_623 = vector.broadcast %jit3A_621 : f32 to vector<16xf32>
        %select_n3A_624 = arith.select %eq3A_598, %broadcast_in_dim3A_622, %broadcast_in_dim3A_623 : vector<16xi1>, vector<16xf32>
        %swap3A_625 = arith.index_cast %and3A_595 : i32 to index
        %swap3A_626 = tpu.vector_load %arg12[%swap3A_625] {strides = array<i32>} : memref<10240xf32, #tpu.memory_space<vmem>>, vector<16xf32>,
        %swap3A_627 = vector.shape_cast %swap3A_626 : vector<16xf32> to vector<16xf32>
        %swap3A_628 = vector.shape_cast %select_n3A_624 : vector<16xf32> to vector<16xf32>
        tpu.vector_store %arg12[%swap3A_625], %swap3A_628 {add = true, strides = array<i32>} : memref<10240xf32, #tpu.memory_space<vmem>>, vector<16xf32>,
      }
      %scan3A_31 = arith.constant 8 : i32
    } else {
    }
    %mul3A_7 = arith.constant 10240 : i32
    %mul3A_8 = arith.muli %add3A, %mul3A_7 : i32
    "tpu.region"() ({
      %run_scoped3A = tpu.sem_alloc : memref<!tpu.dma_semaphore, #tpu.memory_space<semaphore_mem>>
      %dma_start3A = tpu.memref_slice %arg7[%mul3A_8] : memref<327680xf32, #tpu.memory_space<hbm>> -> memref<10240xf32, #tpu.memory_space<hbm>>
      %dma_start3A_9 = tpu.memref_slice %arg7[%mul3A_8] : memref<327680xf32, #tpu.memory_space<hbm>> -> memref<10240xf32, #tpu.memory_space<hbm>>
      tpu.enqueue_dma source(%arg10 : memref<10240xf32, #tpu.memory_space<vmem>>) target(%dma_start3A_9 : memref<10240xf32, #tpu.memory_space<hbm>>) target_semaphore(%run_scoped3A : memref<!tpu.dma_semaphore, #tpu.memory_space<semaphore_mem>>)
      %dma_wait3A = tpu.memref_slice %arg7[%mul3A_8] : memref<327680xf32, #tpu.memory_space<hbm>> -> memref<10240xf32, #tpu.memory_space<hbm>>
      %dma_wait3A_10 = tpu.memref_slice %arg7[%mul3A_8] : memref<327680xf32, #tpu.memory_space<hbm>> -> memref<10240xf32, #tpu.memory_space<hbm>>
      tpu.wait_dma2 semaphore(%run_scoped3A : memref<!tpu.dma_semaphore, #tpu.memory_space<semaphore_mem>>) src(%arg10 : memref<10240xf32, #tpu.memory_space<vmem>>) dst(%dma_wait3A_10 : memref<10240xf32, #tpu.memory_space<hbm>>)
      tpu.yield
    }) : () -> ()
    "tpu.region"() ({
      %run_scoped3A = tpu.sem_alloc : memref<!tpu.dma_semaphore, #tpu.memory_space<semaphore_mem>>
      %dma_start3A = tpu.memref_slice %arg8[%mul3A_8] : memref<327680xf32, #tpu.memory_space<hbm>> -> memref<10240xf32, #tpu.memory_space<hbm>>
      %dma_start3A_9 = tpu.memref_slice %arg8[%mul3A_8] : memref<327680xf32, #tpu.memory_space<hbm>> -> memref<10240xf32, #tpu.memory_space<hbm>>
      tpu.enqueue_dma source(%arg11 : memref<10240xf32, #tpu.memory_space<vmem>>) target(%dma_start3A_9 : memref<10240xf32, #tpu.memory_space<hbm>>) target_semaphore(%run_scoped3A : memref<!tpu.dma_semaphore, #tpu.memory_space<semaphore_mem>>)
      %dma_wait3A = tpu.memref_slice %arg8[%mul3A_8] : memref<327680xf32, #tpu.memory_space<hbm>> -> memref<10240xf32, #tpu.memory_space<hbm>>
      %dma_wait3A_10 = tpu.memref_slice %arg8[%mul3A_8] : memref<327680xf32, #tpu.memory_space<hbm>> -> memref<10240xf32, #tpu.memory_space<hbm>>
      tpu.wait_dma2 semaphore(%run_scoped3A : memref<!tpu.dma_semaphore, #tpu.memory_space<semaphore_mem>>) src(%arg11 : memref<10240xf32, #tpu.memory_space<vmem>>) dst(%dma_wait3A_10 : memref<10240xf32, #tpu.memory_space<hbm>>)
      tpu.yield
    }) : () -> ()
    "tpu.region"() ({
      %run_scoped3A = tpu.sem_alloc : memref<!tpu.dma_semaphore, #tpu.memory_space<semaphore_mem>>
      %dma_start3A = tpu.memref_slice %arg9[%mul3A_8] : memref<327680xf32, #tpu.memory_space<hbm>> -> memref<10240xf32, #tpu.memory_space<hbm>>
      %dma_start3A_9 = tpu.memref_slice %arg9[%mul3A_8] : memref<327680xf32, #tpu.memory_space<hbm>> -> memref<10240xf32, #tpu.memory_space<hbm>>
      tpu.enqueue_dma source(%arg12 : memref<10240xf32, #tpu.memory_space<vmem>>) target(%dma_start3A_9 : memref<10240xf32, #tpu.memory_space<hbm>>) target_semaphore(%run_scoped3A : memref<!tpu.dma_semaphore, #tpu.memory_space<semaphore_mem>>)
      %dma_wait3A = tpu.memref_slice %arg9[%mul3A_8] : memref<327680xf32, #tpu.memory_space<hbm>> -> memref<10240xf32, #tpu.memory_space<hbm>>
      %dma_wait3A_10 = tpu.memref_slice %arg9[%mul3A_8] : memref<327680xf32, #tpu.memory_space<hbm>> -> memref<10240xf32, #tpu.memory_space<hbm>>
      tpu.wait_dma2 semaphore(%run_scoped3A : memref<!tpu.dma_semaphore, #tpu.memory_space<semaphore_mem>>) src(%arg12 : memref<10240xf32, #tpu.memory_space<vmem>>) dst(%dma_wait3A_10 : memref<10240xf32, #tpu.memory_space<hbm>>)
      tpu.yield
    }) : () -> ()
    return
  }
}

module attributes {stable_mosaic.version = 14 : i64} {
  func.func @_tables_body(%arg0: memref<10000x128xf32, #tpu.memory_space<vmem>>, %arg1: memref<128x128xf32, #tpu.memory_space<vmem>>, %arg2: memref<128x128xf32, #tpu.memory_space<vmem>>, %arg3: memref<10000x128xf32, #tpu.memory_space<vmem>>, %arg4: memref<10000x128xf32, #tpu.memory_space<vmem>>) attributes {dimension_semantics = [], scalar_prefetch = 0 : i64, scratch_operands = 0 : i64, tpu.core_type = #tpu.core_type<tc>} {
    %get3A = arith.constant 0 : index
    %get3A_0 = arith.constant 0 : index
    %get3A_1 = vector.load %arg0[%get3A, %get3A_0] : memref<10000x128xf32, #tpu.memory_space<vmem>>, vector<10000x128xf32>
    %get3A_2 = arith.constant 0 : index
    %get3A_3 = arith.constant 0 : index
    %get3A_4 = vector.load %arg1[%get3A_2, %get3A_3] : memref<128x128xf32, #tpu.memory_space<vmem>>, vector<128x128xf32>
    %dot_general3A = arith.constant dense<0.000000e+00> : vector<10000x128xf32>
    %dot_general3A_5 = tpu.matmul %get3A_1, %get3A_4, %dot_general3A {dimension_numbers = #tpu.dot_dimension_numbers<[1], [0], [0], [1], [0, 0, 1, 1], [], []>, transpose_lhs_hint = false} : vector<10000x128xf32>, vector<128x128xf32>, vector<10000x128xf32> -> vector<10000x128xf32>
    %swap3A = arith.constant 0 : index
    %swap3A_6 = arith.constant 0 : index
    %swap3A_7 = vector.load %arg3[%swap3A, %swap3A_6] : memref<10000x128xf32, #tpu.memory_space<vmem>>, vector<10000x128xf32>
    tpu.vector_store %arg3[%swap3A, %swap3A_6], %dot_general3A_5 {strides = array<i32>} : memref<10000x128xf32, #tpu.memory_space<vmem>>, vector<10000x128xf32>,
    %get3A_8 = arith.constant 0 : index
    %get3A_9 = arith.constant 0 : index
    %get3A_10 = vector.load %arg2[%get3A_8, %get3A_9] : memref<128x128xf32, #tpu.memory_space<vmem>>, vector<128x128xf32>
    %dot_general3A_11 = arith.constant dense<0.000000e+00> : vector<10000x128xf32>
    %dot_general3A_12 = tpu.matmul %get3A_1, %get3A_10, %dot_general3A_11 {dimension_numbers = #tpu.dot_dimension_numbers<[1], [0], [0], [1], [0, 0, 1, 1], [], []>, transpose_lhs_hint = false} : vector<10000x128xf32>, vector<128x128xf32>, vector<10000x128xf32> -> vector<10000x128xf32>
    %swap3A_13 = arith.constant 0 : index
    %swap3A_14 = arith.constant 0 : index
    %swap3A_15 = vector.load %arg4[%swap3A_13, %swap3A_14] : memref<10000x128xf32, #tpu.memory_space<vmem>>, vector<10000x128xf32>
    tpu.vector_store %arg4[%swap3A_13, %swap3A_14], %dot_general3A_12 {strides = array<i32>} : memref<10000x128xf32, #tpu.memory_space<vmem>>, vector<10000x128xf32>,
    return
  }
}

module attributes {stable_mosaic.version = 14 : i64} {
  func.func @_mlp_body(%arg0: i32, %arg1: memref<4000x128xf32, #tpu.memory_space<vmem>>, %arg2: memref<4000x4xf32, #tpu.memory_space<vmem>>, %arg3: memref<4000x3xf32, #tpu.memory_space<vmem>>, %arg4: memref<4000x1xf32, #tpu.memory_space<vmem>>, %arg5: memref<4x128xf32, #tpu.memory_space<vmem>>, %arg6: memref<1x128xf32, #tpu.memory_space<vmem>>, %arg7: memref<128x128xbf16, #tpu.memory_space<vmem>>, %arg8: memref<1x128xf32, #tpu.memory_space<vmem>>, %arg9: memref<128x128xbf16, #tpu.memory_space<vmem>>, %arg10: memref<4000x1xf32, #tpu.memory_space<vmem>>, %arg11: memref<4000x1xf32, #tpu.memory_space<vmem>>, %arg12: memref<4000x1xf32, #tpu.memory_space<vmem>>) attributes {dimension_semantics = [#tpu.dimension_semantics<arbitrary>], iteration_bounds = array<i64: 80>, scalar_prefetch = 0 : i64, scratch_operands = 0 : i64, tpu.core_type = #tpu.core_type<tc>, window_params = [{transform_indices = @transform_0, window_bounds = array<i64: 4000, 128>}, {transform_indices = @transform_1, window_bounds = array<i64: 4000, 4>}, {transform_indices = @transform_2, window_bounds = array<i64: 4000, 3>}, {transform_indices = @transform_3, window_bounds = array<i64: 4000, 1>}, {pipeline_mode = #tpu.pipeline_mode<synchronous>, transform_indices = @transform_4, window_bounds = array<i64: 4, 128>}, {pipeline_mode = #tpu.pipeline_mode<synchronous>, transform_indices = @transform_5, window_bounds = array<i64: 1, 128>}, {pipeline_mode = #tpu.pipeline_mode<synchronous>, transform_indices = @transform_6, window_bounds = array<i64: 128, 128>}, {pipeline_mode = #tpu.pipeline_mode<synchronous>, transform_indices = @transform_7, window_bounds = array<i64: 1, 128>}, {pipeline_mode = #tpu.pipeline_mode<synchronous>, transform_indices = @transform_8, window_bounds = array<i64: 128, 128>}, {transform_indices = @transform_9, window_bounds = array<i64: 4000, 1>}, {transform_indices = @transform_10, window_bounds = array<i64: 4000, 1>}, {transform_indices = @transform_11, window_bounds = array<i64: 4000, 1>}]} {
    %get3A = arith.constant 0 : index
    %get3A_0 = arith.constant 0 : index
    %get3A_1 = vector.load %arg2[%get3A, %get3A_0] : memref<4000x4xf32, #tpu.memory_space<vmem>>, vector<4000x4xf32>
    %get3A_2 = arith.constant 0 : index
    %get3A_3 = arith.constant 0 : index
    %get3A_4 = vector.load %arg5[%get3A_2, %get3A_3] : memref<4x128xf32, #tpu.memory_space<vmem>>, vector<4x128xf32>
    %dot_general3A = arith.constant dense<0.000000e+00> : vector<4000x128xf32>
    %dot_general3A_5 = tpu.matmul %get3A_1, %get3A_4, %dot_general3A {dimension_numbers = #tpu.dot_dimension_numbers<[1], [0], [0], [1], [0, 0, 1, 1], [], []>, transpose_lhs_hint = false} : vector<4000x4xf32>, vector<4x128xf32>, vector<4000x128xf32> -> vector<4000x128xf32>
    %get3A_6 = arith.constant 0 : index
    %get3A_7 = arith.constant 0 : index
    %get3A_8 = vector.load %arg1[%get3A_6, %get3A_7] : memref<4000x128xf32, #tpu.memory_space<vmem>>, vector<4000x128xf32>
    %add3A = arith.addf %get3A_8, %dot_general3A_5 : vector<4000x128xf32>
    %get3A_9 = arith.constant 0 : index
    %get3A_10 = arith.constant 0 : index
    %get3A_11 = vector.load %arg6[%get3A_9, %get3A_10] : memref<1x128xf32, #tpu.memory_space<vmem>>, vector<1x128xf32>
    %add3A_12 = vector.broadcast %get3A_11 : vector<1x128xf32> to vector<4000x128xf32>
    %add3A_13 = arith.addf %add3A, %add3A_12 : vector<4000x128xf32>
    %logistic3A = arith.negf %add3A_13 : vector<4000x128xf32>
    %logistic3A_14 = math.exp %logistic3A : vector<4000x128xf32>
    %logistic3A_15 = arith.constant 1.000000e+00 : f32
    %logistic3A_16 = vector.broadcast %logistic3A_15 : f32 to vector<4000x128xf32>
    %logistic3A_17 = arith.addf %logistic3A_16, %logistic3A_14 : vector<4000x128xf32>
    %logistic3A_18 = arith.divf %logistic3A_16, %logistic3A_17 : vector<4000x128xf32>
    %mul3A = arith.mulf %add3A_13, %logistic3A_18 : vector<4000x128xf32>
    %convert_element_type3A = arith.truncf %mul3A : vector<4000x128xf32> to vector<4000x128xbf16>
    %get3A_19 = arith.constant 0 : index
    %get3A_20 = arith.constant 0 : index
    %get3A_21 = vector.load %arg7[%get3A_19, %get3A_20] : memref<128x128xbf16, #tpu.memory_space<vmem>>, vector<128x128xbf16>
    %dot_general3A_22 = arith.constant dense<0.000000e+00> : vector<4000x128xf32>
    %dot_general3A_23 = tpu.matmul %convert_element_type3A, %get3A_21, %dot_general3A_22 {dimension_numbers = #tpu.dot_dimension_numbers<[1], [0], [0], [1], [0, 0, 1, 1], [], []>, transpose_lhs_hint = false} : vector<4000x128xbf16>, vector<128x128xbf16>, vector<4000x128xf32> -> vector<4000x128xf32>
    %get3A_24 = arith.constant 0 : index
    %get3A_25 = arith.constant 0 : index
    %get3A_26 = vector.load %arg8[%get3A_24, %get3A_25] : memref<1x128xf32, #tpu.memory_space<vmem>>, vector<1x128xf32>
    %add3A_27 = vector.broadcast %get3A_26 : vector<1x128xf32> to vector<4000x128xf32>
    %add3A_28 = arith.addf %dot_general3A_23, %add3A_27 : vector<4000x128xf32>
    %logistic3A_29 = arith.negf %add3A_28 : vector<4000x128xf32>
    %logistic3A_30 = math.exp %logistic3A_29 : vector<4000x128xf32>
    %logistic3A_31 = arith.constant 1.000000e+00 : f32
    %logistic3A_32 = vector.broadcast %logistic3A_31 : f32 to vector<4000x128xf32>
    %logistic3A_33 = arith.addf %logistic3A_32, %logistic3A_30 : vector<4000x128xf32>
    %logistic3A_34 = arith.divf %logistic3A_32, %logistic3A_33 : vector<4000x128xf32>
    %mul3A_35 = arith.mulf %add3A_28, %logistic3A_34 : vector<4000x128xf32>
    %convert_element_type3A_36 = arith.truncf %mul3A_35 : vector<4000x128xf32> to vector<4000x128xbf16>
    %get3A_37 = arith.constant 0 : index
    %get3A_38 = arith.constant 0 : index
    %get3A_39 = vector.load %arg9[%get3A_37, %get3A_38] : memref<128x128xbf16, #tpu.memory_space<vmem>>, vector<128x128xbf16>
    %dot_general3A_40 = arith.constant dense<0.000000e+00> : vector<4000x128xf32>
    %dot_general3A_41 = tpu.matmul %convert_element_type3A_36, %get3A_39, %dot_general3A_40 {dimension_numbers = #tpu.dot_dimension_numbers<[1], [0], [0], [1], [0, 0, 1, 1], [], []>, transpose_lhs_hint = false} : vector<4000x128xbf16>, vector<128x128xbf16>, vector<4000x128xf32> -> vector<4000x128xf32>
    %slice3A = vector.extract_strided_slice %dot_general3A_41 {offsets = [0, 0], sizes = [4000, 1], strides = [1, 1]} : vector<4000x128xf32> to vector<4000x1xf32>
    %get3A_42 = arith.constant 0 : index
    %get3A_43 = arith.constant 0 : index
    %get3A_44 = vector.load %arg4[%get3A_42, %get3A_43] : memref<4000x1xf32, #tpu.memory_space<vmem>>, vector<4000x1xf32>
    %mul3A_45 = arith.mulf %slice3A, %get3A_44 : vector<4000x1xf32>
    %mul3A_46 = arith.constant 0.00999999977 : f32
    %mul3A_47 = vector.broadcast %mul3A_46 : f32 to vector<4000x1xf32>
    %mul3A_48 = arith.mulf %mul3A_45, %mul3A_47 : vector<4000x1xf32>
    %get3A_49 = arith.constant 0 : index
    %get3A_50 = arith.constant 0 : index
    %get3A_51 = vector.load %arg3[%get3A_49, %get3A_50] : memref<4000x3xf32, #tpu.memory_space<vmem>>, vector<4000x3xf32>
    %mul3A_52 = vector.broadcast %mul3A_48 : vector<4000x1xf32> to vector<4000x3xf32>
    %mul3A_53 = arith.mulf %get3A_51, %mul3A_52 : vector<4000x3xf32>
    %slice3A_54 = vector.extract_strided_slice %mul3A_53 {offsets = [0, 0], sizes = [4000, 1], strides = [1, 1]} : vector<4000x3xf32> to vector<4000x1xf32>
    %swap3A = arith.constant 0 : index
    %swap3A_55 = arith.constant 0 : index
    %swap3A_56 = vector.load %arg10[%swap3A, %swap3A_55] : memref<4000x1xf32, #tpu.memory_space<vmem>>, vector<4000x1xf32>
    tpu.vector_store %arg10[%swap3A, %swap3A_55], %slice3A_54 {strides = array<i32>} : memref<4000x1xf32, #tpu.memory_space<vmem>>, vector<4000x1xf32>,
    %slice3A_57 = vector.extract_strided_slice %mul3A_53 {offsets = [0, 1], sizes = [4000, 1], strides = [1, 1]} : vector<4000x3xf32> to vector<4000x1xf32>
    %swap3A_58 = arith.constant 0 : index
    %swap3A_59 = arith.constant 0 : index
    %swap3A_60 = vector.load %arg11[%swap3A_58, %swap3A_59] : memref<4000x1xf32, #tpu.memory_space<vmem>>, vector<4000x1xf32>
    tpu.vector_store %arg11[%swap3A_58, %swap3A_59], %slice3A_57 {strides = array<i32>} : memref<4000x1xf32, #tpu.memory_space<vmem>>, vector<4000x1xf32>,
    %slice3A_61 = vector.extract_strided_slice %mul3A_53 {offsets = [0, 2], sizes = [4000, 1], strides = [1, 1]} : vector<4000x3xf32> to vector<4000x1xf32>
    %swap3A_62 = arith.constant 0 : index
    %swap3A_63 = arith.constant 0 : index
    %swap3A_64 = vector.load %arg12[%swap3A_62, %swap3A_63] : memref<4000x1xf32, #tpu.memory_space<vmem>>, vector<4000x1xf32>
    tpu.vector_store %arg12[%swap3A_62, %swap3A_63], %slice3A_61 {strides = array<i32>} : memref<4000x1xf32, #tpu.memory_space<vmem>>, vector<4000x1xf32>,
    return
  }
  func.func @transform_0(%arg0: i32) -> (i32, i32) {
    %c0_i32 = arith.constant 0 : i32
    %c0_i32_0 = arith.constant 0 : i32
    return %arg0, %c0_i32 : i32, i32
  }
  func.func @transform_1(%arg0: i32) -> (i32, i32) {
    %c0_i32 = arith.constant 0 : i32
    %c0_i32_0 = arith.constant 0 : i32
    return %arg0, %c0_i32 : i32, i32
  }
  func.func @transform_2(%arg0: i32) -> (i32, i32) {
    %c0_i32 = arith.constant 0 : i32
    %c0_i32_0 = arith.constant 0 : i32
    return %arg0, %c0_i32 : i32, i32
  }
  func.func @transform_3(%arg0: i32) -> (i32, i32) {
    %c0_i32 = arith.constant 0 : i32
    %c0_i32_0 = arith.constant 0 : i32
    return %arg0, %c0_i32 : i32, i32
  }
  func.func @transform_4(%arg0: i32) -> (i32, i32) {
    %c0_i32 = arith.constant 0 : i32
    %c0_i32_0 = arith.constant 0 : i32
    %c0_i32_1 = arith.constant 0 : i32
    return %c0_i32, %c0_i32_0 : i32, i32
  }
  func.func @transform_5(%arg0: i32) -> (i32, i32) {
    %c0_i32 = arith.constant 0 : i32
    %c0_i32_0 = arith.constant 0 : i32
    %c0_i32_1 = arith.constant 0 : i32
    return %c0_i32, %c0_i32_0 : i32, i32
  }
  func.func @transform_6(%arg0: i32) -> (i32, i32) {
    %c0_i32 = arith.constant 0 : i32
    %c0_i32_0 = arith.constant 0 : i32
    %c0_i32_1 = arith.constant 0 : i32
    return %c0_i32, %c0_i32_0 : i32, i32
  }
  func.func @transform_7(%arg0: i32) -> (i32, i32) {
    %c0_i32 = arith.constant 0 : i32
    %c0_i32_0 = arith.constant 0 : i32
    %c0_i32_1 = arith.constant 0 : i32
    return %c0_i32, %c0_i32_0 : i32, i32
  }
  func.func @transform_8(%arg0: i32) -> (i32, i32) {
    %c0_i32 = arith.constant 0 : i32
    %c0_i32_0 = arith.constant 0 : i32
    %c0_i32_1 = arith.constant 0 : i32
    return %c0_i32, %c0_i32_0 : i32, i32
  }
  func.func @transform_9(%arg0: i32) -> (i32, i32) {
    %c0_i32 = arith.constant 0 : i32
    %c0_i32_0 = arith.constant 0 : i32
    return %arg0, %c0_i32 : i32, i32
  }
  func.func @transform_10(%arg0: i32) -> (i32, i32) {
    %c0_i32 = arith.constant 0 : i32
    %c0_i32_0 = arith.constant 0 : i32
    return %arg0, %c0_i32 : i32, i32
  }
  func.func @transform_11(%arg0: i32) -> (i32, i32) {
    %c0_i32 = arith.constant 0 : i32
    %c0_i32_0 = arith.constant 0 : i32
    return %arg0, %c0_i32 : i32, i32
  }
}

module attributes {stable_mosaic.version = 14 : i64} {
  func.func @_final_body(%arg0: memref<3x10000xf32, #tpu.memory_space<vmem>>, %arg1: memref<1x10000xf32, #tpu.memory_space<vmem>>, %arg2: memref<32x10240xf32, #tpu.memory_space<vmem>>, %arg3: memref<32x10240xf32, #tpu.memory_space<vmem>>, %arg4: memref<32x10240xf32, #tpu.memory_space<vmem>>, %arg5: memref<3x10000xf32, #tpu.memory_space<vmem>>) attributes {dimension_semantics = [], scalar_prefetch = 0 : i64, scratch_operands = 0 : i64, tpu.core_type = #tpu.core_type<tc>} {
    %get3A = arith.constant 0 : index
    %get3A_0 = arith.constant 0 : index
    %get3A_1 = vector.load %arg2[%get3A, %get3A_0] : memref<32x10240xf32, #tpu.memory_space<vmem>>, vector<32x10240xf32>
    %reduce_sum3A = arith.constant dense<0.000000e+00> : vector<10240xf32>
    %reduce_sum3A_2 = vector.multi_reduction <add>, %get3A_1, %reduce_sum3A [0] : vector<32x10240xf32> to vector<10240xf32>
    %slice3A = vector.extract_strided_slice %reduce_sum3A_2 {offsets = [0], sizes = [10000], strides = [1]} : vector<10240xf32> to vector<10000xf32>
    %get3A_3 = arith.constant 0 : index
    %get3A_4 = arith.constant 0 : index
    %get3A_5 = vector.load %arg3[%get3A_3, %get3A_4] : memref<32x10240xf32, #tpu.memory_space<vmem>>, vector<32x10240xf32>
    %reduce_sum3A_6 = arith.constant dense<0.000000e+00> : vector<10240xf32>
    %reduce_sum3A_7 = vector.multi_reduction <add>, %get3A_5, %reduce_sum3A_6 [0] : vector<32x10240xf32> to vector<10240xf32>
    %slice3A_8 = vector.extract_strided_slice %reduce_sum3A_7 {offsets = [0], sizes = [10000], strides = [1]} : vector<10240xf32> to vector<10000xf32>
    %get3A_9 = arith.constant 0 : index
    %get3A_10 = arith.constant 0 : index
    %get3A_11 = vector.load %arg4[%get3A_9, %get3A_10] : memref<32x10240xf32, #tpu.memory_space<vmem>>, vector<32x10240xf32>
    %reduce_sum3A_12 = arith.constant dense<0.000000e+00> : vector<10240xf32>
    %reduce_sum3A_13 = vector.multi_reduction <add>, %get3A_11, %reduce_sum3A_12 [0] : vector<32x10240xf32> to vector<10240xf32>
    %slice3A_14 = vector.extract_strided_slice %reduce_sum3A_13 {offsets = [0], sizes = [10000], strides = [1]} : vector<10240xf32> to vector<10000xf32>
    %broadcast_in_dim3A = vector.shape_cast %slice3A : vector<10000xf32> to vector<1x10000xf32>
    %broadcast_in_dim3A_15 = vector.shape_cast %slice3A_8 : vector<10000xf32> to vector<1x10000xf32>
    %broadcast_in_dim3A_16 = vector.shape_cast %slice3A_14 : vector<10000xf32> to vector<1x10000xf32>
    %concatenate3A = tpu.concatenate %broadcast_in_dim3A, %broadcast_in_dim3A_15, %broadcast_in_dim3A_16 in 0 : vector<1x10000xf32>, vector<1x10000xf32>, vector<1x10000xf32> -> vector<3x10000xf32>
    %get3A_17 = arith.constant 0 : index
    %get3A_18 = arith.constant 0 : index
    %get3A_19 = vector.load %arg0[%get3A_17, %get3A_18] : memref<3x10000xf32, #tpu.memory_space<vmem>>, vector<3x10000xf32>
    %add3A = arith.addf %get3A_19, %concatenate3A : vector<3x10000xf32>
    %get3A_20 = arith.constant 0 : index
    %get3A_21 = arith.constant 0 : index
    %get3A_22 = vector.load %arg1[%get3A_20, %get3A_21] : memref<1x10000xf32, #tpu.memory_space<vmem>>, vector<1x10000xf32>
    %mul3A = vector.broadcast %get3A_22 : vector<1x10000xf32> to vector<3x10000xf32>
    %mul3A_23 = arith.mulf %add3A, %mul3A : vector<3x10000xf32>
    %swap3A = arith.constant 0 : index
    %swap3A_24 = arith.constant 0 : index
    %swap3A_25 = vector.load %arg5[%swap3A, %swap3A_24] : memref<3x10000xf32, #tpu.memory_space<vmem>>, vector<3x10000xf32>
    tpu.vector_store %arg5[%swap3A, %swap3A_24], %mul3A_23 {strides = array<i32>} : memref<3x10000xf32, #tpu.memory_space<vmem>>, vector<3x10000xf32>,
    return
  }
}

</mosaic_0001>

<sc_bundles>
// kernel: kernel.10.cloned.1.call-start
scs
__scs_entry_jumppad:
0x0: {  	(pc) =	sbr.rel $0x88, $3  }
0x1: {  	(tag) =	ssettag $0x0;
	lr =	simm.s32 $0x1  }
0x2: {  	[smem:$0x3F95] =	sst lr;
	_ =	strace $0xD0000000  }
0x3: {  	_ = 	snop  }
0x4: {  	_ = 	snop  }
0x5: {  	_ = 	snop  }
0x6: {  	_ = 	snop  }
0x7: {  	_ = 	snop  }
__scs_overlays_trampoline_lowered:
0x8: {  	[smem:$0x3FA4] =	sst s0  }
0x9: {  	[smem:$0x3FA5] =	sst s1  }
0xa: {  	[smem:$0x3FA6] =	sst s2  }
0xb: {  	[smem:$0x3FA7] =	sst s3  }
0xc: {  	[smem:$0x3FA8] =	sst s4  }
0xd: {  	[smem:$0x3FA9] =	sst s5  }
0xe: {  	[smem:$0x3FAA] =	sst s6  }
0xf: {  	[smem:$0x3FAB] =	sst s7  }
0x10: {  	[smem:$0x3FAC] =	sst s8  }
0x11: {  	[smem:$0x3FAD] =	sst s9;
	s0 =	simm.s32 @!p0 $0x0  }
0x12: {  	s1 =	sld [smem:$0x3F93];
	s0 =	simm.s32 @p0 $0x1  }
0x13: {  	[smem:$0x3FAE] =	sst s0;
	s0 =	simm.s32 @!p1 $0x0  }
0x14: {  	s2 =	sld [smem:$0x3F92];
	s0 =	simm.s32 @p1 $0x1  }
0x15: {  	[smem:$0x3FAF] =	sst s0;
	s0 =	simm.s32 @!p2 $0x0  }
0x16: {  	s3 =	sld [smem:$0x3FDB];
	s0 =	simm.s32 @p2 $0x1  }
0x17: {  	s4 =	simm.s32 $0x1BF5;
	[smem:$0x3FB1] =	sst s0  }
0x18: {  	s0 =	sld [smem:$0x3F94];
	_ =	swait.ge [sflag:s4], $0x0  }
0x19: {  	s7 =	sld [smem:$0x3F95]  }
0x1a: {  	s8 =	sadd.s32 $0xFFFFE003, lr  }
0x1b: {  	s9 =	sadd.s32 $0xFFFFFEF7, lr;
	s5 =	simm.s32 $0xFFFFFFFF;
	p2 =	slt.u32 s8, $0xFFFFF086  }
0x1c: {  	p1 =	slt.u32 s9, $0xF7A;
	s5 =	simm.s32 @!p2 $0x0  }
0x1d: {  	s5 =	simm.s32 @p1 $0x1;
	p0 =	seq.s32 s7, s2  }
0x1e: {  	s7 =	smul.u32 @!p0 $0xF7A, s2;
	p2 =	seq.s32 @!p0 s5, $0x0  }
0x1f: {  	s9 =	smul.u32 $0xF7A, s1;
	s8 =	simm.s32 @!p0 $0x1BF5;
	p2 =	por !p2, p0  }
0x20: {  	[sflag:s8] =	ssyncset.s32 @!p0 $0xFFFFF086;
	s6 =	sadd.s32 @!p0 s3, s7;
	s7 =	simm.s32 @!p0 $0x108  }
0x21: {  	s3 =	sadd.s32 s3, s9;
	s6 =	sadd.s32 @!p0 $0x88, s6;
	s7 =	simm.s32 @p2 $0x1082  }
0x22: {  	[simem:s7], [sflag:s8] =	dma.local @!p0 [hbm:s6], $0xF7A  }
0x23: {  	s9 =	sor.u32 $0xD0000000, s2;
	s6 =	simm.s32 $0x108;
	_ =	swait.ge @!p0 [sflag:s8], $0x0  }
0x24: {  	s3 =	sadd.s32 $0x88, s3;
	s6 =	simm.s32 @!p1 $0x1082;
	[sflag:s4] =	ssyncset.s32 $0xFFFFF086  }
0x25: {  	[simem:s6], [sflag:s4] =	dma.local [hbm:s3], $0xF7A  }
0x26: {  	[smem:$0x3F95] =	sst s1;
	(tag) =	ssettag s2;
	_ =	strace s9  }
0x27: {  	s1 =	sld [smem:$0x3FA5]  }
0x28: {  	s2 =	sld [smem:$0x3FA6]  }
0x29: {  	s4 =	sld [smem:$0x3FA8]  }
0x2a: {  	p0 =	seq.s32 s5, $0x0;
	s5 =	sld [smem:$0x3FA9]  }
0x2b: {  	s6 =	sld [smem:$0x3FAA]  }
0x2c: {  	s7 =	sld [smem:$0x3FAB]  }
0x2d: {  	s3 =	simm.s32 $0x108;
	s8 =	sld [smem:$0x3FAC]  }
0x2e: {  	s3 =	simm.s32 @!p0 $0x1082;
	s9 =	sld [smem:$0x3FAD]  }
0x2f: {  	lr =	sadd.s32 s0, s3;
	s0 =	sld [smem:$0x3FA4]  }
0x30: {  	s3 =	sld [smem:$0x3FA7]  }
0x31: {  	[smem:$0x3FB0] =	sst s10  }
0x32: {  	s10 =	sld [smem:$0x3FAE];
	_ =	sdelay $0x3  }
0x33: {  	p0 =	seq.s32 s10, $0x1;
	s10 =	sld [smem:$0x3FB0];
	_ =	sdelay $0x3  }
0x34: {  	[smem:$0x3FB0] =	sst s10  }
0x35: {  	s10 =	sld [smem:$0x3FAF];
	_ =	sdelay $0x3  }
0x36: {  	p1 =	seq.s32 s10, $0x1;
	s10 =	sld [smem:$0x3FB0];
	_ =	sdelay $0x3  }
0x37: {  	[smem:$0x3FB0] =	sst s10  }
0x38: {  	s10 =	sld [smem:$0x3FB1]  }
0x39: {  	_ = 	snop;
	(pc) =	sbr.ind lr, $3  }
0x3a: {  	_ = 	snop  }
0x3b: {  	_ = 	snop  }
0x3c: {  	p2 =	seq.s32 s10, $0x1;
	s10 =	sld [smem:$0x3FB0]  }
0x3d: {  	_ =	shalt  }
0x3e: {  	_ =	shalt  }
0x3f: {  	_ =	shalt  }
0x40: {  	_ =	shalt  }
0x41: {  	_ =	shalt  }
0x42: {  	_ =	shalt  }
0x43: {  	_ =	shalt  }
0x44: {  	_ =	shalt  }
0x45: {  	_ =	shalt  }
0x46: {  	_ =	shalt  }
0x47: {  	_ =	shalt  }
0x48: {  	_ =	shalt  }
0x49: {  	_ =	shalt  }
0x4a: {  	_ =	shalt  }
0x4b: {  	_ =	shalt  }
0x4c: {  	_ =	shalt  }
0x4d: {  	_ =	shalt  }
0x4e: {  	_ =	shalt  }
0x4f: {  	_ =	shalt  }
0x50: {  	_ =	shalt  }
0x51: {  	_ =	shalt  }
0x52: {  	_ =	shalt  }
0x53: {  	_ =	shalt  }
0x54: {  	_ =	shalt  }
0x55: {  	_ =	shalt  }
0x56: {  	_ =	shalt  }
0x57: {  	_ =	shalt  }
0x58: {  	_ =	shalt  }
0x59: {  	_ =	shalt  }
0x5a: {  	_ =	shalt  }
0x5b: {  	_ =	shalt  }
0x5c: {  	_ =	shalt  }
0x5d: {  	_ =	shalt  }
0x5e: {  	_ =	shalt  }
0x5f: {  	_ =	shalt  }
0x60: {  	_ =	shalt  }
0x61: {  	_ =	shalt  }
0x62: {  	_ =	shalt  }
0x63: {  	_ =	shalt  }
0x64: {  	_ =	shalt  }
0x65: {  	_ =	shalt  }
0x66: {  	_ =	shalt  }
0x67: {  	_ =	shalt  }
0x68: {  	_ =	shalt  }
0x69: {  	_ =	shalt  }
0x6a: {  	_ =	shalt  }
0x6b: {  	_ =	shalt  }
0x6c: {  	_ =	shalt  }
0x6d: {  	_ =	shalt  }
0x6e: {  	_ =	shalt  }
0x6f: {  	_ =	shalt  }
0x70: {  	_ =	shalt  }
0x71: {  	_ =	shalt  }
0x72: {  	_ =	shalt  }
0x73: {  	_ =	shalt  }
0x74: {  	_ =	shalt  }
0x75: {  	_ =	shalt  }
0x76: {  	_ =	shalt  }
0x77: {  	_ =	shalt  }
0x78: {  	_ =	shalt  }
0x79: {  	_ =	shalt  }
0x7a: {  	_ =	shalt  }
0x7b: {  	_ =	shalt  }
0x7c: {  	_ =	shalt  }
0x7d: {  	_ =	shalt  }
0x7e: {  	_ =	shalt  }
0x7f: {  	_ =	shalt  }
0x80: {  	_ =	shalt  }
0x81: {  	_ =	shalt  }
0x82: {  	_ =	shalt  }
0x83: {  	_ =	shalt  }
0x84: {  	_ =	shalt  }
0x85: {  	_ =	shalt  }
0x86: {  	_ =	shalt  }
0x87: {  	_ =	shalt  }
.Lfunc_end0:
.L_simem_size_0:
called_computation.1_lowered:
.L_overlay_start_0:
0x88: {  	s2 =	sld [smem:$0x3FD9]  }
0x89: {  	s3 =	sld [smem:$0x3FFE];
	_ =	sdelay $0x1  }
0x8a: {  	s1 =	srdreg.scid  }
0x8b: {  	s0 =	sand.u32 $0x1, s1  }
0x8c: {  	s17 =	sshll.u32 s0, $0xA;
	s2 =	sadd.s32 s3, s2  }
0x8d: {  	s2 =	sadd.s32 s2, s17  }
0x8e: {  	[smem:$0x3FBC] =	sst s2  }
0x8f: {  	_ = 	snop  }
0x90: {  	s2 =	sld [smem:$0x3FD0];
	(tm) =	ssettm $0x1  }
0x91: {  	s18 =	sld [smem:$0x3FFB];
	_ =	sdelay $0x3  }
0x92: {  	_ =	strace s18  }
0x93: {  	s3 =	sld [smem:$0x3FFC];
	_ =	sdelay $0x3  }
0x94: {  	_ =	strace s3  }
0x95: {  	s3 =	sld [smem:$0x3FFD];
	_ =	sdelay $0x3  }
0x96: {  	_ =	strace s3  }
0x97: {  	_ =	strace $0x8FFFFFFF  }
0x98: {  	s19 =	sld [smem:$0x3FDB];
	_ =	sdelay $0x1  }
0x99: {  	s4 =	simm.s32 $_scs_section_size  }
0x9a: {  	s5 =	simm.s32 $_size__tile_overlayer_lowered;
	s6 =	simm.s32 $_tile_overlayer_lowered  }
0x9b: {  	s22 =	simm.s32 $0x1BFF;
	s21 =	sshll.u32 s6, $0x1;
	s3 =	sadd.s32 s4, s19  }
0x9c: {  	s7 =	simm.s32 $0x0;
	s20 =	sshll.u32 s5, $0x1;
	s5 =	sadd.s32 s21, s3  }
0x9d: {  	[timem:s7], [sflag:s22] =	dma.local [hbm:s5], s20  }
0x9e: {  	_ =	swait.ge [sflag:s22], s20  }
0x9f: {  	s4 =	ssub.s32 $0x0, s20;
	[sflag:s22] =	ssyncset.done $0x0  }
0xa0: {  	[sflag:s22] =	ssyncadd.s32 s4;
	_ =	sdelay $0x1  }
0xa1: {  	s23 =	simm.s32 $0x1B8B  }
0xa2: {  	_ =	swait.ge [sflag:s23], $0x1  }
0xa3: {  	[sflag:s23] =	ssyncset.done $0x0  }
0xa4: {  	s25 =	simm.s32 $0x1B8E;
	s24 =	sld [smem:$0x3FFE];
	[sflag:s23] =	ssyncadd.s32 $0xFFFFFFFF  }
0xa5: {  	s26 =	simm.s32 $execute0_lowered;
	[smem:$0x3FD2] =	sst s25  }
0xa6: {  	s5 =	sshll.u32 s26, $0x1;
	_ =	strace $0x80000049;
	[dreg:$0x1] =	wrdreg $0xFFFFFFFF  }
0xa7: {  	s28 =	simm.s32 $_size_execute0_lowered;
	s3 =	sadd.s32 s3, s5;
	[dreg:$0x0] =	wrdreg $0x0  }
0xa8: {  	s5 =	sshll.u32 s28, $0x1;
	[dreg:$0x2] =	wrdreg s3  }
0xa9: {  	[dreg:$0x3] =	wrdreg s5  }
0xaa: {  	[dreg:$0x4] =	wrdreg $0xC0  }
0xab: {  	_ =	task [dreg:s7], $0x5FFFF  }
0xac: {  	[dreg:$0x1] =	wrdreg $0xFFFFFFFF  }
0xad: {  	[dreg:$0x0] =	wrdreg $0x60  }
0xae: {  	[dreg:$0x2] =	wrdreg s24  }
0xaf: {  	[dreg:$0x3] =	wrdreg s2  }
0xb0: {  	[dreg:$0x4] =	wrdreg $0x9  }
0xb1: {  	_ =	task.clear_ibuf [dreg:s7], $0x5FFFF;
	_ =	strace $0x90000049  }
0xb2: {  	s29 =	simm.s32 $0x9;
	_ =	strace $0x8000004B  }
0xb3: {  	_ =	swait.ge [sflag:s29], $0x1  }
0xb4: {  	[sflag:s29] =	ssyncadd.s32 $0xFFFFFFFF  }
0xb5: {  	_ =	strace $0x9000004B  }
0xb6: {  	_ =	sfence  }
0xb7: {  	s30 =	sld [smem:$0x0];
	_ =	sdelay $0x2  }
0xb8: {  	s31 =	sshll.u32 s1, $0xD;
	s1 =	sshrl.u32 s1, $0x2  }
0xb9: {  	s3 =	sand.u32 $0x4000, s31;
	s1 =	sadd.s32 s1, s30  }
0xba: {  	s0 =	sor.u32 s3, s0;
	s1 =	sshll.u32 s1, $0x11  }
0xbb: {  	s0 =	sor.u32 s1, s0  }
0xbc: {  	s0 =	sadd.s32 $0x8F2B, s0  }
0xbd: {  	[sflag:s0] =	ssyncadd.remote.s32 $0x1  }
0xbe: {  	_ =	sfence.sel $0xFFFF  }
0xbf: {  	[dreg:$0x0] =	wrdreg $0xFFFFFFFF;
	(pc) =	sbr.abs _section_cstart, $3  }
0xc0: {  	[dreg:$0x1] =	wrdreg $0xFFFFFFFF  }
0xc1: {  	_ =	task.clear_ibuf [dreg:s7], $0x2FFFF;
	_ =	strace $0x9FFFFFFF  }
0xc2: {  	(tm) =	ssettm $0x7FFFFFFF  }
0xc3: {  	_ =	shalt  }
tec
execute0_lowered:
.L_overlay_start_1:
0x0: {  	(tag) =	ssettag $0x1  }
0x1: {  	s0 =	rddreg [dreg:$0x0];
	s10 =	simm.s32 $0x0  }
0x2: {  	s1 =	srdreg.scid;
	s8 =	stileid.u32;
	s30 =	simm.s32 $0x1  }
0x3: {  	s31 =	simm.s32 $0x2;
	[smem:$0x7FF] =	sst s10;
	s1 =	sand.u32 $0x1, s1  }
0x4: {  	s2 =	sshll.u32 s8, $0x1;
	s4 =	sadd.s32 $0x1200, s0;
	s5 =	sadd.s32 $0x14E00, s0  }
0x5: {  	s6 =	sadd.s32 $0x1EC00, s0;
	s7 =	sadd.s32 $0xB000, s0;
	s2 =	sor.u32 s1, s2  }
0x6: {  	p0 =	sgt.u32 s8, $0x1;
	_ =	strace $0x8000004A;
	s11 =	sshll.u32 s2, $0x4  }
0x7: {  	s3 =	smul.u32 $0x500, s2;
	s2 =	sor.u32 $0x9C00, s11;
	s29 =	sor.u32 $0x200, s11  }
0x8: {  	s1 =	ssub.s32 $0x2, s1;
	s22 =	sadd.s32 s7, s2;
	[dreg:$0xb] =	wrdreg s29  }
0x9: {  	s9 =	sshrl.u32 s1, $0x1;
	s23 =	sadd.s32 s4, s2;
	[dreg:$0x3] =	wrdreg s22  }
0xa: {  	s1 =	ssub.s32 s1, s9;
	s24 =	sadd.s32 s5, s2;
	[dreg:$0x4] =	wrdreg s23  }
0xb: {  	s0 =	sadd.s32 s3, s0;
	s2 =	sadd.s32 s6, s2;
	[dreg:$0x5] =	wrdreg s24  }
.Ltmp0:
0xc: {  	s28 =	smax.u32 s1, $0x1;
	[dreg:$0x6] =	wrdreg s2;
	(pc) =	sbr.rel .LBB2_1-.Ltmp0, $4  }
0xd: {  	s8 =	simm.s32 $0x0;
	s25 =	sadd.s32 $0x28A00, s0;
	[dreg:$0xa] =	wrdreg s28  }
0xe: {  	s17 =	smov.u32 s11;
	s26 =	sadd.s32 $0x32A00, s0;
	[dreg:$0x7] =	wrdreg s25  }
0xf: {  	s1 =	simm.s32 $0x3;
	s0 =	sadd.s32 $0x3CA00, s0;
	[dreg:$0x8] =	wrdreg s26  }
0x10: {  	v0 =	vlaneseq.u32;
	s3 =	simm.s32 $0x5000;
	s2 =	simm.s32 $0x2800;
	[dreg:$0x9] =	wrdreg s0  }
.LBB2_11:
0x11: {  	s10 =	simm.s32 $0x0;
	s0 =	rddreg [dreg:$0x7];
	s1 =	simm.s32 $0x3  }
0x12: {  	[hbm4b:s0+s10] =	stream.linear.scatter [tilespmem:s10], [sflag:$0x3], $0x2800, $0x38;
	[tilespmem:$0x7C00] =	vst v63  }
0x13: {  	_ =	swait.ge [sflag:s1], $0x2800  }
0x14: {  	[sflag:s1] =	ssyncset.done $0x0  }
0x15: {  	s2 =	simm.s32 $0x2800;
	s26 =	rddreg [dreg:$0x8];
	[sflag:s1] =	ssyncadd.s32 $0xFFFFD800  }
0x16: {  	[hbm4b:s26+s10] =	stream.linear.scatter [tilespmem:s2], [sflag:$0x3], $0x2800, $0x38;
	[tilespmem:$0x7C00] =	vst v63  }
0x17: {  	_ =	swait.ge [sflag:s1], $0x2800  }
0x18: {  	[sflag:s1] =	ssyncset.done $0x0  }
0x19: {  	s3 =	simm.s32 $0x5000;
	s28 =	rddreg [dreg:$0x9];
	[sflag:s1] =	ssyncadd.s32 $0xFFFFD800  }
0x1a: {  	[hbm4b:s28+s10] =	stream.linear.scatter [tilespmem:s3], [sflag:$0x3], $0x2800, $0x38;
	[tilespmem:$0x7C00] =	vst v63  }
0x1b: {  	_ =	swait.ge [sflag:s1], $0x2800  }
0x1c: {  	s8 =	sadd.s32 $0x1, s8;
	s29 =	rddreg [dreg:$0xa]  }
0x1d: {  	p1 =	sne.s32 s8, s29  }
.Ltmp1:
0x1e: {  	_ = 	snop;
	(pc) =	sbr.rel @!p1 .LBB2_12-.Ltmp1, $3  }
0x1f: {  	_ =	sdelay $0x1  }
0x20: {  	[sflag:s1] =	ssyncset.done $0x0  }
0x21: {  	[sflag:s1] =	ssyncadd.s32 $0xFFFFD800  }
.LBB2_1:
0x22: {  	[dreg:$0xc] =	wrdreg s8  }
0x23: {  	s0 =	rddreg [dreg:$0x1]  }
0x24: {  	[tilespmem:s10], [sflag:$0x3] =	stream.linear.gather [hbm4b:s0+s10], $0x2800, $0x38;
	[tilespmem:$0x7C00] =	vst v63  }
0x25: {  	_ =	swait.ge [sflag:s1], $0x2800  }
0x26: {  	[sflag:s1] =	ssyncset.done $0x0  }
0x27: {  	[sflag:s1] =	ssyncadd.s32 $0xFFFFD800  }
0x28: {  	[tilespmem:s2], [sflag:$0x3] =	stream.linear.gather [hbm4b:s0+s10], $0x2800, $0x38;
	[tilespmem:$0x7C00] =	vst v63  }
0x29: {  	_ =	swait.ge [sflag:s1], $0x2800  }
0x2a: {  	[sflag:s1] =	ssyncset.done $0x0  }
0x2b: {  	[sflag:s1] =	ssyncadd.s32 $0xFFFFD800  }
0x2c: {  	[tilespmem:s3], [sflag:$0x3] =	stream.linear.gather [hbm4b:s0+s10], $0x2800, $0x38;
	[tilespmem:$0x7C00] =	vst v63  }
0x2d: {  	_ =	swait.ge [sflag:s1], $0x2800  }
0x2e: {  	[sflag:s1] =	ssyncset.done $0x0  }
0x2f: {  	s2 =	simm.s32 $0x0;
	[sflag:s1] =	ssyncadd.s32 $0xFFFFD800  }
.LBB2_2:
0x30: {  	s0 =	sshll.u32 s2, $0xA  }
0x31: {  	s1 =	sor.u32 s17, s0  }
0x32: {  	s9 =	simm.s32 $0x0;
	s8 =	simm.s32 $0x7980;
	s3 =	sadd.s32 s7, s1  }
0x33: {  	[tilespmem:s8], [sflag:$0x1] =	stream.linear.gather [hbm4b:s3+s9], $0x80, $0x38;
	[tilespmem:$0x7C00] =	vst v63  }
0x34: {  	s11 =	simm.s32 $0x7800;
	s10 =	sadd.s32 s4, s1  }
0x35: {  	[tilespmem:s11], [sflag:$0x1] =	stream.linear.gather [hbm4b:s10+s9], $0x80, $0x38;
	[tilespmem:$0x7C00] =	vst v63  }
0x36: {  	s13 =	simm.s32 $0x7880;
	s15 =	rddreg [dreg:$0xb];
	s12 =	sadd.s32 s5, s1  }
0x37: {  	[tilespmem:s13], [sflag:$0x1] =	stream.linear.gather [hbm4b:s12+s9], $0x80, $0x38;
	[tilespmem:$0x7C00] =	vst v63  }
0x38: {  	s14 =	simm.s32 $0x7900;
	s0 =	sor.u32 s15, s0;
	s1 =	sadd.s32 s6, s1  }
0x39: {  	[tilespmem:s14], [sflag:$0x1] =	stream.linear.gather [hbm4b:s1+s9], $0x80, $0x38;
	[tilespmem:$0x7C00] =	vst v63  }
0x3a: {  	s16 =	simm.s32 $0x7B80;
	s1 =	sadd.s32 s7, s0  }
0x3b: {  	[tilespmem:s16], [sflag:$0x2] =	stream.linear.gather [hbm4b:s1+s9], $0x80, $0x38;
	[tilespmem:$0x7C00] =	vst v63  }
0x3c: {  	s19 =	simm.s32 $0x7A00;
	s18 =	sadd.s32 s4, s0  }
0x3d: {  	[tilespmem:s19], [sflag:$0x2] =	stream.linear.gather [hbm4b:s18+s9], $0x80, $0x38;
	[tilespmem:$0x7C00] =	vst v63  }
0x3e: {  	s21 =	simm.s32 $0x7A80;
	s20 =	sadd.s32 s5, s0  }
0x3f: {  	[tilespmem:s21], [sflag:$0x2] =	stream.linear.gather [hbm4b:s20+s9], $0x80, $0x38;
	[tilespmem:$0x7C00] =	vst v63  }
0x40: {  	s22 =	simm.s32 $0x7B00;
	s0 =	sadd.s32 s6, s0  }
0x41: {  	[tilespmem:s22], [sflag:$0x2] =	stream.linear.gather [hbm4b:s0+s9], $0x80, $0x38;
	[tilespmem:$0x7C00] =	vst v63  }
0x42: {  	_ =	swait.ge [sflag:s30], $0x80  }
0x43: {  	[sflag:s30] =	ssyncset.done $0x0  }
0x44: {  	[sflag:s30] =	ssyncadd.s32 $0xFFFFFF80  }
0x45: {  	_ =	swait.ge [sflag:s30], $0x80  }
0x46: {  	[sflag:s30] =	ssyncset.done $0x0  }
0x47: {  	[sflag:s30] =	ssyncadd.s32 $0xFFFFFF80  }
0x48: {  	_ =	swait.ge [sflag:s30], $0x80  }
0x49: {  	[sflag:s30] =	ssyncset.done $0x0  }
0x4a: {  	[sflag:s30] =	ssyncadd.s32 $0xFFFFFF80  }
0x4b: {  	_ =	swait.ge [sflag:s30], $0x80  }
0x4c: {  	[sflag:s30] =	ssyncset.done $0x0  }
0x4d: {  	s23 =	simm.s32 $0x0;
	[sflag:s30] =	ssyncadd.s32 $0xFFFFFF80  }
0x4e: {  	v2 =	vld [tilespmem:s23+$0x7980];
	_ =	sdelay $0x4  }
0x4f: {  	(v2sf) =	vpush v2, $0x0;
	_ =	sdelay $0x2  }
0x50: {  	(v2sf) =	vpush v2, $0x1;
	_ =	sdelay $0x2  }
0x51: {  	(v2sf) =	vpush v2, $0x2;
	_ =	sdelay $0x2  }
0x52: {  	(v2sf) =	vpush v2, $0x3;
	_ =	sdelay $0x2  }
0x53: {  	v4 =	vld [tilespmem:s23+$0x7900];
	(v2sf) =	vpush v2, $0x4  }
0x54: {  	v3 =	vld [tilespmem:s23+$0x7800]  }
0x55: {  	v1 =	vld [tilespmem:s23+$0x7880];
	(v2sf) =	vpush v2, $0x5  }
0x56: {  	(v2sf) =	vpush v2, $0x6;
	s24 =	spop (v2sf)  }
0x57: {  	(v2sf) =	vpush v2, $0x7;
	s25 =	sand.u32 $0xF, s24  }
0x58: {  	v5 =	vbroadcast v4, $0x0;
	v6 =	vmov s25  }
0x59: {  	v7 =	vbroadcast v3, $0x0;
	(v2sf) =	vpush v2, $0x8;
	s26 =	spop (v2sf);
	vm0 =	veq.s32 v6, v0  }
0x5a: {  	s0 =	sand.u32 $0xFFFFFFF0, s24;
	(v2sf) =	vpush v2, $0x9;
	s28 =	sand.u32 $0xF, s26;
	v6 =	vbroadcast v1, $0x0;
	v5 =	vnsel vm0, $0x0, v5  }
0x5b: {  	v8 =	vmov s28;
	v7 =	vnsel vm0, $0x0, v7;
	[tilespmem:s0+$0x5000] =	vst.add.f32.msk $0xffff, v5;
	v5 =	vbroadcast v3, $0x1  }
0x5c: {  	s29 =	spop (v2sf);
	v6 =	vnsel vm0, $0x0, v6;
	vm0 =	veq.s32 v8, v0;
	[tilespmem:s0+$0x0] =	vst.add.f32.msk $0xffff, v7;
	v7 =	vbroadcast v1, $0x1  }
0x5d: {  	s10 =	sand.u32 $0xFFFFFFF0, s26;
	(v2sf) =	vpush v2, $0xA;
	s8 =	sand.u32 $0xF, s29;
	[tilespmem:s0+$0x2800] =	vst.add.f32.msk $0xffff, v6;
	v6 =	vbroadcast v4, $0x1;
	v5 =	vnsel vm0, $0x0, v5  }
0x5e: {  	v8 =	vmov s8;
	[tilespmem:s10+$0x0] =	vst.add.f32.msk $0xffff, v5;
	v5 =	vnsel vm0, $0x0, v7;
	v7 =	vbroadcast v3, $0x2  }
0x5f: {  	s11 =	spop (v2sf);
	vm1 =	veq.s32 v8, v0;
	[tilespmem:s10+$0x2800] =	vst.add.f32.msk $0xffff, v5;
	v5 =	vnsel vm0, $0x0, v6;
	v6 =	vbroadcast v1, $0x2  }
0x60: {  	s13 =	sand.u32 $0xFFFFFFF0, s29;
	(v2sf) =	vpush v2, $0xB;
	s12 =	sand.u32 $0xF, s11;
	[tilespmem:s10+$0x5000] =	vst.add.f32.msk $0xffff, v5;
	v5 =	vnsel vm1, $0x0, v7;
	v7 =	vbroadcast v4, $0x2  }
0x61: {  	v8 =	vmov s12;
	[tilespmem:s13+$0x0] =	vst.add.f32.msk $0xffff, v5;
	v5 =	vnsel vm1, $0x0, v6;
	v6 =	vbroadcast v3, $0x3  }
0x62: {  	s14 =	spop (v2sf);
	vm0 =	veq.s32 v8, v0;
	[tilespmem:s13+$0x2800] =	vst.add.f32.msk $0xffff, v5;
	v5 =	vnsel vm1, $0x0, v7;
	v7 =	vbroadcast v1, $0x3  }
0x63: {  	s16 =	sand.u32 $0xFFFFFFF0, s11;
	(v2sf) =	vpush v2, $0xC;
	s15 =	sand.u32 $0xF, s14;
	[tilespmem:s13+$0x5000] =	vst.add.f32.msk $0xffff, v5;
	v5 =	vnsel vm0, $0x0, v6;
	v6 =	vbroadcast v4, $0x3  }
0x64: {  	s18 =	spop (v2sf);
	v8 =	vmov s15;
	[tilespmem:s16+$0x0] =	vst.add.f32.msk $0xffff, v5;
	v5 =	vnsel vm0, $0x0, v7;
	v7 =	vbroadcast v3, $0x4  }
0x65: {  	s21 =	spop (v2sf);
	vm1 =	veq.s32 v8, v0;
	[tilespmem:s16+$0x2800] =	vst.add.f32.msk $0xffff, v5;
	v5 =	vnsel vm0, $0x0, v6;
	v6 =	vbroadcast v1, $0x4  }
0x66: {  	s20 =	sand.u32 $0xFFFFFFF0, s14;
	s19 =	sand.u32 $0xF, s18;
	s24 =	spop (v2sf);
	(v2sf) =	vpush v2, $0xD;
	[tilespmem:s16+$0x5000] =	vst.add.f32.msk $0xffff, v5;
	v5 =	vnsel vm1, $0x0, v7;
	v7 =	vbroadcast v4, $0x4  }
0x67: {  	v8 =	vmov s19;
	[tilespmem:s20+$0x0] =	vst.add.f32.msk $0xffff, v5;
	v5 =	vnsel vm1, $0x0, v6;
	v6 =	vbroadcast v3, $0x5  }
0x68: {  	s22 =	sand.u32 $0xF, s21;
	vm0 =	veq.s32 v8, v0;
	[tilespmem:s20+$0x2800] =	vst.add.f32.msk $0xffff, v5;
	v5 =	vnsel vm1, $0x0, v7;
	v7 =	vbroadcast v1, $0x5  }
0x69: {  	s23 =	sand.u32 $0xFFFFFFF0, s18;
	v8 =	vmov s22;
	[tilespmem:s20+$0x5000] =	vst.add.f32.msk $0xffff, v5;
	v5 =	vnsel vm0, $0x0, v6;
	v6 =	vbroadcast v4, $0x5  }
0x6a: {  	s28 =	spop (v2sf);
	(v2sf) =	vpush v2, $0xE;
	[tilespmem:s23+$0x0] =	vst.add.f32.msk $0xffff, v5;
	v5 =	vnsel vm0, $0x0, v7;
	v7 =	vbroadcast v3, $0x6  }
0x6b: {  	vm1 =	veq.s32 v8, v0;
	[tilespmem:s23+$0x2800] =	vst.add.f32.msk $0xffff, v5;
	v5 =	vnsel vm0, $0x0, v6;
	v6 =	vbroadcast v1, $0x6  }
0x6c: {  	s26 =	sand.u32 $0xFFFFFFF0, s21;
	s25 =	sand.u32 $0xF, s24;
	[tilespmem:s23+$0x5000] =	vst.add.f32.msk $0xffff, v5;
	v5 =	vnsel vm1, $0x0, v7;
	v7 =	vbroadcast v4, $0x6  }
0x6d: {  	v9 =	vmov s25;
	v8 =	vbroadcast v3, $0x7;
	[tilespmem:s26+$0x0] =	vst.add.f32.msk $0xffff, v5;
	v5 =	vnsel vm1, $0x0, v6  }
0x6e: {  	vm0 =	veq.s32 v9, v0;
	v6 =	vbroadcast v1, $0x7;
	[tilespmem:s26+$0x2800] =	vst.add.f32.msk $0xffff, v5;
	v5 =	vnsel vm1, $0x0, v7  }
0x6f: {  	s8 =	sand.u32 $0xFFFFFFF0, s24;
	s29 =	sand.u32 $0xF, s28;
	v7 =	vnsel vm0, $0x0, v8;
	[tilespmem:s26+$0x5000] =	vst.add.f32.msk $0xffff, v5;
	v5 =	vbroadcast v4, $0x7  }
0x70: {  	v59 =	vbroadcast v3, $0x8;
	v8 =	vmov s29;
	v6 =	vnsel vm0, $0x0, v6;
	[tilespmem:s8+$0x0] =	vst.add.f32.msk $0xffff, v7  }
0x71: {  	s10 =	spop (v2sf);
	vm1 =	veq.s32 v8, v0;
	[tilespmem:s8+$0x2800] =	vst.add.f32.msk $0xffff, v6;
	v6 =	vbroadcast v1, $0x8;
	v5 =	vnsel vm0, $0x0, v5  }
0x72: {  	(v2sf) =	vpush v2, $0xF;
	s12 =	sand.u32 $0xFFFFFFF0, s28;
	s11 =	sand.u32 $0xF, s10;
	v2 =	vnsel vm1, $0x0, v59;
	[tilespmem:s8+$0x5000] =	vst.add.f32.msk $0xffff, v5;
	v5 =	vbroadcast v4, $0x8  }
0x73: {  	v7 =	vmov s11;
	[tilespmem:s12+$0x0] =	vst.add.f32.msk $0xffff, v2;
	v2 =	vnsel vm1, $0x0, v6;
	v6 =	vbroadcast v3, $0x9  }
0x74: {  	s13 =	spop (v2sf);
	vm0 =	veq.s32 v7, v0;
	[tilespmem:s12+$0x2800] =	vst.add.f32.msk $0xffff, v2;
	v2 =	vnsel vm1, $0x0, v5;
	v5 =	vbroadcast v1, $0x9  }
0x75: {  	v60 =	vbroadcast v3, $0xB;
	s15 =	sand.u32 $0xFFFFFFF0, s10;
	s14 =	sand.u32 $0xF, s13;
	[tilespmem:s12+$0x5000] =	vst.add.f32.msk $0xffff, v2;
	v2 =	vnsel vm0, $0x0, v6;
	v6 =	vbroadcast v4, $0x9  }
0x76: {  	v7 =	vmov s14;
	[tilespmem:s15+$0x0] =	vst.add.f32.msk $0xffff, v2;
	v2 =	vnsel vm0, $0x0, v5;
	v5 =	vbroadcast v1, $0xA  }
0x77: {  	s16 =	spop (v2sf);
	vm1 =	veq.s32 v7, v0;
	v7 =	vbroadcast v3, $0xA;
	[tilespmem:s15+$0x2800] =	vst.add.f32.msk $0xffff, v2;
	v6 =	vnsel vm0, $0x0, v6  }
0x78: {  	v10 =	vbroadcast v3, $0xC;
	s19 =	sand.u32 $0xFFFFFFF0, s13;
	s18 =	sand.u32 $0xF, s16;
	s20 =	spop (v2sf);
	[tilespmem:s15+$0x5000] =	vst.add.f32.msk $0xffff, v6;
	v5 =	vnsel vm1, $0x0, v5;
	v6 =	vbroadcast v4, $0xA  }
0x79: {  	v63 =	vbroadcast v4, $0xD;
	s23 =	spop (v2sf);
	v8 =	vmov s18;
	v7 =	vnsel vm1, $0x0, v7;
	[tilespmem:s19+$0x2800] =	vst.add.f32.msk $0xffff, v5  }
0x7a: {  	s21 =	sand.u32 $0xF, s20;
	s12 =	spop (v2sf);
	vm0 =	veq.s32 v8, v0;
	[tilespmem:s19+$0x0] =	vst.add.f32.msk $0xffff, v7;
	v5 =	vnsel vm1, $0x0, v6;
	v6 =	vbroadcast v1, $0xB  }
0x7b: {  	s22 =	sand.u32 $0xFFFFFFF0, s16;
	v61 =	vmov s21;
	s26 =	sand.u32 $0xF, s12;
	v8 =	vbroadcast v4, $0xB;
	[tilespmem:s19+$0x5000] =	vst.add.f32.msk $0xffff, v5;
	v5 =	vnsel vm0, $0x0, v60  }
0x7c: {  	v2 =	vbroadcast v4, $0xF;
	v62 =	vmov s26;
	[tilespmem:s22+$0x0] =	vst.add.f32.msk $0xffff, v5;
	v5 =	vnsel vm0, $0x0, v6  }
0x7d: {  	s24 =	sand.u32 $0xF, s23;
	vm1 =	veq.s32 v61, v0;
	v6 =	vbroadcast v1, $0xC;
	[tilespmem:s22+$0x2800] =	vst.add.f32.msk $0xffff, v5;
	v5 =	vnsel vm0, $0x0, v8  }
0x7e: {  	s25 =	sand.u32 $0xFFFFFFF0, s20;
	v9 =	vnsel vm1, $0x0, v10;
	v8 =	vmov s24;
	[tilespmem:s22+$0x5000] =	vst.add.f32.msk $0xffff, v5;
	v5 =	vbroadcast v4, $0xC  }
0x7f: {  	vm2 =	veq.s32 v8, v0;
	v8 =	vbroadcast v3, $0xD;
	v6 =	vnsel vm1, $0x0, v6;
	[tilespmem:s25+$0x0] =	vst.add.f32.msk $0xffff, v9  }
0x80: {  	v7 =	vbroadcast v1, $0xE;
	[tilespmem:s25+$0x2800] =	vst.add.f32.msk $0xffff, v6;
	v6 =	vbroadcast v1, $0xD;
	v5 =	vnsel vm1, $0x0, v5  }
0x81: {  	s28 =	sand.u32 $0xFFFFFFF0, s23;
	s11 =	spop (v2sf);
	vm0 =	veq.s32 v62, v0;
	v4 =	vbroadcast v4, $0xE;
	v8 =	vnsel vm2, $0x0, v8;
	[tilespmem:s25+$0x5000] =	vst.add.f32.msk $0xffff, v5  }
0x82: {  	s29 =	sand.u32 $0xF, s11;
	v5 =	vnsel vm0, $0x0, v7;
	v7 =	vnsel vm2, $0x0, v6;
	[tilespmem:s28+$0x0] =	vst.add.f32.msk $0xffff, v8  }
0x83: {  	v4 =	vnsel vm0, $0x0, v4;
	v8 =	vmov s29;
	[tilespmem:s28+$0x2800] =	vst.add.f32.msk $0xffff, v7;
	v7 =	vnsel vm2, $0x0, v63  }
0x84: {  	s9 =	simm.s32 $0x80;
	s10 =	simm.s32 $0x10;
	s1 =	sand.u32 $0xFFFFFFF0, s12;
	v6 =	vbroadcast v3, $0xF;
	v3 =	vbroadcast v3, $0xE;
	[tilespmem:s28+$0x5000] =	vst.add.f32.msk $0xffff, v7;
	vm3 =	veq.s32 v8, v0  }
.LBB2_3:
0x85: {  	p1 =	sne.s32 s9, $0x1C0;
	[tilespmem:s1+$0x5000] =	vst.add.f32.msk $0xffff, v4;
	s0 =	smov.u32 s9;
	s9 =	sadd.s32 $0x40, s9  }
0x86: {  	v1 =	vbroadcast v1, $0xF;
	v3 =	vnsel vm0, $0x0, v3;
	[tilespmem:s1+$0x2800] =	vst.add.f32.msk $0xffff, v5  }
0x87: {  	v2 =	vnsel vm3, $0x0, v2;
	[tilespmem:s1+$0x0] =	vst.add.f32.msk $0xffff, v3;
	v3 =	vnsel vm3, $0x0, v6;
	s1 =	sand.u32 $0xFFFFFFF0, s11  }
0x88: {  	v1 =	vnsel vm3, $0x0, v1;
	[tilespmem:s1+$0x0] =	vst.add.f32.msk $0xffff, v3  }
0x89: {  	[tilespmem:s1+$0x5000] =	vst.add.f32.msk $0xffff, v2  }
0x8a: {  	[tilespmem:s1+$0x2800] =	vst.add.f32.msk $0xffff, v1  }
0x8b: {  	v5 =	vld [tilespmem:s10+$0x7980];
	_ =	sdelay $0x4  }
0x8c: {  	(v2sf) =	vpush v5, $0x0  }
0x8d: {  	(v2sf) =	vpush v5, $0x1  }
0x8e: {  	(v2sf) =	vpush v5, $0x2  }
0x8f: {  	(v2sf) =	vpush v5, $0x3  }
0x90: {  	(v2sf) =	vpush v5, $0x4  }
0x91: {  	(v2sf) =	vpush v5, $0x5  }
0x92: {  	(v2sf) =	vpush v5, $0x6  }
0x93: {  	(v2sf) =	vpush v5, $0x7  }
0x94: {  	(v2sf) =	vpush v5, $0x8  }
0x95: {  	(v2sf) =	vpush v5, $0x9  }
0x96: {  	v4 =	vld [tilespmem:s10+$0x7900];
	(v2sf) =	vpush v5, $0xA  }
0x97: {  	v1 =	vld [tilespmem:s10+$0x7880];
	(v2sf) =	vpush v5, $0xB  }
0x98: {  	v3 =	vld [tilespmem:s10+$0x7800];
	(v2sf) =	vpush v5, $0xC  }
0x99: {  	(v2sf) =	vpush v5, $0xD  }
0x9a: {  	(v2sf) =	vpush v5, $0xE  }
0x9b: {  	v2 =	vbroadcast v4, $0xF;
	s1 =	spop (v2sf);
	(v2sf) =	vpush v5, $0xF  }
0x9c: {  	v6 =	vbroadcast v4, $0x0;
	s3 =	sand.u32 $0xF, s1;
	v5 =	vbroadcast v1, $0xE;
	s12 =	spop (v2sf)  }
0x9d: {  	v9 =	vbroadcast v1, $0x0;
	v7 =	vmov s3;
	v8 =	vbroadcast v3, $0x0;
	s3 =	sand.u32 $0xF, s12;
	s13 =	spop (v2sf)  }
0x9e: {  	v10 =	vbroadcast v3, $0x7;
	vm0 =	veq.s32 v7, v0;
	v7 =	vmov s3;
	s3 =	sand.u32 $0xF, s13;
	s11 =	spop (v2sf)  }
0x9f: {  	s1 =	sand.u32 $0xFFFFFFF0, s1;
	v8 =	vnsel vm0, $0x0, v8;
	v9 =	vnsel vm0, $0x0, v9;
	v6 =	vnsel vm0, $0x0, v6;
	s14 =	sand.u32 $0xF, s11;
	s26 =	spop (v2sf)  }
0xa0: {  	vm2 =	veq.s32 v7, v0;
	v7 =	vmov s3;
	[tilespmem:s1+$0x5000] =	vst.add.f32.msk $0xffff, v6;
	v6 =	vbroadcast v3, $0x1;
	s15 =	sand.u32 $0xF, s26;
	s18 =	spop (v2sf)  }
0xa1: {  	s10 =	sshra.s32 s0, $0x2;
	vm1 =	veq.s32 v7, v0;
	v7 =	vmov s14;
	[tilespmem:s1+$0x0] =	vst.add.f32.msk $0xffff, v8;
	v8 =	vbroadcast v1, $0x1;
	s0 =	sand.u32 $0xF, s18;
	s3 =	spop (v2sf)  }
0xa2: {  	s12 =	sand.u32 $0xFFFFFFF0, s12;
	vm0 =	veq.s32 v7, v0;
	[tilespmem:s1+$0x2800] =	vst.add.f32.msk $0xffff, v9;
	v6 =	vnsel vm2, $0x0, v6;
	v9 =	vbroadcast v4, $0x1;
	s19 =	sand.u32 $0xF, s3;
	s1 =	spop (v2sf)  }
0xa3: {  	v7 =	vbroadcast v3, $0x2;
	[tilespmem:s12+$0x0] =	vst.add.f32.msk $0xffff, v6;
	v6 =	vnsel vm2, $0x0, v8;
	v8 =	vmov s15;
	s25 =	sand.u32 $0xF, s1;
	s16 =	spop (v2sf)  }
0xa4: {  	[tilespmem:s12+$0x2800] =	vst.add.f32.msk $0xffff, v6;
	v6 =	vnsel vm2, $0x0, v9;
	v9 =	vbroadcast v1, $0x2;
	vm3 =	veq.s32 v8, v0;
	s24 =	sand.u32 $0xF, s16;
	s15 =	spop (v2sf)  }
0xa5: {  	v8 =	vmov s0;
	[tilespmem:s12+$0x5000] =	vst.add.f32.msk $0xffff, v6;
	v6 =	vnsel vm1, $0x0, v7;
	s12 =	sand.u32 $0xFFFFFFF0, s13;
	v7 =	vbroadcast v4, $0x2;
	s23 =	sand.u32 $0xF, s15;
	s14 =	spop (v2sf)  }
0xa6: {  	vm2 =	veq.s32 v8, v0;
	[tilespmem:s12+$0x0] =	vst.add.f32.msk $0xffff, v6;
	v6 =	vnsel vm1, $0x0, v9;
	v9 =	vbroadcast v3, $0x3;
	s22 =	sand.u32 $0xF, s14;
	s13 =	spop (v2sf)  }
0xa7: {  	v8 =	vmov s19;
	[tilespmem:s12+$0x2800] =	vst.add.f32.msk $0xffff, v6;
	v6 =	vnsel vm1, $0x0, v7;
	v7 =	vbroadcast v1, $0x3;
	s21 =	sand.u32 $0xF, s13;
	s20 =	spop (v2sf)  }
0xa8: {  	s0 =	sand.u32 $0xFFFFFFF0, s11;
	vm1 =	veq.s32 v8, v0;
	[tilespmem:s12+$0x5000] =	vst.add.f32.msk $0xffff, v6;
	v6 =	vnsel vm0, $0x0, v9;
	v9 =	vbroadcast v4, $0x3;
	s29 =	sand.u32 $0xF, s20;
	s19 =	spop (v2sf)  }
0xa9: {  	v8 =	vmov s25;
	[tilespmem:s0+$0x0] =	vst.add.f32.msk $0xffff, v6;
	v6 =	vnsel vm0, $0x0, v7;
	v7 =	vbroadcast v3, $0x4;
	s28 =	sand.u32 $0xF, s19;
	s12 =	spop (v2sf)  }
0xaa: {  	[tilespmem:s0+$0x2800] =	vst.add.f32.msk $0xffff, v6;
	v6 =	vnsel vm0, $0x0, v9;
	v9 =	vbroadcast v1, $0x4;
	vm0 =	veq.s32 v8, v0;
	s25 =	sand.u32 $0xF, s12;
	s11 =	spop (v2sf)  }
0xab: {  	s26 =	sand.u32 $0xFFFFFFF0, s26;
	[tilespmem:s0+$0x5000] =	vst.add.f32.msk $0xffff, v6;
	v6 =	vnsel vm3, $0x0, v7;
	v7 =	vbroadcast v4, $0x4;
	v8 =	vnsel vm0, $0x0, v10;
	s0 =	sand.u32 $0xF, s11  }
0xac: {  	v10 =	vmov s24;
	[tilespmem:s26+$0x0] =	vst.add.f32.msk $0xffff, v6;
	v6 =	vnsel vm3, $0x0, v9;
	v9 =	vbroadcast v3, $0x5  }
0xad: {  	vm4 =	veq.s32 v10, v0;
	[tilespmem:s26+$0x2800] =	vst.add.f32.msk $0xffff, v6;
	v6 =	vnsel vm3, $0x0, v7;
	v7 =	vbroadcast v1, $0x5  }
0xae: {  	s18 =	sand.u32 $0xFFFFFFF0, s18;
	v10 =	vbroadcast v3, $0x8;
	[tilespmem:s26+$0x5000] =	vst.add.f32.msk $0xffff, v6;
	v6 =	vnsel vm2, $0x0, v9;
	v9 =	vbroadcast v4, $0x5  }
0xaf: {  	v11 =	vmov s23;
	[tilespmem:s18+$0x0] =	vst.add.f32.msk $0xffff, v6;
	v6 =	vnsel vm2, $0x0, v7;
	v7 =	vbroadcast v3, $0x6  }
0xb0: {  	v10 =	vnsel vm4, $0x0, v10;
	[tilespmem:s18+$0x2800] =	vst.add.f32.msk $0xffff, v6;
	v6 =	vnsel vm2, $0x0, v9;
	v9 =	vbroadcast v1, $0x6  }
0xb1: {  	s3 =	sand.u32 $0xFFFFFFF0, s3;
	v12 =	vmov s22;
	[tilespmem:s18+$0x5000] =	vst.add.f32.msk $0xffff, v6;
	v6 =	vnsel vm1, $0x0, v7;
	v7 =	vbroadcast v4, $0x6  }
0xb2: {  	vm3 =	veq.s32 v12, v0;
	[tilespmem:s3+$0x0] =	vst.add.f32.msk $0xffff, v6;
	v6 =	vnsel vm1, $0x0, v9;
	v9 =	vbroadcast v3, $0xA  }
0xb3: {  	v12 =	vmov s21;
	[tilespmem:s3+$0x2800] =	vst.add.f32.msk $0xffff, v6;
	v6 =	vnsel vm1, $0x0, v7;
	v7 =	vbroadcast v1, $0x7  }
0xb4: {  	v13 =	vbroadcast v3, $0xB;
	s1 =	sand.u32 $0xFFFFFFF0, s1;
	[tilespmem:s3+$0x5000] =	vst.add.f32.msk $0xffff, v6;
	v6 =	vbroadcast v4, $0x7;
	v9 =	vnsel vm3, $0x0, v9  }
0xb5: {  	v14 =	vbroadcast v3, $0xC;
	[tilespmem:s1+$0x0] =	vst.add.f32.msk $0xffff, v8;
	v7 =	vnsel vm0, $0x0, v7;
	v8 =	vmov s29  }
0xb6: {  	[tilespmem:s1+$0x2800] =	vst.add.f32.msk $0xffff, v7;
	v6 =	vnsel vm0, $0x0, v6;
	v7 =	vbroadcast v1, $0x8;
	vm2 =	veq.s32 v8, v0  }
0xb7: {  	[tilespmem:s1+$0x5000] =	vst.add.f32.msk $0xffff, v6;
	s1 =	sand.u32 $0xFFFFFFF0, s16;
	v6 =	vbroadcast v4, $0x8;
	v8 =	vnsel vm2, $0x0, v14;
	v14 =	vmov s28  }
0xb8: {  	[tilespmem:s1+$0x0] =	vst.add.f32.msk $0xffff, v10;
	v7 =	vnsel vm4, $0x0, v7;
	v10 =	vbroadcast v3, $0x9;
	vm1 =	veq.s32 v14, v0  }
0xb9: {  	vm0 =	veq.s32 v11, v0;
	[tilespmem:s1+$0x2800] =	vst.add.f32.msk $0xffff, v7;
	v6 =	vnsel vm4, $0x0, v6;
	v7 =	vbroadcast v1, $0x9  }
0xba: {  	v11 =	vbroadcast v3, $0xD;
	[tilespmem:s1+$0x5000] =	vst.add.f32.msk $0xffff, v6;
	v6 =	vnsel vm0, $0x0, v10;
	s1 =	sand.u32 $0xFFFFFFF0, s15;
	v10 =	vbroadcast v4, $0x9  }
0xbb: {  	v14 =	vmov s25;
	[tilespmem:s1+$0x0] =	vst.add.f32.msk $0xffff, v6;
	v6 =	vnsel vm0, $0x0, v7;
	v7 =	vbroadcast v1, $0xA  }
0xbc: {  	[tilespmem:s1+$0x2800] =	vst.add.f32.msk $0xffff, v6;
	v6 =	vnsel vm0, $0x0, v10;
	v10 =	vnsel vm1, $0x0, v11;
	vm0 =	veq.s32 v14, v0  }
0xbd: {  	[tilespmem:s1+$0x5000] =	vst.add.f32.msk $0xffff, v6;
	s1 =	sand.u32 $0xFFFFFFF0, s14;
	v6 =	vnsel vm3, $0x0, v7;
	v7 =	vbroadcast v4, $0xA;
	v5 =	vnsel vm0, $0x0, v5  }
0xbe: {  	v11 =	vmov s0;
	[tilespmem:s1+$0x2800] =	vst.add.f32.msk $0xffff, v6;
	v6 =	vbroadcast v3, $0xF  }
0xbf: {  	vm4 =	veq.s32 v12, v0;
	[tilespmem:s1+$0x0] =	vst.add.f32.msk $0xffff, v9;
	v7 =	vnsel vm3, $0x0, v7;
	v9 =	vbroadcast v1, $0xB  }
0xc0: {  	v12 =	vbroadcast v4, $0xB;
	s0 =	sand.u32 $0xFFFFFFF0, s13;
	vm3 =	veq.s32 v11, v0;
	[tilespmem:s1+$0x5000] =	vst.add.f32.msk $0xffff, v7;
	v7 =	vnsel vm4, $0x0, v13  }
0xc1: {  	[tilespmem:s0+$0x0] =	vst.add.f32.msk $0xffff, v7;
	v7 =	vnsel vm4, $0x0, v9  }
0xc2: {  	v9 =	vbroadcast v1, $0xC;
	[tilespmem:s0+$0x2800] =	vst.add.f32.msk $0xffff, v7;
	v7 =	vnsel vm4, $0x0, v12  }
0xc3: {  	[tilespmem:s0+$0x5000] =	vst.add.f32.msk $0xffff, v7;
	s0 =	sand.u32 $0xFFFFFFF0, s20;
	v7 =	vbroadcast v4, $0xC  }
0xc4: {  	[tilespmem:s0+$0x0] =	vst.add.f32.msk $0xffff, v8;
	v8 =	vnsel vm2, $0x0, v9  }
.Ltmp2:
0xc5: {  	[tilespmem:s0+$0x2800] =	vst.add.f32.msk $0xffff, v8;
	v7 =	vnsel vm2, $0x0, v7;
	v8 =	vbroadcast v1, $0xD;
	(pc) =	sbr.rel @p1 .LBB2_3-.Ltmp2, $4  }
0xc6: {  	[tilespmem:s0+$0x5000] =	vst.add.f32.msk $0xffff, v7;
	s0 =	sand.u32 $0xFFFFFFF0, s19;
	v7 =	vbroadcast v4, $0xD  }
0xc7: {  	v4 =	vbroadcast v4, $0xE;
	[tilespmem:s0+$0x0] =	vst.add.f32.msk $0xffff, v10;
	v8 =	vnsel vm1, $0x0, v8  }
0xc8: {  	[tilespmem:s0+$0x2800] =	vst.add.f32.msk $0xffff, v8;
	v7 =	vnsel vm1, $0x0, v7  }
0xc9: {  	v3 =	vbroadcast v3, $0xE;
	s1 =	sand.u32 $0xFFFFFFF0, s12;
	v4 =	vnsel vm0, $0x0, v4;
	[tilespmem:s0+$0x5000] =	vst.add.f32.msk $0xffff, v7  }
0xca: {  	[tilespmem:s1+$0x5000] =	vst.add.f32.msk $0xffff, v4  }
0xcb: {  	[tilespmem:s1+$0x2800] =	vst.add.f32.msk $0xffff, v5;
	v3 =	vnsel vm0, $0x0, v3  }
0xcc: {  	v1 =	vbroadcast v1, $0xF;
	s0 =	sand.u32 $0xFFFFFFF0, s11;
	[tilespmem:s1+$0x0] =	vst.add.f32.msk $0xffff, v3;
	v3 =	vnsel vm3, $0x0, v6  }
0xcd: {  	v2 =	vnsel vm3, $0x0, v2;
	[tilespmem:s0+$0x0] =	vst.add.f32.msk $0xffff, v3  }
0xce: {  	v1 =	vnsel vm3, $0x0, v1;
	[tilespmem:s0+$0x5000] =	vst.add.f32.msk $0xffff, v2  }
0xcf: {  	[tilespmem:s0+$0x2800] =	vst.add.f32.msk $0xffff, v1  }
0xd0: {  	v4 =	vld [tilespmem:s10+$0x7980];
	_ =	sdelay $0x4  }
0xd1: {  	(v2sf) =	vpush v4, $0x0;
	_ =	sdelay $0x2  }
0xd2: {  	(v2sf) =	vpush v4, $0x1;
	_ =	sdelay $0x2  }
0xd3: {  	(v2sf) =	vpush v4, $0x2;
	_ =	sdelay $0x2  }
0xd4: {  	(v2sf) =	vpush v4, $0x3;
	_ =	sdelay $0x2  }
0xd5: {  	v2 =	vld [tilespmem:s10+$0x7900];
	(v2sf) =	vpush v4, $0x4  }
0xd6: {  	v3 =	vld [tilespmem:s10+$0x7800]  }
0xd7: {  	v1 =	vld [tilespmem:s10+$0x7880]  }
0xd8: {  	(v2sf) =	vpush v4, $0x5;
	s16 =	spop (v2sf)  }
0xd9: {  	s18 =	sand.u32 $0xF, s16  }
0xda: {  	v5 =	vbroadcast v2, $0x0;
	v6 =	vmov s18  }
0xdb: {  	v7 =	vbroadcast v3, $0x0;
	(v2sf) =	vpush v4, $0x6;
	s19 =	spop (v2sf);
	vm0 =	veq.s32 v6, v0  }
0xdc: {  	(v2sf) =	vpush v4, $0x7;
	s0 =	sand.u32 $0xFFFFFFF0, s16;
	s3 =	sand.u32 $0xF, s19;
	v6 =	vbroadcast v1, $0x0;
	v5 =	vnsel vm0, $0x0, v5  }
0xdd: {  	v8 =	vmov s3;
	v7 =	vnsel vm0, $0x0, v7;
	[tilespmem:s0+$0x5000] =	vst.add.f32.msk $0xffff, v5;
	v5 =	vbroadcast v3, $0x1  }
0xde: {  	s20 =	spop (v2sf);
	v6 =	vnsel vm0, $0x0, v6;
	vm0 =	veq.s32 v8, v0;
	[tilespmem:s0+$0x0] =	vst.add.f32.msk $0xffff, v7;
	v7 =	vbroadcast v1, $0x1  }
0xdf: {  	(v2sf) =	vpush v4, $0x8;
	s21 =	sand.u32 $0xFFFFFFF0, s19;
	s9 =	sand.u32 $0xF, s20;
	[tilespmem:s0+$0x2800] =	vst.add.f32.msk $0xffff, v6;
	v6 =	vbroadcast v2, $0x1;
	v5 =	vnsel vm0, $0x0, v5  }
0xe0: {  	v8 =	vmov s9;
	[tilespmem:s21+$0x0] =	vst.add.f32.msk $0xffff, v5;
	v5 =	vnsel vm0, $0x0, v7;
	v7 =	vbroadcast v3, $0x2  }
0xe1: {  	s22 =	spop (v2sf);
	vm1 =	veq.s32 v8, v0;
	[tilespmem:s21+$0x2800] =	vst.add.f32.msk $0xffff, v5;
	v5 =	vnsel vm0, $0x0, v6;
	v6 =	vbroadcast v1, $0x2  }
0xe2: {  	(v2sf) =	vpush v4, $0x9;
	s24 =	sand.u32 $0xFFFFFFF0, s20;
	s23 =	sand.u32 $0xF, s22;
	[tilespmem:s21+$0x5000] =	vst.add.f32.msk $0xffff, v5;
	v5 =	vnsel vm1, $0x0, v7;
	v7 =	vbroadcast v2, $0x2  }
0xe3: {  	v8 =	vmov s23;
	[tilespmem:s24+$0x0] =	vst.add.f32.msk $0xffff, v5;
	v5 =	vnsel vm1, $0x0, v6;
	v6 =	vbroadcast v3, $0x3  }
0xe4: {  	s25 =	spop (v2sf);
	vm0 =	veq.s32 v8, v0;
	[tilespmem:s24+$0x2800] =	vst.add.f32.msk $0xffff, v5;
	v5 =	vnsel vm1, $0x0, v7;
	v7 =	vbroadcast v1, $0x3  }
0xe5: {  	(v2sf) =	vpush v4, $0xA;
	s28 =	sand.u32 $0xFFFFFFF0, s22;
	s26 =	sand.u32 $0xF, s25;
	[tilespmem:s24+$0x5000] =	vst.add.f32.msk $0xffff, v5;
	v5 =	vnsel vm0, $0x0, v6;
	v6 =	vbroadcast v2, $0x3  }
0xe6: {  	v8 =	vmov s26;
	[tilespmem:s28+$0x0] =	vst.add.f32.msk $0xffff, v5;
	v5 =	vnsel vm0, $0x0, v7;
	v7 =	vbroadcast v3, $0x4  }
0xe7: {  	s29 =	spop (v2sf);
	vm1 =	veq.s32 v8, v0;
	[tilespmem:s28+$0x2800] =	vst.add.f32.msk $0xffff, v5;
	v5 =	vnsel vm0, $0x0, v6;
	v6 =	vbroadcast v1, $0x4  }
0xe8: {  	(v2sf) =	vpush v4, $0xB;
	s10 =	sand.u32 $0xFFFFFFF0, s25;
	s8 =	sand.u32 $0xF, s29;
	[tilespmem:s28+$0x5000] =	vst.add.f32.msk $0xffff, v5;
	v5 =	vnsel vm1, $0x0, v7;
	v7 =	vbroadcast v2, $0x4  }
0xe9: {  	v8 =	vmov s8;
	[tilespmem:s10+$0x0] =	vst.add.f32.msk $0xffff, v5;
	v5 =	vnsel vm1, $0x0, v6;
	v6 =	vbroadcast v3, $0x5  }
0xea: {  	s11 =	spop (v2sf);
	vm0 =	veq.s32 v8, v0;
	[tilespmem:s10+$0x2800] =	vst.add.f32.msk $0xffff, v5;
	v5 =	vnsel vm1, $0x0, v7;
	v7 =	vbroadcast v1, $0x5  }
0xeb: {  	(v2sf) =	vpush v4, $0xC;
	s13 =	sand.u32 $0xFFFFFFF0, s29;
	s12 =	sand.u32 $0xF, s11;
	[tilespmem:s10+$0x5000] =	vst.add.f32.msk $0xffff, v5;
	v5 =	vnsel vm0, $0x0, v6;
	v6 =	vbroadcast v2, $0x5  }
0xec: {  	v8 =	vmov s12;
	[tilespmem:s13+$0x0] =	vst.add.f32.msk $0xffff, v5;
	v5 =	vnsel vm0, $0x0, v7;
	v7 =	vbroadcast v3, $0x6  }
0xed: {  	s14 =	spop (v2sf);
	vm1 =	veq.s32 v8, v0;
	[tilespmem:s13+$0x2800] =	vst.add.f32.msk $0xffff, v5;
	v5 =	vnsel vm0, $0x0, v6;
	v6 =	vbroadcast v1, $0x6  }
0xee: {  	(v2sf) =	vpush v4, $0xD;
	s16 =	sand.u32 $0xFFFFFFF0, s11;
	s15 =	sand.u32 $0xF, s14;
	[tilespmem:s13+$0x5000] =	vst.add.f32.msk $0xffff, v5;
	v5 =	vnsel vm1, $0x0, v7;
	v7 =	vbroadcast v2, $0x6  }
0xef: {  	v9 =	vmov s15;
	v8 =	vbroadcast v3, $0x7;
	[tilespmem:s16+$0x0] =	vst.add.f32.msk $0xffff, v5;
	v5 =	vnsel vm1, $0x0, v6  }
0xf0: {  	s18 =	spop (v2sf);
	vm0 =	veq.s32 v9, v0;
	v6 =	vbroadcast v1, $0x7;
	[tilespmem:s16+$0x2800] =	vst.add.f32.msk $0xffff, v5;
	v5 =	vnsel vm1, $0x0, v7  }
0xf1: {  	v56 =	vbroadcast v3, $0x8;
	s20 =	sand.u32 $0xFFFFFFF0, s14;
	s19 =	sand.u32 $0xF, s18;
	v7 =	vnsel vm0, $0x0, v8;
	[tilespmem:s16+$0x5000] =	vst.add.f32.msk $0xffff, v5;
	v5 =	vbroadcast v2, $0x7  }
0xf2: {  	(v2sf) =	vpush v4, $0xE;
	v8 =	vmov s19;
	v6 =	vnsel vm0, $0x0, v6;
	[tilespmem:s20+$0x0] =	vst.add.f32.msk $0xffff, v7  }
0xf3: {  	s21 =	spop (v2sf);
	vm1 =	veq.s32 v8, v0;
	[tilespmem:s20+$0x2800] =	vst.add.f32.msk $0xffff, v6;
	v6 =	vbroadcast v1, $0x8;
	v5 =	vnsel vm0, $0x0, v5  }
0xf4: {  	(v2sf) =	vpush v4, $0xF;
	s23 =	sand.u32 $0xFFFFFFF0, s18;
	s22 =	sand.u32 $0xF, s21;
	v4 =	vnsel vm1, $0x0, v56;
	[tilespmem:s20+$0x5000] =	vst.add.f32.msk $0xffff, v5;
	v5 =	vbroadcast v2, $0x8  }
0xf5: {  	v7 =	vmov s22;
	[tilespmem:s23+$0x0] =	vst.add.f32.msk $0xffff, v4;
	v4 =	vnsel vm1, $0x0, v6;
	v6 =	vbroadcast v3, $0x9  }
0xf6: {  	s24 =	spop (v2sf);
	vm0 =	veq.s32 v7, v0;
	[tilespmem:s23+$0x2800] =	vst.add.f32.msk $0xffff, v4;
	v4 =	vnsel vm1, $0x0, v5;
	v5 =	vbroadcast v1, $0x9  }
0xf7: {  	s26 =	sand.u32 $0xFFFFFFF0, s21;
	s25 =	sand.u32 $0xF, s24;
	[tilespmem:s23+$0x5000] =	vst.add.f32.msk $0xffff, v4;
	v4 =	vnsel vm0, $0x0, v6;
	v6 =	vbroadcast v2, $0x9  }
0xf8: {  	v7 =	vmov s25;
	[tilespmem:s26+$0x0] =	vst.add.f32.msk $0xffff, v4;
	v4 =	vnsel vm0, $0x0, v5;
	v5 =	vbroadcast v1, $0xA  }
0xf9: {  	s28 =	spop (v2sf);
	vm1 =	veq.s32 v7, v0;
	v7 =	vbroadcast v3, $0xA;
	[tilespmem:s26+$0x2800] =	vst.add.f32.msk $0xffff, v4;
	v4 =	vnsel vm0, $0x0, v6  }
0xfa: {  	s3 =	sand.u32 $0xFFFFFFF0, s24;
	s29 =	sand.u32 $0xF, s28;
	[tilespmem:s26+$0x5000] =	vst.add.f32.msk $0xffff, v4;
	v4 =	vnsel vm1, $0x0, v5;
	v5 =	vbroadcast v2, $0xA  }
0xfb: {  	v8 =	vbroadcast v3, $0xB;
	v7 =	vnsel vm1, $0x0, v7;
	v6 =	vmov s29;
	[tilespmem:s3+$0x2800] =	vst.add.f32.msk $0xffff, v4  }
0xfc: {  	s8 =	spop (v2sf);
	vm0 =	veq.s32 v6, v0;
	[tilespmem:s3+$0x0] =	vst.add.f32.msk $0xffff, v7;
	v4 =	vnsel vm1, $0x0, v5;
	v5 =	vbroadcast v1, $0xB  }
0xfd: {  	s11 =	sand.u32 $0xFFFFFFF0, s28;
	s10 =	sand.u32 $0xF, s8;
	v6 =	vbroadcast v2, $0xB;
	[tilespmem:s3+$0x5000] =	vst.add.f32.msk $0xffff, v4;
	v4 =	vnsel vm0, $0x0, v8  }
0xfe: {  	v7 =	vmov s10;
	v8 =	vbroadcast v3, $0xC;
	[tilespmem:s11+$0x0] =	vst.add.f32.msk $0xffff, v4;
	v4 =	vnsel vm0, $0x0, v5  }
0xff: {  	s12 =	spop (v2sf);
	vm1 =	veq.s32 v7, v0;
	v5 =	vbroadcast v1, $0xC;
	[tilespmem:s11+$0x2800] =	vst.add.f32.msk $0xffff, v4;
	v4 =	vnsel vm0, $0x0, v6  }
0x100: {  	s14 =	sand.u32 $0xFFFFFFF0, s8;
	s13 =	sand.u32 $0xF, s12;
	v6 =	vnsel vm1, $0x0, v8;
	[tilespmem:s11+$0x5000] =	vst.add.f32.msk $0xffff, v4;
	v4 =	vbroadcast v2, $0xC  }
0x101: {  	v7 =	vmov s13;
	v8 =	vbroadcast v3, $0xD;
	v5 =	vnsel vm1, $0x0, v5;
	[tilespmem:s14+$0x0] =	vst.add.f32.msk $0xffff, v6  }
0x102: {  	s15 =	spop (v2sf);
	vm0 =	veq.s32 v7, v0;
	[tilespmem:s14+$0x2800] =	vst.add.f32.msk $0xffff, v5;
	v5 =	vbroadcast v1, $0xD;
	v4 =	vnsel vm1, $0x0, v4  }
0x103: {  	s18 =	sand.u32 $0xFFFFFFF0, s12;
	s16 =	sand.u32 $0xF, s15;
	v6 =	vnsel vm0, $0x0, v8;
	[tilespmem:s14+$0x5000] =	vst.add.f32.msk $0xffff, v4;
	v4 =	vbroadcast v2, $0xD  }
0x104: {  	v7 =	vmov s16;
	v5 =	vnsel vm0, $0x0, v5;
	[tilespmem:s18+$0x0] =	vst.add.f32.msk $0xffff, v6;
	v6 =	vbroadcast v2, $0xE  }
0x105: {  	s19 =	spop (v2sf);
	v8 =	vbroadcast v1, $0xE;
	vm1 =	veq.s32 v7, v0;
	[tilespmem:s18+$0x2800] =	vst.add.f32.msk $0xffff, v5;
	v4 =	vnsel vm0, $0x0, v4  }
0x106: {  	s21 =	sand.u32 $0xFFFFFFF0, s15;
	s20 =	sand.u32 $0xF, s19;
	[tilespmem:s18+$0x5000] =	vst.add.f32.msk $0xffff, v4;
	v4 =	vbroadcast v3, $0xE;
	v5 =	vnsel vm1, $0x0, v6  }
0x107: {  	v7 =	vmov s20;
	v6 =	vnsel vm1, $0x0, v8;
	v3 =	vbroadcast v3, $0xF;
	[tilespmem:s21+$0x5000] =	vst.add.f32.msk $0xffff, v5  }
0x108: {  	v2 =	vbroadcast v2, $0xF;
	vm0 =	veq.s32 v7, v0;
	[tilespmem:s21+$0x2800] =	vst.add.f32.msk $0xffff, v6;
	v4 =	vnsel vm1, $0x0, v4  }
0x109: {  	s22 =	sand.u32 $0xFFFFFFF0, s19;
	v1 =	vbroadcast v1, $0xF;
	v3 =	vnsel vm0, $0x0, v3;
	[tilespmem:s21+$0x0] =	vst.add.f32.msk $0xffff, v4  }
0x10a: {  	v2 =	vnsel vm0, $0x0, v2;
	[tilespmem:s22+$0x0] =	vst.add.f32.msk $0xffff, v3  }
0x10b: {  	v1 =	vnsel vm0, $0x0, v1;
	[tilespmem:s22+$0x5000] =	vst.add.f32.msk $0xffff, v2  }
0x10c: {  	[tilespmem:s22+$0x2800] =	vst.add.f32.msk $0xffff, v1  }
0x10d: {  	_ =	swait.ge [sflag:s31], $0x80  }
0x10e: {  	[sflag:s31] =	ssyncset.done $0x0  }
0x10f: {  	[sflag:s31] =	ssyncadd.s32 $0xFFFFFF80  }
0x110: {  	_ =	swait.ge [sflag:s31], $0x80  }
0x111: {  	[sflag:s31] =	ssyncset.done $0x0  }
0x112: {  	[sflag:s31] =	ssyncadd.s32 $0xFFFFFF80  }
0x113: {  	_ =	swait.ge [sflag:s31], $0x80  }
0x114: {  	[sflag:s31] =	ssyncset.done $0x0  }
0x115: {  	[sflag:s31] =	ssyncadd.s32 $0xFFFFFF80  }
0x116: {  	_ =	swait.ge [sflag:s31], $0x80  }
0x117: {  	[sflag:s31] =	ssyncset.done $0x0  }
0x118: {  	s23 =	simm.s32 $0x0;
	[sflag:s31] =	ssyncadd.s32 $0xFFFFFF80  }
0x119: {  	v2 =	vld [tilespmem:s23+$0x7B80];
	_ =	sdelay $0x4  }
0x11a: {  	(v2sf) =	vpush v2, $0x0;
	_ =	sdelay $0x2  }
0x11b: {  	(v2sf) =	vpush v2, $0x1;
	_ =	sdelay $0x2  }
0x11c: {  	(v2sf) =	vpush v2, $0x2;
	_ =	sdelay $0x2  }
0x11d: {  	(v2sf) =	vpush v2, $0x3;
	_ =	sdelay $0x2  }
0x11e: {  	v4 =	vld [tilespmem:s23+$0x7B00];
	(v2sf) =	vpush v2, $0x4  }
0x11f: {  	v3 =	vld [tilespmem:s23+$0x7A00]  }
0x120: {  	v1 =	vld [tilespmem:s23+$0x7A80]  }
0x121: {  	(v2sf) =	vpush v2, $0x5;
	s24 =	spop (v2sf)  }
0x122: {  	s25 =	sand.u32 $0xF, s24  }
0x123: {  	v5 =	vbroadcast v4, $0x0;
	(v2sf) =	vpush v2, $0x6;
	v6 =	vmov s25  }
0x124: {  	v7 =	vbroadcast v3, $0x0;
	s26 =	spop (v2sf);
	(v2sf) =	vpush v2, $0x7;
	vm0 =	veq.s32 v6, v0  }
0x125: {  	s0 =	sand.u32 $0xFFFFFFF0, s24;
	s28 =	sand.u32 $0xF, s26;
	(v2sf) =	vpush v2, $0x8;
	v6 =	vbroadcast v1, $0x0;
	v5 =	vnsel vm0, $0x0, v5  }
0x126: {  	v8 =	vmov s28;
	v7 =	vnsel vm0, $0x0, v7;
	[tilespmem:s0+$0x5000] =	vst.add.f32.msk $0xffff, v5;
	v5 =	vbroadcast v3, $0x1  }
0x127: {  	s29 =	spop (v2sf);
	v6 =	vnsel vm0, $0x0, v6;
	vm0 =	veq.s32 v8, v0;
	[tilespmem:s0+$0x0] =	vst.add.f32.msk $0xffff, v7;
	v7 =	vbroadcast v1, $0x1  }
0x128: {  	s10 =	sand.u32 $0xFFFFFFF0, s26;
	s8 =	sand.u32 $0xF, s29;
	(v2sf) =	vpush v2, $0x9;
	[tilespmem:s0+$0x2800] =	vst.add.f32.msk $0xffff, v6;
	v6 =	vbroadcast v4, $0x1;
	v5 =	vnsel vm0, $0x0, v5  }
0x129: {  	v8 =	vmov s8;
	[tilespmem:s10+$0x0] =	vst.add.f32.msk $0xffff, v5;
	v5 =	vnsel vm0, $0x0, v7;
	v7 =	vbroadcast v3, $0x2  }
0x12a: {  	s11 =	spop (v2sf);
	vm1 =	veq.s32 v8, v0;
	[tilespmem:s10+$0x2800] =	vst.add.f32.msk $0xffff, v5;
	v5 =	vnsel vm0, $0x0, v6;
	v6 =	vbroadcast v1, $0x2  }
0x12b: {  	s13 =	sand.u32 $0xFFFFFFF0, s29;
	s12 =	sand.u32 $0xF, s11;
	(v2sf) =	vpush v2, $0xA;
	[tilespmem:s10+$0x5000] =	vst.add.f32.msk $0xffff, v5;
	v5 =	vnsel vm1, $0x0, v7;
	v7 =	vbroadcast v4, $0x2  }
0x12c: {  	v8 =	vmov s12;
	[tilespmem:s13+$0x0] =	vst.add.f32.msk $0xffff, v5;
	v5 =	vnsel vm1, $0x0, v6;
	v6 =	vbroadcast v3, $0x3  }
0x12d: {  	s14 =	spop (v2sf);
	vm0 =	veq.s32 v8, v0;
	[tilespmem:s13+$0x2800] =	vst.add.f32.msk $0xffff, v5;
	v5 =	vnsel vm1, $0x0, v7;
	v7 =	vbroadcast v1, $0x3  }
0x12e: {  	s16 =	sand.u32 $0xFFFFFFF0, s11;
	s15 =	sand.u32 $0xF, s14;
	(v2sf) =	vpush v2, $0xB;
	[tilespmem:s13+$0x5000] =	vst.add.f32.msk $0xffff, v5;
	v5 =	vnsel vm0, $0x0, v6;
	v6 =	vbroadcast v4, $0x3  }
0x12f: {  	v8 =	vmov s15;
	[tilespmem:s16+$0x0] =	vst.add.f32.msk $0xffff, v5;
	v5 =	vnsel vm0, $0x0, v7;
	v7 =	vbroadcast v3, $0x4  }
0x130: {  	s18 =	spop (v2sf);
	vm1 =	veq.s32 v8, v0;
	[tilespmem:s16+$0x2800] =	vst.add.f32.msk $0xffff, v5;
	v5 =	vnsel vm0, $0x0, v6;
	v6 =	vbroadcast v1, $0x4  }
0x131: {  	s20 =	sand.u32 $0xFFFFFFF0, s14;
	s19 =	sand.u32 $0xF, s18;
	(v2sf) =	vpush v2, $0xC;
	[tilespmem:s16+$0x5000] =	vst.add.f32.msk $0xffff, v5;
	v5 =	vnsel vm1, $0x0, v7;
	v7 =	vbroadcast v4, $0x4  }
0x132: {  	s21 =	spop (v2sf);
	v8 =	vmov s19;
	[tilespmem:s20+$0x0] =	vst.add.f32.msk $0xffff, v5;
	v5 =	vnsel vm1, $0x0, v6;
	v6 =	vbroadcast v3, $0x5  }
0x133: {  	s22 =	sand.u32 $0xF, s21;
	vm0 =	veq.s32 v8, v0;
	[tilespmem:s20+$0x2800] =	vst.add.f32.msk $0xffff, v5;
	v5 =	vnsel vm1, $0x0, v7;
	v7 =	vbroadcast v1, $0x5  }
0x134: {  	s23 =	sand.u32 $0xFFFFFFF0, s18;
	v8 =	vmov s22;
	[tilespmem:s20+$0x5000] =	vst.add.f32.msk $0xffff, v5;
	v5 =	vnsel vm0, $0x0, v6;
	v6 =	vbroadcast v4, $0x5  }
0x135: {  	s24 =	spop (v2sf);
	(v2sf) =	vpush v2, $0xD;
	[tilespmem:s23+$0x0] =	vst.add.f32.msk $0xffff, v5;
	v5 =	vnsel vm0, $0x0, v7;
	v7 =	vbroadcast v3, $0x6  }
0x136: {  	vm1 =	veq.s32 v8, v0;
	[tilespmem:s23+$0x2800] =	vst.add.f32.msk $0xffff, v5;
	v5 =	vnsel vm0, $0x0, v6;
	v6 =	vbroadcast v1, $0x6  }
0x137: {  	v58 =	vbroadcast v3, $0x8;
	s26 =	sand.u32 $0xFFFFFFF0, s21;
	s25 =	sand.u32 $0xF, s24;
	[tilespmem:s23+$0x5000] =	vst.add.f32.msk $0xffff, v5;
	v5 =	vnsel vm1, $0x0, v7;
	v7 =	vbroadcast v4, $0x6  }
0x138: {  	v8 =	vbroadcast v3, $0x7;
	v57 =	vmov s25;
	[tilespmem:s26+$0x0] =	vst.add.f32.msk $0xffff, v5;
	v5 =	vnsel vm1, $0x0, v6  }
0x139: {  	s28 =	spop (v2sf);
	vm0 =	veq.s32 v57, v0;
	v6 =	vbroadcast v1, $0x7;
	[tilespmem:s26+$0x2800] =	vst.add.f32.msk $0xffff, v5;
	v5 =	vnsel vm1, $0x0, v7  }
0x13a: {  	(v2sf) =	vpush v2, $0xE;
	s8 =	sand.u32 $0xFFFFFFF0, s24;
	s29 =	sand.u32 $0xF, s28;
	v7 =	vnsel vm0, $0x0, v8;
	[tilespmem:s26+$0x5000] =	vst.add.f32.msk $0xffff, v5;
	v5 =	vbroadcast v4, $0x7  }
0x13b: {  	s10 =	spop (v2sf);
	(v2sf) =	vpush v2, $0xF;
	v8 =	vmov s29;
	v6 =	vnsel vm0, $0x0, v6;
	[tilespmem:s8+$0x0] =	vst.add.f32.msk $0xffff, v7  }
0x13c: {  	vm1 =	veq.s32 v8, v0;
	[tilespmem:s8+$0x2800] =	vst.add.f32.msk $0xffff, v6;
	v6 =	vbroadcast v1, $0x8;
	v5 =	vnsel vm0, $0x0, v5  }
0x13d: {  	s12 =	sand.u32 $0xFFFFFFF0, s28;
	s11 =	sand.u32 $0xF, s10;
	v2 =	vnsel vm1, $0x0, v58;
	[tilespmem:s8+$0x5000] =	vst.add.f32.msk $0xffff, v5;
	v5 =	vbroadcast v4, $0x8  }
0x13e: {  	v7 =	vmov s11;
	[tilespmem:s12+$0x0] =	vst.add.f32.msk $0xffff, v2;
	v2 =	vnsel vm1, $0x0, v6;
	v6 =	vbroadcast v3, $0x9  }
0x13f: {  	s13 =	spop (v2sf);
	vm0 =	veq.s32 v7, v0;
	[tilespmem:s12+$0x2800] =	vst.add.f32.msk $0xffff, v2;
	v2 =	vnsel vm1, $0x0, v5;
	v5 =	vbroadcast v1, $0x9  }
0x140: {  	v59 =	vbroadcast v3, $0xB;
	s15 =	sand.u32 $0xFFFFFFF0, s10;
	s14 =	sand.u32 $0xF, s13;
	[tilespmem:s12+$0x5000] =	vst.add.f32.msk $0xffff, v2;
	v2 =	vnsel vm0, $0x0, v6;
	v6 =	vbroadcast v4, $0x9  }
0x141: {  	v7 =	vmov s14;
	[tilespmem:s15+$0x0] =	vst.add.f32.msk $0xffff, v2;
	v2 =	vnsel vm0, $0x0, v5;
	v5 =	vbroadcast v1, $0xA  }
0x142: {  	s16 =	spop (v2sf);
	vm1 =	veq.s32 v7, v0;
	v7 =	vbroadcast v3, $0xA;
	[tilespmem:s15+$0x2800] =	vst.add.f32.msk $0xffff, v2;
	v6 =	vnsel vm0, $0x0, v6  }
0x143: {  	v10 =	vbroadcast v3, $0xC;
	s19 =	sand.u32 $0xFFFFFFF0, s13;
	s18 =	sand.u32 $0xF, s16;
	[tilespmem:s15+$0x5000] =	vst.add.f32.msk $0xffff, v6;
	v5 =	vnsel vm1, $0x0, v5;
	v6 =	vbroadcast v4, $0xA  }
0x144: {  	v62 =	vbroadcast v3, $0xD;
	s20 =	spop (v2sf);
	v8 =	vmov s18;
	v7 =	vnsel vm1, $0x0, v7;
	[tilespmem:s19+$0x2800] =	vst.add.f32.msk $0xffff, v5  }
0x145: {  	s21 =	sand.u32 $0xF, s20;
	s23 =	spop (v2sf);
	vm0 =	veq.s32 v8, v0;
	[tilespmem:s19+$0x0] =	vst.add.f32.msk $0xffff, v7;
	v5 =	vnsel vm1, $0x0, v6;
	v6 =	vbroadcast v1, $0xB  }
0x146: {  	s22 =	sand.u32 $0xFFFFFFF0, s16;
	v60 =	vmov s21;
	s24 =	sand.u32 $0xF, s23;
	v8 =	vbroadcast v4, $0xB;
	[tilespmem:s19+$0x5000] =	vst.add.f32.msk $0xffff, v5;
	v5 =	vnsel vm0, $0x0, v59  }
0x147: {  	v2 =	vbroadcast v4, $0xF;
	v61 =	vmov s24;
	[tilespmem:s22+$0x0] =	vst.add.f32.msk $0xffff, v5;
	v5 =	vnsel vm0, $0x0, v6  }
0x148: {  	vm1 =	veq.s32 v60, v0;
	v6 =	vbroadcast v1, $0xC;
	[tilespmem:s22+$0x2800] =	vst.add.f32.msk $0xffff, v5;
	v5 =	vnsel vm0, $0x0, v8  }
0x149: {  	s25 =	sand.u32 $0xFFFFFFF0, s20;
	s12 =	spop (v2sf);
	vm2 =	veq.s32 v61, v0;
	v8 =	vnsel vm1, $0x0, v10;
	[tilespmem:s22+$0x5000] =	vst.add.f32.msk $0xffff, v5;
	v5 =	vbroadcast v4, $0xC  }
0x14a: {  	s26 =	sand.u32 $0xF, s12;
	s11 =	spop (v2sf);
	v7 =	vbroadcast v1, $0xE;
	v9 =	vnsel vm2, $0x0, v62;
	v6 =	vnsel vm1, $0x0, v6;
	[tilespmem:s25+$0x0] =	vst.add.f32.msk $0xffff, v8  }
0x14b: {  	s29 =	sand.u32 $0xF, s11;
	v8 =	vmov s26;
	[tilespmem:s25+$0x2800] =	vst.add.f32.msk $0xffff, v6;
	v6 =	vbroadcast v1, $0xD;
	v5 =	vnsel vm1, $0x0, v5  }
0x14c: {  	s28 =	sand.u32 $0xFFFFFFF0, s23;
	v63 =	vmov s29;
	vm0 =	veq.s32 v8, v0;
	v8 =	vbroadcast v4, $0xD;
	[tilespmem:s25+$0x5000] =	vst.add.f32.msk $0xffff, v5  }
0x14d: {  	v4 =	vbroadcast v4, $0xE;
	v5 =	vnsel vm0, $0x0, v7;
	v7 =	vnsel vm2, $0x0, v6;
	[tilespmem:s28+$0x0] =	vst.add.f32.msk $0xffff, v9  }
0x14e: {  	vm3 =	veq.s32 v63, v0;
	[tilespmem:s28+$0x2800] =	vst.add.f32.msk $0xffff, v7;
	v7 =	vnsel vm2, $0x0, v8  }
0x14f: {  	s9 =	simm.s32 $0x80;
	s10 =	simm.s32 $0x10;
	s1 =	sand.u32 $0xFFFFFFF0, s12;
	v6 =	vbroadcast v3, $0xF;
	v3 =	vbroadcast v3, $0xE;
	v4 =	vnsel vm0, $0x0, v4;
	[tilespmem:s28+$0x5000] =	vst.add.f32.msk $0xffff, v7  }
.LBB2_5:
0x150: {  	p1 =	sne.s32 s9, $0x1C0;
	[tilespmem:s1+$0x5000] =	vst.add.f32.msk $0xffff, v4;
	s0 =	smov.u32 s9;
	s9 =	sadd.s32 $0x40, s9  }
0x151: {  	v1 =	vbroadcast v1, $0xF;
	v3 =	vnsel vm0, $0x0, v3;
	[tilespmem:s1+$0x2800] =	vst.add.f32.msk $0xffff, v5  }
0x152: {  	v2 =	vnsel vm3, $0x0, v2;
	[tilespmem:s1+$0x0] =	vst.add.f32.msk $0xffff, v3;
	v3 =	vnsel vm3, $0x0, v6;
	s1 =	sand.u32 $0xFFFFFFF0, s11  }
0x153: {  	v1 =	vnsel vm3, $0x0, v1;
	[tilespmem:s1+$0x0] =	vst.add.f32.msk $0xffff, v3  }
0x154: {  	[tilespmem:s1+$0x5000] =	vst.add.f32.msk $0xffff, v2  }
0x155: {  	[tilespmem:s1+$0x2800] =	vst.add.f32.msk $0xffff, v1  }
0x156: {  	v5 =	vld [tilespmem:s10+$0x7B80];
	_ =	sdelay $0x4  }
0x157: {  	(v2sf) =	vpush v5, $0x0  }
0x158: {  	(v2sf) =	vpush v5, $0x1  }
0x159: {  	(v2sf) =	vpush v5, $0x2  }
0x15a: {  	(v2sf) =	vpush v5, $0x3  }
0x15b: {  	(v2sf) =	vpush v5, $0x4  }
0x15c: {  	(v2sf) =	vpush v5, $0x5  }
0x15d: {  	(v2sf) =	vpush v5, $0x6  }
0x15e: {  	(v2sf) =	vpush v5, $0x7  }
0x15f: {  	(v2sf) =	vpush v5, $0x8  }
0x160: {  	(v2sf) =	vpush v5, $0x9  }
0x161: {  	v4 =	vld [tilespmem:s10+$0x7B00];
	(v2sf) =	vpush v5, $0xA  }
0x162: {  	v1 =	vld [tilespmem:s10+$0x7A80];
	(v2sf) =	vpush v5, $0xB  }
0x163: {  	v3 =	vld [tilespmem:s10+$0x7A00];
	(v2sf) =	vpush v5, $0xC  }
0x164: {  	(v2sf) =	vpush v5, $0xD  }
0x165: {  	(v2sf) =	vpush v5, $0xE  }
0x166: {  	v2 =	vbroadcast v4, $0xF;
	s1 =	spop (v2sf);
	(v2sf) =	vpush v5, $0xF  }
0x167: {  	v6 =	vbroadcast v4, $0x0;
	s3 =	sand.u32 $0xF, s1;
	v5 =	vbroadcast v1, $0xE;
	s12 =	spop (v2sf)  }
0x168: {  	v9 =	vbroadcast v1, $0x0;
	v7 =	vmov s3;
	v8 =	vbroadcast v3, $0x0;
	s3 =	sand.u32 $0xF, s12;
	s13 =	spop (v2sf)  }
0x169: {  	v10 =	vbroadcast v3, $0x7;
	vm0 =	veq.s32 v7, v0;
	v7 =	vmov s3;
	s3 =	sand.u32 $0xF, s13;
	s11 =	spop (v2sf)  }
0x16a: {  	s1 =	sand.u32 $0xFFFFFFF0, s1;
	v8 =	vnsel vm0, $0x0, v8;
	v9 =	vnsel vm0, $0x0, v9;
	v6 =	vnsel vm0, $0x0, v6;
	s14 =	sand.u32 $0xF, s11;
	s26 =	spop (v2sf)  }
0x16b: {  	vm2 =	veq.s32 v7, v0;
	v7 =	vmov s3;
	[tilespmem:s1+$0x5000] =	vst.add.f32.msk $0xffff, v6;
	v6 =	vbroadcast v3, $0x1;
	s15 =	sand.u32 $0xF, s26;
	s18 =	spop (v2sf)  }
0x16c: {  	s10 =	sshra.s32 s0, $0x2;
	vm1 =	veq.s32 v7, v0;
	v7 =	vmov s14;
	[tilespmem:s1+$0x0] =	vst.add.f32.msk $0xffff, v8;
	v8 =	vbroadcast v1, $0x1;
	s0 =	sand.u32 $0xF, s18;
	s3 =	spop (v2sf)  }
0x16d: {  	s12 =	sand.u32 $0xFFFFFFF0, s12;
	vm0 =	veq.s32 v7, v0;
	[tilespmem:s1+$0x2800] =	vst.add.f32.msk $0xffff, v9;
	v6 =	vnsel vm2, $0x0, v6;
	v9 =	vbroadcast v4, $0x1;
	s19 =	sand.u32 $0xF, s3;
	s1 =	spop (v2sf)  }
0x16e: {  	v7 =	vbroadcast v3, $0x2;
	[tilespmem:s12+$0x0] =	vst.add.f32.msk $0xffff, v6;
	v6 =	vnsel vm2, $0x0, v8;
	v8 =	vmov s15;
	s24 =	sand.u32 $0xF, s1;
	s16 =	spop (v2sf)  }
0x16f: {  	[tilespmem:s12+$0x2800] =	vst.add.f32.msk $0xffff, v6;
	v6 =	vnsel vm2, $0x0, v9;
	v9 =	vbroadcast v1, $0x2;
	vm3 =	veq.s32 v8, v0;
	s8 =	sand.u32 $0xF, s16;
	s15 =	spop (v2sf)  }
0x170: {  	v8 =	vmov s0;
	[tilespmem:s12+$0x5000] =	vst.add.f32.msk $0xffff, v6;
	v6 =	vnsel vm1, $0x0, v7;
	s12 =	sand.u32 $0xFFFFFFF0, s13;
	v7 =	vbroadcast v4, $0x2;
	s23 =	sand.u32 $0xF, s15;
	s14 =	spop (v2sf)  }
0x171: {  	vm2 =	veq.s32 v8, v0;
	[tilespmem:s12+$0x0] =	vst.add.f32.msk $0xffff, v6;
	v6 =	vnsel vm1, $0x0, v9;
	v9 =	vbroadcast v3, $0x3;
	s22 =	sand.u32 $0xF, s14;
	s13 =	spop (v2sf)  }
0x172: {  	v8 =	vmov s19;
	[tilespmem:s12+$0x2800] =	vst.add.f32.msk $0xffff, v6;
	v6 =	vnsel vm1, $0x0, v7;
	v7 =	vbroadcast v1, $0x3;
	s21 =	sand.u32 $0xF, s13;
	s20 =	spop (v2sf)  }
0x173: {  	s0 =	sand.u32 $0xFFFFFFF0, s11;
	vm1 =	veq.s32 v8, v0;
	[tilespmem:s12+$0x5000] =	vst.add.f32.msk $0xffff, v6;
	v6 =	vnsel vm0, $0x0, v9;
	v9 =	vbroadcast v4, $0x3;
	s29 =	sand.u32 $0xF, s20;
	s19 =	spop (v2sf)  }
0x174: {  	v8 =	vmov s24;
	[tilespmem:s0+$0x0] =	vst.add.f32.msk $0xffff, v6;
	v6 =	vnsel vm0, $0x0, v7;
	v7 =	vbroadcast v3, $0x4;
	s28 =	sand.u32 $0xF, s19;
	s12 =	spop (v2sf)  }
0x175: {  	[tilespmem:s0+$0x2800] =	vst.add.f32.msk $0xffff, v6;
	v6 =	vnsel vm0, $0x0, v9;
	v9 =	vbroadcast v1, $0x4;
	vm0 =	veq.s32 v8, v0;
	s25 =	sand.u32 $0xF, s12;
	s11 =	spop (v2sf)  }
0x176: {  	s24 =	sand.u32 $0xFFFFFFF0, s26;
	[tilespmem:s0+$0x5000] =	vst.add.f32.msk $0xffff, v6;
	v6 =	vnsel vm3, $0x0, v7;
	v7 =	vbroadcast v4, $0x4;
	v8 =	vnsel vm0, $0x0, v10;
	s0 =	sand.u32 $0xF, s11  }
0x177: {  	v10 =	vmov s8;
	[tilespmem:s24+$0x0] =	vst.add.f32.msk $0xffff, v6;
	v6 =	vnsel vm3, $0x0, v9;
	v9 =	vbroadcast v3, $0x5  }
0x178: {  	vm4 =	veq.s32 v10, v0;
	[tilespmem:s24+$0x2800] =	vst.add.f32.msk $0xffff, v6;
	v6 =	vnsel vm3, $0x0, v7;
	v7 =	vbroadcast v1, $0x5  }
0x179: {  	s8 =	sand.u32 $0xFFFFFFF0, s18;
	v10 =	vbroadcast v3, $0x8;
	[tilespmem:s24+$0x5000] =	vst.add.f32.msk $0xffff, v6;
	v6 =	vnsel vm2, $0x0, v9;
	v9 =	vbroadcast v4, $0x5  }
0x17a: {  	v11 =	vmov s23;
	[tilespmem:s8+$0x0] =	vst.add.f32.msk $0xffff, v6;
	v6 =	vnsel vm2, $0x0, v7;
	v7 =	vbroadcast v3, $0x6  }
0x17b: {  	v10 =	vnsel vm4, $0x0, v10;
	[tilespmem:s8+$0x2800] =	vst.add.f32.msk $0xffff, v6;
	v6 =	vnsel vm2, $0x0, v9;
	v9 =	vbroadcast v1, $0x6  }
0x17c: {  	s3 =	sand.u32 $0xFFFFFFF0, s3;
	v12 =	vmov s22;
	[tilespmem:s8+$0x5000] =	vst.add.f32.msk $0xffff, v6;
	v6 =	vnsel vm1, $0x0, v7;
	v7 =	vbroadcast v4, $0x6  }
0x17d: {  	vm3 =	veq.s32 v12, v0;
	[tilespmem:s3+$0x0] =	vst.add.f32.msk $0xffff, v6;
	v6 =	vnsel vm1, $0x0, v9;
	v9 =	vbroadcast v3, $0xA  }
0x17e: {  	v12 =	vmov s21;
	[tilespmem:s3+$0x2800] =	vst.add.f32.msk $0xffff, v6;
	v6 =	vnsel vm1, $0x0, v7;
	v7 =	vbroadcast v1, $0x7  }
0x17f: {  	v13 =	vbroadcast v3, $0xB;
	s1 =	sand.u32 $0xFFFFFFF0, s1;
	[tilespmem:s3+$0x5000] =	vst.add.f32.msk $0xffff, v6;
	v6 =	vbroadcast v4, $0x7;
	v9 =	vnsel vm3, $0x0, v9  }
0x180: {  	v14 =	vbroadcast v3, $0xC;
	[tilespmem:s1+$0x0] =	vst.add.f32.msk $0xffff, v8;
	v7 =	vnsel vm0, $0x0, v7;
	v8 =	vmov s29  }
0x181: {  	[tilespmem:s1+$0x2800] =	vst.add.f32.msk $0xffff, v7;
	v6 =	vnsel vm0, $0x0, v6;
	v7 =	vbroadcast v1, $0x8;
	vm2 =	veq.s32 v8, v0  }
0x182: {  	[tilespmem:s1+$0x5000] =	vst.add.f32.msk $0xffff, v6;
	s1 =	sand.u32 $0xFFFFFFF0, s16;
	v6 =	vbroadcast v4, $0x8;
	v8 =	vnsel vm2, $0x0, v14;
	v14 =	vmov s28  }
0x183: {  	[tilespmem:s1+$0x0] =	vst.add.f32.msk $0xffff, v10;
	v7 =	vnsel vm4, $0x0, v7;
	v10 =	vbroadcast v3, $0x9;
	vm1 =	veq.s32 v14, v0  }
0x184: {  	vm0 =	veq.s32 v11, v0;
	[tilespmem:s1+$0x2800] =	vst.add.f32.msk $0xffff, v7;
	v6 =	vnsel vm4, $0x0, v6;
	v7 =	vbroadcast v1, $0x9  }
0x185: {  	v11 =	vbroadcast v3, $0xD;
	[tilespmem:s1+$0x5000] =	vst.add.f32.msk $0xffff, v6;
	v6 =	vnsel vm0, $0x0, v10;
	s1 =	sand.u32 $0xFFFFFFF0, s15;
	v10 =	vbroadcast v4, $0x9  }
0x186: {  	v14 =	vmov s25;
	[tilespmem:s1+$0x0] =	vst.add.f32.msk $0xffff, v6;
	v6 =	vnsel vm0, $0x0, v7;
	v7 =	vbroadcast v1, $0xA  }
0x187: {  	[tilespmem:s1+$0x2800] =	vst.add.f32.msk $0xffff, v6;
	v6 =	vnsel vm0, $0x0, v10;
	v10 =	vnsel vm1, $0x0, v11;
	vm0 =	veq.s32 v14, v0  }
0x188: {  	[tilespmem:s1+$0x5000] =	vst.add.f32.msk $0xffff, v6;
	s1 =	sand.u32 $0xFFFFFFF0, s14;
	v6 =	vnsel vm3, $0x0, v7;
	v7 =	vbroadcast v4, $0xA;
	v5 =	vnsel vm0, $0x0, v5  }
0x189: {  	v11 =	vmov s0;
	[tilespmem:s1+$0x2800] =	vst.add.f32.msk $0xffff, v6;
	v6 =	vbroadcast v3, $0xF  }
0x18a: {  	vm4 =	veq.s32 v12, v0;
	[tilespmem:s1+$0x0] =	vst.add.f32.msk $0xffff, v9;
	v7 =	vnsel vm3, $0x0, v7;
	v9 =	vbroadcast v1, $0xB  }
0x18b: {  	v12 =	vbroadcast v4, $0xB;
	s0 =	sand.u32 $0xFFFFFFF0, s13;
	vm3 =	veq.s32 v11, v0;
	[tilespmem:s1+$0x5000] =	vst.add.f32.msk $0xffff, v7;
	v7 =	vnsel vm4, $0x0, v13  }
0x18c: {  	[tilespmem:s0+$0x0] =	vst.add.f32.msk $0xffff, v7;
	v7 =	vnsel vm4, $0x0, v9  }
0x18d: {  	v9 =	vbroadcast v1, $0xC;
	[tilespmem:s0+$0x2800] =	vst.add.f32.msk $0xffff, v7;
	v7 =	vnsel vm4, $0x0, v12  }
0x18e: {  	[tilespmem:s0+$0x5000] =	vst.add.f32.msk $0xffff, v7;
	s0 =	sand.u32 $0xFFFFFFF0, s20;
	v7 =	vbroadcast v4, $0xC  }
0x18f: {  	[tilespmem:s0+$0x0] =	vst.add.f32.msk $0xffff, v8;
	v8 =	vnsel vm2, $0x0, v9  }
.Ltmp3:
0x190: {  	[tilespmem:s0+$0x2800] =	vst.add.f32.msk $0xffff, v8;
	v7 =	vnsel vm2, $0x0, v7;
	v8 =	vbroadcast v1, $0xD;
	(pc) =	sbr.rel @p1 .LBB2_5-.Ltmp3, $4  }
0x191: {  	[tilespmem:s0+$0x5000] =	vst.add.f32.msk $0xffff, v7;
	s0 =	sand.u32 $0xFFFFFFF0, s19;
	v7 =	vbroadcast v4, $0xD  }
0x192: {  	v4 =	vbroadcast v4, $0xE;
	[tilespmem:s0+$0x0] =	vst.add.f32.msk $0xffff, v10;
	v8 =	vnsel vm1, $0x0, v8  }
0x193: {  	[tilespmem:s0+$0x2800] =	vst.add.f32.msk $0xffff, v8;
	v7 =	vnsel vm1, $0x0, v7  }
0x194: {  	v3 =	vbroadcast v3, $0xE;
	s1 =	sand.u32 $0xFFFFFFF0, s12;
	v4 =	vnsel vm0, $0x0, v4;
	[tilespmem:s0+$0x5000] =	vst.add.f32.msk $0xffff, v7  }
0x195: {  	[tilespmem:s1+$0x5000] =	vst.add.f32.msk $0xffff, v4  }
0x196: {  	[tilespmem:s1+$0x2800] =	vst.add.f32.msk $0xffff, v5;
	v3 =	vnsel vm0, $0x0, v3  }
0x197: {  	v1 =	vbroadcast v1, $0xF;
	s0 =	sand.u32 $0xFFFFFFF0, s11;
	[tilespmem:s1+$0x0] =	vst.add.f32.msk $0xffff, v3;
	v3 =	vnsel vm3, $0x0, v6  }
0x198: {  	v2 =	vnsel vm3, $0x0, v2;
	[tilespmem:s0+$0x0] =	vst.add.f32.msk $0xffff, v3  }
0x199: {  	v1 =	vnsel vm3, $0x0, v1;
	[tilespmem:s0+$0x5000] =	vst.add.f32.msk $0xffff, v2  }
0x19a: {  	[tilespmem:s0+$0x2800] =	vst.add.f32.msk $0xffff, v1  }
0x19b: {  	v4 =	vld [tilespmem:s10+$0x7B80];
	_ =	sdelay $0x4  }
0x19c: {  	(v2sf) =	vpush v4, $0x0;
	_ =	sdelay $0x2  }
0x19d: {  	(v2sf) =	vpush v4, $0x1;
	_ =	sdelay $0x2  }
0x19e: {  	(v2sf) =	vpush v4, $0x2;
	_ =	sdelay $0x2  }
0x19f: {  	(v2sf) =	vpush v4, $0x3;
	_ =	sdelay $0x2  }
0x1a0: {  	v2 =	vld [tilespmem:s10+$0x7B00];
	(v2sf) =	vpush v4, $0x4  }
0x1a1: {  	v3 =	vld [tilespmem:s10+$0x7A00]  }
0x1a2: {  	v1 =	vld [tilespmem:s10+$0x7A80]  }
0x1a3: {  	(v2sf) =	vpush v4, $0x5;
	s23 =	spop (v2sf)  }
0x1a4: {  	s24 =	sand.u32 $0xF, s23  }
0x1a5: {  	v25 =	vbroadcast v2, $0x0;
	v26 =	vmov s24  }
0x1a6: {  	v7 =	vbroadcast v3, $0x0;
	(v2sf) =	vpush v4, $0x6;
	s25 =	spop (v2sf);
	vm13 =	veq.s32 v26, v0  }
0x1a7: {  	v27 =	vbroadcast v1, $0x0;
	v28 =	vbroadcast v3, $0x1;
	s0 =	sand.u32 $0xFFFFFFF0, s23;
	s3 =	sand.u32 $0xF, s25;
	v5 =	vnsel vm13, $0x0, v25  }
0x1a8: {  	v29 =	vbroadcast v1, $0x1;
	v8 =	vmov s3;
	v7 =	vnsel vm13, $0x0, v7;
	[tilespmem:s0+$0x5000] =	vst.add.f32.msk $0xffff, v5  }
0x1a9: {  	(v2sf) =	vpush v4, $0x7;
	s26 =	spop (v2sf);
	v6 =	vnsel vm13, $0x0, v27;
	vm14 =	veq.s32 v8, v0;
	[tilespmem:s0+$0x0] =	vst.add.f32.msk $0xffff, v7  }
0x1aa: {  	v30 =	vbroadcast v2, $0x1;
	v33 =	vbroadcast v3, $0x2;
	s28 =	sand.u32 $0xFFFFFFF0, s25;
	s8 =	sand.u32 $0xF, s26;
	[tilespmem:s0+$0x2800] =	vst.add.f32.msk $0xffff, v6;
	v5 =	vnsel vm14, $0x0, v28  }
0x1ab: {  	v35 =	vbroadcast v1, $0x2;
	v31 =	vmov s8;
	v32 =	vnsel vm14, $0x0, v29;
	[tilespmem:s28+$0x0] =	vst.add.f32.msk $0xffff, v5  }
0x1ac: {  	(v2sf) =	vpush v4, $0x8;
	s29 =	spop (v2sf);
	vm1 =	veq.s32 v31, v0;
	v34 =	vnsel vm14, $0x0, v30;
	[tilespmem:s28+$0x2800] =	vst.add.f32.msk $0xffff, v32  }
0x1ad: {  	v37 =	vbroadcast v2, $0x2;
	v40 =	vbroadcast v3, $0x3;
	s10 =	sand.u32 $0xFFFFFFF0, s26;
	s9 =	sand.u32 $0xF, s29;
	[tilespmem:s28+$0x5000] =	vst.add.f32.msk $0xffff, v34;
	v36 =	vnsel vm1, $0x0, v33  }
0x1ae: {  	v42 =	vbroadcast v1, $0x3;
	v38 =	vmov s9;
	v39 =	vnsel vm1, $0x0, v35;
	[tilespmem:s10+$0x0] =	vst.add.f32.msk $0xffff, v36  }
0x1af: {  	(v2sf) =	vpush v4, $0x9;
	s11 =	spop (v2sf);
	vm15 =	veq.s32 v38, v0;
	v41 =	vnsel vm1, $0x0, v37;
	[tilespmem:s10+$0x2800] =	vst.add.f32.msk $0xffff, v39  }
0x1b0: {  	v44 =	vbroadcast v2, $0x3;
	v47 =	vbroadcast v3, $0x4;
	s13 =	sand.u32 $0xFFFFFFF0, s29;
	s12 =	sand.u32 $0xF, s11;
	[tilespmem:s10+$0x5000] =	vst.add.f32.msk $0xffff, v41;
	v43 =	vnsel vm15, $0x0, v40  }
0x1b1: {  	v49 =	vbroadcast v1, $0x4;
	v45 =	vmov s12;
	v46 =	vnsel vm15, $0x0, v42;
	[tilespmem:s13+$0x0] =	vst.add.f32.msk $0xffff, v43  }
0x1b2: {  	(v2sf) =	vpush v4, $0xA;
	s14 =	spop (v2sf);
	vm4 =	veq.s32 v45, v0;
	v48 =	vnsel vm15, $0x0, v44;
	[tilespmem:s13+$0x2800] =	vst.add.f32.msk $0xffff, v46  }
0x1b3: {  	v51 =	vbroadcast v2, $0x4;
	v54 =	vbroadcast v3, $0x5;
	s16 =	sand.u32 $0xFFFFFFF0, s11;
	s15 =	sand.u32 $0xF, s14;
	[tilespmem:s13+$0x5000] =	vst.add.f32.msk $0xffff, v48;
	v50 =	vnsel vm4, $0x0, v47  }
0x1b4: {  	v56 =	vbroadcast v1, $0x5;
	v52 =	vmov s15;
	v53 =	vnsel vm4, $0x0, v49;
	[tilespmem:s16+$0x0] =	vst.add.f32.msk $0xffff, v50  }
0x1b5: {  	(v2sf) =	vpush v4, $0xB;
	s18 =	spop (v2sf);
	vm5 =	veq.s32 v52, v0;
	v55 =	vnsel vm4, $0x0, v51;
	[tilespmem:s16+$0x2800] =	vst.add.f32.msk $0xffff, v53  }
0x1b6: {  	v58 =	vbroadcast v2, $0x5;
	v61 =	vbroadcast v3, $0x6;
	s20 =	sand.u32 $0xFFFFFFF0, s14;
	s19 =	sand.u32 $0xF, s18;
	[tilespmem:s16+$0x5000] =	vst.add.f32.msk $0xffff, v55;
	v57 =	vnsel vm5, $0x0, v54  }
0x1b7: {  	v63 =	vbroadcast v1, $0x6;
	v59 =	vmov s19;
	v60 =	vnsel vm5, $0x0, v56;
	[tilespmem:s20+$0x0] =	vst.add.f32.msk $0xffff, v57  }
0x1b8: {  	(v2sf) =	vpush v4, $0xC;
	s21 =	spop (v2sf);
	vm6 =	veq.s32 v59, v0;
	v62 =	vnsel vm5, $0x0, v58;
	[tilespmem:s20+$0x2800] =	vst.add.f32.msk $0xffff, v60  }
0x1b9: {  	v13 =	vbroadcast v2, $0x6;
	v14 =	vbroadcast v3, $0x7;
	s23 =	sand.u32 $0xFFFFFFF0, s18;
	s22 =	sand.u32 $0xF, s21;
	[tilespmem:s20+$0x5000] =	vst.add.f32.msk $0xffff, v62;
	v12 =	vnsel vm6, $0x0, v61  }
0x1ba: {  	v17 =	vbroadcast v1, $0x7;
	v9 =	vmov s22;
	v15 =	vnsel vm6, $0x0, v63;
	[tilespmem:s23+$0x0] =	vst.add.f32.msk $0xffff, v12  }
0x1bb: {  	(v2sf) =	vpush v4, $0xD;
	vm7 =	veq.s32 v9, v0;
	v16 =	vnsel vm6, $0x0, v13;
	[tilespmem:s23+$0x2800] =	vst.add.f32.msk $0xffff, v15;
	s24 =	spop (v2sf)  }
0x1bc: {  	v19 =	vbroadcast v2, $0x7;
	v21 =	vbroadcast v3, $0x8;
	s26 =	sand.u32 $0xFFFFFFF0, s21;
	v18 =	vnsel vm7, $0x0, v14;
	[tilespmem:s23+$0x5000] =	vst.add.f32.msk $0xffff, v16;
	s25 =	sand.u32 $0xF, s24  }
0x1bd: {  	v22 =	vbroadcast v1, $0x8;
	v6 =	vnsel vm7, $0x0, v17;
	[tilespmem:s26+$0x0] =	vst.add.f32.msk $0xffff, v18;
	v20 =	vmov s25  }
0x1be: {  	v5 =	vnsel vm7, $0x0, v19;
	[tilespmem:s26+$0x2800] =	vst.add.f32.msk $0xffff, v6;
	(v2sf) =	vpush v4, $0xE;
	s28 =	spop (v2sf);
	vm8 =	veq.s32 v20, v0  }
0x1bf: {  	v24 =	vbroadcast v2, $0x8;
	v27 =	vbroadcast v3, $0x9;
	[tilespmem:s26+$0x5000] =	vst.add.f32.msk $0xffff, v5;
	s3 =	sand.u32 $0xFFFFFFF0, s24;
	s29 =	sand.u32 $0xF, s28;
	v23 =	vnsel vm8, $0x0, v21  }
0x1c0: {  	v29 =	vbroadcast v1, $0x9;
	v25 =	vmov s29;
	v26 =	vnsel vm8, $0x0, v22;
	[tilespmem:s3+$0x0] =	vst.add.f32.msk $0xffff, v23  }
0x1c1: {  	(v2sf) =	vpush v4, $0xF;
	s9 =	spop (v2sf);
	v28 =	vnsel vm8, $0x0, v24;
	vm9 =	veq.s32 v25, v0;
	[tilespmem:s3+$0x2800] =	vst.add.f32.msk $0xffff, v26  }
0x1c2: {  	v31 =	vbroadcast v2, $0x9;
	s11 =	sand.u32 $0xFFFFFFF0, s28;
	s10 =	sand.u32 $0xF, s9;
	[tilespmem:s3+$0x5000] =	vst.add.f32.msk $0xffff, v28;
	v30 =	vnsel vm9, $0x0, v27  }
0x1c3: {  	v34 =	vbroadcast v1, $0xA;
	v32 =	vmov s10;
	v33 =	vnsel vm9, $0x0, v29;
	[tilespmem:s11+$0x0] =	vst.add.f32.msk $0xffff, v30  }
0x1c4: {  	v35 =	vbroadcast v3, $0xA;
	s12 =	spop (v2sf);
	vm10 =	veq.s32 v32, v0;
	v36 =	vnsel vm9, $0x0, v31;
	[tilespmem:s11+$0x2800] =	vst.add.f32.msk $0xffff, v33  }
0x1c5: {  	v38 =	vbroadcast v2, $0xA;
	s14 =	sand.u32 $0xFFFFFFF0, s9;
	s13 =	sand.u32 $0xF, s12;
	[tilespmem:s11+$0x5000] =	vst.add.f32.msk $0xffff, v36;
	v37 =	vnsel vm10, $0x0, v34  }
0x1c6: {  	v40 =	vbroadcast v3, $0xB;
	v39 =	vmov s13;
	v7 =	vnsel vm10, $0x0, v35;
	[tilespmem:s14+$0x2800] =	vst.add.f32.msk $0xffff, v37  }
0x1c7: {  	v42 =	vbroadcast v1, $0xB;
	s15 =	spop (v2sf);
	v41 =	vnsel vm10, $0x0, v38;
	vm11 =	veq.s32 v39, v0;
	[tilespmem:s14+$0x0] =	vst.add.f32.msk $0xffff, v7  }
0x1c8: {  	v44 =	vbroadcast v2, $0xB;
	s18 =	sand.u32 $0xFFFFFFF0, s12;
	s16 =	sand.u32 $0xF, s15;
	[tilespmem:s14+$0x5000] =	vst.add.f32.msk $0xffff, v41;
	v43 =	vnsel vm11, $0x0, v40  }
0x1c9: {  	v46 =	vbroadcast v3, $0xC;
	v45 =	vmov s16;
	v47 =	vnsel vm11, $0x0, v42;
	[tilespmem:s18+$0x0] =	vst.add.f32.msk $0xffff, v43  }
0x1ca: {  	v49 =	vbroadcast v1, $0xC;
	s19 =	spop (v2sf);
	vm12 =	veq.s32 v45, v0;
	v48 =	vnsel vm11, $0x0, v44;
	[tilespmem:s18+$0x2800] =	vst.add.f32.msk $0xffff, v47  }
0x1cb: {  	v51 =	vbroadcast v2, $0xC;
	s21 =	sand.u32 $0xFFFFFFF0, s15;
	s20 =	sand.u32 $0xF, s19;
	v50 =	vnsel vm12, $0x0, v46;
	[tilespmem:s18+$0x5000] =	vst.add.f32.msk $0xffff, v48  }
0x1cc: {  	v53 =	vbroadcast v3, $0xD;
	v5 =	vnsel vm12, $0x0, v49;
	v52 =	vmov s20;
	[tilespmem:s21+$0x0] =	vst.add.f32.msk $0xffff, v50  }
0x1cd: {  	v54 =	vbroadcast v1, $0xD;
	v4 =	vnsel vm12, $0x0, v51;
	[tilespmem:s21+$0x2800] =	vst.add.f32.msk $0xffff, v5;
	vm13 =	veq.s32 v52, v0;
	s22 =	spop (v2sf)  }
0x1ce: {  	v56 =	vbroadcast v2, $0xD;
	s24 =	sand.u32 $0xFFFFFFF0, s19;
	[tilespmem:s21+$0x5000] =	vst.add.f32.msk $0xffff, v4;
	v55 =	vnsel vm13, $0x0, v53;
	s23 =	sand.u32 $0xF, s22  }
0x1cf: {  	v58 =	vbroadcast v2, $0xE;
	v5 =	vnsel vm13, $0x0, v54;
	[tilespmem:s24+$0x0] =	vst.add.f32.msk $0xffff, v55;
	v57 =	vmov s23  }
0x1d0: {  	v59 =	vbroadcast v1, $0xE;
	v4 =	vnsel vm13, $0x0, v56;
	[tilespmem:s24+$0x2800] =	vst.add.f32.msk $0xffff, v5;
	s25 =	spop (v2sf);
	vm14 =	veq.s32 v57, v0  }
0x1d1: {  	s2 =	sadd.s32 $0x1, s2;
	v60 =	vbroadcast v3, $0xE;
	[tilespmem:s24+$0x5000] =	vst.add.f32.msk $0xffff, v4;
	s28 =	sand.u32 $0xFFFFFFF0, s22;
	s26 =	sand.u32 $0xF, s25;
	v61 =	vnsel vm14, $0x0, v58  }
0x1d2: {  	p1 =	sne.s32 s2, $0x27;
	v3 =	vbroadcast v3, $0xF;
	v63 =	vmov s26;
	v62 =	vnsel vm14, $0x0, v59;
	[tilespmem:s28+$0x5000] =	vst.add.f32.msk $0xffff, v61  }
.Ltmp4:
0x1d3: {  	v2 =	vbroadcast v2, $0xF;
	vm15 =	veq.s32 v63, v0;
	v4 =	vnsel vm14, $0x0, v60;
	[tilespmem:s28+$0x2800] =	vst.add.f32.msk $0xffff, v62;
	(pc) =	sbr.rel @p1 .LBB2_2-.Ltmp4, $4  }
0x1d4: {  	v1 =	vbroadcast v1, $0xF;
	s29 =	sand.u32 $0xFFFFFFF0, s25;
	[tilespmem:s28+$0x0] =	vst.add.f32.msk $0xffff, v4;
	v3 =	vnsel vm15, $0x0, v3  }
0x1d5: {  	v2 =	vnsel vm15, $0x0, v2;
	[tilespmem:s29+$0x0] =	vst.add.f32.msk $0xffff, v3  }
0x1d6: {  	v1 =	vnsel vm15, $0x0, v1;
	[tilespmem:s29+$0x5000] =	vst.add.f32.msk $0xffff, v2  }
0x1d7: {  	[tilespmem:s29+$0x2800] =	vst.add.f32.msk $0xffff, v1  }
.Ltmp5:
0x1d8: {  	(pc) =	sbr.rel @p0 .LBB2_11-.Ltmp5, $2  }
0x1d9: {  	_ =	sdelay $0x2  }
0x1da: {  	s8 =	rddreg [dreg:$0xc]  }
0x1db: {  	s0 =	simm.s32 $0x0;
	s1 =	rddreg [dreg:$0x3];
	s2 =	simm.s32 $0x7980  }
0x1dc: {  	[tilespmem:s2], [sflag:$0x1] =	stream.linear.gather [hbm4b:s1+s0], $0x80, $0x38;
	[tilespmem:$0x7C00] =	vst v63  }
0x1dd: {  	s19 =	rddreg [dreg:$0x4];
	s20 =	simm.s32 $0x7800  }
0x1de: {  	[tilespmem:s20], [sflag:$0x1] =	stream.linear.gather [hbm4b:s19+s0], $0x80, $0x38;
	[tilespmem:$0x7C00] =	vst v63  }
0x1df: {  	s21 =	rddreg [dreg:$0x5];
	s22 =	simm.s32 $0x7880  }
0x1e0: {  	[tilespmem:s22], [sflag:$0x1] =	stream.linear.gather [hbm4b:s21+s0], $0x80, $0x38;
	[tilespmem:$0x7C00] =	vst v63  }
0x1e1: {  	s23 =	rddreg [dreg:$0x6];
	s24 =	simm.s32 $0x7900  }
0x1e2: {  	[tilespmem:s24], [sflag:$0x1] =	stream.linear.gather [hbm4b:s23+s0], $0x80, $0x38;
	[tilespmem:$0x7C00] =	vst v63  }
0x1e3: {  	_ =	swait.ge [sflag:s30], $0x80  }
0x1e4: {  	[sflag:s30] =	ssyncset.done $0x0  }
0x1e5: {  	[sflag:s30] =	ssyncadd.s32 $0xFFFFFF80  }
0x1e6: {  	_ =	swait.ge [sflag:s30], $0x80  }
0x1e7: {  	[sflag:s30] =	ssyncset.done $0x0  }
0x1e8: {  	[sflag:s30] =	ssyncadd.s32 $0xFFFFFF80  }
0x1e9: {  	_ =	swait.ge [sflag:s30], $0x80  }
0x1ea: {  	[sflag:s30] =	ssyncset.done $0x0  }
0x1eb: {  	[sflag:s30] =	ssyncadd.s32 $0xFFFFFF80  }
0x1ec: {  	_ =	swait.ge [sflag:s30], $0x80  }
0x1ed: {  	[sflag:s30] =	ssyncset.done $0x0  }
0x1ee: {  	s25 =	simm.s32 $0x0;
	[sflag:s30] =	ssyncadd.s32 $0xFFFFFF80  }
0x1ef: {  	v2 =	vld [tilespmem:s25+$0x7980];
	_ =	sdelay $0x4  }
0x1f0: {  	(v2sf) =	vpush v2, $0x0;
	_ =	sdelay $0x2  }
0x1f1: {  	(v2sf) =	vpush v2, $0x1;
	_ =	sdelay $0x2  }
0x1f2: {  	(v2sf) =	vpush v2, $0x2;
	_ =	sdelay $0x2  }
0x1f3: {  	(v2sf) =	vpush v2, $0x3;
	_ =	sdelay $0x2  }
0x1f4: {  	v4 =	vld [tilespmem:s25+$0x7900];
	(v2sf) =	vpush v2, $0x4  }
0x1f5: {  	v3 =	vld [tilespmem:s25+$0x7800]  }
0x1f6: {  	v1 =	vld [tilespmem:s25+$0x7880];
	(v2sf) =	vpush v2, $0x5  }
0x1f7: {  	(v2sf) =	vpush v2, $0x6;
	s26 =	spop (v2sf)  }
0x1f8: {  	(v2sf) =	vpush v2, $0x7;
	s28 =	sand.u32 $0xF, s26  }
0x1f9: {  	v5 =	vbroadcast v4, $0x0;
	v6 =	vmov s28  }
0x1fa: {  	v7 =	vbroadcast v3, $0x0;
	(v2sf) =	vpush v2, $0x8;
	s29 =	spop (v2sf);
	vm0 =	veq.s32 v6, v0  }
0x1fb: {  	s0 =	sand.u32 $0xFFFFFFF0, s26;
	(v2sf) =	vpush v2, $0x9;
	s8 =	sand.u32 $0xF, s29;
	v6 =	vbroadcast v1, $0x0;
	v5 =	vnsel vm0, $0x0, v5  }
0x1fc: {  	v8 =	vmov s8;
	v7 =	vnsel vm0, $0x0, v7;
	[tilespmem:s0+$0x5000] =	vst.add.f32.msk $0xffff, v5;
	v5 =	vbroadcast v3, $0x1  }
0x1fd: {  	s9 =	spop (v2sf);
	v6 =	vnsel vm0, $0x0, v6;
	vm0 =	veq.s32 v8, v0;
	[tilespmem:s0+$0x0] =	vst.add.f32.msk $0xffff, v7;
	v7 =	vbroadcast v1, $0x1  }
0x1fe: {  	s10 =	sand.u32 $0xFFFFFFF0, s29;
	(v2sf) =	vpush v2, $0xA;
	s3 =	sand.u32 $0xF, s9;
	[tilespmem:s0+$0x2800] =	vst.add.f32.msk $0xffff, v6;
	v6 =	vbroadcast v4, $0x1;
	v5 =	vnsel vm0, $0x0, v5  }
0x1ff: {  	v8 =	vmov s3;
	[tilespmem:s10+$0x0] =	vst.add.f32.msk $0xffff, v5;
	v5 =	vnsel vm0, $0x0, v7;
	v7 =	vbroadcast v3, $0x2  }
0x200: {  	s11 =	spop (v2sf);
	vm1 =	veq.s32 v8, v0;
	[tilespmem:s10+$0x2800] =	vst.add.f32.msk $0xffff, v5;
	v5 =	vnsel vm0, $0x0, v6;
	v6 =	vbroadcast v1, $0x2  }
0x201: {  	s13 =	sand.u32 $0xFFFFFFF0, s9;
	(v2sf) =	vpush v2, $0xB;
	s12 =	sand.u32 $0xF, s11;
	[tilespmem:s10+$0x5000] =	vst.add.f32.msk $0xffff, v5;
	v5 =	vnsel vm1, $0x0, v7;
	v7 =	vbroadcast v4, $0x2  }
0x202: {  	v8 =	vmov s12;
	[tilespmem:s13+$0x0] =	vst.add.f32.msk $0xffff, v5;
	v5 =	vnsel vm1, $0x0, v6;
	v6 =	vbroadcast v3, $0x3  }
0x203: {  	s14 =	spop (v2sf);
	vm0 =	veq.s32 v8, v0;
	[tilespmem:s13+$0x2800] =	vst.add.f32.msk $0xffff, v5;
	v5 =	vnsel vm1, $0x0, v7;
	v7 =	vbroadcast v1, $0x3  }
0x204: {  	s16 =	sand.u32 $0xFFFFFFF0, s11;
	(v2sf) =	vpush v2, $0xC;
	s15 =	sand.u32 $0xF, s14;
	[tilespmem:s13+$0x5000] =	vst.add.f32.msk $0xffff, v5;
	v5 =	vnsel vm0, $0x0, v6;
	v6 =	vbroadcast v4, $0x3  }
0x205: {  	s18 =	spop (v2sf);
	v8 =	vmov s15;
	[tilespmem:s16+$0x0] =	vst.add.f32.msk $0xffff, v5;
	v5 =	vnsel vm0, $0x0, v7;
	v7 =	vbroadcast v3, $0x4  }
0x206: {  	s21 =	spop (v2sf);
	vm1 =	veq.s32 v8, v0;
	[tilespmem:s16+$0x2800] =	vst.add.f32.msk $0xffff, v5;
	v5 =	vnsel vm0, $0x0, v6;
	v6 =	vbroadcast v1, $0x4  }
0x207: {  	s20 =	sand.u32 $0xFFFFFFF0, s14;
	s19 =	sand.u32 $0xF, s18;
	s24 =	spop (v2sf);
	(v2sf) =	vpush v2, $0xD;
	[tilespmem:s16+$0x5000] =	vst.add.f32.msk $0xffff, v5;
	v5 =	vnsel vm1, $0x0, v7;
	v7 =	vbroadcast v4, $0x4  }
0x208: {  	v8 =	vmov s19;
	[tilespmem:s20+$0x0] =	vst.add.f32.msk $0xffff, v5;
	v5 =	vnsel vm1, $0x0, v6;
	v6 =	vbroadcast v3, $0x5  }
0x209: {  	s22 =	sand.u32 $0xF, s21;
	vm0 =	veq.s32 v8, v0;
	[tilespmem:s20+$0x2800] =	vst.add.f32.msk $0xffff, v5;
	v5 =	vnsel vm1, $0x0, v7;
	v7 =	vbroadcast v1, $0x5  }
0x20a: {  	s23 =	sand.u32 $0xFFFFFFF0, s18;
	v8 =	vmov s22;
	[tilespmem:s20+$0x5000] =	vst.add.f32.msk $0xffff, v5;
	v5 =	vnsel vm0, $0x0, v6;
	v6 =	vbroadcast v4, $0x5  }
0x20b: {  	s28 =	spop (v2sf);
	(v2sf) =	vpush v2, $0xE;
	[tilespmem:s23+$0x0] =	vst.add.f32.msk $0xffff, v5;
	v5 =	vnsel vm0, $0x0, v7;
	v7 =	vbroadcast v3, $0x6  }
0x20c: {  	vm1 =	veq.s32 v8, v0;
	[tilespmem:s23+$0x2800] =	vst.add.f32.msk $0xffff, v5;
	v5 =	vnsel vm0, $0x0, v6;
	v6 =	vbroadcast v1, $0x6  }
0x20d: {  	s26 =	sand.u32 $0xFFFFFFF0, s21;
	s25 =	sand.u32 $0xF, s24;
	[tilespmem:s23+$0x5000] =	vst.add.f32.msk $0xffff, v5;
	v5 =	vnsel vm1, $0x0, v7;
	v7 =	vbroadcast v4, $0x6  }
0x20e: {  	v9 =	vmov s25;
	v8 =	vbroadcast v3, $0x7;
	[tilespmem:s26+$0x0] =	vst.add.f32.msk $0xffff, v5;
	v5 =	vnsel vm1, $0x0, v6  }
0x20f: {  	vm0 =	veq.s32 v9, v0;
	v6 =	vbroadcast v1, $0x7;
	[tilespmem:s26+$0x2800] =	vst.add.f32.msk $0xffff, v5;
	v5 =	vnsel vm1, $0x0, v7  }
0x210: {  	s8 =	sand.u32 $0xFFFFFFF0, s24;
	s29 =	sand.u32 $0xF, s28;
	v7 =	vnsel vm0, $0x0, v8;
	[tilespmem:s26+$0x5000] =	vst.add.f32.msk $0xffff, v5;
	v5 =	vbroadcast v4, $0x7  }
0x211: {  	v59 =	vbroadcast v3, $0x8;
	v8 =	vmov s29;
	v6 =	vnsel vm0, $0x0, v6;
	[tilespmem:s8+$0x0] =	vst.add.f32.msk $0xffff, v7  }
0x212: {  	s9 =	spop (v2sf);
	vm1 =	veq.s32 v8, v0;
	[tilespmem:s8+$0x2800] =	vst.add.f32.msk $0xffff, v6;
	v6 =	vbroadcast v1, $0x8;
	v5 =	vnsel vm0, $0x0, v5  }
0x213: {  	(v2sf) =	vpush v2, $0xF;
	s11 =	sand.u32 $0xFFFFFFF0, s28;
	s10 =	sand.u32 $0xF, s9;
	v2 =	vnsel vm1, $0x0, v59;
	[tilespmem:s8+$0x5000] =	vst.add.f32.msk $0xffff, v5;
	v5 =	vbroadcast v4, $0x8  }
0x214: {  	v7 =	vmov s10;
	[tilespmem:s11+$0x0] =	vst.add.f32.msk $0xffff, v2;
	v2 =	vnsel vm1, $0x0, v6;
	v6 =	vbroadcast v3, $0x9  }
0x215: {  	s12 =	spop (v2sf);
	vm0 =	veq.s32 v7, v0;
	[tilespmem:s11+$0x2800] =	vst.add.f32.msk $0xffff, v2;
	v2 =	vnsel vm1, $0x0, v5;
	v5 =	vbroadcast v1, $0x9  }
0x216: {  	v60 =	vbroadcast v3, $0xB;
	s14 =	sand.u32 $0xFFFFFFF0, s9;
	s13 =	sand.u32 $0xF, s12;
	[tilespmem:s11+$0x5000] =	vst.add.f32.msk $0xffff, v2;
	v2 =	vnsel vm0, $0x0, v6;
	v6 =	vbroadcast v4, $0x9  }
0x217: {  	v7 =	vmov s13;
	[tilespmem:s14+$0x0] =	vst.add.f32.msk $0xffff, v2;
	v2 =	vnsel vm0, $0x0, v5;
	v5 =	vbroadcast v1, $0xA  }
0x218: {  	s15 =	spop (v2sf);
	vm1 =	veq.s32 v7, v0;
	v7 =	vbroadcast v3, $0xA;
	[tilespmem:s14+$0x2800] =	vst.add.f32.msk $0xffff, v2;
	v6 =	vnsel vm0, $0x0, v6  }
0x219: {  	v10 =	vbroadcast v3, $0xC;
	s18 =	sand.u32 $0xFFFFFFF0, s12;
	s16 =	sand.u32 $0xF, s15;
	s19 =	spop (v2sf);
	[tilespmem:s14+$0x5000] =	vst.add.f32.msk $0xffff, v6;
	v5 =	vnsel vm1, $0x0, v5;
	v6 =	vbroadcast v4, $0xA  }
0x21a: {  	v63 =	vbroadcast v4, $0xD;
	s22 =	spop (v2sf);
	v8 =	vmov s16;
	v7 =	vnsel vm1, $0x0, v7;
	[tilespmem:s18+$0x2800] =	vst.add.f32.msk $0xffff, v5  }
0x21b: {  	s20 =	sand.u32 $0xF, s19;
	s24 =	spop (v2sf);
	vm0 =	veq.s32 v8, v0;
	[tilespmem:s18+$0x0] =	vst.add.f32.msk $0xffff, v7;
	v5 =	vnsel vm1, $0x0, v6;
	v6 =	vbroadcast v1, $0xB  }
0x21c: {  	s21 =	sand.u32 $0xFFFFFFF0, s15;
	v61 =	vmov s20;
	s26 =	sand.u32 $0xF, s24;
	v8 =	vbroadcast v4, $0xB;
	[tilespmem:s18+$0x5000] =	vst.add.f32.msk $0xffff, v5;
	v5 =	vnsel vm0, $0x0, v60  }
0x21d: {  	v62 =	vmov s26;
	v2 =	vbroadcast v4, $0xF;
	[tilespmem:s21+$0x0] =	vst.add.f32.msk $0xffff, v5;
	v5 =	vnsel vm0, $0x0, v6  }
0x21e: {  	s23 =	sand.u32 $0xF, s22;
	vm1 =	veq.s32 v61, v0;
	v6 =	vbroadcast v1, $0xC;
	[tilespmem:s21+$0x2800] =	vst.add.f32.msk $0xffff, v5;
	v5 =	vnsel vm0, $0x0, v8  }
0x21f: {  	s25 =	sand.u32 $0xFFFFFFF0, s19;
	v9 =	vnsel vm1, $0x0, v10;
	v8 =	vmov s23;
	[tilespmem:s21+$0x5000] =	vst.add.f32.msk $0xffff, v5;
	v5 =	vbroadcast v4, $0xC  }
0x220: {  	vm2 =	veq.s32 v8, v0;
	v8 =	vbroadcast v3, $0xD;
	v6 =	vnsel vm1, $0x0, v6;
	[tilespmem:s25+$0x0] =	vst.add.f32.msk $0xffff, v9  }
0x221: {  	v7 =	vbroadcast v1, $0xE;
	[tilespmem:s25+$0x2800] =	vst.add.f32.msk $0xffff, v6;
	v6 =	vbroadcast v1, $0xD;
	v5 =	vnsel vm1, $0x0, v5  }
0x222: {  	s28 =	sand.u32 $0xFFFFFFF0, s22;
	s10 =	spop (v2sf);
	vm0 =	veq.s32 v62, v0;
	v4 =	vbroadcast v4, $0xE;
	v8 =	vnsel vm2, $0x0, v8;
	[tilespmem:s25+$0x5000] =	vst.add.f32.msk $0xffff, v5  }
0x223: {  	s29 =	sand.u32 $0xF, s10;
	v5 =	vnsel vm0, $0x0, v7;
	v7 =	vnsel vm2, $0x0, v6;
	[tilespmem:s28+$0x0] =	vst.add.f32.msk $0xffff, v8  }
0x224: {  	v4 =	vnsel vm0, $0x0, v4;
	v8 =	vmov s29;
	[tilespmem:s28+$0x2800] =	vst.add.f32.msk $0xffff, v7;
	v7 =	vnsel vm2, $0x0, v63  }
0x225: {  	s2 =	simm.s32 $0x80;
	s9 =	simm.s32 $0x10;
	s1 =	sand.u32 $0xFFFFFFF0, s24;
	v6 =	vbroadcast v3, $0xF;
	v3 =	vbroadcast v3, $0xE;
	[tilespmem:s28+$0x5000] =	vst.add.f32.msk $0xffff, v7;
	vm3 =	veq.s32 v8, v0  }
.LBB2_9:
0x226: {  	p1 =	sne.s32 s2, $0x1C0;
	[tilespmem:s1+$0x5000] =	vst.add.f32.msk $0xffff, v4;
	s0 =	smov.u32 s2;
	s2 =	sadd.s32 $0x40, s2  }
0x227: {  	v1 =	vbroadcast v1, $0xF;
	v3 =	vnsel vm0, $0x0, v3;
	[tilespmem:s1+$0x2800] =	vst.add.f32.msk $0xffff, v5  }
0x228: {  	v2 =	vnsel vm3, $0x0, v2;
	[tilespmem:s1+$0x0] =	vst.add.f32.msk $0xffff, v3;
	v3 =	vnsel vm3, $0x0, v6;
	s1 =	sand.u32 $0xFFFFFFF0, s10  }
0x229: {  	v1 =	vnsel vm3, $0x0, v1;
	[tilespmem:s1+$0x0] =	vst.add.f32.msk $0xffff, v3  }
0x22a: {  	[tilespmem:s1+$0x5000] =	vst.add.f32.msk $0xffff, v2  }
0x22b: {  	[tilespmem:s1+$0x2800] =	vst.add.f32.msk $0xffff, v1  }
0x22c: {  	v5 =	vld [tilespmem:s9+$0x7980];
	_ =	sdelay $0x4  }
0x22d: {  	(v2sf) =	vpush v5, $0x0  }
0x22e: {  	(v2sf) =	vpush v5, $0x1  }
0x22f: {  	(v2sf) =	vpush v5, $0x2  }
0x230: {  	(v2sf) =	vpush v5, $0x3  }
0x231: {  	(v2sf) =	vpush v5, $0x4  }
0x232: {  	(v2sf) =	vpush v5, $0x5  }
0x233: {  	(v2sf) =	vpush v5, $0x6  }
0x234: {  	(v2sf) =	vpush v5, $0x7  }
0x235: {  	(v2sf) =	vpush v5, $0x8  }
0x236: {  	(v2sf) =	vpush v5, $0x9  }
0x237: {  	v4 =	vld [tilespmem:s9+$0x7900];
	(v2sf) =	vpush v5, $0xA  }
0x238: {  	v1 =	vld [tilespmem:s9+$0x7880];
	(v2sf) =	vpush v5, $0xB  }
0x239: {  	v3 =	vld [tilespmem:s9+$0x7800];
	(v2sf) =	vpush v5, $0xC  }
0x23a: {  	(v2sf) =	vpush v5, $0xD  }
0x23b: {  	(v2sf) =	vpush v5, $0xE  }
0x23c: {  	v2 =	vbroadcast v4, $0xF;
	s1 =	spop (v2sf);
	(v2sf) =	vpush v5, $0xF  }
0x23d: {  	v6 =	vbroadcast v4, $0x0;
	s3 =	sand.u32 $0xF, s1;
	v5 =	vbroadcast v1, $0xE;
	s8 =	spop (v2sf)  }
0x23e: {  	v9 =	vbroadcast v1, $0x0;
	v7 =	vmov s3;
	v8 =	vbroadcast v3, $0x0;
	s3 =	sand.u32 $0xF, s8;
	s11 =	spop (v2sf)  }
0x23f: {  	v10 =	vbroadcast v3, $0x7;
	vm0 =	veq.s32 v7, v0;
	v7 =	vmov s3;
	s3 =	sand.u32 $0xF, s11;
	s10 =	spop (v2sf)  }
0x240: {  	s1 =	sand.u32 $0xFFFFFFF0, s1;
	v8 =	vnsel vm0, $0x0, v8;
	v9 =	vnsel vm0, $0x0, v9;
	v6 =	vnsel vm0, $0x0, v6;
	s12 =	sand.u32 $0xF, s10;
	s25 =	spop (v2sf)  }
0x241: {  	vm2 =	veq.s32 v7, v0;
	v7 =	vmov s3;
	[tilespmem:s1+$0x5000] =	vst.add.f32.msk $0xffff, v6;
	v6 =	vbroadcast v3, $0x1;
	s13 =	sand.u32 $0xF, s25;
	s18 =	spop (v2sf)  }
0x242: {  	s9 =	sshra.s32 s0, $0x2;
	vm1 =	veq.s32 v7, v0;
	v7 =	vmov s12;
	[tilespmem:s1+$0x0] =	vst.add.f32.msk $0xffff, v8;
	v8 =	vbroadcast v1, $0x1;
	s0 =	sand.u32 $0xF, s18;
	s3 =	spop (v2sf)  }
0x243: {  	s8 =	sand.u32 $0xFFFFFFF0, s8;
	vm0 =	veq.s32 v7, v0;
	[tilespmem:s1+$0x2800] =	vst.add.f32.msk $0xffff, v9;
	v6 =	vnsel vm2, $0x0, v6;
	v9 =	vbroadcast v4, $0x1;
	s12 =	sand.u32 $0xF, s3;
	s1 =	spop (v2sf)  }
0x244: {  	v7 =	vbroadcast v3, $0x2;
	[tilespmem:s8+$0x0] =	vst.add.f32.msk $0xffff, v6;
	v6 =	vnsel vm2, $0x0, v8;
	v8 =	vmov s13;
	s20 =	sand.u32 $0xF, s1;
	s16 =	spop (v2sf)  }
0x245: {  	[tilespmem:s8+$0x2800] =	vst.add.f32.msk $0xffff, v6;
	v6 =	vnsel vm2, $0x0, v9;
	v9 =	vbroadcast v1, $0x2;
	vm3 =	veq.s32 v8, v0;
	s24 =	sand.u32 $0xF, s16;
	s15 =	spop (v2sf)  }
0x246: {  	v8 =	vmov s0;
	[tilespmem:s8+$0x5000] =	vst.add.f32.msk $0xffff, v6;
	v6 =	vnsel vm1, $0x0, v7;
	s8 =	sand.u32 $0xFFFFFFF0, s11;
	v7 =	vbroadcast v4, $0x2;
	s23 =	sand.u32 $0xF, s15;
	s14 =	spop (v2sf)  }
0x247: {  	vm2 =	veq.s32 v8, v0;
	[tilespmem:s8+$0x0] =	vst.add.f32.msk $0xffff, v6;
	v6 =	vnsel vm1, $0x0, v9;
	v9 =	vbroadcast v3, $0x3;
	s22 =	sand.u32 $0xF, s14;
	s13 =	spop (v2sf)  }
0x248: {  	v8 =	vmov s12;
	[tilespmem:s8+$0x2800] =	vst.add.f32.msk $0xffff, v6;
	v6 =	vnsel vm1, $0x0, v7;
	v7 =	vbroadcast v1, $0x3;
	s21 =	sand.u32 $0xF, s13;
	s19 =	spop (v2sf)  }
0x249: {  	s0 =	sand.u32 $0xFFFFFFF0, s10;
	vm1 =	veq.s32 v8, v0;
	[tilespmem:s8+$0x5000] =	vst.add.f32.msk $0xffff, v6;
	v6 =	vnsel vm0, $0x0, v9;
	v9 =	vbroadcast v4, $0x3;
	s28 =	sand.u32 $0xF, s19;
	s12 =	spop (v2sf)  }
0x24a: {  	v8 =	vmov s20;
	[tilespmem:s0+$0x0] =	vst.add.f32.msk $0xffff, v6;
	v6 =	vnsel vm0, $0x0, v7;
	v7 =	vbroadcast v3, $0x4;
	s26 =	sand.u32 $0xF, s12;
	s11 =	spop (v2sf)  }
0x24b: {  	[tilespmem:s0+$0x2800] =	vst.add.f32.msk $0xffff, v6;
	v6 =	vnsel vm0, $0x0, v9;
	v9 =	vbroadcast v1, $0x4;
	vm0 =	veq.s32 v8, v0;
	s20 =	sand.u32 $0xF, s11;
	s10 =	spop (v2sf)  }
0x24c: {  	s8 =	sand.u32 $0xFFFFFFF0, s25;
	[tilespmem:s0+$0x5000] =	vst.add.f32.msk $0xffff, v6;
	v6 =	vnsel vm3, $0x0, v7;
	v7 =	vbroadcast v4, $0x4;
	v8 =	vnsel vm0, $0x0, v10;
	s0 =	sand.u32 $0xF, s10  }
0x24d: {  	v10 =	vmov s24;
	[tilespmem:s8+$0x0] =	vst.add.f32.msk $0xffff, v6;
	v6 =	vnsel vm3, $0x0, v9;
	v9 =	vbroadcast v3, $0x5  }
0x24e: {  	vm4 =	veq.s32 v10, v0;
	[tilespmem:s8+$0x2800] =	vst.add.f32.msk $0xffff, v6;
	v6 =	vnsel vm3, $0x0, v7;
	v7 =	vbroadcast v1, $0x5  }
0x24f: {  	v10 =	vbroadcast v3, $0x8;
	[tilespmem:s8+$0x5000] =	vst.add.f32.msk $0xffff, v6;
	v6 =	vnsel vm2, $0x0, v9;
	s8 =	sand.u32 $0xFFFFFFF0, s18;
	v9 =	vbroadcast v4, $0x5  }
0x250: {  	v11 =	vmov s23;
	[tilespmem:s8+$0x0] =	vst.add.f32.msk $0xffff, v6;
	v6 =	vnsel vm2, $0x0, v7;
	v7 =	vbroadcast v3, $0x6  }
0x251: {  	v10 =	vnsel vm4, $0x0, v10;
	[tilespmem:s8+$0x2800] =	vst.add.f32.msk $0xffff, v6;
	v6 =	vnsel vm2, $0x0, v9;
	v9 =	vbroadcast v1, $0x6  }
0x252: {  	s3 =	sand.u32 $0xFFFFFFF0, s3;
	v12 =	vmov s22;
	[tilespmem:s8+$0x5000] =	vst.add.f32.msk $0xffff, v6;
	v6 =	vnsel vm1, $0x0, v7;
	v7 =	vbroadcast v4, $0x6  }
0x253: {  	vm3 =	veq.s32 v12, v0;
	[tilespmem:s3+$0x0] =	vst.add.f32.msk $0xffff, v6;
	v6 =	vnsel vm1, $0x0, v9;
	v9 =	vbroadcast v3, $0xA  }
0x254: {  	v12 =	vmov s21;
	[tilespmem:s3+$0x2800] =	vst.add.f32.msk $0xffff, v6;
	v6 =	vnsel vm1, $0x0, v7;
	v7 =	vbroadcast v1, $0x7  }
0x255: {  	v13 =	vbroadcast v3, $0xB;
	s1 =	sand.u32 $0xFFFFFFF0, s1;
	[tilespmem:s3+$0x5000] =	vst.add.f32.msk $0xffff, v6;
	v6 =	vbroadcast v4, $0x7;
	v9 =	vnsel vm3, $0x0, v9  }
0x256: {  	v14 =	vbroadcast v3, $0xC;
	[tilespmem:s1+$0x0] =	vst.add.f32.msk $0xffff, v8;
	v7 =	vnsel vm0, $0x0, v7;
	v8 =	vmov s28  }
0x257: {  	[tilespmem:s1+$0x2800] =	vst.add.f32.msk $0xffff, v7;
	v6 =	vnsel vm0, $0x0, v6;
	v7 =	vbroadcast v1, $0x8;
	vm2 =	veq.s32 v8, v0  }
0x258: {  	[tilespmem:s1+$0x5000] =	vst.add.f32.msk $0xffff, v6;
	s1 =	sand.u32 $0xFFFFFFF0, s16;
	v6 =	vbroadcast v4, $0x8;
	v8 =	vnsel vm2, $0x0, v14;
	v14 =	vmov s26  }
0x259: {  	[tilespmem:s1+$0x0] =	vst.add.f32.msk $0xffff, v10;
	v7 =	vnsel vm4, $0x0, v7;
	v10 =	vbroadcast v3, $0x9;
	vm1 =	veq.s32 v14, v0  }
0x25a: {  	vm0 =	veq.s32 v11, v0;
	[tilespmem:s1+$0x2800] =	vst.add.f32.msk $0xffff, v7;
	v6 =	vnsel vm4, $0x0, v6;
	v7 =	vbroadcast v1, $0x9  }
0x25b: {  	v11 =	vbroadcast v3, $0xD;
	[tilespmem:s1+$0x5000] =	vst.add.f32.msk $0xffff, v6;
	v6 =	vnsel vm0, $0x0, v10;
	s1 =	sand.u32 $0xFFFFFFF0, s15;
	v10 =	vbroadcast v4, $0x9  }
0x25c: {  	v14 =	vmov s20;
	[tilespmem:s1+$0x0] =	vst.add.f32.msk $0xffff, v6;
	v6 =	vnsel vm0, $0x0, v7;
	v7 =	vbroadcast v1, $0xA  }
0x25d: {  	[tilespmem:s1+$0x2800] =	vst.add.f32.msk $0xffff, v6;
	v6 =	vnsel vm0, $0x0, v10;
	v10 =	vnsel vm1, $0x0, v11;
	vm0 =	veq.s32 v14, v0  }
0x25e: {  	[tilespmem:s1+$0x5000] =	vst.add.f32.msk $0xffff, v6;
	s1 =	sand.u32 $0xFFFFFFF0, s14;
	v6 =	vnsel vm3, $0x0, v7;
	v7 =	vbroadcast v4, $0xA;
	v5 =	vnsel vm0, $0x0, v5  }
0x25f: {  	v11 =	vmov s0;
	[tilespmem:s1+$0x2800] =	vst.add.f32.msk $0xffff, v6;
	v6 =	vbroadcast v3, $0xF  }
0x260: {  	vm4 =	veq.s32 v12, v0;
	[tilespmem:s1+$0x0] =	vst.add.f32.msk $0xffff, v9;
	v7 =	vnsel vm3, $0x0, v7;
	v9 =	vbroadcast v1, $0xB  }
0x261: {  	v12 =	vbroadcast v4, $0xB;
	s0 =	sand.u32 $0xFFFFFFF0, s13;
	vm3 =	veq.s32 v11, v0;
	[tilespmem:s1+$0x5000] =	vst.add.f32.msk $0xffff, v7;
	v7 =	vnsel vm4, $0x0, v13  }
0x262: {  	[tilespmem:s0+$0x0] =	vst.add.f32.msk $0xffff, v7;
	v7 =	vnsel vm4, $0x0, v9  }
0x263: {  	v9 =	vbroadcast v1, $0xC;
	[tilespmem:s0+$0x2800] =	vst.add.f32.msk $0xffff, v7;
	v7 =	vnsel vm4, $0x0, v12  }
0x264: {  	[tilespmem:s0+$0x5000] =	vst.add.f32.msk $0xffff, v7;
	s0 =	sand.u32 $0xFFFFFFF0, s19;
	v7 =	vbroadcast v4, $0xC  }
0x265: {  	[tilespmem:s0+$0x0] =	vst.add.f32.msk $0xffff, v8;
	v8 =	vnsel vm2, $0x0, v9  }
.Ltmp6:
0x266: {  	[tilespmem:s0+$0x2800] =	vst.add.f32.msk $0xffff, v8;
	v7 =	vnsel vm2, $0x0, v7;
	v8 =	vbroadcast v1, $0xD;
	(pc) =	sbr.rel @p1 .LBB2_9-.Ltmp6, $4  }
0x267: {  	[tilespmem:s0+$0x5000] =	vst.add.f32.msk $0xffff, v7;
	s0 =	sand.u32 $0xFFFFFFF0, s12;
	v7 =	vbroadcast v4, $0xD  }
0x268: {  	v4 =	vbroadcast v4, $0xE;
	[tilespmem:s0+$0x0] =	vst.add.f32.msk $0xffff, v10;
	v8 =	vnsel vm1, $0x0, v8  }
0x269: {  	[tilespmem:s0+$0x2800] =	vst.add.f32.msk $0xffff, v8;
	v7 =	vnsel vm1, $0x0, v7  }
0x26a: {  	v3 =	vbroadcast v3, $0xE;
	s1 =	sand.u32 $0xFFFFFFF0, s11;
	v4 =	vnsel vm0, $0x0, v4;
	[tilespmem:s0+$0x5000] =	vst.add.f32.msk $0xffff, v7  }
0x26b: {  	[tilespmem:s1+$0x5000] =	vst.add.f32.msk $0xffff, v4  }
0x26c: {  	[tilespmem:s1+$0x2800] =	vst.add.f32.msk $0xffff, v5;
	v3 =	vnsel vm0, $0x0, v3  }
0x26d: {  	v1 =	vbroadcast v1, $0xF;
	s0 =	sand.u32 $0xFFFFFFF0, s10;
	[tilespmem:s1+$0x0] =	vst.add.f32.msk $0xffff, v3;
	v3 =	vnsel vm3, $0x0, v6  }
0x26e: {  	v2 =	vnsel vm3, $0x0, v2;
	[tilespmem:s0+$0x0] =	vst.add.f32.msk $0xffff, v3  }
0x26f: {  	v1 =	vnsel vm3, $0x0, v1;
	[tilespmem:s0+$0x5000] =	vst.add.f32.msk $0xffff, v2  }
0x270: {  	[tilespmem:s0+$0x2800] =	vst.add.f32.msk $0xffff, v1  }
0x271: {  	v4 =	vld [tilespmem:s9+$0x7980];
	_ =	sdelay $0x4  }
0x272: {  	(v2sf) =	vpush v4, $0x0;
	_ =	sdelay $0x2  }
0x273: {  	(v2sf) =	vpush v4, $0x1;
	_ =	sdelay $0x2  }
0x274: {  	(v2sf) =	vpush v4, $0x2;
	_ =	sdelay $0x2  }
0x275: {  	(v2sf) =	vpush v4, $0x3;
	_ =	sdelay $0x2  }
0x276: {  	v2 =	vld [tilespmem:s9+$0x7900];
	(v2sf) =	vpush v4, $0x4  }
0x277: {  	v3 =	vld [tilespmem:s9+$0x7800]  }
0x278: {  	v1 =	vld [tilespmem:s9+$0x7880]  }
0x279: {  	(v2sf) =	vpush v4, $0x5;
	s25 =	spop (v2sf)  }
0x27a: {  	s26 =	sand.u32 $0xF, s25  }
0x27b: {  	v25 =	vbroadcast v2, $0x0;
	v26 =	vmov s26  }
0x27c: {  	v7 =	vbroadcast v3, $0x0;
	(v2sf) =	vpush v4, $0x6;
	s28 =	spop (v2sf);
	vm13 =	veq.s32 v26, v0  }
0x27d: {  	v27 =	vbroadcast v1, $0x0;
	v28 =	vbroadcast v3, $0x1;
	s0 =	sand.u32 $0xFFFFFFF0, s25;
	s2 =	sand.u32 $0xF, s28;
	v5 =	vnsel vm13, $0x0, v25  }
0x27e: {  	v29 =	vbroadcast v1, $0x1;
	v8 =	vmov s2;
	v7 =	vnsel vm13, $0x0, v7;
	[tilespmem:s0+$0x5000] =	vst.add.f32.msk $0xffff, v5  }
0x27f: {  	(v2sf) =	vpush v4, $0x7;
	s29 =	spop (v2sf);
	v6 =	vnsel vm13, $0x0, v27;
	vm14 =	veq.s32 v8, v0;
	[tilespmem:s0+$0x0] =	vst.add.f32.msk $0xffff, v7  }
0x280: {  	v30 =	vbroadcast v2, $0x1;
	v33 =	vbroadcast v3, $0x2;
	s1 =	sand.u32 $0xFFFFFFF0, s28;
	s3 =	sand.u32 $0xF, s29;
	[tilespmem:s0+$0x2800] =	vst.add.f32.msk $0xffff, v6;
	v5 =	vnsel vm14, $0x0, v28  }
0x281: {  	v35 =	vbroadcast v1, $0x2;
	v31 =	vmov s3;
	v32 =	vnsel vm14, $0x0, v29;
	[tilespmem:s1+$0x0] =	vst.add.f32.msk $0xffff, v5  }
0x282: {  	(v2sf) =	vpush v4, $0x8;
	s8 =	spop (v2sf);
	vm1 =	veq.s32 v31, v0;
	v34 =	vnsel vm14, $0x0, v30;
	[tilespmem:s1+$0x2800] =	vst.add.f32.msk $0xffff, v32  }
0x283: {  	v37 =	vbroadcast v2, $0x2;
	v40 =	vbroadcast v3, $0x3;
	s10 =	sand.u32 $0xFFFFFFF0, s29;
	s9 =	sand.u32 $0xF, s8;
	[tilespmem:s1+$0x5000] =	vst.add.f32.msk $0xffff, v34;
	v36 =	vnsel vm1, $0x0, v33  }
0x284: {  	v42 =	vbroadcast v1, $0x3;
	v38 =	vmov s9;
	v39 =	vnsel vm1, $0x0, v35;
	[tilespmem:s10+$0x0] =	vst.add.f32.msk $0xffff, v36  }
0x285: {  	(v2sf) =	vpush v4, $0x9;
	s11 =	spop (v2sf);
	vm15 =	veq.s32 v38, v0;
	v41 =	vnsel vm1, $0x0, v37;
	[tilespmem:s10+$0x2800] =	vst.add.f32.msk $0xffff, v39  }
0x286: {  	v44 =	vbroadcast v2, $0x3;
	v47 =	vbroadcast v3, $0x4;
	s13 =	sand.u32 $0xFFFFFFF0, s8;
	s12 =	sand.u32 $0xF, s11;
	[tilespmem:s10+$0x5000] =	vst.add.f32.msk $0xffff, v41;
	v43 =	vnsel vm15, $0x0, v40  }
0x287: {  	v49 =	vbroadcast v1, $0x4;
	v45 =	vmov s12;
	v46 =	vnsel vm15, $0x0, v42;
	[tilespmem:s13+$0x0] =	vst.add.f32.msk $0xffff, v43  }
0x288: {  	(v2sf) =	vpush v4, $0xA;
	s14 =	spop (v2sf);
	vm4 =	veq.s32 v45, v0;
	v48 =	vnsel vm15, $0x0, v44;
	[tilespmem:s13+$0x2800] =	vst.add.f32.msk $0xffff, v46  }
0x289: {  	v51 =	vbroadcast v2, $0x4;
	v54 =	vbroadcast v3, $0x5;
	s16 =	sand.u32 $0xFFFFFFF0, s11;
	s15 =	sand.u32 $0xF, s14;
	[tilespmem:s13+$0x5000] =	vst.add.f32.msk $0xffff, v48;
	v50 =	vnsel vm4, $0x0, v47  }
0x28a: {  	v56 =	vbroadcast v1, $0x5;
	v52 =	vmov s15;
	v53 =	vnsel vm4, $0x0, v49;
	[tilespmem:s16+$0x0] =	vst.add.f32.msk $0xffff, v50  }
0x28b: {  	(v2sf) =	vpush v4, $0xB;
	s18 =	spop (v2sf);
	vm5 =	veq.s32 v52, v0;
	v55 =	vnsel vm4, $0x0, v51;
	[tilespmem:s16+$0x2800] =	vst.add.f32.msk $0xffff, v53  }
0x28c: {  	v58 =	vbroadcast v2, $0x5;
	v61 =	vbroadcast v3, $0x6;
	s20 =	sand.u32 $0xFFFFFFF0, s14;
	s19 =	sand.u32 $0xF, s18;
	[tilespmem:s16+$0x5000] =	vst.add.f32.msk $0xffff, v55;
	v57 =	vnsel vm5, $0x0, v54  }
0x28d: {  	v63 =	vbroadcast v1, $0x6;
	v59 =	vmov s19;
	v60 =	vnsel vm5, $0x0, v56;
	[tilespmem:s20+$0x0] =	vst.add.f32.msk $0xffff, v57  }
0x28e: {  	(v2sf) =	vpush v4, $0xC;
	s21 =	spop (v2sf);
	vm6 =	veq.s32 v59, v0;
	v62 =	vnsel vm5, $0x0, v58;
	[tilespmem:s20+$0x2800] =	vst.add.f32.msk $0xffff, v60  }
0x28f: {  	v13 =	vbroadcast v2, $0x6;
	v14 =	vbroadcast v3, $0x7;
	s23 =	sand.u32 $0xFFFFFFF0, s18;
	s22 =	sand.u32 $0xF, s21;
	[tilespmem:s20+$0x5000] =	vst.add.f32.msk $0xffff, v62;
	v12 =	vnsel vm6, $0x0, v61  }
0x290: {  	v17 =	vbroadcast v1, $0x7;
	v9 =	vmov s22;
	v15 =	vnsel vm6, $0x0, v63;
	[tilespmem:s23+$0x0] =	vst.add.f32.msk $0xffff, v12  }
0x291: {  	(v2sf) =	vpush v4, $0xD;
	vm7 =	veq.s32 v9, v0;
	v16 =	vnsel vm6, $0x0, v13;
	[tilespmem:s23+$0x2800] =	vst.add.f32.msk $0xffff, v15;
	s24 =	spop (v2sf)  }
0x292: {  	v19 =	vbroadcast v2, $0x7;
	v21 =	vbroadcast v3, $0x8;
	s26 =	sand.u32 $0xFFFFFFF0, s21;
	v18 =	vnsel vm7, $0x0, v14;
	[tilespmem:s23+$0x5000] =	vst.add.f32.msk $0xffff, v16;
	s25 =	sand.u32 $0xF, s24  }
0x293: {  	v22 =	vbroadcast v1, $0x8;
	v6 =	vnsel vm7, $0x0, v17;
	[tilespmem:s26+$0x0] =	vst.add.f32.msk $0xffff, v18;
	v20 =	vmov s25  }
0x294: {  	v5 =	vnsel vm7, $0x0, v19;
	[tilespmem:s26+$0x2800] =	vst.add.f32.msk $0xffff, v6;
	(v2sf) =	vpush v4, $0xE;
	s28 =	spop (v2sf);
	vm8 =	veq.s32 v20, v0  }
0x295: {  	v24 =	vbroadcast v2, $0x8;
	v27 =	vbroadcast v3, $0x9;
	[tilespmem:s26+$0x5000] =	vst.add.f32.msk $0xffff, v5;
	s8 =	sand.u32 $0xFFFFFFF0, s24;
	s29 =	sand.u32 $0xF, s28;
	v23 =	vnsel vm8, $0x0, v21  }
0x296: {  	v29 =	vbroadcast v1, $0x9;
	v25 =	vmov s29;
	v26 =	vnsel vm8, $0x0, v22;
	[tilespmem:s8+$0x0] =	vst.add.f32.msk $0xffff, v23  }
0x297: {  	(v2sf) =	vpush v4, $0xF;
	s9 =	spop (v2sf);
	v28 =	vnsel vm8, $0x0, v24;
	vm9 =	veq.s32 v25, v0;
	[tilespmem:s8+$0x2800] =	vst.add.f32.msk $0xffff, v26  }
0x298: {  	v31 =	vbroadcast v2, $0x9;
	s11 =	sand.u32 $0xFFFFFFF0, s28;
	s10 =	sand.u32 $0xF, s9;
	[tilespmem:s8+$0x5000] =	vst.add.f32.msk $0xffff, v28;
	v30 =	vnsel vm9, $0x0, v27  }
0x299: {  	v34 =	vbroadcast v1, $0xA;
	v32 =	vmov s10;
	v33 =	vnsel vm9, $0x0, v29;
	[tilespmem:s11+$0x0] =	vst.add.f32.msk $0xffff, v30  }
0x29a: {  	v35 =	vbroadcast v3, $0xA;
	s12 =	spop (v2sf);
	vm10 =	veq.s32 v32, v0;
	v36 =	vnsel vm9, $0x0, v31;
	[tilespmem:s11+$0x2800] =	vst.add.f32.msk $0xffff, v33  }
0x29b: {  	v38 =	vbroadcast v2, $0xA;
	s14 =	sand.u32 $0xFFFFFFF0, s9;
	s13 =	sand.u32 $0xF, s12;
	[tilespmem:s11+$0x5000] =	vst.add.f32.msk $0xffff, v36;
	v37 =	vnsel vm10, $0x0, v34  }
0x29c: {  	v40 =	vbroadcast v3, $0xB;
	v39 =	vmov s13;
	v7 =	vnsel vm10, $0x0, v35;
	[tilespmem:s14+$0x2800] =	vst.add.f32.msk $0xffff, v37  }
0x29d: {  	v42 =	vbroadcast v1, $0xB;
	s15 =	spop (v2sf);
	v41 =	vnsel vm10, $0x0, v38;
	vm11 =	veq.s32 v39, v0;
	[tilespmem:s14+$0x0] =	vst.add.f32.msk $0xffff, v7  }
0x29e: {  	v44 =	vbroadcast v2, $0xB;
	s18 =	sand.u32 $0xFFFFFFF0, s12;
	s16 =	sand.u32 $0xF, s15;
	[tilespmem:s14+$0x5000] =	vst.add.f32.msk $0xffff, v41;
	v43 =	vnsel vm11, $0x0, v40  }
0x29f: {  	v46 =	vbroadcast v3, $0xC;
	v45 =	vmov s16;
	v47 =	vnsel vm11, $0x0, v42;
	[tilespmem:s18+$0x0] =	vst.add.f32.msk $0xffff, v43  }
0x2a0: {  	v49 =	vbroadcast v1, $0xC;
	s19 =	spop (v2sf);
	vm12 =	veq.s32 v45, v0;
	v48 =	vnsel vm11, $0x0, v44;
	[tilespmem:s18+$0x2800] =	vst.add.f32.msk $0xffff, v47  }
0x2a1: {  	v51 =	vbroadcast v2, $0xC;
	s21 =	sand.u32 $0xFFFFFFF0, s15;
	s20 =	sand.u32 $0xF, s19;
	v50 =	vnsel vm12, $0x0, v46;
	[tilespmem:s18+$0x5000] =	vst.add.f32.msk $0xffff, v48  }
0x2a2: {  	v53 =	vbroadcast v3, $0xD;
	v5 =	vnsel vm12, $0x0, v49;
	v52 =	vmov s20;
	[tilespmem:s21+$0x0] =	vst.add.f32.msk $0xffff, v50  }
0x2a3: {  	v54 =	vbroadcast v1, $0xD;
	v4 =	vnsel vm12, $0x0, v51;
	[tilespmem:s21+$0x2800] =	vst.add.f32.msk $0xffff, v5;
	vm13 =	veq.s32 v52, v0;
	s22 =	spop (v2sf)  }
0x2a4: {  	v56 =	vbroadcast v2, $0xD;
	s24 =	sand.u32 $0xFFFFFFF0, s19;
	[tilespmem:s21+$0x5000] =	vst.add.f32.msk $0xffff, v4;
	v55 =	vnsel vm13, $0x0, v53;
	s23 =	sand.u32 $0xF, s22  }
0x2a5: {  	v58 =	vbroadcast v2, $0xE;
	v5 =	vnsel vm13, $0x0, v54;
	[tilespmem:s24+$0x0] =	vst.add.f32.msk $0xffff, v55;
	v57 =	vmov s23  }
0x2a6: {  	v59 =	vbroadcast v1, $0xE;
	v4 =	vnsel vm13, $0x0, v56;
	[tilespmem:s24+$0x2800] =	vst.add.f32.msk $0xffff, v5;
	s25 =	spop (v2sf);
	vm14 =	veq.s32 v57, v0  }
0x2a7: {  	v60 =	vbroadcast v3, $0xE;
	[tilespmem:s24+$0x5000] =	vst.add.f32.msk $0xffff, v4;
	s28 =	sand.u32 $0xFFFFFFF0, s22;
	s26 =	sand.u32 $0xF, s25;
	v61 =	vnsel vm14, $0x0, v58  }
0x2a8: {  	v3 =	vbroadcast v3, $0xF;
	v63 =	vmov s26;
	v62 =	vnsel vm14, $0x0, v59;
	[tilespmem:s28+$0x5000] =	vst.add.f32.msk $0xffff, v61  }
.Ltmp7:
0x2a9: {  	v2 =	vbroadcast v2, $0xF;
	vm15 =	veq.s32 v63, v0;
	v4 =	vnsel vm14, $0x0, v60;
	[tilespmem:s28+$0x2800] =	vst.add.f32.msk $0xffff, v62;
	(pc) =	sbr.rel .LBB2_11-.Ltmp7, $4  }
0x2aa: {  	v1 =	vbroadcast v1, $0xF;
	s29 =	sand.u32 $0xFFFFFFF0, s25;
	[tilespmem:s28+$0x0] =	vst.add.f32.msk $0xffff, v4;
	v3 =	vnsel vm15, $0x0, v3  }
0x2ab: {  	v2 =	vnsel vm15, $0x0, v2;
	[tilespmem:s29+$0x0] =	vst.add.f32.msk $0xffff, v3  }
0x2ac: {  	v1 =	vnsel vm15, $0x0, v1;
	[tilespmem:s29+$0x5000] =	vst.add.f32.msk $0xffff, v2  }
0x2ad: {  	s8 =	rddreg [dreg:$0xc];
	[tilespmem:s29+$0x2800] =	vst.add.f32.msk $0xffff, v1  }
.LBB2_12:
0x2ae: {  	_ =	sfence.sel $0x180000  }
0x2af: {  	[bflag:$0x0] =	sbarrier.arrive $0xFFFF  }
0x2b0: {  	_ =	strace $0x9000004A  }
0x2b1: {  	s0 =	stileid.u32;
	[bflag:$0x2] =	sbarrier.arrive $0xFFFF  }
0x2b2: {  	p0 =	sne.s32 s0, $0x0;
	s0 =	rddreg [dreg:$0x2]  }
0x2b3: {  	s0 =	sadd.s32 @!p0 $0x100000, s0  }
0x2b4: {  	[sflag:s0] =	ssyncadd.tile.s32 @!p0 $0x1;
	_ =	shalt  }
.Lfunc_end2:
_tile_overlayer_lowered:
.L_overlay_start_2:
0x2b5: {  	(tag) =	ssettag $0x2  }
0x2b6: {  	s0 =	rddreg [dreg:$0x0];
	s2 =	stileid.u32  }
0x2b7: {  	s1 =	rddreg [dreg:$0x1];
	p0 =	sne.s32 s2, $0x0  }
0x2b8: {  	s3 =	rddreg [dreg:$0x2];
	[bflag:$0x3] =	sbarrier.arrive $0xFFFF;
	s2 =	simm.s32 @!p0 $0x1C03  }
0x2b9: {  	[timem:s3], [sflag:s2] =	dma.local @!p0 [hbm:s0], s1  }
0x2ba: {  	s0 =	simm.s32 @!p0 $0x3  }
0x2bb: {  	_ =	swait.ge @!p0 [sflag:s0], s1  }
0x2bc: {  	s1 =	ssub.s32 @!p0 $0x0, s1;
	[sflag:s0] =	ssyncset.done @!p0 $0x0  }
0x2bd: {  	[sflag:s0] =	ssyncadd.s32 @!p0 s1  }
0x2be: {  	[bflag:$0x3] =	sbarrier.arrive $0xFFFF  }
0x2bf: {  	_ =	shalt  }

// kernel: kernel.7.cloned.1.call-start
scs
__scs_entry_jumppad:
0x0: {  	(pc) =	sbr.rel $0x88, $3  }
0x1: {  	(tag) =	ssettag $0x0;
	lr =	simm.s32 $0x1  }
0x2: {  	[smem:$0x3F95] =	sst lr;
	_ =	strace $0xD0000000  }
0x3: {  	_ = 	snop  }
0x4: {  	_ = 	snop  }
0x5: {  	_ = 	snop  }
0x6: {  	_ = 	snop  }
0x7: {  	_ = 	snop  }
__scs_overlays_trampoline_lowered:
0x8: {  	[smem:$0x3FA4] =	sst s0  }
0x9: {  	[smem:$0x3FA5] =	sst s1  }
0xa: {  	[smem:$0x3FA6] =	sst s2  }
0xb: {  	[smem:$0x3FA7] =	sst s3  }
0xc: {  	[smem:$0x3FA8] =	sst s4  }
0xd: {  	[smem:$0x3FA9] =	sst s5  }
0xe: {  	[smem:$0x3FAA] =	sst s6  }
0xf: {  	[smem:$0x3FAB] =	sst s7  }
0x10: {  	[smem:$0x3FAC] =	sst s8  }
0x11: {  	[smem:$0x3FAD] =	sst s9;
	s0 =	simm.s32 @!p0 $0x0  }
0x12: {  	s1 =	sld [smem:$0x3F93];
	s0 =	simm.s32 @p0 $0x1  }
0x13: {  	[smem:$0x3FAE] =	sst s0;
	s0 =	simm.s32 @!p1 $0x0  }
0x14: {  	s2 =	sld [smem:$0x3F92];
	s0 =	simm.s32 @p1 $0x1  }
0x15: {  	[smem:$0x3FAF] =	sst s0;
	s0 =	simm.s32 @!p2 $0x0  }
0x16: {  	s3 =	sld [smem:$0x3FDB];
	s0 =	simm.s32 @p2 $0x1  }
0x17: {  	s4 =	simm.s32 $0x1BF5;
	[smem:$0x3FB1] =	sst s0  }
0x18: {  	s0 =	sld [smem:$0x3F94];
	_ =	swait.ge [sflag:s4], $0x0  }
0x19: {  	s7 =	sld [smem:$0x3F95]  }
0x1a: {  	s8 =	sadd.s32 $0xFFFFE003, lr  }
0x1b: {  	s9 =	sadd.s32 $0xFFFFFEF7, lr;
	s5 =	simm.s32 $0xFFFFFFFF;
	p2 =	slt.u32 s8, $0xFFFFF086  }
0x1c: {  	p1 =	slt.u32 s9, $0xF7A;
	s5 =	simm.s32 @!p2 $0x0  }
0x1d: {  	s5 =	simm.s32 @p1 $0x1;
	p0 =	seq.s32 s7, s2  }
0x1e: {  	s7 =	smul.u32 @!p0 $0xF7A, s2;
	p2 =	seq.s32 @!p0 s5, $0x0  }
0x1f: {  	s9 =	smul.u32 $0xF7A, s1;
	s8 =	simm.s32 @!p0 $0x1BF5;
	p2 =	por !p2, p0  }
0x20: {  	[sflag:s8] =	ssyncset.s32 @!p0 $0xFFFFF086;
	s6 =	sadd.s32 @!p0 s3, s7;
	s7 =	simm.s32 @!p0 $0x108  }
0x21: {  	s3 =	sadd.s32 s3, s9;
	s6 =	sadd.s32 @!p0 $0x88, s6;
	s7 =	simm.s32 @p2 $0x1082  }
0x22: {  	[simem:s7], [sflag:s8] =	dma.local @!p0 [hbm:s6], $0xF7A  }
0x23: {  	s9 =	sor.u32 $0xD0000000, s2;
	s6 =	simm.s32 $0x108;
	_ =	swait.ge @!p0 [sflag:s8], $0x0  }
0x24: {  	s3 =	sadd.s32 $0x88, s3;
	s6 =	simm.s32 @!p1 $0x1082;
	[sflag:s4] =	ssyncset.s32 $0xFFFFF086  }
0x25: {  	[simem:s6], [sflag:s4] =	dma.local [hbm:s3], $0xF7A  }
0x26: {  	[smem:$0x3F95] =	sst s1;
	(tag) =	ssettag s2;
	_ =	strace s9  }
0x27: {  	s1 =	sld [smem:$0x3FA5]  }
0x28: {  	s2 =	sld [smem:$0x3FA6]  }
0x29: {  	s4 =	sld [smem:$0x3FA8]  }
0x2a: {  	p0 =	seq.s32 s5, $0x0;
	s5 =	sld [smem:$0x3FA9]  }
0x2b: {  	s6 =	sld [smem:$0x3FAA]  }
0x2c: {  	s7 =	sld [smem:$0x3FAB]  }
0x2d: {  	s3 =	simm.s32 $0x108;
	s8 =	sld [smem:$0x3FAC]  }
0x2e: {  	s3 =	simm.s32 @!p0 $0x1082;
	s9 =	sld [smem:$0x3FAD]  }
0x2f: {  	lr =	sadd.s32 s0, s3;
	s0 =	sld [smem:$0x3FA4]  }
0x30: {  	s3 =	sld [smem:$0x3FA7]  }
0x31: {  	[smem:$0x3FB0] =	sst s10  }
0x32: {  	s10 =	sld [smem:$0x3FAE];
	_ =	sdelay $0x3  }
0x33: {  	p0 =	seq.s32 s10, $0x1;
	s10 =	sld [smem:$0x3FB0];
	_ =	sdelay $0x3  }
0x34: {  	[smem:$0x3FB0] =	sst s10  }
0x35: {  	s10 =	sld [smem:$0x3FAF];
	_ =	sdelay $0x3  }
0x36: {  	p1 =	seq.s32 s10, $0x1;
	s10 =	sld [smem:$0x3FB0];
	_ =	sdelay $0x3  }
0x37: {  	[smem:$0x3FB0] =	sst s10  }
0x38: {  	s10 =	sld [smem:$0x3FB1]  }
0x39: {  	_ = 	snop;
	(pc) =	sbr.ind lr, $3  }
0x3a: {  	_ = 	snop  }
0x3b: {  	_ = 	snop  }
0x3c: {  	p2 =	seq.s32 s10, $0x1;
	s10 =	sld [smem:$0x3FB0]  }
0x3d: {  	_ =	shalt  }
0x3e: {  	_ =	shalt  }
0x3f: {  	_ =	shalt  }
0x40: {  	_ =	shalt  }
0x41: {  	_ =	shalt  }
0x42: {  	_ =	shalt  }
0x43: {  	_ =	shalt  }
0x44: {  	_ =	shalt  }
0x45: {  	_ =	shalt  }
0x46: {  	_ =	shalt  }
0x47: {  	_ =	shalt  }
0x48: {  	_ =	shalt  }
0x49: {  	_ =	shalt  }
0x4a: {  	_ =	shalt  }
0x4b: {  	_ =	shalt  }
0x4c: {  	_ =	shalt  }
0x4d: {  	_ =	shalt  }
0x4e: {  	_ =	shalt  }
0x4f: {  	_ =	shalt  }
0x50: {  	_ =	shalt  }
0x51: {  	_ =	shalt  }
0x52: {  	_ =	shalt  }
0x53: {  	_ =	shalt  }
0x54: {  	_ =	shalt  }
0x55: {  	_ =	shalt  }
0x56: {  	_ =	shalt  }
0x57: {  	_ =	shalt  }
0x58: {  	_ =	shalt  }
0x59: {  	_ =	shalt  }
0x5a: {  	_ =	shalt  }
0x5b: {  	_ =	shalt  }
0x5c: {  	_ =	shalt  }
0x5d: {  	_ =	shalt  }
0x5e: {  	_ =	shalt  }
0x5f: {  	_ =	shalt  }
0x60: {  	_ =	shalt  }
0x61: {  	_ =	shalt  }
0x62: {  	_ =	shalt  }
0x63: {  	_ =	shalt  }
0x64: {  	_ =	shalt  }
0x65: {  	_ =	shalt  }
0x66: {  	_ =	shalt  }
0x67: {  	_ =	shalt  }
0x68: {  	_ =	shalt  }
0x69: {  	_ =	shalt  }
0x6a: {  	_ =	shalt  }
0x6b: {  	_ =	shalt  }
0x6c: {  	_ =	shalt  }
0x6d: {  	_ =	shalt  }
0x6e: {  	_ =	shalt  }
0x6f: {  	_ =	shalt  }
0x70: {  	_ =	shalt  }
0x71: {  	_ =	shalt  }
0x72: {  	_ =	shalt  }
0x73: {  	_ =	shalt  }
0x74: {  	_ =	shalt  }
0x75: {  	_ =	shalt  }
0x76: {  	_ =	shalt  }
0x77: {  	_ =	shalt  }
0x78: {  	_ =	shalt  }
0x79: {  	_ =	shalt  }
0x7a: {  	_ =	shalt  }
0x7b: {  	_ =	shalt  }
0x7c: {  	_ =	shalt  }
0x7d: {  	_ =	shalt  }
0x7e: {  	_ =	shalt  }
0x7f: {  	_ =	shalt  }
0x80: {  	_ =	shalt  }
0x81: {  	_ =	shalt  }
0x82: {  	_ =	shalt  }
0x83: {  	_ =	shalt  }
0x84: {  	_ =	shalt  }
0x85: {  	_ =	shalt  }
0x86: {  	_ =	shalt  }
0x87: {  	_ =	shalt  }
.Lfunc_end0:
.L_simem_size_0:
called_computation_lowered:
.L_overlay_start_0:
0x88: {  	s2 =	sld [smem:$0x3FD9]  }
0x89: {  	s3 =	sld [smem:$0x3FFE];
	_ =	sdelay $0x1  }
0x8a: {  	s1 =	srdreg.scid  }
0x8b: {  	s0 =	sand.u32 $0x1, s1  }
0x8c: {  	s16 =	sshll.u32 s0, $0xA;
	s2 =	sadd.s32 s3, s2  }
0x8d: {  	s2 =	sadd.s32 s2, s16  }
0x8e: {  	[smem:$0x3FBC] =	sst s2  }
0x8f: {  	_ = 	snop  }
0x90: {  	(tm) =	ssettm $0x1  }
0x91: {  	s17 =	sld [smem:$0x3FFB];
	_ =	sdelay $0x3  }
0x92: {  	_ =	strace s17  }
0x93: {  	s2 =	sld [smem:$0x3FFC];
	_ =	sdelay $0x3  }
0x94: {  	_ =	strace s2  }
0x95: {  	s2 =	sld [smem:$0x3FFD];
	_ =	sdelay $0x3  }
0x96: {  	_ =	strace s2  }
0x97: {  	_ =	strace $0x8FFFFFFF  }
0x98: {  	s18 =	sld [smem:$0x3FDB];
	_ =	sdelay $0x1  }
0x99: {  	s19 =	simm.s32 $_scs_section_size  }
0x9a: {  	s4 =	simm.s32 $_size__tile_overlayer_lowered;
	s5 =	simm.s32 $_tile_overlayer_lowered  }
0x9b: {  	s22 =	simm.s32 $0x1BFF;
	s21 =	sshll.u32 s5, $0x1;
	s2 =	sadd.s32 s19, s18  }
0x9c: {  	s6 =	simm.s32 $0x0;
	s20 =	sshll.u32 s4, $0x1;
	s4 =	sadd.s32 s21, s2  }
0x9d: {  	[timem:s6], [sflag:s22] =	dma.local [hbm:s4], s20  }
0x9e: {  	_ =	swait.ge [sflag:s22], s20  }
0x9f: {  	s3 =	ssub.s32 $0x0, s20;
	[sflag:s22] =	ssyncset.done $0x0  }
0xa0: {  	[sflag:s22] =	ssyncadd.s32 s3;
	_ =	sdelay $0x1  }
0xa1: {  	s23 =	simm.s32 $0x1B8B  }
0xa2: {  	_ =	swait.ge [sflag:s23], $0x1  }
0xa3: {  	[sflag:s23] =	ssyncset.done $0x0  }
0xa4: {  	s25 =	simm.s32 $0x1B8E;
	s24 =	sld [smem:$0x3FFE];
	[sflag:s23] =	ssyncadd.s32 $0xFFFFFFFF  }
0xa5: {  	s26 =	simm.s32 $execute0_lowered;
	[smem:$0x3FD2] =	sst s25  }
0xa6: {  	s4 =	sshll.u32 s26, $0x1;
	_ =	strace $0x80000046;
	[dreg:$0x1] =	wrdreg $0xFFFFFFFF  }
0xa7: {  	s28 =	simm.s32 $_size_execute0_lowered;
	s2 =	sadd.s32 s2, s4;
	[dreg:$0x0] =	wrdreg $0x0  }
0xa8: {  	s4 =	sshll.u32 s28, $0x1;
	[dreg:$0x2] =	wrdreg s2  }
0xa9: {  	[dreg:$0x3] =	wrdreg s4  }
0xaa: {  	[dreg:$0x4] =	wrdreg $0xC0  }
0xab: {  	_ =	task [dreg:s6], $0x5FFFF  }
0xac: {  	[dreg:$0x1] =	wrdreg $0xFFFFFFFF  }
0xad: {  	[dreg:$0x0] =	wrdreg $0x60  }
0xae: {  	[dreg:$0x2] =	wrdreg s24  }
0xaf: {  	[dreg:$0x3] =	wrdreg $0x9  }
0xb0: {  	_ =	task.clear_ibuf [dreg:s6], $0x4FFFF;
	_ =	strace $0x90000046  }
0xb1: {  	s29 =	simm.s32 $0x9;
	_ =	strace $0x80000048  }
0xb2: {  	_ =	swait.ge [sflag:s29], $0x1  }
0xb3: {  	[sflag:s29] =	ssyncadd.s32 $0xFFFFFFFF  }
0xb4: {  	_ =	strace $0x90000048  }
0xb5: {  	_ =	sfence  }
0xb6: {  	s30 =	sld [smem:$0x0];
	_ =	sdelay $0x2  }
0xb7: {  	s31 =	sshll.u32 s1, $0xD;
	s1 =	sshrl.u32 s1, $0x2  }
0xb8: {  	s3 =	sand.u32 $0x4000, s31;
	s1 =	sadd.s32 s1, s30  }
0xb9: {  	s0 =	sor.u32 s3, s0;
	s1 =	sshll.u32 s1, $0x11  }
0xba: {  	s0 =	sor.u32 s1, s0  }
0xbb: {  	s0 =	sadd.s32 $0x8F2B, s0  }
0xbc: {  	[sflag:s0] =	ssyncadd.remote.s32 $0x1  }
0xbd: {  	_ =	sfence.sel $0xFFFF  }
0xbe: {  	[dreg:$0x0] =	wrdreg $0xFFFFFFFF;
	(pc) =	sbr.abs _section_cstart, $3  }
0xbf: {  	[dreg:$0x1] =	wrdreg $0xFFFFFFFF  }
0xc0: {  	_ =	task.clear_ibuf [dreg:s6], $0x2FFFF;
	_ =	strace $0x9FFFFFFF  }
0xc1: {  	(tm) =	ssettm $0x7FFFFFFF  }
tec
execute0_lowered:
.L_overlay_start_1:
0x0: {  	(tag) =	ssettag $0x1  }
0x1: {  	s0 =	rddreg [dreg:$0x0];
	s1 =	simm.s32 $0x0  }
0x2: {  	s5 =	srdreg.scid;
	s2 =	stileid.u32;
	s14 =	simm.s32 $0x5  }
0x3: {  	s15 =	simm.s32 $0x80;
	s16 =	simm.s32 $0x200;
	s17 =	simm.s32 $0x4200  }
0x4: {  	s18 =	simm.s32 $0x100;
	s19 =	simm.s32 $0x180;
	s20 =	simm.s32 $0x1  }
0x5: {  	s21 =	simm.s32 $0x8200;
	s22 =	simm.s32 $0xC200;
	s23 =	simm.s32 $0x2  }
0x6: {  	s24 =	simm.s32 $0x3;
	s25 =	simm.s32 $0x4;
	s26 =	simm.s32 $0x0  }
0x7: {  	[smem:$0x7FF] =	sst s1;
	s3 =	sadd.s32 $0x14E00, s0;
	s4 =	sadd.s32 $0x3C000, s0  }
0x8: {  	s6 =	sand.u32 $0x1, s5;
	s7 =	sshll.u32 s2, $0x1;
	s5 =	sadd.s32 $0xB000, s0  }
0x9: {  	s8 =	sadd.s32 $0x63200, s0;
	p0 =	sgt.u32 s2, $0x1;
	s10 =	sor.u32 s6, s7  }
.Ltmp0:
0xa: {  	s9 =	ssub.s32 $0x2, s6;
	s7 =	sshll.u32 s10, $0x7;
	(pc) =	sbr.rel .LBB2_1-.Ltmp0, $4  }
0xb: {  	_ =	strace $0x80000047;
	s11 =	sshrl.u32 s9, $0x1;
	s31 =	sor.u32 $0x4E000, s7  }
0xc: {  	s6 =	sadd.s32 $0x1200, s0;
	s30 =	ssub.s32 s9, s11;
	s12 =	sshrl.u32 s31, $0x3  }
0xd: {  	s9 =	sor.u32 $0x20, s10;
	s13 =	sshll.u32 s31, $0x4;
	s10 =	sadd.s32 s5, s12  }
0xe: {  	s11 =	sadd.s32 s6, s12;
	s12 =	sadd.s32 s8, s13;
	s13 =	smax.u32 s30, $0x1  }
.LBB2_11:
0xf: {  	s26 =	sadd.s32 $0x1, s26  }
0x10: {  	p1 =	sne.s32 s26, s13  }
.Ltmp1:
0x11: {  	_ = 	snop;
	(pc) =	sbr.rel @!p1 .LBB2_12-.Ltmp1, $1  }
0x12: {  	_ =	sdelay $0x3  }
.LBB2_1:
0x13: {  	s28 =	simm.s32 $0x0  }
.LBB2_2:
0x14: {  	s0 =	sshll.u32 s28, $0xD  }
0x15: {  	s30 =	sor.u32 s7, s0  }
0x16: {  	s0 =	sshrl.u32 s30, $0x3  }
0x17: {  	s31 =	simm.s32 $0x0;
	s29 =	sadd.s32 s5, s0  }
0x18: {  	[tilespmem:s31], [sflag:$0x5] =	stream.linear.gather [hbm4b:s29+s31], $0x80, $0x38;
	[tilespmem:$0x10200] =	vst v63  }
0x19: {  	_ =	swait.ge [sflag:s14], $0x80  }
0x1a: {  	[sflag:s14] =	ssyncset.done $0x0  }
0x1b: {  	s0 =	sadd.s32 s6, s0;
	[sflag:s14] =	ssyncadd.s32 $0xFFFFFF80  }
0x1c: {  	[tilespmem:s15], [sflag:$0x5] =	stream.linear.gather [hbm4b:s0+s31], $0x80, $0x38;
	[tilespmem:$0x10200] =	vst v63  }
0x1d: {  	_ =	swait.ge [sflag:s14], $0x80  }
0x1e: {  	s2 =	sshll.u32 s28, $0x6;
	[sflag:s14] =	ssyncset.done $0x0  }
0x1f: {  	s29 =	sor.u32 s9, s2;
	[sflag:s14] =	ssyncadd.s32 $0xFFFFFF80  }
0x20: {  	[tilespmem:s16], [sflag:$0x1] =	stream.indirect.gather [hbm4b:s3+s15], $0x80, s31, s15, $0xb8;
	[tilespmem:$0x10200] =	vst v63  }
0x21: {  	s0 =	sshll.u32 s29, $0x4  }
0x22: {  	[tilespmem:s17], [sflag:$0x1] =	stream.indirect.gather [hbm4b:s4+s15], $0x80, s15, s15, $0xb8;
	[tilespmem:$0x10200] =	vst v63  }
0x23: {  	s2 =	sadd.s32 s5, s0  }
0x24: {  	[tilespmem:s18], [sflag:$0x5] =	stream.linear.gather [hbm4b:s2+s31], $0x80, $0x38;
	[tilespmem:$0x10200] =	vst v63  }
0x25: {  	_ =	swait.ge [sflag:s14], $0x80  }
0x26: {  	[sflag:s14] =	ssyncset.done $0x0  }
0x27: {  	s0 =	sadd.s32 s6, s0;
	[sflag:s14] =	ssyncadd.s32 $0xFFFFFF80  }
0x28: {  	[tilespmem:s19], [sflag:$0x5] =	stream.linear.gather [hbm4b:s0+s31], $0x80, $0x38;
	[tilespmem:$0x10200] =	vst v63  }
0x29: {  	_ =	swait.ge [sflag:s14], $0x80  }
0x2a: {  	[sflag:s14] =	ssyncset.done $0x0  }
0x2b: {  	[sflag:s14] =	ssyncadd.s32 $0xFFFFFF80  }
0x2c: {  	_ =	swait.ge [sflag:s20], $0x4000  }
0x2d: {  	[sflag:s20] =	ssyncset.done $0x0  }
0x2e: {  	[sflag:s20] =	ssyncadd.s32 $0xFFFFC000  }
0x2f: {  	_ =	swait.ge [sflag:s20], $0x4000  }
0x30: {  	[sflag:s20] =	ssyncset.done $0x0  }
0x31: {  	[sflag:s20] =	ssyncadd.s32 $0xFFFFC000  }
0x32: {  	[tilespmem:s21], [sflag:$0x2] =	stream.indirect.gather [hbm4b:s3+s15], $0x80, s18, s15, $0xb8;
	[tilespmem:$0x10200] =	vst v63  }
0x33: {  	s31 =	simm.s32 $0x0  }
0x34: {  	[tilespmem:s22], [sflag:$0x2] =	stream.indirect.gather [hbm4b:s4+s15], $0x80, s19, s15, $0xb8;
	[tilespmem:$0x10200] =	vst v63  }
0x35: {  	v7 =	vld [tilespmem:s31+$0x4200]  }
0x36: {  	v11 =	vld [tilespmem:s31+$0x4210]  }
0x37: {  	v5 =	vld [tilespmem:s31+$0x4220]  }
0x38: {  	v4 =	vld [tilespmem:s31+$0x4230]  }
0x39: {  	v3 =	vld [tilespmem:s31+$0x4240]  }
0x3a: {  	v2 =	vld [tilespmem:s31+$0x4250]  }
0x3b: {  	v1 =	vld [tilespmem:s31+$0x4260]  }
0x3c: {  	v0 =	vld [tilespmem:s31+$0x4270]  }
0x3d: {  	v12 =	vld [tilespmem:s31+$0x200]  }
0x3e: {  	v13 =	vld [tilespmem:s31+$0x210]  }
0x3f: {  	v10 =	vld [tilespmem:s31+$0x220]  }
0x40: {  	v9 =	vld [tilespmem:s31+$0x230]  }
0x41: {  	v8 =	vld [tilespmem:s31+$0x240]  }
0x42: {  	v6 =	vld [tilespmem:s31+$0x250];
	v12 =	vadd.f32 v7, v12  }
0x43: {  	s0 =	simm.s32 $0x200;
	v11 =	vadd.f32 v11, v13;
	v7 =	vld [tilespmem:s31+$0x260]  }
.LBB2_3:
0x44: {  	s2 =	sshra.s32 s0, $0x2;
	p1 =	sne.s32 s0, $0xFE00;
	[tilespmem:s31+$0x200] =	vst v12;
	v5 =	vadd.f32 v5, v10;
	v10 =	vld [tilespmem:s31+$0x270]  }
0x45: {  	v12 =	vld [tilespmem:s2+$0x4200];
	[tilespmem:s31+$0x210] =	vst v11;
	v4 =	vadd.f32 v4, v9  }
0x46: {  	v11 =	vld [tilespmem:s2+$0x4210];
	[tilespmem:s31+$0x220] =	vst v5;
	v3 =	vadd.f32 v3, v8  }
0x47: {  	v5 =	vld [tilespmem:s2+$0x4220];
	[tilespmem:s31+$0x230] =	vst v4;
	v2 =	vadd.f32 v2, v6  }
0x48: {  	v4 =	vld [tilespmem:s2+$0x4230];
	[tilespmem:s31+$0x240] =	vst v3;
	v1 =	vadd.f32 v1, v7  }
0x49: {  	v3 =	vld [tilespmem:s2+$0x4240];
	[tilespmem:s31+$0x250] =	vst v2;
	v0 =	vadd.f32 v0, v10  }
0x4a: {  	v2 =	vld [tilespmem:s2+$0x4250];
	[tilespmem:s31+$0x260] =	vst v1  }
0x4b: {  	v1 =	vld [tilespmem:s2+$0x4260];
	[tilespmem:s31+$0x270] =	vst v0;
	s31 =	smov.u32 s2  }
0x4c: {  	v0 =	vld [tilespmem:s31+$0x4270]  }
0x4d: {  	v6 =	vld [tilespmem:s31+$0x200]  }
0x4e: {  	v7 =	vld [tilespmem:s31+$0x210]  }
.Ltmp2:
0x4f: {  	v10 =	vld [tilespmem:s31+$0x220];
	(pc) =	sbr.rel @p1 .LBB2_3-.Ltmp2, $4  }
0x50: {  	v9 =	vld [tilespmem:s31+$0x230]  }
0x51: {  	v8 =	vld [tilespmem:s31+$0x240]  }
0x52: {  	v12 =	vadd.f32 v12, v6;
	v6 =	vld [tilespmem:s31+$0x250]  }
0x53: {  	s0 =	sadd.s32 $0x200, s0;
	v11 =	vadd.f32 v11, v7;
	v7 =	vld [tilespmem:s31+$0x260]  }
0x54: {  	[tilespmem:s31+$0x200] =	vst v12;
	v5 =	vadd.f32 v5, v10;
	v10 =	vld [tilespmem:s31+$0x270]  }
0x55: {  	[tilespmem:s31+$0x210] =	vst v11;
	v4 =	vadd.f32 v4, v9  }
0x56: {  	[tilespmem:s31+$0x220] =	vst v5;
	v3 =	vadd.f32 v3, v8  }
0x57: {  	[tilespmem:s31+$0x230] =	vst v4;
	v2 =	vadd.f32 v2, v6  }
0x58: {  	[tilespmem:s31+$0x240] =	vst v3;
	v1 =	vadd.f32 v1, v7  }
0x59: {  	[tilespmem:s31+$0x250] =	vst v2;
	v0 =	vadd.f32 v0, v10  }
0x5a: {  	s0 =	sshll.u32 s30, $0x4;
	[tilespmem:s31+$0x260] =	vst v1  }
0x5b: {  	s2 =	simm.s32 $0x0;
	s0 =	sadd.s32 s8, s0;
	[tilespmem:s31+$0x270] =	vst v0  }
0x5c: {  	[hbm4b:s0+s2] =	stream.linear.scatter [tilespmem:s16], [sflag:$0x3], $0x4000, $0x38;
	[tilespmem:$0x10200] =	vst v63  }
0x5d: {  	_ =	swait.ge [sflag:s23], $0x4000  }
0x5e: {  	[sflag:s23] =	ssyncset.done $0x0  }
0x5f: {  	[sflag:s23] =	ssyncadd.s32 $0xFFFFC000  }
0x60: {  	_ =	swait.ge [sflag:s23], $0x4000  }
0x61: {  	[sflag:s23] =	ssyncset.done $0x0  }
0x62: {  	s30 =	simm.s32 $0x0;
	[sflag:s23] =	ssyncadd.s32 $0xFFFFC000  }
0x63: {  	v7 =	vld [tilespmem:s30+$0xC200]  }
0x64: {  	v11 =	vld [tilespmem:s30+$0xC210]  }
0x65: {  	v5 =	vld [tilespmem:s30+$0xC220]  }
0x66: {  	v4 =	vld [tilespmem:s30+$0xC230]  }
0x67: {  	v3 =	vld [tilespmem:s30+$0xC240]  }
0x68: {  	v2 =	vld [tilespmem:s30+$0xC250]  }
0x69: {  	v1 =	vld [tilespmem:s30+$0xC260]  }
0x6a: {  	v0 =	vld [tilespmem:s30+$0xC270]  }
0x6b: {  	v12 =	vld [tilespmem:s30+$0x8200]  }
0x6c: {  	v13 =	vld [tilespmem:s30+$0x8210]  }
0x6d: {  	v10 =	vld [tilespmem:s30+$0x8220]  }
0x6e: {  	v9 =	vld [tilespmem:s30+$0x8230]  }
0x6f: {  	v8 =	vld [tilespmem:s30+$0x8240]  }
0x70: {  	v6 =	vld [tilespmem:s30+$0x8250];
	v12 =	vadd.f32 v7, v12  }
0x71: {  	s0 =	simm.s32 $0x200;
	v11 =	vadd.f32 v11, v13;
	v7 =	vld [tilespmem:s30+$0x8260]  }
.LBB2_5:
0x72: {  	s2 =	sshra.s32 s0, $0x2;
	p1 =	sne.s32 s0, $0xFE00;
	[tilespmem:s30+$0x8200] =	vst v12;
	v5 =	vadd.f32 v5, v10;
	v10 =	vld [tilespmem:s30+$0x8270]  }
0x73: {  	v12 =	vld [tilespmem:s2+$0xC200];
	[tilespmem:s30+$0x8210] =	vst v11;
	v4 =	vadd.f32 v4, v9  }
0x74: {  	v11 =	vld [tilespmem:s2+$0xC210];
	[tilespmem:s30+$0x8220] =	vst v5;
	v3 =	vadd.f32 v3, v8  }
0x75: {  	v5 =	vld [tilespmem:s2+$0xC220];
	[tilespmem:s30+$0x8230] =	vst v4;
	v2 =	vadd.f32 v2, v6  }
0x76: {  	v4 =	vld [tilespmem:s2+$0xC230];
	[tilespmem:s30+$0x8240] =	vst v3;
	v1 =	vadd.f32 v1, v7  }
0x77: {  	v3 =	vld [tilespmem:s2+$0xC240];
	[tilespmem:s30+$0x8250] =	vst v2;
	v0 =	vadd.f32 v0, v10  }
0x78: {  	v2 =	vld [tilespmem:s2+$0xC250];
	[tilespmem:s30+$0x8260] =	vst v1  }
0x79: {  	v1 =	vld [tilespmem:s2+$0xC260];
	[tilespmem:s30+$0x8270] =	vst v0;
	s30 =	smov.u32 s2  }
0x7a: {  	v0 =	vld [tilespmem:s30+$0xC270]  }
0x7b: {  	v6 =	vld [tilespmem:s30+$0x8200]  }
0x7c: {  	v7 =	vld [tilespmem:s30+$0x8210]  }
.Ltmp3:
0x7d: {  	v10 =	vld [tilespmem:s30+$0x8220];
	(pc) =	sbr.rel @p1 .LBB2_5-.Ltmp3, $4  }
0x7e: {  	v9 =	vld [tilespmem:s30+$0x8230]  }
0x7f: {  	v8 =	vld [tilespmem:s30+$0x8240]  }
0x80: {  	v12 =	vadd.f32 v12, v6;
	v6 =	vld [tilespmem:s30+$0x8250]  }
0x81: {  	s0 =	sadd.s32 $0x200, s0;
	v11 =	vadd.f32 v11, v7;
	v7 =	vld [tilespmem:s30+$0x8260]  }
0x82: {  	[tilespmem:s30+$0x8200] =	vst v12;
	v5 =	vadd.f32 v5, v10;
	v63 =	vld [tilespmem:s30+$0x8270]  }
0x83: {  	[tilespmem:s30+$0x8210] =	vst v11;
	v4 =	vadd.f32 v4, v9  }
0x84: {  	[tilespmem:s30+$0x8220] =	vst v5;
	v3 =	vadd.f32 v3, v8  }
0x85: {  	[tilespmem:s30+$0x8230] =	vst v4;
	v2 =	vadd.f32 v2, v6  }
0x86: {  	[tilespmem:s30+$0x8240] =	vst v3;
	v1 =	vadd.f32 v1, v7  }
0x87: {  	[tilespmem:s30+$0x8250] =	vst v2;
	v0 =	vadd.f32 v0, v63  }
0x88: {  	s0 =	sshll.u32 s29, $0xB;
	[tilespmem:s30+$0x8260] =	vst v1  }
0x89: {  	s28 =	sadd.s32 $0x1, s28;
	s0 =	sadd.s32 s8, s0;
	[tilespmem:s30+$0x8270] =	vst v0  }
0x8a: {  	[hbm4b:s0+s1] =	stream.linear.scatter [tilespmem:s21], [sflag:$0x4], $0x4000, $0x38;
	[tilespmem:$0x10200] =	vst v63  }
0x8b: {  	p1 =	sne.s32 s28, $0x27;
	_ =	swait.ge [sflag:s24], $0x4000  }
.Ltmp4:
0x8c: {  	[sflag:s24] =	ssyncset.done $0x0;
	(pc) =	sbr.rel @p1 .LBB2_2-.Ltmp4, $4  }
0x8d: {  	[sflag:s24] =	ssyncadd.s32 $0xFFFFC000  }
0x8e: {  	_ =	swait.ge [sflag:s25], $0x4000  }
0x8f: {  	[sflag:s25] =	ssyncset.done $0x0  }
0x90: {  	[sflag:s25] =	ssyncadd.s32 $0xFFFFC000  }
.Ltmp5:
0x91: {  	(pc) =	sbr.rel @p0 .LBB2_11-.Ltmp5, $1  }
0x92: {  	_ =	sdelay $0x3  }
0x93: {  	s0 =	simm.s32 $0x0  }
0x94: {  	[tilespmem:s0], [sflag:$0x5] =	stream.linear.gather [hbm4b:s10+s0], $0x80, $0x38;
	[tilespmem:$0x10200] =	vst v63  }
0x95: {  	_ =	swait.ge [sflag:s14], $0x80  }
0x96: {  	[sflag:s14] =	ssyncset.done $0x0  }
0x97: {  	[sflag:s14] =	ssyncadd.s32 $0xFFFFFF80  }
0x98: {  	[tilespmem:s15], [sflag:$0x5] =	stream.linear.gather [hbm4b:s11+s0], $0x80, $0x38;
	[tilespmem:$0x10200] =	vst v63  }
0x99: {  	_ =	swait.ge [sflag:s14], $0x80  }
0x9a: {  	[sflag:s14] =	ssyncset.done $0x0  }
0x9b: {  	[sflag:s14] =	ssyncadd.s32 $0xFFFFFF80  }
0x9c: {  	[tilespmem:s16], [sflag:$0x1] =	stream.indirect.gather [hbm4b:s3+s15], $0x80, s0, s15, $0xb8;
	[tilespmem:$0x10200] =	vst v63  }
0x9d: {  	_ = 	snop  }
0x9e: {  	[tilespmem:s17], [sflag:$0x1] =	stream.indirect.gather [hbm4b:s4+s15], $0x80, s15, s15, $0xb8;
	[tilespmem:$0x10200] =	vst v63  }
0x9f: {  	_ =	swait.ge [sflag:s20], $0x4000  }
0xa0: {  	[sflag:s20] =	ssyncset.done $0x0  }
0xa1: {  	[sflag:s20] =	ssyncadd.s32 $0xFFFFC000  }
0xa2: {  	_ =	swait.ge [sflag:s20], $0x4000  }
0xa3: {  	[sflag:s20] =	ssyncset.done $0x0  }
0xa4: {  	s28 =	simm.s32 $0x0;
	[sflag:s20] =	ssyncadd.s32 $0xFFFFC000  }
0xa5: {  	v7 =	vld [tilespmem:s28+$0x4200]  }
0xa6: {  	v11 =	vld [tilespmem:s28+$0x4210]  }
0xa7: {  	v5 =	vld [tilespmem:s28+$0x4220]  }
0xa8: {  	v4 =	vld [tilespmem:s28+$0x4230]  }
0xa9: {  	v3 =	vld [tilespmem:s28+$0x4240]  }
0xaa: {  	v2 =	vld [tilespmem:s28+$0x4250]  }
0xab: {  	v1 =	vld [tilespmem:s28+$0x4260]  }
0xac: {  	v0 =	vld [tilespmem:s28+$0x4270]  }
0xad: {  	v12 =	vld [tilespmem:s28+$0x200]  }
0xae: {  	v13 =	vld [tilespmem:s28+$0x210]  }
0xaf: {  	v10 =	vld [tilespmem:s28+$0x220]  }
0xb0: {  	v9 =	vld [tilespmem:s28+$0x230]  }
0xb1: {  	v8 =	vld [tilespmem:s28+$0x240]  }
0xb2: {  	v6 =	vld [tilespmem:s28+$0x250];
	v12 =	vadd.f32 v7, v12  }
0xb3: {  	s0 =	simm.s32 $0x200;
	v11 =	vadd.f32 v11, v13;
	v7 =	vld [tilespmem:s28+$0x260]  }
.LBB2_9:
0xb4: {  	s2 =	sshra.s32 s0, $0x2;
	p1 =	sne.s32 s0, $0xFE00;
	[tilespmem:s28+$0x200] =	vst v12;
	v5 =	vadd.f32 v5, v10;
	v10 =	vld [tilespmem:s28+$0x270]  }
0xb5: {  	v12 =	vld [tilespmem:s2+$0x4200];
	[tilespmem:s28+$0x210] =	vst v11;
	v4 =	vadd.f32 v4, v9  }
0xb6: {  	v11 =	vld [tilespmem:s2+$0x4210];
	[tilespmem:s28+$0x220] =	vst v5;
	v3 =	vadd.f32 v3, v8  }
0xb7: {  	v5 =	vld [tilespmem:s2+$0x4220];
	[tilespmem:s28+$0x230] =	vst v4;
	v2 =	vadd.f32 v2, v6  }
0xb8: {  	v4 =	vld [tilespmem:s2+$0x4230];
	[tilespmem:s28+$0x240] =	vst v3;
	v1 =	vadd.f32 v1, v7  }
0xb9: {  	v3 =	vld [tilespmem:s2+$0x4240];
	[tilespmem:s28+$0x250] =	vst v2;
	v0 =	vadd.f32 v0, v10  }
0xba: {  	v2 =	vld [tilespmem:s2+$0x4250];
	[tilespmem:s28+$0x260] =	vst v1  }
0xbb: {  	v1 =	vld [tilespmem:s2+$0x4260];
	[tilespmem:s28+$0x270] =	vst v0;
	s28 =	smov.u32 s2  }
0xbc: {  	v0 =	vld [tilespmem:s28+$0x4270]  }
0xbd: {  	v6 =	vld [tilespmem:s28+$0x200]  }
0xbe: {  	v7 =	vld [tilespmem:s28+$0x210]  }
.Ltmp6:
0xbf: {  	v10 =	vld [tilespmem:s28+$0x220];
	(pc) =	sbr.rel @p1 .LBB2_9-.Ltmp6, $4  }
0xc0: {  	v9 =	vld [tilespmem:s28+$0x230]  }
0xc1: {  	v8 =	vld [tilespmem:s28+$0x240]  }
0xc2: {  	v12 =	vadd.f32 v12, v6;
	v6 =	vld [tilespmem:s28+$0x250]  }
0xc3: {  	s0 =	sadd.s32 $0x200, s0;
	v11 =	vadd.f32 v11, v7;
	v7 =	vld [tilespmem:s28+$0x260]  }
0xc4: {  	[tilespmem:s28+$0x200] =	vst v12;
	v5 =	vadd.f32 v5, v10;
	v63 =	vld [tilespmem:s28+$0x270]  }
0xc5: {  	[tilespmem:s28+$0x210] =	vst v11;
	v4 =	vadd.f32 v4, v9  }
0xc6: {  	[tilespmem:s28+$0x220] =	vst v5;
	v3 =	vadd.f32 v3, v8  }
0xc7: {  	[tilespmem:s28+$0x230] =	vst v4;
	v2 =	vadd.f32 v2, v6  }
0xc8: {  	[tilespmem:s28+$0x240] =	vst v3;
	v1 =	vadd.f32 v1, v7  }
0xc9: {  	[tilespmem:s28+$0x250] =	vst v2;
	v0 =	vadd.f32 v0, v63  }
0xca: {  	[tilespmem:s28+$0x260] =	vst v1  }
.Ltmp7:
0xcb: {  	[tilespmem:s28+$0x270] =	vst v0;
	(pc) =	sbr.rel .LBB2_11-.Ltmp7, $4  }
0xcc: {  	[hbm4b:s12+s1] =	stream.linear.scatter [tilespmem:s16], [sflag:$0x3], $0x4000, $0x38;
	[tilespmem:$0x10200] =	vst v63  }
0xcd: {  	_ =	swait.ge [sflag:s24], $0x4000  }
0xce: {  	[sflag:s24] =	ssyncset.done $0x0  }
0xcf: {  	[sflag:s24] =	ssyncadd.s32 $0xFFFFC000  }
.LBB2_12:
0xd0: {  	_ =	sfence.sel $0x180000  }
0xd1: {  	[bflag:$0x0] =	sbarrier.arrive $0xFFFF  }
0xd2: {  	_ =	strace $0x90000047  }
0xd3: {  	s0 =	stileid.u32;
	[bflag:$0x2] =	sbarrier.arrive $0xFFFF  }
0xd4: {  	p0 =	sne.s32 s0, $0x0;
	s0 =	rddreg [dreg:$0x1]  }
0xd5: {  	s0 =	sadd.s32 @!p0 $0x100000, s0  }
0xd6: {  	[sflag:s0] =	ssyncadd.tile.s32 @!p0 $0x1;
	_ =	shalt  }
.Lfunc_end2:
_tile_overlayer_lowered:
.L_overlay_start_2:
0xd7: {  	(tag) =	ssettag $0x2  }
0xd8: {  	s0 =	rddreg [dreg:$0x0];
	s2 =	stileid.u32  }
0xd9: {  	s1 =	rddreg [dreg:$0x1];
	p0 =	sne.s32 s2, $0x0  }
0xda: {  	s3 =	rddreg [dreg:$0x2];
	[bflag:$0x3] =	sbarrier.arrive $0xFFFF;
	s2 =	simm.s32 @!p0 $0x1C05  }
0xdb: {  	[timem:s3], [sflag:s2] =	dma.local @!p0 [hbm:s0], s1  }
0xdc: {  	s0 =	simm.s32 @!p0 $0x5  }
0xdd: {  	_ =	swait.ge @!p0 [sflag:s0], s1  }
0xde: {  	s1 =	ssub.s32 @!p0 $0x0, s1;
	[sflag:s0] =	ssyncset.done @!p0 $0x0  }
0xdf: {  	[sflag:s0] =	ssyncadd.s32 @!p0 s1  }
0xe0: {  	[bflag:$0x3] =	sbarrier.arrive $0xFFFF  }
0xe1: {  	_ =	shalt  }

</sc_bundles>
